<compile_context>
chip_gen: v7x
topology: tpu7x:2x2x1
jax: 0.10.2.dev20260603
libtpu: 0.0.44.dev20260713+nightly
codegen_flags: <defaults>
</compile_context>

<pallas_src>
import jax
import jax.numpy as jnp
from jax import lax
from jax.experimental import pallas as pl
from jax.experimental.pallas import tpu as pltpu
from jax.experimental.pallas import tpu_sc as plsc

N = 10000
NP = 10240
E = 320000
CH = 128
EPT_F = 20480
EPT_S = 10240
ET_S = 2 * 16 * EPT_S
RPT = NP // 16
DIN = 128
DH = 256


def _make_sc_pass(D, BC, EPT, dtype, spmem_src):
    mesh = plsc.VectorSubcoreMesh(core_axis_name="c", subcore_axis_name="s")
    BR = BC * CH
    T = EPT // BR

    assert T % 2 == 0

    def body(tbl, gidx, sidx, zrows, out, gidx_v, sidx_v, rows_v, acc,
             tbl_sh, gs0, gs1, ss0, ss1):
        cid = lax.axis_index("c")
        sid = lax.axis_index("s")
        wid = cid * 16 + sid
        pltpu.sync_copy(gidx.at[wid], gidx_v)
        pltpu.sync_copy(sidx.at[wid], sidx_v)
        if spmem_src:
            pltpu.sync_copy(tbl.at[pl.ds(cid * NP + sid * RPT, RPT)],
                            tbl_sh.at[pl.ds(sid * RPT, RPT)])
        pltpu.sync_copy(zrows, acc.at[pl.ds(sid * RPT, RPT)])
        plsc.subcore_barrier()
        gsrc = tbl_sh if spmem_src else tbl

        def sg(g, b, sem):
            pltpu.async_copy(gsrc.at[gidx_v.at[g]], rows_v.at[b], sem)

        def wg(b, sem):
            pltpu.make_async_copy(gsrc.at[gidx_v.at[0]], rows_v.at[b],
                                  sem).wait()

        def ss(g, b, sem):
            pltpu.async_copy(rows_v.at[b], acc.at[sidx_v.at[g]], sem,
                             add=True)

        def ws(b, sem):
            pltpu.make_async_copy(rows_v.at[b], acc.at[sidx_v.at[0]],
                                  sem).wait()

        sg(0, 0, gs0)

        def pair(k, carry):
            e = 2 * k
            wg(0, gs0)
            sg(e + 1, 1, gs1)
            ss(e, 0, ss0)
            wg(1, gs1)
            ws(0, ss0)
            sg(e + 2, 0, gs0)
            ss(e + 1, 1, ss1)
            ws(1, ss1)
            return carry

        lax.fori_loop(0, T // 2 - 1, pair, 0)
        wg(0, gs0)
        sg(T - 1, 1, gs1)
        ss(T - 2, 0, ss0)
        wg(1, gs1)
        ws(0, ss0)
        ss(T - 1, 1, ss1)
        ws(1, ss1)
        plsc.subcore_barrier()
        pltpu.sync_copy(acc.at[pl.ds(sid * RPT, RPT)],
                        out.at[pl.ds(cid * NP + sid * RPT, RPT)])

    return pl.kernel(
        body,
        out_type=jax.ShapeDtypeStruct((2 * NP, D), dtype),
        mesh=mesh,
        compiler_params=pltpu.CompilerParams(use_tc_tiling_on_sc=False),
        scratch_types=[
            pltpu.VMEM((T, BR), jnp.int32),
            pltpu.VMEM((T, BR), jnp.int32),
            pltpu.VMEM((2, BR, D), dtype),
            pltpu.VMEM_SHARED((NP, D), dtype),
            pltpu.VMEM_SHARED((NP if spmem_src else 8, D), dtype),
            pltpu.SemaphoreType.DMA,
            pltpu.SemaphoreType.DMA,
            pltpu.SemaphoreType.DMA,
            pltpu.SemaphoreType.DMA,
        ],
    )


import functools


@functools.lru_cache(maxsize=None)
def _get_sc_pass(D, BC, EPT, dtype, spmem_src):
    return _make_sc_pass(D, BC, EPT, dtype, spmem_src)


def _sc_pass64(*args):
    return _get_sc_pass(64, 2, EPT_F, jnp.bfloat16, True)(*args)


def _sc_pass8(*args):
    return _get_sc_pass(8, 4, EPT_S, jnp.float32, False)(*args)


def _norm_tc(deg0, deg1):
    R = 2048

    def body(d0, d1, n_ref, n8_ref):
        i = pl.program_id(0)
        deg = d0[...] + d1[...]
        nrm = lax.rsqrt(jnp.maximum(deg, 1.0))
        n_ref[...] = nrm
        rows = lax.broadcasted_iota(jnp.int32, (R, 1), 0) + i * R
        masked = jnp.where(rows < N, nrm, 0.0)
        n8_ref[...] = masked * jnp.ones((1, 8), jnp.float32)

    return pl.pallas_call(
        body,
        grid=(NP // R,),
        in_specs=[pl.BlockSpec((R, 1), lambda i: (i, 0)),
                  pl.BlockSpec((R, 1), lambda i: (i, 0))],
        out_specs=[pl.BlockSpec((R, 1), lambda i: (i, 0)),
                   pl.BlockSpec((R, 8), lambda i: (i, 0))],
        out_shape=[jax.ShapeDtypeStruct((NP, 1), jnp.float32),
                   jax.ShapeDtypeStruct((NP, 8), jnp.float32)],
    )(deg0, deg1)


def _scale0_tc(h3, nrm):
    R = 2048
    G = NP // R

    def body(h_ref, n_ref, o_ref):
        c = pl.program_id(0)
        hv = h_ref[...]
        half = jnp.where(c == 0, hv[:, 0, :], hv[:, 1, :])
        o_ref[...] = (half * n_ref[...]).astype(jnp.bfloat16)

    return pl.pallas_call(
        body,
        grid=(2, G),
        in_specs=[pl.BlockSpec((R, 2, 64), lambda c, i: (i, 0, 0)),
                  pl.BlockSpec((R, 1), lambda c, i: (i, 0))],
        out_specs=pl.BlockSpec((R, 64), lambda c, i: (c * G + i, 0)),
        out_shape=jax.ShapeDtypeStruct((2 * NP, 64), jnp.bfloat16),
    )(h3, nrm)


def _scale1_tc(t1, nrm):
    R = 2048
    G = NP // R

    def body(t_ref, n_ref, o_ref):
        n = n_ref[...]
        o_ref[...] = (t_ref[...].astype(jnp.float32) * n * n) \
            .astype(jnp.bfloat16)

    return pl.pallas_call(
        body,
        grid=(2, G),
        in_specs=[pl.BlockSpec((R, 64), lambda c, i: (c * G + i, 0)),
                  pl.BlockSpec((R, 1), lambda c, i: (i, 0))],
        out_specs=pl.BlockSpec((R, 64), lambda c, i: (c * G + i, 0)),
        out_shape=jax.ShapeDtypeStruct((2 * NP, 64), jnp.bfloat16),
    )(t1, nrm)


def _ctab_tc(g1p0, g1p1, nrm):
    R = 2048

    def body(g0, g1, n_ref, c1_ref, ct_ref):
        n = n_ref[...]
        c1 = n * (g0[...] + g1[...])
        c1_ref[...] = c1
        ct_ref[...] = (n * c1) * jnp.ones((1, 8), jnp.float32)

    return pl.pallas_call(
        body,
        grid=(NP // R,),
        in_specs=[pl.BlockSpec((R, 1), lambda i: (i, 0)),
                  pl.BlockSpec((R, 1), lambda i: (i, 0)),
                  pl.BlockSpec((R, 1), lambda i: (i, 0))],
        out_specs=[pl.BlockSpec((R, 1), lambda i: (i, 0)),
                   pl.BlockSpec((R, 8), lambda i: (i, 0))],
        out_shape=[jax.ShapeDtypeStruct((NP, 1), jnp.float32),
                   jax.ShapeDtypeStruct((NP, 8), jnp.float32)],
    )(g1p0, g1p1, nrm)


def _final_tc(h_pad, t1a, t1b, t2a, t2b, nrm, c1, g2p0, g2p1,
              W1, b1, W2, b2, Wc, bc):
    R = 512
    G = NP // R

    def body(h, t1a_r, t1b_r, t2a_r, t2b_r, n_ref, c1_ref, g20, g21,
             w1, bb1, w2, bb2, wc, bbc, out, acc):
        i = pl.program_id(0)

        @pl.when(i == 0)
        def _():
            acc[...] = jnp.zeros_like(acc)

        n = n_ref[...]

        def mm(x, w):
            return jnp.dot(x, w, preferred_element_type=jnp.float32)

        z = mm(h[...], w1[0:128, :])
        z = z + mm(t1a_r[...].astype(jnp.float32) * n, w1[128:192, :])
        z = z + mm(t1b_r[...].astype(jnp.float32) * n, w1[192:256, :])
        z = z + mm(t2a_r[...].astype(jnp.float32) * n, w1[256:320, :])
        z = z + mm(t2b_r[...].astype(jnp.float32) * n, w1[320:384, :])
        y = jnp.maximum(z + bb1[...], 0.0)
        rows = lax.broadcasted_iota(jnp.int32, (R, 1), 0) + i * R
        w0 = jnp.where(rows < N, 1.0, 0.0)
        c2 = n * (g20[...] + g21[...])
        acc[0:1, :] += jnp.sum(y * w0, axis=0, keepdims=True)
        acc[1:2, :] += jnp.sum(y * c1_ref[...], axis=0, keepdims=True)
        acc[2:3, :] += jnp.sum(y * c2, axis=0, keepdims=True)

        @pl.when(i == G - 1)
        def _():
            inv = 1.0 / N
            o = mm(acc[0:1, :] * inv, w2[0:256, :])
            o = o + mm(acc[1:2, :] * inv, w2[256:512, :])
            o = o + mm(acc[2:3, :] * inv, w2[512:768, :])
            o = o + bb2[...]
            out[...] = mm(o, wc[...]) + bbc[...]

    blk = lambda r, c: pl.BlockSpec((r, c), lambda i: (i, 0))
    full = lambda r, c: pl.BlockSpec((r, c), lambda i: (0, 0))

    return pl.pallas_call(
        body,
        grid=(G,),
        in_specs=[blk(R, DIN),
                  blk(R, 64), blk(R, 64),
                  blk(R, 64), blk(R, 64),
                  blk(R, 1), blk(R, 1), blk(R, 1), blk(R, 1),
                  full(384, DH), full(1, DH), full(768, DH), full(1, DH),
                  full(DH, 10), full(1, 10)],
        out_specs=pl.BlockSpec((1, 10), lambda i: (0, 0)),
        out_shape=jax.ShapeDtypeStruct((1, 10), jnp.float32),
        scratch_shapes=[pltpu.VMEM((8, DH), jnp.float32)],
    )(h_pad, t1a, t1b, t2a, t2b, nrm, c1, g2p0, g2p1,
      W1, b1.reshape(1, DH), W2, b2.reshape(1, DH), Wc, bc.reshape(1, 10))


@jax.jit
def kernel(h, edge_index, W1, b1, W2, b2, Wc, bc):
    src = edge_index[0]
    dst = edge_index[1]

    TF = EPT_F // 256
    s16 = src.reshape(16, E // 16)
    d16 = dst.reshape(16, E // 16)
    padf_g = jnp.full((16, EPT_F - E // 16), N, jnp.int32)
    padf_s = jnp.zeros((16, EPT_F - E // 16), jnp.int32)
    g0 = jnp.concatenate([s16, padf_g], axis=1).reshape(16, TF, 256)
    gidx_f = jnp.concatenate([g0, g0], axis=0)
    s0 = jnp.concatenate([d16, padf_s], axis=1).reshape(16, TF, 256)
    sidx_f = jnp.concatenate([s0, s0], axis=0)

    pad_s = ET_S - E
    TS = EPT_S // 512

    def padded(a, v):
        return jnp.concatenate([a, jnp.full((pad_s,), v, jnp.int32)]) \
                  .reshape(32, TS, 512)

    gidx_d = padded(jnp.zeros((E,), jnp.int32), 8)
    sidx_d = padded(dst, 0)
    gidx_c = padded(dst, N)
    sidx_c = padded(src, 0)

    h_pad = jnp.pad(h, ((0, NP - N), (0, 0)))
    h3 = h_pad.reshape(NP, 2, 64)
    ones8 = jnp.concatenate([jnp.ones((8, 8), jnp.float32),
                             jnp.zeros((8, 8), jnp.float32)])
    z64 = jnp.zeros((RPT, 64), jnp.bfloat16)
    z8 = jnp.zeros((RPT, 8), jnp.float32)

    deg_p = _sc_pass8(ones8, gidx_d, sidx_d, z8)
    nrm, norm8 = _norm_tc(deg_p[0:NP, 0:1], deg_p[NP:2 * NP, 0:1])

    xs0 = _scale0_tc(h3, nrm)
    t1 = _sc_pass64(xs0, gidx_f, sidx_f, z64)
    xs1 = _scale1_tc(t1, nrm)
    t2 = _sc_pass64(xs1, gidx_f, sidx_f, z64)

    g1_p = _sc_pass8(norm8, gidx_c, sidx_c, z8)
    c1, ctab2 = _ctab_tc(g1_p[0:NP, 0:1], g1_p[NP:2 * NP, 0:1], nrm)
    g2_p = _sc_pass8(ctab2, gidx_c, sidx_c, z8)

    return _final_tc(h_pad, t1[0:NP], t1[NP:2 * NP], t2[0:NP], t2[NP:2 * NP],
                     nrm, c1, g2_p[0:NP, 0:1], g2_p[NP:2 * NP, 0:1],
                     W1, b1, W2, b2, Wc, bc)

# --- scband reference (transcript-rebuilt; emitter-appended) ---
"""Pipeline reference for scband-tagconv-model-39986145525989 (READ-ONLY COPY).

The authoritative reference and input builder live on the scoring server;
editing this copy changes nothing except your own understanding.
"""

import jax, jax.numpy as jnp
import numpy as np

N = 10000
E = 320000
DIN = 128
DH = 256
NC = 10
K = 2  # DGL TAGConv default number of hops


def setup_inputs(seed: int = 0) -> dict:
    key = jax.random.key(seed)
    ks = jax.random.split(key, 9)
    h = jax.random.normal(ks[0], (N, DIN), dtype=jnp.float32)
    edge_index = jax.random.randint(ks[1], (2, E), 0, N, dtype=jnp.int32)
    # TAGConv linear acts on concat of (K+1) hop features
    W1 = jax.random.normal(ks[2], ((K + 1) * DIN, DH), dtype=jnp.float32) * 0.05
    b1 = jnp.zeros((DH,), dtype=jnp.float32)
    W2 = jax.random.normal(ks[3], ((K + 1) * DH, DH), dtype=jnp.float32) * 0.05
    b2 = jnp.zeros((DH,), dtype=jnp.float32)
    Wc = jax.random.normal(ks[4], (DH, NC), dtype=jnp.float32) * 0.05
    bc = jnp.zeros((NC,), dtype=jnp.float32)
    return {"h": h, "edge_index": edge_index, "W1": W1, "b1": b1,
            "W2": W2, "b2": b2, "Wc": Wc, "bc": bc}


def _tagconv(x, src, dst, W, b):
    # DGL TAGConv: sum_{k=0..K} W_k (D^{-1/2} A D^{-1/2})^k x, implemented
    # as linear over concatenated hop features. norm uses in-degrees clamped to 1.
    n = x.shape[0]
    deg = jnp.zeros((n,), x.dtype).at[dst].add(1.0)
    norm = 1.0 / jnp.sqrt(jnp.maximum(deg, 1.0))
    fstack = [x]
    hcur = x
    for _ in range(K):
        msg = hcur * norm[:, None]
        agg = jnp.zeros_like(hcur).at[dst].add(msg[src])
        hcur = agg * norm[:, None]
        fstack.append(hcur)
    return jnp.concatenate(fstack, axis=1) @ W + b


def reference(h, edge_index, W1, b1, W2, b2, Wc, bc):
    src = edge_index[0]
    dst = edge_index[1]
    x = _tagconv(h, src, dst, W1, b1)
    x = jax.nn.relu(x)
    x = _tagconv(x, src, dst, W2, b2)
    # dgl.mean_nodes over a single graph -> mean over all nodes, batch dim 1
    hg = jnp.mean(x, axis=0, keepdims=True)
    return hg @ Wc + bc

if __name__ == "__main__":
    import jax
    _d = setup_inputs()
    print(jax.jit(kernel)(*tuple(_d.values())))

</pallas_src>

<mosaic_0001>
#map = affine_map<(d0, d1) -> (0, 0)>
#map1 = affine_map<(d0, d1) -> (0, 0, 0)>
module attributes {stable_mosaic.version = 14 : i64} {
  func.func @body(%arg0: i32, %arg1: i32, %arg2: memref<20480x64xbf16, #tpu.memory_space<hbm>>, %arg3: memref<32x80x256xi32, #tpu.memory_space<hbm>>, %arg4: memref<32x80x256xi32, #tpu.memory_space<hbm>>, %arg5: memref<640x64xbf16, #tpu.memory_space<hbm>>, %arg6: memref<20480x64xbf16, #tpu.memory_space<hbm>>, %arg7: memref<80x256xi32, #tpu.memory_space<vmem>>, %arg8: memref<80x256xi32, #tpu.memory_space<vmem>>, %arg9: memref<2x256x64xbf16, #tpu.memory_space<vmem>>, %arg10: memref<10240x64xbf16, #tpu.memory_space<vmem_shared>>, %arg11: memref<10240x64xbf16, #tpu.memory_space<vmem_shared>>, %arg12: memref<!tpu.dma_semaphore, #tpu.memory_space<semaphore_mem>>, %arg13: memref<!tpu.dma_semaphore, #tpu.memory_space<semaphore_mem>>, %arg14: memref<!tpu.dma_semaphore, #tpu.memory_space<semaphore_mem>>, %arg15: memref<!tpu.dma_semaphore, #tpu.memory_space<semaphore_mem>>) attributes {dimension_semantics = [#tpu.dimension_semantics<core_parallel>, #tpu.dimension_semantics<subcore_parallel>], iteration_bounds = array<i64: 2, 16>, scalar_prefetch = 0 : i64, scratch_operands = 9 : i64, tpu.core_type = #tpu.core_type<sc_vector_subcore>, window_params = [{transform_indices = #map}, {transform_indices = #map1}, {transform_indices = #map1}, {transform_indices = #map}, {transform_indices = #map}]} {
    %mul3A = arith.constant 16 : i32
    %mul3A_0 = arith.muli %arg0, %mul3A : i32
    %add3A = arith.addi %mul3A_0, %arg1 : i32
    "tpu.region"() ({
      %run_scoped3A = tpu.sem_alloc : memref<!tpu.dma_semaphore, #tpu.memory_space<semaphore_mem>>
      %dma_start3A_117 = arith.constant 0 : i32
      %dma_start3A_118 = arith.constant 0 : i32
      %dma_start3A_119 = tpu.memref_slice %arg3[%add3A, %dma_start3A_117, %dma_start3A_118] : memref<32x80x256xi32, #tpu.memory_space<hbm>> -> memref<1x80x256xi32, #tpu.memory_space<hbm>>
      %dma_start3A_120 = tpu.memref_squeeze %dma_start3A_119 : memref<1x80x256xi32, #tpu.memory_space<hbm>> -> memref<80x256xi32, #tpu.memory_space<hbm>>
      %dma_start3A_121 = arith.constant 0 : i32
      %dma_start3A_122 = arith.constant 0 : i32
      %dma_start3A_123 = tpu.memref_slice %arg3[%add3A, %dma_start3A_121, %dma_start3A_122] : memref<32x80x256xi32, #tpu.memory_space<hbm>> -> memref<1x80x256xi32, #tpu.memory_space<hbm>>
      %dma_start3A_124 = tpu.memref_squeeze %dma_start3A_123 : memref<1x80x256xi32, #tpu.memory_space<hbm>> -> memref<80x256xi32, #tpu.memory_space<hbm>>
      tpu.enqueue_dma source(%dma_start3A_124 : memref<80x256xi32, #tpu.memory_space<hbm>>) target(%arg7 : memref<80x256xi32, #tpu.memory_space<vmem>>) target_semaphore(%run_scoped3A : memref<!tpu.dma_semaphore, #tpu.memory_space<semaphore_mem>>)
      %dma_wait3A_125 = arith.constant 0 : i32
      %dma_wait3A_126 = arith.constant 0 : i32
      %dma_wait3A_127 = tpu.memref_slice %arg3[%add3A, %dma_wait3A_125, %dma_wait3A_126] : memref<32x80x256xi32, #tpu.memory_space<hbm>> -> memref<1x80x256xi32, #tpu.memory_space<hbm>>
      %dma_wait3A_128 = tpu.memref_squeeze %dma_wait3A_127 : memref<1x80x256xi32, #tpu.memory_space<hbm>> -> memref<80x256xi32, #tpu.memory_space<hbm>>
      %dma_wait3A_129 = arith.constant 0 : i32
      %dma_wait3A_130 = arith.constant 0 : i32
      %dma_wait3A_131 = tpu.memref_slice %arg3[%add3A, %dma_wait3A_129, %dma_wait3A_130] : memref<32x80x256xi32, #tpu.memory_space<hbm>> -> memref<1x80x256xi32, #tpu.memory_space<hbm>>
      %dma_wait3A_132 = tpu.memref_squeeze %dma_wait3A_131 : memref<1x80x256xi32, #tpu.memory_space<hbm>> -> memref<80x256xi32, #tpu.memory_space<hbm>>
      tpu.wait_dma2 semaphore(%run_scoped3A : memref<!tpu.dma_semaphore, #tpu.memory_space<semaphore_mem>>) src(%dma_wait3A_132 : memref<80x256xi32, #tpu.memory_space<hbm>>) dst(%arg7 : memref<80x256xi32, #tpu.memory_space<vmem>>)
      tpu.yield
    }) : () -> ()
    "tpu.region"() ({
      %run_scoped3A = tpu.sem_alloc : memref<!tpu.dma_semaphore, #tpu.memory_space<semaphore_mem>>
      %dma_start3A_117 = arith.constant 0 : i32
      %dma_start3A_118 = arith.constant 0 : i32
      %dma_start3A_119 = tpu.memref_slice %arg4[%add3A, %dma_start3A_117, %dma_start3A_118] : memref<32x80x256xi32, #tpu.memory_space<hbm>> -> memref<1x80x256xi32, #tpu.memory_space<hbm>>
      %dma_start3A_120 = tpu.memref_squeeze %dma_start3A_119 : memref<1x80x256xi32, #tpu.memory_space<hbm>> -> memref<80x256xi32, #tpu.memory_space<hbm>>
      %dma_start3A_121 = arith.constant 0 : i32
      %dma_start3A_122 = arith.constant 0 : i32
      %dma_start3A_123 = tpu.memref_slice %arg4[%add3A, %dma_start3A_121, %dma_start3A_122] : memref<32x80x256xi32, #tpu.memory_space<hbm>> -> memref<1x80x256xi32, #tpu.memory_space<hbm>>
      %dma_start3A_124 = tpu.memref_squeeze %dma_start3A_123 : memref<1x80x256xi32, #tpu.memory_space<hbm>> -> memref<80x256xi32, #tpu.memory_space<hbm>>
      tpu.enqueue_dma source(%dma_start3A_124 : memref<80x256xi32, #tpu.memory_space<hbm>>) target(%arg8 : memref<80x256xi32, #tpu.memory_space<vmem>>) target_semaphore(%run_scoped3A : memref<!tpu.dma_semaphore, #tpu.memory_space<semaphore_mem>>)
      %dma_wait3A_125 = arith.constant 0 : i32
      %dma_wait3A_126 = arith.constant 0 : i32
      %dma_wait3A_127 = tpu.memref_slice %arg4[%add3A, %dma_wait3A_125, %dma_wait3A_126] : memref<32x80x256xi32, #tpu.memory_space<hbm>> -> memref<1x80x256xi32, #tpu.memory_space<hbm>>
      %dma_wait3A_128 = tpu.memref_squeeze %dma_wait3A_127 : memref<1x80x256xi32, #tpu.memory_space<hbm>> -> memref<80x256xi32, #tpu.memory_space<hbm>>
      %dma_wait3A_129 = arith.constant 0 : i32
      %dma_wait3A_130 = arith.constant 0 : i32
      %dma_wait3A_131 = tpu.memref_slice %arg4[%add3A, %dma_wait3A_129, %dma_wait3A_130] : memref<32x80x256xi32, #tpu.memory_space<hbm>> -> memref<1x80x256xi32, #tpu.memory_space<hbm>>
      %dma_wait3A_132 = tpu.memref_squeeze %dma_wait3A_131 : memref<1x80x256xi32, #tpu.memory_space<hbm>> -> memref<80x256xi32, #tpu.memory_space<hbm>>
      tpu.wait_dma2 semaphore(%run_scoped3A : memref<!tpu.dma_semaphore, #tpu.memory_space<semaphore_mem>>) src(%dma_wait3A_132 : memref<80x256xi32, #tpu.memory_space<hbm>>) dst(%arg8 : memref<80x256xi32, #tpu.memory_space<vmem>>)
      tpu.yield
    }) : () -> ()
    %mul3A_1 = arith.constant 10240 : i32
    %mul3A_2 = arith.muli %arg0, %mul3A_1 : i32
    %mul3A_3 = arith.constant 640 : i32
    %mul3A_4 = arith.muli %arg1, %mul3A_3 : i32
    %add3A_5 = arith.addi %mul3A_2, %mul3A_4 : i32
    %mul3A_6 = arith.constant 640 : i32
    %mul3A_7 = arith.muli %arg1, %mul3A_6 : i32
    "tpu.region"() ({
      %run_scoped3A = tpu.sem_alloc : memref<!tpu.dma_semaphore, #tpu.memory_space<semaphore_mem>>
      %dma_start3A_117 = arith.constant 0 : i32
      %dma_start3A_118 = tpu.memref_slice %arg11[%mul3A_7, %dma_start3A_117] : memref<10240x64xbf16, #tpu.memory_space<vmem_shared>> -> memref<640x64xbf16, #tpu.memory_space<vmem_shared>>
      %dma_start3A_119 = arith.constant 0 : i32
      %dma_start3A_120 = tpu.memref_slice %arg2[%add3A_5, %dma_start3A_119] : memref<20480x64xbf16, #tpu.memory_space<hbm>> -> memref<640x64xbf16, #tpu.memory_space<hbm>>
      tpu.enqueue_dma source(%dma_start3A_120 : memref<640x64xbf16, #tpu.memory_space<hbm>>) target(%dma_start3A_118 : memref<640x64xbf16, #tpu.memory_space<vmem_shared>>) target_semaphore(%run_scoped3A : memref<!tpu.dma_semaphore, #tpu.memory_space<semaphore_mem>>)
      %dma_wait3A_121 = arith.constant 0 : i32
      %dma_wait3A_122 = tpu.memref_slice %arg11[%mul3A_7, %dma_wait3A_121] : memref<10240x64xbf16, #tpu.memory_space<vmem_shared>> -> memref<640x64xbf16, #tpu.memory_space<vmem_shared>>
      %dma_wait3A_123 = arith.constant 0 : i32
      %dma_wait3A_124 = tpu.memref_slice %arg2[%add3A_5, %dma_wait3A_123] : memref<20480x64xbf16, #tpu.memory_space<hbm>> -> memref<640x64xbf16, #tpu.memory_space<hbm>>
      tpu.wait_dma2 semaphore(%run_scoped3A : memref<!tpu.dma_semaphore, #tpu.memory_space<semaphore_mem>>) src(%dma_wait3A_124 : memref<640x64xbf16, #tpu.memory_space<hbm>>) dst(%dma_wait3A_122 : memref<640x64xbf16, #tpu.memory_space<vmem_shared>>)
      tpu.yield
    }) : () -> ()
    %mul3A_8 = arith.constant 640 : i32
    %mul3A_9 = arith.muli %arg1, %mul3A_8 : i32
    "tpu.region"() ({
      %run_scoped3A = tpu.sem_alloc : memref<!tpu.dma_semaphore, #tpu.memory_space<semaphore_mem>>
      %dma_start3A_117 = arith.constant 0 : i32
      %dma_start3A_118 = tpu.memref_slice %arg10[%mul3A_9, %dma_start3A_117] : memref<10240x64xbf16, #tpu.memory_space<vmem_shared>> -> memref<640x64xbf16, #tpu.memory_space<vmem_shared>>
      tpu.enqueue_dma source(%arg5 : memref<640x64xbf16, #tpu.memory_space<hbm>>) target(%dma_start3A_118 : memref<640x64xbf16, #tpu.memory_space<vmem_shared>>) target_semaphore(%run_scoped3A : memref<!tpu.dma_semaphore, #tpu.memory_space<semaphore_mem>>)
      %dma_wait3A_119 = arith.constant 0 : i32
      %dma_wait3A_120 = tpu.memref_slice %arg10[%mul3A_9, %dma_wait3A_119] : memref<10240x64xbf16, #tpu.memory_space<vmem_shared>> -> memref<640x64xbf16, #tpu.memory_space<vmem_shared>>
      tpu.wait_dma2 semaphore(%run_scoped3A : memref<!tpu.dma_semaphore, #tpu.memory_space<semaphore_mem>>) src(%arg5 : memref<640x64xbf16, #tpu.memory_space<hbm>>) dst(%dma_wait3A_120 : memref<640x64xbf16, #tpu.memory_space<vmem_shared>>)
      tpu.yield
    }) : () -> ()
    %barrier3A = arith.constant 0 : index
    tpu.barrier barrier_id(%barrier3A)
    %dma_start3A = arith.constant 0 : i32
    %dma_start3A_10 = arith.constant 0 : i32
    %dma_start3A_11 = arith.constant 0 : i32
    %dma_start3A_12 = arith.constant 0 : i32
    %dma_start3A_13 = tpu.memref_slice %arg9[%dma_start3A_10, %dma_start3A_11, %dma_start3A_12] : memref<2x256x64xbf16, #tpu.memory_space<vmem>> -> memref<1x256x64xbf16, #tpu.memory_space<vmem>>
    %dma_start3A_14 = tpu.memref_squeeze %dma_start3A_13 : memref<1x256x64xbf16, #tpu.memory_space<vmem>> -> memref<256x64xbf16, #tpu.memory_space<vmem>>
    %dma_start3A_15 = arith.constant 0 : i32
    %dma_start3A_16 = tpu.memref_slice %arg7[%dma_start3A, %dma_start3A_15] : memref<80x256xi32, #tpu.memory_space<vmem>> -> memref<1x256xi32, #tpu.memory_space<vmem>>
    %dma_start3A_17 = tpu.memref_squeeze %dma_start3A_16 : memref<1x256xi32, #tpu.memory_space<vmem>> -> memref<256xi32, #tpu.memory_space<vmem>>
    %dma_start3A_18 = arith.constant 0 : i32
    %dma_start3A_19 = arith.constant 0 : i32
    %dma_start3A_20 = tpu.memref_slice %arg11[%dma_start3A_18, %dma_start3A_19] : memref<10240x64xbf16, #tpu.memory_space<vmem_shared>> -> memref<10240x64xbf16, #tpu.memory_space<vmem_shared>>
    tpu.enqueue_indirect_dma source(%dma_start3A_20 : memref<10240x64xbf16, #tpu.memory_space<vmem_shared>>) target(%dma_start3A_14 : memref<256x64xbf16, #tpu.memory_space<vmem>>) offsets(%dma_start3A_17 : memref<256xi32, #tpu.memory_space<vmem>>) semaphore(%arg12 : memref<!tpu.dma_semaphore, #tpu.memory_space<semaphore_mem>>)
    %scan3A = arith.constant 0 : i32
    %scan3A_21 = arith.constant 0 : i32
    %scan3A_22 = arith.constant 39 : i32
    %scan3A_23 = arith.addi %scan3A_21, %scan3A_22 : i32
    %scan3A_24 = arith.constant 1 : i32
    scf.for %scan3A_117 = %scan3A_21 to %scan3A_23 step %scan3A_24  : i32 {
      %mul3A_118 = arith.constant 2 : i32
      %mul3A_119 = arith.muli %mul3A_118, %scan3A_117 : i32
      %dma_wait3A_120 = arith.constant 0 : i32
      %dma_wait3A_121 = arith.constant 0 : i32
      %dma_wait3A_122 = arith.constant 0 : i32
      %dma_wait3A_123 = arith.constant 0 : i32
      %dma_wait3A_124 = tpu.memref_slice %arg9[%dma_wait3A_121, %dma_wait3A_122, %dma_wait3A_123] : memref<2x256x64xbf16, #tpu.memory_space<vmem>> -> memref<1x256x64xbf16, #tpu.memory_space<vmem>>
      %dma_wait3A_125 = tpu.memref_squeeze %dma_wait3A_124 : memref<1x256x64xbf16, #tpu.memory_space<vmem>> -> memref<256x64xbf16, #tpu.memory_space<vmem>>
      %dma_wait3A_126 = arith.constant 0 : i32
      %dma_wait3A_127 = tpu.memref_slice %arg7[%dma_wait3A_120, %dma_wait3A_126] : memref<80x256xi32, #tpu.memory_space<vmem>> -> memref<1x256xi32, #tpu.memory_space<vmem>>
      %dma_wait3A_128 = tpu.memref_squeeze %dma_wait3A_127 : memref<1x256xi32, #tpu.memory_space<vmem>> -> memref<256xi32, #tpu.memory_space<vmem>>
      %dma_wait3A_129 = arith.constant 0 : i32
      %dma_wait3A_130 = arith.constant 0 : i32
      %dma_wait3A_131 = tpu.memref_slice %arg11[%dma_wait3A_129, %dma_wait3A_130] : memref<10240x64xbf16, #tpu.memory_space<vmem_shared>> -> memref<10240x64xbf16, #tpu.memory_space<vmem_shared>>
      tpu.wait_indirect_dma semaphore(%arg12 : memref<!tpu.dma_semaphore, #tpu.memory_space<semaphore_mem>>) src(%dma_wait3A_131 : memref<10240x64xbf16, #tpu.memory_space<vmem_shared>>) dst(%dma_wait3A_125 : memref<256x64xbf16, #tpu.memory_space<vmem>>)
      %add3A_132 = arith.constant 1 : i32
      %add3A_133 = arith.addi %mul3A_119, %add3A_132 : i32
      %dma_start3A_134 = arith.constant 1 : i32
      %dma_start3A_135 = arith.constant 0 : i32
      %dma_start3A_136 = arith.constant 0 : i32
      %dma_start3A_137 = tpu.memref_slice %arg9[%dma_start3A_134, %dma_start3A_135, %dma_start3A_136] : memref<2x256x64xbf16, #tpu.memory_space<vmem>> -> memref<1x256x64xbf16, #tpu.memory_space<vmem>>
      %dma_start3A_138 = tpu.memref_squeeze %dma_start3A_137 : memref<1x256x64xbf16, #tpu.memory_space<vmem>> -> memref<256x64xbf16, #tpu.memory_space<vmem>>
      %dma_start3A_139 = arith.constant 0 : i32
      %dma_start3A_140 = tpu.memref_slice %arg7[%add3A_133, %dma_start3A_139] : memref<80x256xi32, #tpu.memory_space<vmem>> -> memref<1x256xi32, #tpu.memory_space<vmem>>
      %dma_start3A_141 = tpu.memref_squeeze %dma_start3A_140 : memref<1x256xi32, #tpu.memory_space<vmem>> -> memref<256xi32, #tpu.memory_space<vmem>>
      %dma_start3A_142 = arith.constant 0 : i32
      %dma_start3A_143 = arith.constant 0 : i32
      %dma_start3A_144 = tpu.memref_slice %arg11[%dma_start3A_142, %dma_start3A_143] : memref<10240x64xbf16, #tpu.memory_space<vmem_shared>> -> memref<10240x64xbf16, #tpu.memory_space<vmem_shared>>
      tpu.enqueue_indirect_dma source(%dma_start3A_144 : memref<10240x64xbf16, #tpu.memory_space<vmem_shared>>) target(%dma_start3A_138 : memref<256x64xbf16, #tpu.memory_space<vmem>>) offsets(%dma_start3A_141 : memref<256xi32, #tpu.memory_space<vmem>>) semaphore(%arg13 : memref<!tpu.dma_semaphore, #tpu.memory_space<semaphore_mem>>)
      %dma_start3A_145 = arith.constant 0 : i32
      %dma_start3A_146 = arith.constant 0 : i32
      %dma_start3A_147 = arith.constant 0 : i32
      %dma_start3A_148 = tpu.memref_slice %arg9[%dma_start3A_145, %dma_start3A_146, %dma_start3A_147] : memref<2x256x64xbf16, #tpu.memory_space<vmem>> -> memref<1x256x64xbf16, #tpu.memory_space<vmem>>
      %dma_start3A_149 = tpu.memref_squeeze %dma_start3A_148 : memref<1x256x64xbf16, #tpu.memory_space<vmem>> -> memref<256x64xbf16, #tpu.memory_space<vmem>>
      %dma_start3A_150 = arith.constant 0 : i32
      %dma_start3A_151 = tpu.memref_slice %arg8[%mul3A_119, %dma_start3A_150] : memref<80x256xi32, #tpu.memory_space<vmem>> -> memref<1x256xi32, #tpu.memory_space<vmem>>
      %dma_start3A_152 = tpu.memref_squeeze %dma_start3A_151 : memref<1x256xi32, #tpu.memory_space<vmem>> -> memref<256xi32, #tpu.memory_space<vmem>>
      %dma_start3A_153 = arith.constant 0 : i32
      %dma_start3A_154 = arith.constant 0 : i32
      %dma_start3A_155 = tpu.memref_slice %arg10[%dma_start3A_153, %dma_start3A_154] : memref<10240x64xbf16, #tpu.memory_space<vmem_shared>> -> memref<10240x64xbf16, #tpu.memory_space<vmem_shared>>
      tpu.enqueue_indirect_dma source(%dma_start3A_149 : memref<256x64xbf16, #tpu.memory_space<vmem>>) target(%dma_start3A_155 : memref<10240x64xbf16, #tpu.memory_space<vmem_shared>>) offsets(%dma_start3A_152 : memref<256xi32, #tpu.memory_space<vmem>>) semaphore(%arg14 : memref<!tpu.dma_semaphore, #tpu.memory_space<semaphore_mem>>) {add = true}
      %dma_wait3A_156 = arith.constant 0 : i32
      %dma_wait3A_157 = arith.constant 1 : i32
      %dma_wait3A_158 = arith.constant 0 : i32
      %dma_wait3A_159 = arith.constant 0 : i32
      %dma_wait3A_160 = tpu.memref_slice %arg9[%dma_wait3A_157, %dma_wait3A_158, %dma_wait3A_159] : memref<2x256x64xbf16, #tpu.memory_space<vmem>> -> memref<1x256x64xbf16, #tpu.memory_space<vmem>>
      %dma_wait3A_161 = tpu.memref_squeeze %dma_wait3A_160 : memref<1x256x64xbf16, #tpu.memory_space<vmem>> -> memref<256x64xbf16, #tpu.memory_space<vmem>>
      %dma_wait3A_162 = arith.constant 0 : i32
      %dma_wait3A_163 = tpu.memref_slice %arg7[%dma_wait3A_156, %dma_wait3A_162] : memref<80x256xi32, #tpu.memory_space<vmem>> -> memref<1x256xi32, #tpu.memory_space<vmem>>
      %dma_wait3A_164 = tpu.memref_squeeze %dma_wait3A_163 : memref<1x256xi32, #tpu.memory_space<vmem>> -> memref<256xi32, #tpu.memory_space<vmem>>
      %dma_wait3A_165 = arith.constant 0 : i32
      %dma_wait3A_166 = arith.constant 0 : i32
      %dma_wait3A_167 = tpu.memref_slice %arg11[%dma_wait3A_165, %dma_wait3A_166] : memref<10240x64xbf16, #tpu.memory_space<vmem_shared>> -> memref<10240x64xbf16, #tpu.memory_space<vmem_shared>>
      tpu.wait_indirect_dma semaphore(%arg13 : memref<!tpu.dma_semaphore, #tpu.memory_space<semaphore_mem>>) src(%dma_wait3A_167 : memref<10240x64xbf16, #tpu.memory_space<vmem_shared>>) dst(%dma_wait3A_161 : memref<256x64xbf16, #tpu.memory_space<vmem>>)
      %dma_wait3A_168 = arith.constant 0 : i32
      %dma_wait3A_169 = arith.constant 0 : i32
      %dma_wait3A_170 = arith.constant 0 : i32
      %dma_wait3A_171 = arith.constant 0 : i32
      %dma_wait3A_172 = tpu.memref_slice %arg9[%dma_wait3A_168, %dma_wait3A_170, %dma_wait3A_171] : memref<2x256x64xbf16, #tpu.memory_space<vmem>> -> memref<1x256x64xbf16, #tpu.memory_space<vmem>>
      %dma_wait3A_173 = tpu.memref_squeeze %dma_wait3A_172 : memref<1x256x64xbf16, #tpu.memory_space<vmem>> -> memref<256x64xbf16, #tpu.memory_space<vmem>>
      %dma_wait3A_174 = arith.constant 0 : i32
      %dma_wait3A_175 = tpu.memref_slice %arg8[%dma_wait3A_169, %dma_wait3A_174] : memref<80x256xi32, #tpu.memory_space<vmem>> -> memref<1x256xi32, #tpu.memory_space<vmem>>
      %dma_wait3A_176 = tpu.memref_squeeze %dma_wait3A_175 : memref<1x256xi32, #tpu.memory_space<vmem>> -> memref<256xi32, #tpu.memory_space<vmem>>
      %dma_wait3A_177 = arith.constant 0 : i32
      %dma_wait3A_178 = arith.constant 0 : i32
      %dma_wait3A_179 = tpu.memref_slice %arg10[%dma_wait3A_177, %dma_wait3A_178] : memref<10240x64xbf16, #tpu.memory_space<vmem_shared>> -> memref<10240x64xbf16, #tpu.memory_space<vmem_shared>>
      tpu.wait_indirect_dma semaphore(%arg14 : memref<!tpu.dma_semaphore, #tpu.memory_space<semaphore_mem>>) src(%dma_wait3A_173 : memref<256x64xbf16, #tpu.memory_space<vmem>>) dst(%dma_wait3A_179 : memref<10240x64xbf16, #tpu.memory_space<vmem_shared>>)
      %add3A_180 = arith.constant 2 : i32
      %add3A_181 = arith.addi %mul3A_119, %add3A_180 : i32
      %dma_start3A_182 = arith.constant 0 : i32
      %dma_start3A_183 = arith.constant 0 : i32
      %dma_start3A_184 = arith.constant 0 : i32
      %dma_start3A_185 = tpu.memref_slice %arg9[%dma_start3A_182, %dma_start3A_183, %dma_start3A_184] : memref<2x256x64xbf16, #tpu.memory_space<vmem>> -> memref<1x256x64xbf16, #tpu.memory_space<vmem>>
      %dma_start3A_186 = tpu.memref_squeeze %dma_start3A_185 : memref<1x256x64xbf16, #tpu.memory_space<vmem>> -> memref<256x64xbf16, #tpu.memory_space<vmem>>
      %dma_start3A_187 = arith.constant 0 : i32
      %dma_start3A_188 = tpu.memref_slice %arg7[%add3A_181, %dma_start3A_187] : memref<80x256xi32, #tpu.memory_space<vmem>> -> memref<1x256xi32, #tpu.memory_space<vmem>>
      %dma_start3A_189 = tpu.memref_squeeze %dma_start3A_188 : memref<1x256xi32, #tpu.memory_space<vmem>> -> memref<256xi32, #tpu.memory_space<vmem>>
      %dma_start3A_190 = arith.constant 0 : i32
      %dma_start3A_191 = arith.constant 0 : i32
      %dma_start3A_192 = tpu.memref_slice %arg11[%dma_start3A_190, %dma_start3A_191] : memref<10240x64xbf16, #tpu.memory_space<vmem_shared>> -> memref<10240x64xbf16, #tpu.memory_space<vmem_shared>>
      tpu.enqueue_indirect_dma source(%dma_start3A_192 : memref<10240x64xbf16, #tpu.memory_space<vmem_shared>>) target(%dma_start3A_186 : memref<256x64xbf16, #tpu.memory_space<vmem>>) offsets(%dma_start3A_189 : memref<256xi32, #tpu.memory_space<vmem>>) semaphore(%arg12 : memref<!tpu.dma_semaphore, #tpu.memory_space<semaphore_mem>>)
      %add3A_193 = arith.constant 1 : i32
      %add3A_194 = arith.addi %mul3A_119, %add3A_193 : i32
      %dma_start3A_195 = arith.constant 1 : i32
      %dma_start3A_196 = arith.constant 0 : i32
      %dma_start3A_197 = arith.constant 0 : i32
      %dma_start3A_198 = tpu.memref_slice %arg9[%dma_start3A_195, %dma_start3A_196, %dma_start3A_197] : memref<2x256x64xbf16, #tpu.memory_space<vmem>> -> memref<1x256x64xbf16, #tpu.memory_space<vmem>>
      %dma_start3A_199 = tpu.memref_squeeze %dma_start3A_198 : memref<1x256x64xbf16, #tpu.memory_space<vmem>> -> memref<256x64xbf16, #tpu.memory_space<vmem>>
      %dma_start3A_200 = arith.constant 0 : i32
      %dma_start3A_201 = tpu.memref_slice %arg8[%add3A_194, %dma_start3A_200] : memref<80x256xi32, #tpu.memory_space<vmem>> -> memref<1x256xi32, #tpu.memory_space<vmem>>
      %dma_start3A_202 = tpu.memref_squeeze %dma_start3A_201 : memref<1x256xi32, #tpu.memory_space<vmem>> -> memref<256xi32, #tpu.memory_space<vmem>>
      %dma_start3A_203 = arith.constant 0 : i32
      %dma_start3A_204 = arith.constant 0 : i32
      %dma_start3A_205 = tpu.memref_slice %arg10[%dma_start3A_203, %dma_start3A_204] : memref<10240x64xbf16, #tpu.memory_space<vmem_shared>> -> memref<10240x64xbf16, #tpu.memory_space<vmem_shared>>
      tpu.enqueue_indirect_dma source(%dma_start3A_199 : memref<256x64xbf16, #tpu.memory_space<vmem>>) target(%dma_start3A_205 : memref<10240x64xbf16, #tpu.memory_space<vmem_shared>>) offsets(%dma_start3A_202 : memref<256xi32, #tpu.memory_space<vmem>>) semaphore(%arg15 : memref<!tpu.dma_semaphore, #tpu.memory_space<semaphore_mem>>) {add = true}
      %dma_wait3A_206 = arith.constant 1 : i32
      %dma_wait3A_207 = arith.constant 0 : i32
      %dma_wait3A_208 = arith.constant 0 : i32
      %dma_wait3A_209 = arith.constant 0 : i32
      %dma_wait3A_210 = tpu.memref_slice %arg9[%dma_wait3A_206, %dma_wait3A_208, %dma_wait3A_209] : memref<2x256x64xbf16, #tpu.memory_space<vmem>> -> memref<1x256x64xbf16, #tpu.memory_space<vmem>>
      %dma_wait3A_211 = tpu.memref_squeeze %dma_wait3A_210 : memref<1x256x64xbf16, #tpu.memory_space<vmem>> -> memref<256x64xbf16, #tpu.memory_space<vmem>>
      %dma_wait3A_212 = arith.constant 0 : i32
      %dma_wait3A_213 = tpu.memref_slice %arg8[%dma_wait3A_207, %dma_wait3A_212] : memref<80x256xi32, #tpu.memory_space<vmem>> -> memref<1x256xi32, #tpu.memory_space<vmem>>
      %dma_wait3A_214 = tpu.memref_squeeze %dma_wait3A_213 : memref<1x256xi32, #tpu.memory_space<vmem>> -> memref<256xi32, #tpu.memory_space<vmem>>
      %dma_wait3A_215 = arith.constant 0 : i32
      %dma_wait3A_216 = arith.constant 0 : i32
      %dma_wait3A_217 = tpu.memref_slice %arg10[%dma_wait3A_215, %dma_wait3A_216] : memref<10240x64xbf16, #tpu.memory_space<vmem_shared>> -> memref<10240x64xbf16, #tpu.memory_space<vmem_shared>>
      tpu.wait_indirect_dma semaphore(%arg15 : memref<!tpu.dma_semaphore, #tpu.memory_space<semaphore_mem>>) src(%dma_wait3A_211 : memref<256x64xbf16, #tpu.memory_space<vmem>>) dst(%dma_wait3A_217 : memref<10240x64xbf16, #tpu.memory_space<vmem_shared>>)
    }
    %scan3A_25 = arith.constant 39 : i32
    %dma_wait3A = arith.constant 0 : i32
    %dma_wait3A_26 = arith.constant 0 : i32
    %dma_wait3A_27 = arith.constant 0 : i32
    %dma_wait3A_28 = arith.constant 0 : i32
    %dma_wait3A_29 = tpu.memref_slice %arg9[%dma_wait3A_26, %dma_wait3A_27, %dma_wait3A_28] : memref<2x256x64xbf16, #tpu.memory_space<vmem>> -> memref<1x256x64xbf16, #tpu.memory_space<vmem>>
    %dma_wait3A_30 = tpu.memref_squeeze %dma_wait3A_29 : memref<1x256x64xbf16, #tpu.memory_space<vmem>> -> memref<256x64xbf16, #tpu.memory_space<vmem>>
    %dma_wait3A_31 = arith.constant 0 : i32
    %dma_wait3A_32 = tpu.memref_slice %arg7[%dma_wait3A, %dma_wait3A_31] : memref<80x256xi32, #tpu.memory_space<vmem>> -> memref<1x256xi32, #tpu.memory_space<vmem>>
    %dma_wait3A_33 = tpu.memref_squeeze %dma_wait3A_32 : memref<1x256xi32, #tpu.memory_space<vmem>> -> memref<256xi32, #tpu.memory_space<vmem>>
    %dma_wait3A_34 = arith.constant 0 : i32
    %dma_wait3A_35 = arith.constant 0 : i32
    %dma_wait3A_36 = tpu.memref_slice %arg11[%dma_wait3A_34, %dma_wait3A_35] : memref<10240x64xbf16, #tpu.memory_space<vmem_shared>> -> memref<10240x64xbf16, #tpu.memory_space<vmem_shared>>
    tpu.wait_indirect_dma semaphore(%arg12 : memref<!tpu.dma_semaphore, #tpu.memory_space<semaphore_mem>>) src(%dma_wait3A_36 : memref<10240x64xbf16, #tpu.memory_space<vmem_shared>>) dst(%dma_wait3A_30 : memref<256x64xbf16, #tpu.memory_space<vmem>>)
    %dma_start3A_37 = arith.constant 79 : i32
    %dma_start3A_38 = arith.constant 1 : i32
    %dma_start3A_39 = arith.constant 0 : i32
    %dma_start3A_40 = arith.constant 0 : i32
    %dma_start3A_41 = tpu.memref_slice %arg9[%dma_start3A_38, %dma_start3A_39, %dma_start3A_40] : memref<2x256x64xbf16, #tpu.memory_space<vmem>> -> memref<1x256x64xbf16, #tpu.memory_space<vmem>>
    %dma_start3A_42 = tpu.memref_squeeze %dma_start3A_41 : memref<1x256x64xbf16, #tpu.memory_space<vmem>> -> memref<256x64xbf16, #tpu.memory_space<vmem>>
    %dma_start3A_43 = arith.constant 0 : i32
    %dma_start3A_44 = tpu.memref_slice %arg7[%dma_start3A_37, %dma_start3A_43] : memref<80x256xi32, #tpu.memory_space<vmem>> -> memref<1x256xi32, #tpu.memory_space<vmem>>
    %dma_start3A_45 = tpu.memref_squeeze %dma_start3A_44 : memref<1x256xi32, #tpu.memory_space<vmem>> -> memref<256xi32, #tpu.memory_space<vmem>>
    %dma_start3A_46 = arith.constant 0 : i32
    %dma_start3A_47 = arith.constant 0 : i32
    %dma_start3A_48 = tpu.memref_slice %arg11[%dma_start3A_46, %dma_start3A_47] : memref<10240x64xbf16, #tpu.memory_space<vmem_shared>> -> memref<10240x64xbf16, #tpu.memory_space<vmem_shared>>
    tpu.enqueue_indirect_dma source(%dma_start3A_48 : memref<10240x64xbf16, #tpu.memory_space<vmem_shared>>) target(%dma_start3A_42 : memref<256x64xbf16, #tpu.memory_space<vmem>>) offsets(%dma_start3A_45 : memref<256xi32, #tpu.memory_space<vmem>>) semaphore(%arg13 : memref<!tpu.dma_semaphore, #tpu.memory_space<semaphore_mem>>)
    %dma_start3A_49 = arith.constant 0 : i32
    %dma_start3A_50 = arith.constant 78 : i32
    %dma_start3A_51 = arith.constant 0 : i32
    %dma_start3A_52 = arith.constant 0 : i32
    %dma_start3A_53 = tpu.memref_slice %arg9[%dma_start3A_49, %dma_start3A_51, %dma_start3A_52] : memref<2x256x64xbf16, #tpu.memory_space<vmem>> -> memref<1x256x64xbf16, #tpu.memory_space<vmem>>
    %dma_start3A_54 = tpu.memref_squeeze %dma_start3A_53 : memref<1x256x64xbf16, #tpu.memory_space<vmem>> -> memref<256x64xbf16, #tpu.memory_space<vmem>>
    %dma_start3A_55 = arith.constant 0 : i32
    %dma_start3A_56 = tpu.memref_slice %arg8[%dma_start3A_50, %dma_start3A_55] : memref<80x256xi32, #tpu.memory_space<vmem>> -> memref<1x256xi32, #tpu.memory_space<vmem>>
    %dma_start3A_57 = tpu.memref_squeeze %dma_start3A_56 : memref<1x256xi32, #tpu.memory_space<vmem>> -> memref<256xi32, #tpu.memory_space<vmem>>
    %dma_start3A_58 = arith.constant 0 : i32
    %dma_start3A_59 = arith.constant 0 : i32
    %dma_start3A_60 = tpu.memref_slice %arg10[%dma_start3A_58, %dma_start3A_59] : memref<10240x64xbf16, #tpu.memory_space<vmem_shared>> -> memref<10240x64xbf16, #tpu.memory_space<vmem_shared>>
    tpu.enqueue_indirect_dma source(%dma_start3A_54 : memref<256x64xbf16, #tpu.memory_space<vmem>>) target(%dma_start3A_60 : memref<10240x64xbf16, #tpu.memory_space<vmem_shared>>) offsets(%dma_start3A_57 : memref<256xi32, #tpu.memory_space<vmem>>) semaphore(%arg14 : memref<!tpu.dma_semaphore, #tpu.memory_space<semaphore_mem>>) {add = true}
    %dma_wait3A_61 = arith.constant 0 : i32
    %dma_wait3A_62 = arith.constant 1 : i32
    %dma_wait3A_63 = arith.constant 0 : i32
    %dma_wait3A_64 = arith.constant 0 : i32
    %dma_wait3A_65 = tpu.memref_slice %arg9[%dma_wait3A_62, %dma_wait3A_63, %dma_wait3A_64] : memref<2x256x64xbf16, #tpu.memory_space<vmem>> -> memref<1x256x64xbf16, #tpu.memory_space<vmem>>
    %dma_wait3A_66 = tpu.memref_squeeze %dma_wait3A_65 : memref<1x256x64xbf16, #tpu.memory_space<vmem>> -> memref<256x64xbf16, #tpu.memory_space<vmem>>
    %dma_wait3A_67 = arith.constant 0 : i32
    %dma_wait3A_68 = tpu.memref_slice %arg7[%dma_wait3A_61, %dma_wait3A_67] : memref<80x256xi32, #tpu.memory_space<vmem>> -> memref<1x256xi32, #tpu.memory_space<vmem>>
    %dma_wait3A_69 = tpu.memref_squeeze %dma_wait3A_68 : memref<1x256xi32, #tpu.memory_space<vmem>> -> memref<256xi32, #tpu.memory_space<vmem>>
    %dma_wait3A_70 = arith.constant 0 : i32
    %dma_wait3A_71 = arith.constant 0 : i32
    %dma_wait3A_72 = tpu.memref_slice %arg11[%dma_wait3A_70, %dma_wait3A_71] : memref<10240x64xbf16, #tpu.memory_space<vmem_shared>> -> memref<10240x64xbf16, #tpu.memory_space<vmem_shared>>
    tpu.wait_indirect_dma semaphore(%arg13 : memref<!tpu.dma_semaphore, #tpu.memory_space<semaphore_mem>>) src(%dma_wait3A_72 : memref<10240x64xbf16, #tpu.memory_space<vmem_shared>>) dst(%dma_wait3A_66 : memref<256x64xbf16, #tpu.memory_space<vmem>>)
    %dma_wait3A_73 = arith.constant 0 : i32
    %dma_wait3A_74 = arith.constant 0 : i32
    %dma_wait3A_75 = arith.constant 0 : i32
    %dma_wait3A_76 = arith.constant 0 : i32
    %dma_wait3A_77 = tpu.memref_slice %arg9[%dma_wait3A_73, %dma_wait3A_75, %dma_wait3A_76] : memref<2x256x64xbf16, #tpu.memory_space<vmem>> -> memref<1x256x64xbf16, #tpu.memory_space<vmem>>
    %dma_wait3A_78 = tpu.memref_squeeze %dma_wait3A_77 : memref<1x256x64xbf16, #tpu.memory_space<vmem>> -> memref<256x64xbf16, #tpu.memory_space<vmem>>
    %dma_wait3A_79 = arith.constant 0 : i32
    %dma_wait3A_80 = tpu.memref_slice %arg8[%dma_wait3A_74, %dma_wait3A_79] : memref<80x256xi32, #tpu.memory_space<vmem>> -> memref<1x256xi32, #tpu.memory_space<vmem>>
    %dma_wait3A_81 = tpu.memref_squeeze %dma_wait3A_80 : memref<1x256xi32, #tpu.memory_space<vmem>> -> memref<256xi32, #tpu.memory_space<vmem>>
    %dma_wait3A_82 = arith.constant 0 : i32
    %dma_wait3A_83 = arith.constant 0 : i32
    %dma_wait3A_84 = tpu.memref_slice %arg10[%dma_wait3A_82, %dma_wait3A_83] : memref<10240x64xbf16, #tpu.memory_space<vmem_shared>> -> memref<10240x64xbf16, #tpu.memory_space<vmem_shared>>
    tpu.wait_indirect_dma semaphore(%arg14 : memref<!tpu.dma_semaphore, #tpu.memory_space<semaphore_mem>>) src(%dma_wait3A_78 : memref<256x64xbf16, #tpu.memory_space<vmem>>) dst(%dma_wait3A_84 : memref<10240x64xbf16, #tpu.memory_space<vmem_shared>>)
    %dma_start3A_85 = arith.constant 1 : i32
    %dma_start3A_86 = arith.constant 79 : i32
    %dma_start3A_87 = arith.constant 0 : i32
    %dma_start3A_88 = arith.constant 0 : i32
    %dma_start3A_89 = tpu.memref_slice %arg9[%dma_start3A_85, %dma_start3A_87, %dma_start3A_88] : memref<2x256x64xbf16, #tpu.memory_space<vmem>> -> memref<1x256x64xbf16, #tpu.memory_space<vmem>>
    %dma_start3A_90 = tpu.memref_squeeze %dma_start3A_89 : memref<1x256x64xbf16, #tpu.memory_space<vmem>> -> memref<256x64xbf16, #tpu.memory_space<vmem>>
    %dma_start3A_91 = arith.constant 0 : i32
    %dma_start3A_92 = tpu.memref_slice %arg8[%dma_start3A_86, %dma_start3A_91] : memref<80x256xi32, #tpu.memory_space<vmem>> -> memref<1x256xi32, #tpu.memory_space<vmem>>
    %dma_start3A_93 = tpu.memref_squeeze %dma_start3A_92 : memref<1x256xi32, #tpu.memory_space<vmem>> -> memref<256xi32, #tpu.memory_space<vmem>>
    %dma_start3A_94 = arith.constant 0 : i32
    %dma_start3A_95 = arith.constant 0 : i32
    %dma_start3A_96 = tpu.memref_slice %arg10[%dma_start3A_94, %dma_start3A_95] : memref<10240x64xbf16, #tpu.memory_space<vmem_shared>> -> memref<10240x64xbf16, #tpu.memory_space<vmem_shared>>
    tpu.enqueue_indirect_dma source(%dma_start3A_90 : memref<256x64xbf16, #tpu.memory_space<vmem>>) target(%dma_start3A_96 : memref<10240x64xbf16, #tpu.memory_space<vmem_shared>>) offsets(%dma_start3A_93 : memref<256xi32, #tpu.memory_space<vmem>>) semaphore(%arg15 : memref<!tpu.dma_semaphore, #tpu.memory_space<semaphore_mem>>) {add = true}
    %dma_wait3A_97 = arith.constant 1 : i32
    %dma_wait3A_98 = arith.constant 0 : i32
    %dma_wait3A_99 = arith.constant 0 : i32
    %dma_wait3A_100 = arith.constant 0 : i32
    %dma_wait3A_101 = tpu.memref_slice %arg9[%dma_wait3A_97, %dma_wait3A_99, %dma_wait3A_100] : memref<2x256x64xbf16, #tpu.memory_space<vmem>> -> memref<1x256x64xbf16, #tpu.memory_space<vmem>>
    %dma_wait3A_102 = tpu.memref_squeeze %dma_wait3A_101 : memref<1x256x64xbf16, #tpu.memory_space<vmem>> -> memref<256x64xbf16, #tpu.memory_space<vmem>>
    %dma_wait3A_103 = arith.constant 0 : i32
    %dma_wait3A_104 = tpu.memref_slice %arg8[%dma_wait3A_98, %dma_wait3A_103] : memref<80x256xi32, #tpu.memory_space<vmem>> -> memref<1x256xi32, #tpu.memory_space<vmem>>
    %dma_wait3A_105 = tpu.memref_squeeze %dma_wait3A_104 : memref<1x256xi32, #tpu.memory_space<vmem>> -> memref<256xi32, #tpu.memory_space<vmem>>
    %dma_wait3A_106 = arith.constant 0 : i32
    %dma_wait3A_107 = arith.constant 0 : i32
    %dma_wait3A_108 = tpu.memref_slice %arg10[%dma_wait3A_106, %dma_wait3A_107] : memref<10240x64xbf16, #tpu.memory_space<vmem_shared>> -> memref<10240x64xbf16, #tpu.memory_space<vmem_shared>>
    tpu.wait_indirect_dma semaphore(%arg15 : memref<!tpu.dma_semaphore, #tpu.memory_space<semaphore_mem>>) src(%dma_wait3A_102 : memref<256x64xbf16, #tpu.memory_space<vmem>>) dst(%dma_wait3A_108 : memref<10240x64xbf16, #tpu.memory_space<vmem_shared>>)
    %barrier3A_109 = arith.constant 0 : index
    tpu.barrier barrier_id(%barrier3A_109)
    %mul3A_110 = arith.constant 640 : i32
    %mul3A_111 = arith.muli %arg1, %mul3A_110 : i32
    %mul3A_112 = arith.constant 10240 : i32
    %mul3A_113 = arith.muli %arg0, %mul3A_112 : i32
    %mul3A_114 = arith.constant 640 : i32
    %mul3A_115 = arith.muli %arg1, %mul3A_114 : i32
    %add3A_116 = arith.addi %mul3A_113, %mul3A_115 : i32
    "tpu.region"() ({
      %run_scoped3A = tpu.sem_alloc : memref<!tpu.dma_semaphore, #tpu.memory_space<semaphore_mem>>
      %dma_start3A_117 = arith.constant 0 : i32
      %dma_start3A_118 = tpu.memref_slice %arg6[%add3A_116, %dma_start3A_117] : memref<20480x64xbf16, #tpu.memory_space<hbm>> -> memref<640x64xbf16, #tpu.memory_space<hbm>>
      %dma_start3A_119 = arith.constant 0 : i32
      %dma_start3A_120 = tpu.memref_slice %arg10[%mul3A_111, %dma_start3A_119] : memref<10240x64xbf16, #tpu.memory_space<vmem_shared>> -> memref<640x64xbf16, #tpu.memory_space<vmem_shared>>
      tpu.enqueue_dma source(%dma_start3A_120 : memref<640x64xbf16, #tpu.memory_space<vmem_shared>>) target(%dma_start3A_118 : memref<640x64xbf16, #tpu.memory_space<hbm>>) target_semaphore(%run_scoped3A : memref<!tpu.dma_semaphore, #tpu.memory_space<semaphore_mem>>)
      %dma_wait3A_121 = arith.constant 0 : i32
      %dma_wait3A_122 = tpu.memref_slice %arg6[%add3A_116, %dma_wait3A_121] : memref<20480x64xbf16, #tpu.memory_space<hbm>> -> memref<640x64xbf16, #tpu.memory_space<hbm>>
      %dma_wait3A_123 = arith.constant 0 : i32
      %dma_wait3A_124 = tpu.memref_slice %arg10[%mul3A_111, %dma_wait3A_123] : memref<10240x64xbf16, #tpu.memory_space<vmem_shared>> -> memref<640x64xbf16, #tpu.memory_space<vmem_shared>>
      tpu.wait_dma2 semaphore(%run_scoped3A : memref<!tpu.dma_semaphore, #tpu.memory_space<semaphore_mem>>) src(%dma_wait3A_124 : memref<640x64xbf16, #tpu.memory_space<vmem_shared>>) dst(%dma_wait3A_122 : memref<640x64xbf16, #tpu.memory_space<hbm>>)
      tpu.yield
    }) : () -> ()
    return
  }
}

#map = affine_map<(d0, d1) -> (0, 0)>
#map1 = affine_map<(d0, d1) -> (0, 0, 0)>
module attributes {stable_mosaic.version = 14 : i64} {
  func.func @body(%arg0: i32, %arg1: i32, %arg2: memref<16x8xf32, #tpu.memory_space<hbm>>, %arg3: memref<32x20x512xi32, #tpu.memory_space<hbm>>, %arg4: memref<32x20x512xi32, #tpu.memory_space<hbm>>, %arg5: memref<640x8xf32, #tpu.memory_space<hbm>>, %arg6: memref<20480x8xf32, #tpu.memory_space<hbm>>, %arg7: memref<20x512xi32, #tpu.memory_space<vmem>>, %arg8: memref<20x512xi32, #tpu.memory_space<vmem>>, %arg9: memref<2x512x8xf32, #tpu.memory_space<vmem>>, %arg10: memref<10240x8xf32, #tpu.memory_space<vmem_shared>>, %arg11: memref<8x8xf32, #tpu.memory_space<vmem_shared>>, %arg12: memref<!tpu.dma_semaphore, #tpu.memory_space<semaphore_mem>>, %arg13: memref<!tpu.dma_semaphore, #tpu.memory_space<semaphore_mem>>, %arg14: memref<!tpu.dma_semaphore, #tpu.memory_space<semaphore_mem>>, %arg15: memref<!tpu.dma_semaphore, #tpu.memory_space<semaphore_mem>>) attributes {dimension_semantics = [#tpu.dimension_semantics<core_parallel>, #tpu.dimension_semantics<subcore_parallel>], iteration_bounds = array<i64: 2, 16>, scalar_prefetch = 0 : i64, scratch_operands = 9 : i64, tpu.core_type = #tpu.core_type<sc_vector_subcore>, window_params = [{transform_indices = #map}, {transform_indices = #map1}, {transform_indices = #map1}, {transform_indices = #map}, {transform_indices = #map}]} {
    %mul3A = arith.constant 16 : i32
    %mul3A_0 = arith.muli %arg0, %mul3A : i32
    %add3A = arith.addi %mul3A_0, %arg1 : i32
    "tpu.region"() ({
      %run_scoped3A = tpu.sem_alloc : memref<!tpu.dma_semaphore, #tpu.memory_space<semaphore_mem>>
      %dma_start3A_110 = arith.constant 0 : i32
      %dma_start3A_111 = arith.constant 0 : i32
      %dma_start3A_112 = tpu.memref_slice %arg3[%add3A, %dma_start3A_110, %dma_start3A_111] : memref<32x20x512xi32, #tpu.memory_space<hbm>> -> memref<1x20x512xi32, #tpu.memory_space<hbm>>
      %dma_start3A_113 = tpu.memref_squeeze %dma_start3A_112 : memref<1x20x512xi32, #tpu.memory_space<hbm>> -> memref<20x512xi32, #tpu.memory_space<hbm>>
      %dma_start3A_114 = arith.constant 0 : i32
      %dma_start3A_115 = arith.constant 0 : i32
      %dma_start3A_116 = tpu.memref_slice %arg3[%add3A, %dma_start3A_114, %dma_start3A_115] : memref<32x20x512xi32, #tpu.memory_space<hbm>> -> memref<1x20x512xi32, #tpu.memory_space<hbm>>
      %dma_start3A_117 = tpu.memref_squeeze %dma_start3A_116 : memref<1x20x512xi32, #tpu.memory_space<hbm>> -> memref<20x512xi32, #tpu.memory_space<hbm>>
      tpu.enqueue_dma source(%dma_start3A_117 : memref<20x512xi32, #tpu.memory_space<hbm>>) target(%arg7 : memref<20x512xi32, #tpu.memory_space<vmem>>) target_semaphore(%run_scoped3A : memref<!tpu.dma_semaphore, #tpu.memory_space<semaphore_mem>>)
      %dma_wait3A_118 = arith.constant 0 : i32
      %dma_wait3A_119 = arith.constant 0 : i32
      %dma_wait3A_120 = tpu.memref_slice %arg3[%add3A, %dma_wait3A_118, %dma_wait3A_119] : memref<32x20x512xi32, #tpu.memory_space<hbm>> -> memref<1x20x512xi32, #tpu.memory_space<hbm>>
      %dma_wait3A_121 = tpu.memref_squeeze %dma_wait3A_120 : memref<1x20x512xi32, #tpu.memory_space<hbm>> -> memref<20x512xi32, #tpu.memory_space<hbm>>
      %dma_wait3A_122 = arith.constant 0 : i32
      %dma_wait3A_123 = arith.constant 0 : i32
      %dma_wait3A_124 = tpu.memref_slice %arg3[%add3A, %dma_wait3A_122, %dma_wait3A_123] : memref<32x20x512xi32, #tpu.memory_space<hbm>> -> memref<1x20x512xi32, #tpu.memory_space<hbm>>
      %dma_wait3A_125 = tpu.memref_squeeze %dma_wait3A_124 : memref<1x20x512xi32, #tpu.memory_space<hbm>> -> memref<20x512xi32, #tpu.memory_space<hbm>>
      tpu.wait_dma2 semaphore(%run_scoped3A : memref<!tpu.dma_semaphore, #tpu.memory_space<semaphore_mem>>) src(%dma_wait3A_125 : memref<20x512xi32, #tpu.memory_space<hbm>>) dst(%arg7 : memref<20x512xi32, #tpu.memory_space<vmem>>)
      tpu.yield
    }) : () -> ()
    "tpu.region"() ({
      %run_scoped3A = tpu.sem_alloc : memref<!tpu.dma_semaphore, #tpu.memory_space<semaphore_mem>>
      %dma_start3A_110 = arith.constant 0 : i32
      %dma_start3A_111 = arith.constant 0 : i32
      %dma_start3A_112 = tpu.memref_slice %arg4[%add3A, %dma_start3A_110, %dma_start3A_111] : memref<32x20x512xi32, #tpu.memory_space<hbm>> -> memref<1x20x512xi32, #tpu.memory_space<hbm>>
      %dma_start3A_113 = tpu.memref_squeeze %dma_start3A_112 : memref<1x20x512xi32, #tpu.memory_space<hbm>> -> memref<20x512xi32, #tpu.memory_space<hbm>>
      %dma_start3A_114 = arith.constant 0 : i32
      %dma_start3A_115 = arith.constant 0 : i32
      %dma_start3A_116 = tpu.memref_slice %arg4[%add3A, %dma_start3A_114, %dma_start3A_115] : memref<32x20x512xi32, #tpu.memory_space<hbm>> -> memref<1x20x512xi32, #tpu.memory_space<hbm>>
      %dma_start3A_117 = tpu.memref_squeeze %dma_start3A_116 : memref<1x20x512xi32, #tpu.memory_space<hbm>> -> memref<20x512xi32, #tpu.memory_space<hbm>>
      tpu.enqueue_dma source(%dma_start3A_117 : memref<20x512xi32, #tpu.memory_space<hbm>>) target(%arg8 : memref<20x512xi32, #tpu.memory_space<vmem>>) target_semaphore(%run_scoped3A : memref<!tpu.dma_semaphore, #tpu.memory_space<semaphore_mem>>)
      %dma_wait3A_118 = arith.constant 0 : i32
      %dma_wait3A_119 = arith.constant 0 : i32
      %dma_wait3A_120 = tpu.memref_slice %arg4[%add3A, %dma_wait3A_118, %dma_wait3A_119] : memref<32x20x512xi32, #tpu.memory_space<hbm>> -> memref<1x20x512xi32, #tpu.memory_space<hbm>>
      %dma_wait3A_121 = tpu.memref_squeeze %dma_wait3A_120 : memref<1x20x512xi32, #tpu.memory_space<hbm>> -> memref<20x512xi32, #tpu.memory_space<hbm>>
      %dma_wait3A_122 = arith.constant 0 : i32
      %dma_wait3A_123 = arith.constant 0 : i32
      %dma_wait3A_124 = tpu.memref_slice %arg4[%add3A, %dma_wait3A_122, %dma_wait3A_123] : memref<32x20x512xi32, #tpu.memory_space<hbm>> -> memref<1x20x512xi32, #tpu.memory_space<hbm>>
      %dma_wait3A_125 = tpu.memref_squeeze %dma_wait3A_124 : memref<1x20x512xi32, #tpu.memory_space<hbm>> -> memref<20x512xi32, #tpu.memory_space<hbm>>
      tpu.wait_dma2 semaphore(%run_scoped3A : memref<!tpu.dma_semaphore, #tpu.memory_space<semaphore_mem>>) src(%dma_wait3A_125 : memref<20x512xi32, #tpu.memory_space<hbm>>) dst(%arg8 : memref<20x512xi32, #tpu.memory_space<vmem>>)
      tpu.yield
    }) : () -> ()
    %mul3A_1 = arith.constant 640 : i32
    %mul3A_2 = arith.muli %arg1, %mul3A_1 : i32
    "tpu.region"() ({
      %run_scoped3A = tpu.sem_alloc : memref<!tpu.dma_semaphore, #tpu.memory_space<semaphore_mem>>
      %dma_start3A_110 = arith.constant 0 : i32
      %dma_start3A_111 = tpu.memref_slice %arg10[%mul3A_2, %dma_start3A_110] : memref<10240x8xf32, #tpu.memory_space<vmem_shared>> -> memref<640x8xf32, #tpu.memory_space<vmem_shared>>
      tpu.enqueue_dma source(%arg5 : memref<640x8xf32, #tpu.memory_space<hbm>>) target(%dma_start3A_111 : memref<640x8xf32, #tpu.memory_space<vmem_shared>>) target_semaphore(%run_scoped3A : memref<!tpu.dma_semaphore, #tpu.memory_space<semaphore_mem>>)
      %dma_wait3A_112 = arith.constant 0 : i32
      %dma_wait3A_113 = tpu.memref_slice %arg10[%mul3A_2, %dma_wait3A_112] : memref<10240x8xf32, #tpu.memory_space<vmem_shared>> -> memref<640x8xf32, #tpu.memory_space<vmem_shared>>
      tpu.wait_dma2 semaphore(%run_scoped3A : memref<!tpu.dma_semaphore, #tpu.memory_space<semaphore_mem>>) src(%arg5 : memref<640x8xf32, #tpu.memory_space<hbm>>) dst(%dma_wait3A_113 : memref<640x8xf32, #tpu.memory_space<vmem_shared>>)
      tpu.yield
    }) : () -> ()
    %barrier3A = arith.constant 0 : index
    tpu.barrier barrier_id(%barrier3A)
    %dma_start3A = arith.constant 0 : i32
    %dma_start3A_3 = arith.constant 0 : i32
    %dma_start3A_4 = arith.constant 0 : i32
    %dma_start3A_5 = arith.constant 0 : i32
    %dma_start3A_6 = tpu.memref_slice %arg9[%dma_start3A_3, %dma_start3A_4, %dma_start3A_5] : memref<2x512x8xf32, #tpu.memory_space<vmem>> -> memref<1x512x8xf32, #tpu.memory_space<vmem>>
    %dma_start3A_7 = tpu.memref_squeeze %dma_start3A_6 : memref<1x512x8xf32, #tpu.memory_space<vmem>> -> memref<512x8xf32, #tpu.memory_space<vmem>>
    %dma_start3A_8 = arith.constant 0 : i32
    %dma_start3A_9 = tpu.memref_slice %arg7[%dma_start3A, %dma_start3A_8] : memref<20x512xi32, #tpu.memory_space<vmem>> -> memref<1x512xi32, #tpu.memory_space<vmem>>
    %dma_start3A_10 = tpu.memref_squeeze %dma_start3A_9 : memref<1x512xi32, #tpu.memory_space<vmem>> -> memref<512xi32, #tpu.memory_space<vmem>>
    %dma_start3A_11 = arith.constant 0 : i32
    %dma_start3A_12 = arith.constant 0 : i32
    %dma_start3A_13 = tpu.memref_slice %arg2[%dma_start3A_11, %dma_start3A_12] : memref<16x8xf32, #tpu.memory_space<hbm>> -> memref<16x8xf32, #tpu.memory_space<hbm>>
    tpu.enqueue_indirect_dma source(%dma_start3A_13 : memref<16x8xf32, #tpu.memory_space<hbm>>) target(%dma_start3A_7 : memref<512x8xf32, #tpu.memory_space<vmem>>) offsets(%dma_start3A_10 : memref<512xi32, #tpu.memory_space<vmem>>) semaphore(%arg12 : memref<!tpu.dma_semaphore, #tpu.memory_space<semaphore_mem>>)
    %scan3A = arith.constant 0 : i32
    %scan3A_14 = arith.constant 0 : i32
    %scan3A_15 = arith.constant 9 : i32
    %scan3A_16 = arith.addi %scan3A_14, %scan3A_15 : i32
    %scan3A_17 = arith.constant 1 : i32
    scf.for %scan3A_110 = %scan3A_14 to %scan3A_16 step %scan3A_17  : i32 {
      %mul3A_111 = arith.constant 2 : i32
      %mul3A_112 = arith.muli %mul3A_111, %scan3A_110 : i32
      %dma_wait3A_113 = arith.constant 0 : i32
      %dma_wait3A_114 = arith.constant 0 : i32
      %dma_wait3A_115 = arith.constant 0 : i32
      %dma_wait3A_116 = arith.constant 0 : i32
      %dma_wait3A_117 = tpu.memref_slice %arg9[%dma_wait3A_114, %dma_wait3A_115, %dma_wait3A_116] : memref<2x512x8xf32, #tpu.memory_space<vmem>> -> memref<1x512x8xf32, #tpu.memory_space<vmem>>
      %dma_wait3A_118 = tpu.memref_squeeze %dma_wait3A_117 : memref<1x512x8xf32, #tpu.memory_space<vmem>> -> memref<512x8xf32, #tpu.memory_space<vmem>>
      %dma_wait3A_119 = arith.constant 0 : i32
      %dma_wait3A_120 = tpu.memref_slice %arg7[%dma_wait3A_113, %dma_wait3A_119] : memref<20x512xi32, #tpu.memory_space<vmem>> -> memref<1x512xi32, #tpu.memory_space<vmem>>
      %dma_wait3A_121 = tpu.memref_squeeze %dma_wait3A_120 : memref<1x512xi32, #tpu.memory_space<vmem>> -> memref<512xi32, #tpu.memory_space<vmem>>
      %dma_wait3A_122 = arith.constant 0 : i32
      %dma_wait3A_123 = arith.constant 0 : i32
      %dma_wait3A_124 = tpu.memref_slice %arg2[%dma_wait3A_122, %dma_wait3A_123] : memref<16x8xf32, #tpu.memory_space<hbm>> -> memref<16x8xf32, #tpu.memory_space<hbm>>
      tpu.wait_indirect_dma semaphore(%arg12 : memref<!tpu.dma_semaphore, #tpu.memory_space<semaphore_mem>>) src(%dma_wait3A_124 : memref<16x8xf32, #tpu.memory_space<hbm>>) dst(%dma_wait3A_118 : memref<512x8xf32, #tpu.memory_space<vmem>>)
      %add3A_125 = arith.constant 1 : i32
      %add3A_126 = arith.addi %mul3A_112, %add3A_125 : i32
      %dma_start3A_127 = arith.constant 1 : i32
      %dma_start3A_128 = arith.constant 0 : i32
      %dma_start3A_129 = arith.constant 0 : i32
      %dma_start3A_130 = tpu.memref_slice %arg9[%dma_start3A_127, %dma_start3A_128, %dma_start3A_129] : memref<2x512x8xf32, #tpu.memory_space<vmem>> -> memref<1x512x8xf32, #tpu.memory_space<vmem>>
      %dma_start3A_131 = tpu.memref_squeeze %dma_start3A_130 : memref<1x512x8xf32, #tpu.memory_space<vmem>> -> memref<512x8xf32, #tpu.memory_space<vmem>>
      %dma_start3A_132 = arith.constant 0 : i32
      %dma_start3A_133 = tpu.memref_slice %arg7[%add3A_126, %dma_start3A_132] : memref<20x512xi32, #tpu.memory_space<vmem>> -> memref<1x512xi32, #tpu.memory_space<vmem>>
      %dma_start3A_134 = tpu.memref_squeeze %dma_start3A_133 : memref<1x512xi32, #tpu.memory_space<vmem>> -> memref<512xi32, #tpu.memory_space<vmem>>
      %dma_start3A_135 = arith.constant 0 : i32
      %dma_start3A_136 = arith.constant 0 : i32
      %dma_start3A_137 = tpu.memref_slice %arg2[%dma_start3A_135, %dma_start3A_136] : memref<16x8xf32, #tpu.memory_space<hbm>> -> memref<16x8xf32, #tpu.memory_space<hbm>>
      tpu.enqueue_indirect_dma source(%dma_start3A_137 : memref<16x8xf32, #tpu.memory_space<hbm>>) target(%dma_start3A_131 : memref<512x8xf32, #tpu.memory_space<vmem>>) offsets(%dma_start3A_134 : memref<512xi32, #tpu.memory_space<vmem>>) semaphore(%arg13 : memref<!tpu.dma_semaphore, #tpu.memory_space<semaphore_mem>>)
      %dma_start3A_138 = arith.constant 0 : i32
      %dma_start3A_139 = arith.constant 0 : i32
      %dma_start3A_140 = arith.constant 0 : i32
      %dma_start3A_141 = tpu.memref_slice %arg9[%dma_start3A_138, %dma_start3A_139, %dma_start3A_140] : memref<2x512x8xf32, #tpu.memory_space<vmem>> -> memref<1x512x8xf32, #tpu.memory_space<vmem>>
      %dma_start3A_142 = tpu.memref_squeeze %dma_start3A_141 : memref<1x512x8xf32, #tpu.memory_space<vmem>> -> memref<512x8xf32, #tpu.memory_space<vmem>>
      %dma_start3A_143 = arith.constant 0 : i32
      %dma_start3A_144 = tpu.memref_slice %arg8[%mul3A_112, %dma_start3A_143] : memref<20x512xi32, #tpu.memory_space<vmem>> -> memref<1x512xi32, #tpu.memory_space<vmem>>
      %dma_start3A_145 = tpu.memref_squeeze %dma_start3A_144 : memref<1x512xi32, #tpu.memory_space<vmem>> -> memref<512xi32, #tpu.memory_space<vmem>>
      %dma_start3A_146 = arith.constant 0 : i32
      %dma_start3A_147 = arith.constant 0 : i32
      %dma_start3A_148 = tpu.memref_slice %arg10[%dma_start3A_146, %dma_start3A_147] : memref<10240x8xf32, #tpu.memory_space<vmem_shared>> -> memref<10240x8xf32, #tpu.memory_space<vmem_shared>>
      tpu.enqueue_indirect_dma source(%dma_start3A_142 : memref<512x8xf32, #tpu.memory_space<vmem>>) target(%dma_start3A_148 : memref<10240x8xf32, #tpu.memory_space<vmem_shared>>) offsets(%dma_start3A_145 : memref<512xi32, #tpu.memory_space<vmem>>) semaphore(%arg14 : memref<!tpu.dma_semaphore, #tpu.memory_space<semaphore_mem>>) {add = true}
      %dma_wait3A_149 = arith.constant 0 : i32
      %dma_wait3A_150 = arith.constant 1 : i32
      %dma_wait3A_151 = arith.constant 0 : i32
      %dma_wait3A_152 = arith.constant 0 : i32
      %dma_wait3A_153 = tpu.memref_slice %arg9[%dma_wait3A_150, %dma_wait3A_151, %dma_wait3A_152] : memref<2x512x8xf32, #tpu.memory_space<vmem>> -> memref<1x512x8xf32, #tpu.memory_space<vmem>>
      %dma_wait3A_154 = tpu.memref_squeeze %dma_wait3A_153 : memref<1x512x8xf32, #tpu.memory_space<vmem>> -> memref<512x8xf32, #tpu.memory_space<vmem>>
      %dma_wait3A_155 = arith.constant 0 : i32
      %dma_wait3A_156 = tpu.memref_slice %arg7[%dma_wait3A_149, %dma_wait3A_155] : memref<20x512xi32, #tpu.memory_space<vmem>> -> memref<1x512xi32, #tpu.memory_space<vmem>>
      %dma_wait3A_157 = tpu.memref_squeeze %dma_wait3A_156 : memref<1x512xi32, #tpu.memory_space<vmem>> -> memref<512xi32, #tpu.memory_space<vmem>>
      %dma_wait3A_158 = arith.constant 0 : i32
      %dma_wait3A_159 = arith.constant 0 : i32
      %dma_wait3A_160 = tpu.memref_slice %arg2[%dma_wait3A_158, %dma_wait3A_159] : memref<16x8xf32, #tpu.memory_space<hbm>> -> memref<16x8xf32, #tpu.memory_space<hbm>>
      tpu.wait_indirect_dma semaphore(%arg13 : memref<!tpu.dma_semaphore, #tpu.memory_space<semaphore_mem>>) src(%dma_wait3A_160 : memref<16x8xf32, #tpu.memory_space<hbm>>) dst(%dma_wait3A_154 : memref<512x8xf32, #tpu.memory_space<vmem>>)
      %dma_wait3A_161 = arith.constant 0 : i32
      %dma_wait3A_162 = arith.constant 0 : i32
      %dma_wait3A_163 = arith.constant 0 : i32
      %dma_wait3A_164 = arith.constant 0 : i32
      %dma_wait3A_165 = tpu.memref_slice %arg9[%dma_wait3A_161, %dma_wait3A_163, %dma_wait3A_164] : memref<2x512x8xf32, #tpu.memory_space<vmem>> -> memref<1x512x8xf32, #tpu.memory_space<vmem>>
      %dma_wait3A_166 = tpu.memref_squeeze %dma_wait3A_165 : memref<1x512x8xf32, #tpu.memory_space<vmem>> -> memref<512x8xf32, #tpu.memory_space<vmem>>
      %dma_wait3A_167 = arith.constant 0 : i32
      %dma_wait3A_168 = tpu.memref_slice %arg8[%dma_wait3A_162, %dma_wait3A_167] : memref<20x512xi32, #tpu.memory_space<vmem>> -> memref<1x512xi32, #tpu.memory_space<vmem>>
      %dma_wait3A_169 = tpu.memref_squeeze %dma_wait3A_168 : memref<1x512xi32, #tpu.memory_space<vmem>> -> memref<512xi32, #tpu.memory_space<vmem>>
      %dma_wait3A_170 = arith.constant 0 : i32
      %dma_wait3A_171 = arith.constant 0 : i32
      %dma_wait3A_172 = tpu.memref_slice %arg10[%dma_wait3A_170, %dma_wait3A_171] : memref<10240x8xf32, #tpu.memory_space<vmem_shared>> -> memref<10240x8xf32, #tpu.memory_space<vmem_shared>>
      tpu.wait_indirect_dma semaphore(%arg14 : memref<!tpu.dma_semaphore, #tpu.memory_space<semaphore_mem>>) src(%dma_wait3A_166 : memref<512x8xf32, #tpu.memory_space<vmem>>) dst(%dma_wait3A_172 : memref<10240x8xf32, #tpu.memory_space<vmem_shared>>)
      %add3A_173 = arith.constant 2 : i32
      %add3A_174 = arith.addi %mul3A_112, %add3A_173 : i32
      %dma_start3A_175 = arith.constant 0 : i32
      %dma_start3A_176 = arith.constant 0 : i32
      %dma_start3A_177 = arith.constant 0 : i32
      %dma_start3A_178 = tpu.memref_slice %arg9[%dma_start3A_175, %dma_start3A_176, %dma_start3A_177] : memref<2x512x8xf32, #tpu.memory_space<vmem>> -> memref<1x512x8xf32, #tpu.memory_space<vmem>>
      %dma_start3A_179 = tpu.memref_squeeze %dma_start3A_178 : memref<1x512x8xf32, #tpu.memory_space<vmem>> -> memref<512x8xf32, #tpu.memory_space<vmem>>
      %dma_start3A_180 = arith.constant 0 : i32
      %dma_start3A_181 = tpu.memref_slice %arg7[%add3A_174, %dma_start3A_180] : memref<20x512xi32, #tpu.memory_space<vmem>> -> memref<1x512xi32, #tpu.memory_space<vmem>>
      %dma_start3A_182 = tpu.memref_squeeze %dma_start3A_181 : memref<1x512xi32, #tpu.memory_space<vmem>> -> memref<512xi32, #tpu.memory_space<vmem>>
      %dma_start3A_183 = arith.constant 0 : i32
      %dma_start3A_184 = arith.constant 0 : i32
      %dma_start3A_185 = tpu.memref_slice %arg2[%dma_start3A_183, %dma_start3A_184] : memref<16x8xf32, #tpu.memory_space<hbm>> -> memref<16x8xf32, #tpu.memory_space<hbm>>
      tpu.enqueue_indirect_dma source(%dma_start3A_185 : memref<16x8xf32, #tpu.memory_space<hbm>>) target(%dma_start3A_179 : memref<512x8xf32, #tpu.memory_space<vmem>>) offsets(%dma_start3A_182 : memref<512xi32, #tpu.memory_space<vmem>>) semaphore(%arg12 : memref<!tpu.dma_semaphore, #tpu.memory_space<semaphore_mem>>)
      %add3A_186 = arith.constant 1 : i32
      %add3A_187 = arith.addi %mul3A_112, %add3A_186 : i32
      %dma_start3A_188 = arith.constant 1 : i32
      %dma_start3A_189 = arith.constant 0 : i32
      %dma_start3A_190 = arith.constant 0 : i32
      %dma_start3A_191 = tpu.memref_slice %arg9[%dma_start3A_188, %dma_start3A_189, %dma_start3A_190] : memref<2x512x8xf32, #tpu.memory_space<vmem>> -> memref<1x512x8xf32, #tpu.memory_space<vmem>>
      %dma_start3A_192 = tpu.memref_squeeze %dma_start3A_191 : memref<1x512x8xf32, #tpu.memory_space<vmem>> -> memref<512x8xf32, #tpu.memory_space<vmem>>
      %dma_start3A_193 = arith.constant 0 : i32
      %dma_start3A_194 = tpu.memref_slice %arg8[%add3A_187, %dma_start3A_193] : memref<20x512xi32, #tpu.memory_space<vmem>> -> memref<1x512xi32, #tpu.memory_space<vmem>>
      %dma_start3A_195 = tpu.memref_squeeze %dma_start3A_194 : memref<1x512xi32, #tpu.memory_space<vmem>> -> memref<512xi32, #tpu.memory_space<vmem>>
      %dma_start3A_196 = arith.constant 0 : i32
      %dma_start3A_197 = arith.constant 0 : i32
      %dma_start3A_198 = tpu.memref_slice %arg10[%dma_start3A_196, %dma_start3A_197] : memref<10240x8xf32, #tpu.memory_space<vmem_shared>> -> memref<10240x8xf32, #tpu.memory_space<vmem_shared>>
      tpu.enqueue_indirect_dma source(%dma_start3A_192 : memref<512x8xf32, #tpu.memory_space<vmem>>) target(%dma_start3A_198 : memref<10240x8xf32, #tpu.memory_space<vmem_shared>>) offsets(%dma_start3A_195 : memref<512xi32, #tpu.memory_space<vmem>>) semaphore(%arg15 : memref<!tpu.dma_semaphore, #tpu.memory_space<semaphore_mem>>) {add = true}
      %dma_wait3A_199 = arith.constant 1 : i32
      %dma_wait3A_200 = arith.constant 0 : i32
      %dma_wait3A_201 = arith.constant 0 : i32
      %dma_wait3A_202 = arith.constant 0 : i32
      %dma_wait3A_203 = tpu.memref_slice %arg9[%dma_wait3A_199, %dma_wait3A_201, %dma_wait3A_202] : memref<2x512x8xf32, #tpu.memory_space<vmem>> -> memref<1x512x8xf32, #tpu.memory_space<vmem>>
      %dma_wait3A_204 = tpu.memref_squeeze %dma_wait3A_203 : memref<1x512x8xf32, #tpu.memory_space<vmem>> -> memref<512x8xf32, #tpu.memory_space<vmem>>
      %dma_wait3A_205 = arith.constant 0 : i32
      %dma_wait3A_206 = tpu.memref_slice %arg8[%dma_wait3A_200, %dma_wait3A_205] : memref<20x512xi32, #tpu.memory_space<vmem>> -> memref<1x512xi32, #tpu.memory_space<vmem>>
      %dma_wait3A_207 = tpu.memref_squeeze %dma_wait3A_206 : memref<1x512xi32, #tpu.memory_space<vmem>> -> memref<512xi32, #tpu.memory_space<vmem>>
      %dma_wait3A_208 = arith.constant 0 : i32
      %dma_wait3A_209 = arith.constant 0 : i32
      %dma_wait3A_210 = tpu.memref_slice %arg10[%dma_wait3A_208, %dma_wait3A_209] : memref<10240x8xf32, #tpu.memory_space<vmem_shared>> -> memref<10240x8xf32, #tpu.memory_space<vmem_shared>>
      tpu.wait_indirect_dma semaphore(%arg15 : memref<!tpu.dma_semaphore, #tpu.memory_space<semaphore_mem>>) src(%dma_wait3A_204 : memref<512x8xf32, #tpu.memory_space<vmem>>) dst(%dma_wait3A_210 : memref<10240x8xf32, #tpu.memory_space<vmem_shared>>)
    }
    %scan3A_18 = arith.constant 9 : i32
    %dma_wait3A = arith.constant 0 : i32
    %dma_wait3A_19 = arith.constant 0 : i32
    %dma_wait3A_20 = arith.constant 0 : i32
    %dma_wait3A_21 = arith.constant 0 : i32
    %dma_wait3A_22 = tpu.memref_slice %arg9[%dma_wait3A_19, %dma_wait3A_20, %dma_wait3A_21] : memref<2x512x8xf32, #tpu.memory_space<vmem>> -> memref<1x512x8xf32, #tpu.memory_space<vmem>>
    %dma_wait3A_23 = tpu.memref_squeeze %dma_wait3A_22 : memref<1x512x8xf32, #tpu.memory_space<vmem>> -> memref<512x8xf32, #tpu.memory_space<vmem>>
    %dma_wait3A_24 = arith.constant 0 : i32
    %dma_wait3A_25 = tpu.memref_slice %arg7[%dma_wait3A, %dma_wait3A_24] : memref<20x512xi32, #tpu.memory_space<vmem>> -> memref<1x512xi32, #tpu.memory_space<vmem>>
    %dma_wait3A_26 = tpu.memref_squeeze %dma_wait3A_25 : memref<1x512xi32, #tpu.memory_space<vmem>> -> memref<512xi32, #tpu.memory_space<vmem>>
    %dma_wait3A_27 = arith.constant 0 : i32
    %dma_wait3A_28 = arith.constant 0 : i32
    %dma_wait3A_29 = tpu.memref_slice %arg2[%dma_wait3A_27, %dma_wait3A_28] : memref<16x8xf32, #tpu.memory_space<hbm>> -> memref<16x8xf32, #tpu.memory_space<hbm>>
    tpu.wait_indirect_dma semaphore(%arg12 : memref<!tpu.dma_semaphore, #tpu.memory_space<semaphore_mem>>) src(%dma_wait3A_29 : memref<16x8xf32, #tpu.memory_space<hbm>>) dst(%dma_wait3A_23 : memref<512x8xf32, #tpu.memory_space<vmem>>)
    %dma_start3A_30 = arith.constant 19 : i32
    %dma_start3A_31 = arith.constant 1 : i32
    %dma_start3A_32 = arith.constant 0 : i32
    %dma_start3A_33 = arith.constant 0 : i32
    %dma_start3A_34 = tpu.memref_slice %arg9[%dma_start3A_31, %dma_start3A_32, %dma_start3A_33] : memref<2x512x8xf32, #tpu.memory_space<vmem>> -> memref<1x512x8xf32, #tpu.memory_space<vmem>>
    %dma_start3A_35 = tpu.memref_squeeze %dma_start3A_34 : memref<1x512x8xf32, #tpu.memory_space<vmem>> -> memref<512x8xf32, #tpu.memory_space<vmem>>
    %dma_start3A_36 = arith.constant 0 : i32
    %dma_start3A_37 = tpu.memref_slice %arg7[%dma_start3A_30, %dma_start3A_36] : memref<20x512xi32, #tpu.memory_space<vmem>> -> memref<1x512xi32, #tpu.memory_space<vmem>>
    %dma_start3A_38 = tpu.memref_squeeze %dma_start3A_37 : memref<1x512xi32, #tpu.memory_space<vmem>> -> memref<512xi32, #tpu.memory_space<vmem>>
    %dma_start3A_39 = arith.constant 0 : i32
    %dma_start3A_40 = arith.constant 0 : i32
    %dma_start3A_41 = tpu.memref_slice %arg2[%dma_start3A_39, %dma_start3A_40] : memref<16x8xf32, #tpu.memory_space<hbm>> -> memref<16x8xf32, #tpu.memory_space<hbm>>
    tpu.enqueue_indirect_dma source(%dma_start3A_41 : memref<16x8xf32, #tpu.memory_space<hbm>>) target(%dma_start3A_35 : memref<512x8xf32, #tpu.memory_space<vmem>>) offsets(%dma_start3A_38 : memref<512xi32, #tpu.memory_space<vmem>>) semaphore(%arg13 : memref<!tpu.dma_semaphore, #tpu.memory_space<semaphore_mem>>)
    %dma_start3A_42 = arith.constant 0 : i32
    %dma_start3A_43 = arith.constant 18 : i32
    %dma_start3A_44 = arith.constant 0 : i32
    %dma_start3A_45 = arith.constant 0 : i32
    %dma_start3A_46 = tpu.memref_slice %arg9[%dma_start3A_42, %dma_start3A_44, %dma_start3A_45] : memref<2x512x8xf32, #tpu.memory_space<vmem>> -> memref<1x512x8xf32, #tpu.memory_space<vmem>>
    %dma_start3A_47 = tpu.memref_squeeze %dma_start3A_46 : memref<1x512x8xf32, #tpu.memory_space<vmem>> -> memref<512x8xf32, #tpu.memory_space<vmem>>
    %dma_start3A_48 = arith.constant 0 : i32
    %dma_start3A_49 = tpu.memref_slice %arg8[%dma_start3A_43, %dma_start3A_48] : memref<20x512xi32, #tpu.memory_space<vmem>> -> memref<1x512xi32, #tpu.memory_space<vmem>>
    %dma_start3A_50 = tpu.memref_squeeze %dma_start3A_49 : memref<1x512xi32, #tpu.memory_space<vmem>> -> memref<512xi32, #tpu.memory_space<vmem>>
    %dma_start3A_51 = arith.constant 0 : i32
    %dma_start3A_52 = arith.constant 0 : i32
    %dma_start3A_53 = tpu.memref_slice %arg10[%dma_start3A_51, %dma_start3A_52] : memref<10240x8xf32, #tpu.memory_space<vmem_shared>> -> memref<10240x8xf32, #tpu.memory_space<vmem_shared>>
    tpu.enqueue_indirect_dma source(%dma_start3A_47 : memref<512x8xf32, #tpu.memory_space<vmem>>) target(%dma_start3A_53 : memref<10240x8xf32, #tpu.memory_space<vmem_shared>>) offsets(%dma_start3A_50 : memref<512xi32, #tpu.memory_space<vmem>>) semaphore(%arg14 : memref<!tpu.dma_semaphore, #tpu.memory_space<semaphore_mem>>) {add = true}
    %dma_wait3A_54 = arith.constant 0 : i32
    %dma_wait3A_55 = arith.constant 1 : i32
    %dma_wait3A_56 = arith.constant 0 : i32
    %dma_wait3A_57 = arith.constant 0 : i32
    %dma_wait3A_58 = tpu.memref_slice %arg9[%dma_wait3A_55, %dma_wait3A_56, %dma_wait3A_57] : memref<2x512x8xf32, #tpu.memory_space<vmem>> -> memref<1x512x8xf32, #tpu.memory_space<vmem>>
    %dma_wait3A_59 = tpu.memref_squeeze %dma_wait3A_58 : memref<1x512x8xf32, #tpu.memory_space<vmem>> -> memref<512x8xf32, #tpu.memory_space<vmem>>
    %dma_wait3A_60 = arith.constant 0 : i32
    %dma_wait3A_61 = tpu.memref_slice %arg7[%dma_wait3A_54, %dma_wait3A_60] : memref<20x512xi32, #tpu.memory_space<vmem>> -> memref<1x512xi32, #tpu.memory_space<vmem>>
    %dma_wait3A_62 = tpu.memref_squeeze %dma_wait3A_61 : memref<1x512xi32, #tpu.memory_space<vmem>> -> memref<512xi32, #tpu.memory_space<vmem>>
    %dma_wait3A_63 = arith.constant 0 : i32
    %dma_wait3A_64 = arith.constant 0 : i32
    %dma_wait3A_65 = tpu.memref_slice %arg2[%dma_wait3A_63, %dma_wait3A_64] : memref<16x8xf32, #tpu.memory_space<hbm>> -> memref<16x8xf32, #tpu.memory_space<hbm>>
    tpu.wait_indirect_dma semaphore(%arg13 : memref<!tpu.dma_semaphore, #tpu.memory_space<semaphore_mem>>) src(%dma_wait3A_65 : memref<16x8xf32, #tpu.memory_space<hbm>>) dst(%dma_wait3A_59 : memref<512x8xf32, #tpu.memory_space<vmem>>)
    %dma_wait3A_66 = arith.constant 0 : i32
    %dma_wait3A_67 = arith.constant 0 : i32
    %dma_wait3A_68 = arith.constant 0 : i32
    %dma_wait3A_69 = arith.constant 0 : i32
    %dma_wait3A_70 = tpu.memref_slice %arg9[%dma_wait3A_66, %dma_wait3A_68, %dma_wait3A_69] : memref<2x512x8xf32, #tpu.memory_space<vmem>> -> memref<1x512x8xf32, #tpu.memory_space<vmem>>
    %dma_wait3A_71 = tpu.memref_squeeze %dma_wait3A_70 : memref<1x512x8xf32, #tpu.memory_space<vmem>> -> memref<512x8xf32, #tpu.memory_space<vmem>>
    %dma_wait3A_72 = arith.constant 0 : i32
    %dma_wait3A_73 = tpu.memref_slice %arg8[%dma_wait3A_67, %dma_wait3A_72] : memref<20x512xi32, #tpu.memory_space<vmem>> -> memref<1x512xi32, #tpu.memory_space<vmem>>
    %dma_wait3A_74 = tpu.memref_squeeze %dma_wait3A_73 : memref<1x512xi32, #tpu.memory_space<vmem>> -> memref<512xi32, #tpu.memory_space<vmem>>
    %dma_wait3A_75 = arith.constant 0 : i32
    %dma_wait3A_76 = arith.constant 0 : i32
    %dma_wait3A_77 = tpu.memref_slice %arg10[%dma_wait3A_75, %dma_wait3A_76] : memref<10240x8xf32, #tpu.memory_space<vmem_shared>> -> memref<10240x8xf32, #tpu.memory_space<vmem_shared>>
    tpu.wait_indirect_dma semaphore(%arg14 : memref<!tpu.dma_semaphore, #tpu.memory_space<semaphore_mem>>) src(%dma_wait3A_71 : memref<512x8xf32, #tpu.memory_space<vmem>>) dst(%dma_wait3A_77 : memref<10240x8xf32, #tpu.memory_space<vmem_shared>>)
    %dma_start3A_78 = arith.constant 1 : i32
    %dma_start3A_79 = arith.constant 19 : i32
    %dma_start3A_80 = arith.constant 0 : i32
    %dma_start3A_81 = arith.constant 0 : i32
    %dma_start3A_82 = tpu.memref_slice %arg9[%dma_start3A_78, %dma_start3A_80, %dma_start3A_81] : memref<2x512x8xf32, #tpu.memory_space<vmem>> -> memref<1x512x8xf32, #tpu.memory_space<vmem>>
    %dma_start3A_83 = tpu.memref_squeeze %dma_start3A_82 : memref<1x512x8xf32, #tpu.memory_space<vmem>> -> memref<512x8xf32, #tpu.memory_space<vmem>>
    %dma_start3A_84 = arith.constant 0 : i32
    %dma_start3A_85 = tpu.memref_slice %arg8[%dma_start3A_79, %dma_start3A_84] : memref<20x512xi32, #tpu.memory_space<vmem>> -> memref<1x512xi32, #tpu.memory_space<vmem>>
    %dma_start3A_86 = tpu.memref_squeeze %dma_start3A_85 : memref<1x512xi32, #tpu.memory_space<vmem>> -> memref<512xi32, #tpu.memory_space<vmem>>
    %dma_start3A_87 = arith.constant 0 : i32
    %dma_start3A_88 = arith.constant 0 : i32
    %dma_start3A_89 = tpu.memref_slice %arg10[%dma_start3A_87, %dma_start3A_88] : memref<10240x8xf32, #tpu.memory_space<vmem_shared>> -> memref<10240x8xf32, #tpu.memory_space<vmem_shared>>
    tpu.enqueue_indirect_dma source(%dma_start3A_83 : memref<512x8xf32, #tpu.memory_space<vmem>>) target(%dma_start3A_89 : memref<10240x8xf32, #tpu.memory_space<vmem_shared>>) offsets(%dma_start3A_86 : memref<512xi32, #tpu.memory_space<vmem>>) semaphore(%arg15 : memref<!tpu.dma_semaphore, #tpu.memory_space<semaphore_mem>>) {add = true}
    %dma_wait3A_90 = arith.constant 1 : i32
    %dma_wait3A_91 = arith.constant 0 : i32
    %dma_wait3A_92 = arith.constant 0 : i32
    %dma_wait3A_93 = arith.constant 0 : i32
    %dma_wait3A_94 = tpu.memref_slice %arg9[%dma_wait3A_90, %dma_wait3A_92, %dma_wait3A_93] : memref<2x512x8xf32, #tpu.memory_space<vmem>> -> memref<1x512x8xf32, #tpu.memory_space<vmem>>
    %dma_wait3A_95 = tpu.memref_squeeze %dma_wait3A_94 : memref<1x512x8xf32, #tpu.memory_space<vmem>> -> memref<512x8xf32, #tpu.memory_space<vmem>>
    %dma_wait3A_96 = arith.constant 0 : i32
    %dma_wait3A_97 = tpu.memref_slice %arg8[%dma_wait3A_91, %dma_wait3A_96] : memref<20x512xi32, #tpu.memory_space<vmem>> -> memref<1x512xi32, #tpu.memory_space<vmem>>
    %dma_wait3A_98 = tpu.memref_squeeze %dma_wait3A_97 : memref<1x512xi32, #tpu.memory_space<vmem>> -> memref<512xi32, #tpu.memory_space<vmem>>
    %dma_wait3A_99 = arith.constant 0 : i32
    %dma_wait3A_100 = arith.constant 0 : i32
    %dma_wait3A_101 = tpu.memref_slice %arg10[%dma_wait3A_99, %dma_wait3A_100] : memref<10240x8xf32, #tpu.memory_space<vmem_shared>> -> memref<10240x8xf32, #tpu.memory_space<vmem_shared>>
    tpu.wait_indirect_dma semaphore(%arg15 : memref<!tpu.dma_semaphore, #tpu.memory_space<semaphore_mem>>) src(%dma_wait3A_95 : memref<512x8xf32, #tpu.memory_space<vmem>>) dst(%dma_wait3A_101 : memref<10240x8xf32, #tpu.memory_space<vmem_shared>>)
    %barrier3A_102 = arith.constant 0 : index
    tpu.barrier barrier_id(%barrier3A_102)
    %mul3A_103 = arith.constant 640 : i32
    %mul3A_104 = arith.muli %arg1, %mul3A_103 : i32
    %mul3A_105 = arith.constant 10240 : i32
    %mul3A_106 = arith.muli %arg0, %mul3A_105 : i32
    %mul3A_107 = arith.constant 640 : i32
    %mul3A_108 = arith.muli %arg1, %mul3A_107 : i32
    %add3A_109 = arith.addi %mul3A_106, %mul3A_108 : i32
    "tpu.region"() ({
      %run_scoped3A = tpu.sem_alloc : memref<!tpu.dma_semaphore, #tpu.memory_space<semaphore_mem>>
      %dma_start3A_110 = arith.constant 0 : i32
      %dma_start3A_111 = tpu.memref_slice %arg6[%add3A_109, %dma_start3A_110] : memref<20480x8xf32, #tpu.memory_space<hbm>> -> memref<640x8xf32, #tpu.memory_space<hbm>>
      %dma_start3A_112 = arith.constant 0 : i32
      %dma_start3A_113 = tpu.memref_slice %arg10[%mul3A_104, %dma_start3A_112] : memref<10240x8xf32, #tpu.memory_space<vmem_shared>> -> memref<640x8xf32, #tpu.memory_space<vmem_shared>>
      tpu.enqueue_dma source(%dma_start3A_113 : memref<640x8xf32, #tpu.memory_space<vmem_shared>>) target(%dma_start3A_111 : memref<640x8xf32, #tpu.memory_space<hbm>>) target_semaphore(%run_scoped3A : memref<!tpu.dma_semaphore, #tpu.memory_space<semaphore_mem>>)
      %dma_wait3A_114 = arith.constant 0 : i32
      %dma_wait3A_115 = tpu.memref_slice %arg6[%add3A_109, %dma_wait3A_114] : memref<20480x8xf32, #tpu.memory_space<hbm>> -> memref<640x8xf32, #tpu.memory_space<hbm>>
      %dma_wait3A_116 = arith.constant 0 : i32
      %dma_wait3A_117 = tpu.memref_slice %arg10[%mul3A_104, %dma_wait3A_116] : memref<10240x8xf32, #tpu.memory_space<vmem_shared>> -> memref<640x8xf32, #tpu.memory_space<vmem_shared>>
      tpu.wait_dma2 semaphore(%run_scoped3A : memref<!tpu.dma_semaphore, #tpu.memory_space<semaphore_mem>>) src(%dma_wait3A_117 : memref<640x8xf32, #tpu.memory_space<vmem_shared>>) dst(%dma_wait3A_115 : memref<640x8xf32, #tpu.memory_space<hbm>>)
      tpu.yield
    }) : () -> ()
    return
  }
}

#map = affine_map<(d0, d1) -> (0, 0)>
#map1 = affine_map<(d0, d1) -> (0, 0, 0)>
module attributes {stable_mosaic.version = 14 : i64} {
  func.func @body(%arg0: i32, %arg1: i32, %arg2: memref<20480x64xbf16, #tpu.memory_space<hbm>>, %arg3: memref<32x80x256xi32, #tpu.memory_space<hbm>>, %arg4: memref<32x80x256xi32, #tpu.memory_space<hbm>>, %arg5: memref<640x64xbf16, #tpu.memory_space<hbm>>, %arg6: memref<20480x64xbf16, #tpu.memory_space<hbm>>, %arg7: memref<80x256xi32, #tpu.memory_space<vmem>>, %arg8: memref<80x256xi32, #tpu.memory_space<vmem>>, %arg9: memref<2x256x64xbf16, #tpu.memory_space<vmem>>, %arg10: memref<10240x64xbf16, #tpu.memory_space<vmem_shared>>, %arg11: memref<10240x64xbf16, #tpu.memory_space<vmem_shared>>, %arg12: memref<!tpu.dma_semaphore, #tpu.memory_space<semaphore_mem>>, %arg13: memref<!tpu.dma_semaphore, #tpu.memory_space<semaphore_mem>>, %arg14: memref<!tpu.dma_semaphore, #tpu.memory_space<semaphore_mem>>, %arg15: memref<!tpu.dma_semaphore, #tpu.memory_space<semaphore_mem>>) attributes {dimension_semantics = [#tpu.dimension_semantics<core_parallel>, #tpu.dimension_semantics<subcore_parallel>], iteration_bounds = array<i64: 2, 16>, scalar_prefetch = 0 : i64, scratch_operands = 9 : i64, tpu.core_type = #tpu.core_type<sc_vector_subcore>, window_params = [{transform_indices = #map}, {transform_indices = #map1}, {transform_indices = #map1}, {transform_indices = #map}, {transform_indices = #map}]} {
    %mul3A = arith.constant 16 : i32
    %mul3A_0 = arith.muli %arg0, %mul3A : i32
    %add3A = arith.addi %mul3A_0, %arg1 : i32
    "tpu.region"() ({
      %run_scoped3A = tpu.sem_alloc : memref<!tpu.dma_semaphore, #tpu.memory_space<semaphore_mem>>
      %dma_start3A_117 = arith.constant 0 : i32
      %dma_start3A_118 = arith.constant 0 : i32
      %dma_start3A_119 = tpu.memref_slice %arg3[%add3A, %dma_start3A_117, %dma_start3A_118] : memref<32x80x256xi32, #tpu.memory_space<hbm>> -> memref<1x80x256xi32, #tpu.memory_space<hbm>>
      %dma_start3A_120 = tpu.memref_squeeze %dma_start3A_119 : memref<1x80x256xi32, #tpu.memory_space<hbm>> -> memref<80x256xi32, #tpu.memory_space<hbm>>
      %dma_start3A_121 = arith.constant 0 : i32
      %dma_start3A_122 = arith.constant 0 : i32
      %dma_start3A_123 = tpu.memref_slice %arg3[%add3A, %dma_start3A_121, %dma_start3A_122] : memref<32x80x256xi32, #tpu.memory_space<hbm>> -> memref<1x80x256xi32, #tpu.memory_space<hbm>>
      %dma_start3A_124 = tpu.memref_squeeze %dma_start3A_123 : memref<1x80x256xi32, #tpu.memory_space<hbm>> -> memref<80x256xi32, #tpu.memory_space<hbm>>
      tpu.enqueue_dma source(%dma_start3A_124 : memref<80x256xi32, #tpu.memory_space<hbm>>) target(%arg7 : memref<80x256xi32, #tpu.memory_space<vmem>>) target_semaphore(%run_scoped3A : memref<!tpu.dma_semaphore, #tpu.memory_space<semaphore_mem>>)
      %dma_wait3A_125 = arith.constant 0 : i32
      %dma_wait3A_126 = arith.constant 0 : i32
      %dma_wait3A_127 = tpu.memref_slice %arg3[%add3A, %dma_wait3A_125, %dma_wait3A_126] : memref<32x80x256xi32, #tpu.memory_space<hbm>> -> memref<1x80x256xi32, #tpu.memory_space<hbm>>
      %dma_wait3A_128 = tpu.memref_squeeze %dma_wait3A_127 : memref<1x80x256xi32, #tpu.memory_space<hbm>> -> memref<80x256xi32, #tpu.memory_space<hbm>>
      %dma_wait3A_129 = arith.constant 0 : i32
      %dma_wait3A_130 = arith.constant 0 : i32
      %dma_wait3A_131 = tpu.memref_slice %arg3[%add3A, %dma_wait3A_129, %dma_wait3A_130] : memref<32x80x256xi32, #tpu.memory_space<hbm>> -> memref<1x80x256xi32, #tpu.memory_space<hbm>>
      %dma_wait3A_132 = tpu.memref_squeeze %dma_wait3A_131 : memref<1x80x256xi32, #tpu.memory_space<hbm>> -> memref<80x256xi32, #tpu.memory_space<hbm>>
      tpu.wait_dma2 semaphore(%run_scoped3A : memref<!tpu.dma_semaphore, #tpu.memory_space<semaphore_mem>>) src(%dma_wait3A_132 : memref<80x256xi32, #tpu.memory_space<hbm>>) dst(%arg7 : memref<80x256xi32, #tpu.memory_space<vmem>>)
      tpu.yield
    }) : () -> ()
    "tpu.region"() ({
      %run_scoped3A = tpu.sem_alloc : memref<!tpu.dma_semaphore, #tpu.memory_space<semaphore_mem>>
      %dma_start3A_117 = arith.constant 0 : i32
      %dma_start3A_118 = arith.constant 0 : i32
      %dma_start3A_119 = tpu.memref_slice %arg4[%add3A, %dma_start3A_117, %dma_start3A_118] : memref<32x80x256xi32, #tpu.memory_space<hbm>> -> memref<1x80x256xi32, #tpu.memory_space<hbm>>
      %dma_start3A_120 = tpu.memref_squeeze %dma_start3A_119 : memref<1x80x256xi32, #tpu.memory_space<hbm>> -> memref<80x256xi32, #tpu.memory_space<hbm>>
      %dma_start3A_121 = arith.constant 0 : i32
      %dma_start3A_122 = arith.constant 0 : i32
      %dma_start3A_123 = tpu.memref_slice %arg4[%add3A, %dma_start3A_121, %dma_start3A_122] : memref<32x80x256xi32, #tpu.memory_space<hbm>> -> memref<1x80x256xi32, #tpu.memory_space<hbm>>
      %dma_start3A_124 = tpu.memref_squeeze %dma_start3A_123 : memref<1x80x256xi32, #tpu.memory_space<hbm>> -> memref<80x256xi32, #tpu.memory_space<hbm>>
      tpu.enqueue_dma source(%dma_start3A_124 : memref<80x256xi32, #tpu.memory_space<hbm>>) target(%arg8 : memref<80x256xi32, #tpu.memory_space<vmem>>) target_semaphore(%run_scoped3A : memref<!tpu.dma_semaphore, #tpu.memory_space<semaphore_mem>>)
      %dma_wait3A_125 = arith.constant 0 : i32
      %dma_wait3A_126 = arith.constant 0 : i32
      %dma_wait3A_127 = tpu.memref_slice %arg4[%add3A, %dma_wait3A_125, %dma_wait3A_126] : memref<32x80x256xi32, #tpu.memory_space<hbm>> -> memref<1x80x256xi32, #tpu.memory_space<hbm>>
      %dma_wait3A_128 = tpu.memref_squeeze %dma_wait3A_127 : memref<1x80x256xi32, #tpu.memory_space<hbm>> -> memref<80x256xi32, #tpu.memory_space<hbm>>
      %dma_wait3A_129 = arith.constant 0 : i32
      %dma_wait3A_130 = arith.constant 0 : i32
      %dma_wait3A_131 = tpu.memref_slice %arg4[%add3A, %dma_wait3A_129, %dma_wait3A_130] : memref<32x80x256xi32, #tpu.memory_space<hbm>> -> memref<1x80x256xi32, #tpu.memory_space<hbm>>
      %dma_wait3A_132 = tpu.memref_squeeze %dma_wait3A_131 : memref<1x80x256xi32, #tpu.memory_space<hbm>> -> memref<80x256xi32, #tpu.memory_space<hbm>>
      tpu.wait_dma2 semaphore(%run_scoped3A : memref<!tpu.dma_semaphore, #tpu.memory_space<semaphore_mem>>) src(%dma_wait3A_132 : memref<80x256xi32, #tpu.memory_space<hbm>>) dst(%arg8 : memref<80x256xi32, #tpu.memory_space<vmem>>)
      tpu.yield
    }) : () -> ()
    %mul3A_1 = arith.constant 10240 : i32
    %mul3A_2 = arith.muli %arg0, %mul3A_1 : i32
    %mul3A_3 = arith.constant 640 : i32
    %mul3A_4 = arith.muli %arg1, %mul3A_3 : i32
    %add3A_5 = arith.addi %mul3A_2, %mul3A_4 : i32
    %mul3A_6 = arith.constant 640 : i32
    %mul3A_7 = arith.muli %arg1, %mul3A_6 : i32
    "tpu.region"() ({
      %run_scoped3A = tpu.sem_alloc : memref<!tpu.dma_semaphore, #tpu.memory_space<semaphore_mem>>
      %dma_start3A_117 = arith.constant 0 : i32
      %dma_start3A_118 = tpu.memref_slice %arg11[%mul3A_7, %dma_start3A_117] : memref<10240x64xbf16, #tpu.memory_space<vmem_shared>> -> memref<640x64xbf16, #tpu.memory_space<vmem_shared>>
      %dma_start3A_119 = arith.constant 0 : i32
      %dma_start3A_120 = tpu.memref_slice %arg2[%add3A_5, %dma_start3A_119] : memref<20480x64xbf16, #tpu.memory_space<hbm>> -> memref<640x64xbf16, #tpu.memory_space<hbm>>
      tpu.enqueue_dma source(%dma_start3A_120 : memref<640x64xbf16, #tpu.memory_space<hbm>>) target(%dma_start3A_118 : memref<640x64xbf16, #tpu.memory_space<vmem_shared>>) target_semaphore(%run_scoped3A : memref<!tpu.dma_semaphore, #tpu.memory_space<semaphore_mem>>)
      %dma_wait3A_121 = arith.constant 0 : i32
      %dma_wait3A_122 = tpu.memref_slice %arg11[%mul3A_7, %dma_wait3A_121] : memref<10240x64xbf16, #tpu.memory_space<vmem_shared>> -> memref<640x64xbf16, #tpu.memory_space<vmem_shared>>
      %dma_wait3A_123 = arith.constant 0 : i32
      %dma_wait3A_124 = tpu.memref_slice %arg2[%add3A_5, %dma_wait3A_123] : memref<20480x64xbf16, #tpu.memory_space<hbm>> -> memref<640x64xbf16, #tpu.memory_space<hbm>>
      tpu.wait_dma2 semaphore(%run_scoped3A : memref<!tpu.dma_semaphore, #tpu.memory_space<semaphore_mem>>) src(%dma_wait3A_124 : memref<640x64xbf16, #tpu.memory_space<hbm>>) dst(%dma_wait3A_122 : memref<640x64xbf16, #tpu.memory_space<vmem_shared>>)
      tpu.yield
    }) : () -> ()
    %mul3A_8 = arith.constant 640 : i32
    %mul3A_9 = arith.muli %arg1, %mul3A_8 : i32
    "tpu.region"() ({
      %run_scoped3A = tpu.sem_alloc : memref<!tpu.dma_semaphore, #tpu.memory_space<semaphore_mem>>
      %dma_start3A_117 = arith.constant 0 : i32
      %dma_start3A_118 = tpu.memref_slice %arg10[%mul3A_9, %dma_start3A_117] : memref<10240x64xbf16, #tpu.memory_space<vmem_shared>> -> memref<640x64xbf16, #tpu.memory_space<vmem_shared>>
      tpu.enqueue_dma source(%arg5 : memref<640x64xbf16, #tpu.memory_space<hbm>>) target(%dma_start3A_118 : memref<640x64xbf16, #tpu.memory_space<vmem_shared>>) target_semaphore(%run_scoped3A : memref<!tpu.dma_semaphore, #tpu.memory_space<semaphore_mem>>)
      %dma_wait3A_119 = arith.constant 0 : i32
      %dma_wait3A_120 = tpu.memref_slice %arg10[%mul3A_9, %dma_wait3A_119] : memref<10240x64xbf16, #tpu.memory_space<vmem_shared>> -> memref<640x64xbf16, #tpu.memory_space<vmem_shared>>
      tpu.wait_dma2 semaphore(%run_scoped3A : memref<!tpu.dma_semaphore, #tpu.memory_space<semaphore_mem>>) src(%arg5 : memref<640x64xbf16, #tpu.memory_space<hbm>>) dst(%dma_wait3A_120 : memref<640x64xbf16, #tpu.memory_space<vmem_shared>>)
      tpu.yield
    }) : () -> ()
    %barrier3A = arith.constant 0 : index
    tpu.barrier barrier_id(%barrier3A)
    %dma_start3A = arith.constant 0 : i32
    %dma_start3A_10 = arith.constant 0 : i32
    %dma_start3A_11 = arith.constant 0 : i32
    %dma_start3A_12 = arith.constant 0 : i32
    %dma_start3A_13 = tpu.memref_slice %arg9[%dma_start3A_10, %dma_start3A_11, %dma_start3A_12] : memref<2x256x64xbf16, #tpu.memory_space<vmem>> -> memref<1x256x64xbf16, #tpu.memory_space<vmem>>
    %dma_start3A_14 = tpu.memref_squeeze %dma_start3A_13 : memref<1x256x64xbf16, #tpu.memory_space<vmem>> -> memref<256x64xbf16, #tpu.memory_space<vmem>>
    %dma_start3A_15 = arith.constant 0 : i32
    %dma_start3A_16 = tpu.memref_slice %arg7[%dma_start3A, %dma_start3A_15] : memref<80x256xi32, #tpu.memory_space<vmem>> -> memref<1x256xi32, #tpu.memory_space<vmem>>
    %dma_start3A_17 = tpu.memref_squeeze %dma_start3A_16 : memref<1x256xi32, #tpu.memory_space<vmem>> -> memref<256xi32, #tpu.memory_space<vmem>>
    %dma_start3A_18 = arith.constant 0 : i32
    %dma_start3A_19 = arith.constant 0 : i32
    %dma_start3A_20 = tpu.memref_slice %arg11[%dma_start3A_18, %dma_start3A_19] : memref<10240x64xbf16, #tpu.memory_space<vmem_shared>> -> memref<10240x64xbf16, #tpu.memory_space<vmem_shared>>
    tpu.enqueue_indirect_dma source(%dma_start3A_20 : memref<10240x64xbf16, #tpu.memory_space<vmem_shared>>) target(%dma_start3A_14 : memref<256x64xbf16, #tpu.memory_space<vmem>>) offsets(%dma_start3A_17 : memref<256xi32, #tpu.memory_space<vmem>>) semaphore(%arg12 : memref<!tpu.dma_semaphore, #tpu.memory_space<semaphore_mem>>)
    %scan3A = arith.constant 0 : i32
    %scan3A_21 = arith.constant 0 : i32
    %scan3A_22 = arith.constant 39 : i32
    %scan3A_23 = arith.addi %scan3A_21, %scan3A_22 : i32
    %scan3A_24 = arith.constant 1 : i32
    scf.for %scan3A_117 = %scan3A_21 to %scan3A_23 step %scan3A_24  : i32 {
      %mul3A_118 = arith.constant 2 : i32
      %mul3A_119 = arith.muli %mul3A_118, %scan3A_117 : i32
      %dma_wait3A_120 = arith.constant 0 : i32
      %dma_wait3A_121 = arith.constant 0 : i32
      %dma_wait3A_122 = arith.constant 0 : i32
      %dma_wait3A_123 = arith.constant 0 : i32
      %dma_wait3A_124 = tpu.memref_slice %arg9[%dma_wait3A_121, %dma_wait3A_122, %dma_wait3A_123] : memref<2x256x64xbf16, #tpu.memory_space<vmem>> -> memref<1x256x64xbf16, #tpu.memory_space<vmem>>
      %dma_wait3A_125 = tpu.memref_squeeze %dma_wait3A_124 : memref<1x256x64xbf16, #tpu.memory_space<vmem>> -> memref<256x64xbf16, #tpu.memory_space<vmem>>
      %dma_wait3A_126 = arith.constant 0 : i32
      %dma_wait3A_127 = tpu.memref_slice %arg7[%dma_wait3A_120, %dma_wait3A_126] : memref<80x256xi32, #tpu.memory_space<vmem>> -> memref<1x256xi32, #tpu.memory_space<vmem>>
      %dma_wait3A_128 = tpu.memref_squeeze %dma_wait3A_127 : memref<1x256xi32, #tpu.memory_space<vmem>> -> memref<256xi32, #tpu.memory_space<vmem>>
      %dma_wait3A_129 = arith.constant 0 : i32
      %dma_wait3A_130 = arith.constant 0 : i32
      %dma_wait3A_131 = tpu.memref_slice %arg11[%dma_wait3A_129, %dma_wait3A_130] : memref<10240x64xbf16, #tpu.memory_space<vmem_shared>> -> memref<10240x64xbf16, #tpu.memory_space<vmem_shared>>
      tpu.wait_indirect_dma semaphore(%arg12 : memref<!tpu.dma_semaphore, #tpu.memory_space<semaphore_mem>>) src(%dma_wait3A_131 : memref<10240x64xbf16, #tpu.memory_space<vmem_shared>>) dst(%dma_wait3A_125 : memref<256x64xbf16, #tpu.memory_space<vmem>>)
      %add3A_132 = arith.constant 1 : i32
      %add3A_133 = arith.addi %mul3A_119, %add3A_132 : i32
      %dma_start3A_134 = arith.constant 1 : i32
      %dma_start3A_135 = arith.constant 0 : i32
      %dma_start3A_136 = arith.constant 0 : i32
      %dma_start3A_137 = tpu.memref_slice %arg9[%dma_start3A_134, %dma_start3A_135, %dma_start3A_136] : memref<2x256x64xbf16, #tpu.memory_space<vmem>> -> memref<1x256x64xbf16, #tpu.memory_space<vmem>>
      %dma_start3A_138 = tpu.memref_squeeze %dma_start3A_137 : memref<1x256x64xbf16, #tpu.memory_space<vmem>> -> memref<256x64xbf16, #tpu.memory_space<vmem>>
      %dma_start3A_139 = arith.constant 0 : i32
      %dma_start3A_140 = tpu.memref_slice %arg7[%add3A_133, %dma_start3A_139] : memref<80x256xi32, #tpu.memory_space<vmem>> -> memref<1x256xi32, #tpu.memory_space<vmem>>
      %dma_start3A_141 = tpu.memref_squeeze %dma_start3A_140 : memref<1x256xi32, #tpu.memory_space<vmem>> -> memref<256xi32, #tpu.memory_space<vmem>>
      %dma_start3A_142 = arith.constant 0 : i32
      %dma_start3A_143 = arith.constant 0 : i32
      %dma_start3A_144 = tpu.memref_slice %arg11[%dma_start3A_142, %dma_start3A_143] : memref<10240x64xbf16, #tpu.memory_space<vmem_shared>> -> memref<10240x64xbf16, #tpu.memory_space<vmem_shared>>
      tpu.enqueue_indirect_dma source(%dma_start3A_144 : memref<10240x64xbf16, #tpu.memory_space<vmem_shared>>) target(%dma_start3A_138 : memref<256x64xbf16, #tpu.memory_space<vmem>>) offsets(%dma_start3A_141 : memref<256xi32, #tpu.memory_space<vmem>>) semaphore(%arg13 : memref<!tpu.dma_semaphore, #tpu.memory_space<semaphore_mem>>)
      %dma_start3A_145 = arith.constant 0 : i32
      %dma_start3A_146 = arith.constant 0 : i32
      %dma_start3A_147 = arith.constant 0 : i32
      %dma_start3A_148 = tpu.memref_slice %arg9[%dma_start3A_145, %dma_start3A_146, %dma_start3A_147] : memref<2x256x64xbf16, #tpu.memory_space<vmem>> -> memref<1x256x64xbf16, #tpu.memory_space<vmem>>
      %dma_start3A_149 = tpu.memref_squeeze %dma_start3A_148 : memref<1x256x64xbf16, #tpu.memory_space<vmem>> -> memref<256x64xbf16, #tpu.memory_space<vmem>>
      %dma_start3A_150 = arith.constant 0 : i32
      %dma_start3A_151 = tpu.memref_slice %arg8[%mul3A_119, %dma_start3A_150] : memref<80x256xi32, #tpu.memory_space<vmem>> -> memref<1x256xi32, #tpu.memory_space<vmem>>
      %dma_start3A_152 = tpu.memref_squeeze %dma_start3A_151 : memref<1x256xi32, #tpu.memory_space<vmem>> -> memref<256xi32, #tpu.memory_space<vmem>>
      %dma_start3A_153 = arith.constant 0 : i32
      %dma_start3A_154 = arith.constant 0 : i32
      %dma_start3A_155 = tpu.memref_slice %arg10[%dma_start3A_153, %dma_start3A_154] : memref<10240x64xbf16, #tpu.memory_space<vmem_shared>> -> memref<10240x64xbf16, #tpu.memory_space<vmem_shared>>
      tpu.enqueue_indirect_dma source(%dma_start3A_149 : memref<256x64xbf16, #tpu.memory_space<vmem>>) target(%dma_start3A_155 : memref<10240x64xbf16, #tpu.memory_space<vmem_shared>>) offsets(%dma_start3A_152 : memref<256xi32, #tpu.memory_space<vmem>>) semaphore(%arg14 : memref<!tpu.dma_semaphore, #tpu.memory_space<semaphore_mem>>) {add = true}
      %dma_wait3A_156 = arith.constant 0 : i32
      %dma_wait3A_157 = arith.constant 1 : i32
      %dma_wait3A_158 = arith.constant 0 : i32
      %dma_wait3A_159 = arith.constant 0 : i32
      %dma_wait3A_160 = tpu.memref_slice %arg9[%dma_wait3A_157, %dma_wait3A_158, %dma_wait3A_159] : memref<2x256x64xbf16, #tpu.memory_space<vmem>> -> memref<1x256x64xbf16, #tpu.memory_space<vmem>>
      %dma_wait3A_161 = tpu.memref_squeeze %dma_wait3A_160 : memref<1x256x64xbf16, #tpu.memory_space<vmem>> -> memref<256x64xbf16, #tpu.memory_space<vmem>>
      %dma_wait3A_162 = arith.constant 0 : i32
      %dma_wait3A_163 = tpu.memref_slice %arg7[%dma_wait3A_156, %dma_wait3A_162] : memref<80x256xi32, #tpu.memory_space<vmem>> -> memref<1x256xi32, #tpu.memory_space<vmem>>
      %dma_wait3A_164 = tpu.memref_squeeze %dma_wait3A_163 : memref<1x256xi32, #tpu.memory_space<vmem>> -> memref<256xi32, #tpu.memory_space<vmem>>
      %dma_wait3A_165 = arith.constant 0 : i32
      %dma_wait3A_166 = arith.constant 0 : i32
      %dma_wait3A_167 = tpu.memref_slice %arg11[%dma_wait3A_165, %dma_wait3A_166] : memref<10240x64xbf16, #tpu.memory_space<vmem_shared>> -> memref<10240x64xbf16, #tpu.memory_space<vmem_shared>>
      tpu.wait_indirect_dma semaphore(%arg13 : memref<!tpu.dma_semaphore, #tpu.memory_space<semaphore_mem>>) src(%dma_wait3A_167 : memref<10240x64xbf16, #tpu.memory_space<vmem_shared>>) dst(%dma_wait3A_161 : memref<256x64xbf16, #tpu.memory_space<vmem>>)
      %dma_wait3A_168 = arith.constant 0 : i32
      %dma_wait3A_169 = arith.constant 0 : i32
      %dma_wait3A_170 = arith.constant 0 : i32
      %dma_wait3A_171 = arith.constant 0 : i32
      %dma_wait3A_172 = tpu.memref_slice %arg9[%dma_wait3A_168, %dma_wait3A_170, %dma_wait3A_171] : memref<2x256x64xbf16, #tpu.memory_space<vmem>> -> memref<1x256x64xbf16, #tpu.memory_space<vmem>>
      %dma_wait3A_173 = tpu.memref_squeeze %dma_wait3A_172 : memref<1x256x64xbf16, #tpu.memory_space<vmem>> -> memref<256x64xbf16, #tpu.memory_space<vmem>>
      %dma_wait3A_174 = arith.constant 0 : i32
      %dma_wait3A_175 = tpu.memref_slice %arg8[%dma_wait3A_169, %dma_wait3A_174] : memref<80x256xi32, #tpu.memory_space<vmem>> -> memref<1x256xi32, #tpu.memory_space<vmem>>
      %dma_wait3A_176 = tpu.memref_squeeze %dma_wait3A_175 : memref<1x256xi32, #tpu.memory_space<vmem>> -> memref<256xi32, #tpu.memory_space<vmem>>
      %dma_wait3A_177 = arith.constant 0 : i32
      %dma_wait3A_178 = arith.constant 0 : i32
      %dma_wait3A_179 = tpu.memref_slice %arg10[%dma_wait3A_177, %dma_wait3A_178] : memref<10240x64xbf16, #tpu.memory_space<vmem_shared>> -> memref<10240x64xbf16, #tpu.memory_space<vmem_shared>>
      tpu.wait_indirect_dma semaphore(%arg14 : memref<!tpu.dma_semaphore, #tpu.memory_space<semaphore_mem>>) src(%dma_wait3A_173 : memref<256x64xbf16, #tpu.memory_space<vmem>>) dst(%dma_wait3A_179 : memref<10240x64xbf16, #tpu.memory_space<vmem_shared>>)
      %add3A_180 = arith.constant 2 : i32
      %add3A_181 = arith.addi %mul3A_119, %add3A_180 : i32
      %dma_start3A_182 = arith.constant 0 : i32
      %dma_start3A_183 = arith.constant 0 : i32
      %dma_start3A_184 = arith.constant 0 : i32
      %dma_start3A_185 = tpu.memref_slice %arg9[%dma_start3A_182, %dma_start3A_183, %dma_start3A_184] : memref<2x256x64xbf16, #tpu.memory_space<vmem>> -> memref<1x256x64xbf16, #tpu.memory_space<vmem>>
      %dma_start3A_186 = tpu.memref_squeeze %dma_start3A_185 : memref<1x256x64xbf16, #tpu.memory_space<vmem>> -> memref<256x64xbf16, #tpu.memory_space<vmem>>
      %dma_start3A_187 = arith.constant 0 : i32
      %dma_start3A_188 = tpu.memref_slice %arg7[%add3A_181, %dma_start3A_187] : memref<80x256xi32, #tpu.memory_space<vmem>> -> memref<1x256xi32, #tpu.memory_space<vmem>>
      %dma_start3A_189 = tpu.memref_squeeze %dma_start3A_188 : memref<1x256xi32, #tpu.memory_space<vmem>> -> memref<256xi32, #tpu.memory_space<vmem>>
      %dma_start3A_190 = arith.constant 0 : i32
      %dma_start3A_191 = arith.constant 0 : i32
      %dma_start3A_192 = tpu.memref_slice %arg11[%dma_start3A_190, %dma_start3A_191] : memref<10240x64xbf16, #tpu.memory_space<vmem_shared>> -> memref<10240x64xbf16, #tpu.memory_space<vmem_shared>>
      tpu.enqueue_indirect_dma source(%dma_start3A_192 : memref<10240x64xbf16, #tpu.memory_space<vmem_shared>>) target(%dma_start3A_186 : memref<256x64xbf16, #tpu.memory_space<vmem>>) offsets(%dma_start3A_189 : memref<256xi32, #tpu.memory_space<vmem>>) semaphore(%arg12 : memref<!tpu.dma_semaphore, #tpu.memory_space<semaphore_mem>>)
      %add3A_193 = arith.constant 1 : i32
      %add3A_194 = arith.addi %mul3A_119, %add3A_193 : i32
      %dma_start3A_195 = arith.constant 1 : i32
      %dma_start3A_196 = arith.constant 0 : i32
      %dma_start3A_197 = arith.constant 0 : i32
      %dma_start3A_198 = tpu.memref_slice %arg9[%dma_start3A_195, %dma_start3A_196, %dma_start3A_197] : memref<2x256x64xbf16, #tpu.memory_space<vmem>> -> memref<1x256x64xbf16, #tpu.memory_space<vmem>>
      %dma_start3A_199 = tpu.memref_squeeze %dma_start3A_198 : memref<1x256x64xbf16, #tpu.memory_space<vmem>> -> memref<256x64xbf16, #tpu.memory_space<vmem>>
      %dma_start3A_200 = arith.constant 0 : i32
      %dma_start3A_201 = tpu.memref_slice %arg8[%add3A_194, %dma_start3A_200] : memref<80x256xi32, #tpu.memory_space<vmem>> -> memref<1x256xi32, #tpu.memory_space<vmem>>
      %dma_start3A_202 = tpu.memref_squeeze %dma_start3A_201 : memref<1x256xi32, #tpu.memory_space<vmem>> -> memref<256xi32, #tpu.memory_space<vmem>>
      %dma_start3A_203 = arith.constant 0 : i32
      %dma_start3A_204 = arith.constant 0 : i32
      %dma_start3A_205 = tpu.memref_slice %arg10[%dma_start3A_203, %dma_start3A_204] : memref<10240x64xbf16, #tpu.memory_space<vmem_shared>> -> memref<10240x64xbf16, #tpu.memory_space<vmem_shared>>
      tpu.enqueue_indirect_dma source(%dma_start3A_199 : memref<256x64xbf16, #tpu.memory_space<vmem>>) target(%dma_start3A_205 : memref<10240x64xbf16, #tpu.memory_space<vmem_shared>>) offsets(%dma_start3A_202 : memref<256xi32, #tpu.memory_space<vmem>>) semaphore(%arg15 : memref<!tpu.dma_semaphore, #tpu.memory_space<semaphore_mem>>) {add = true}
      %dma_wait3A_206 = arith.constant 1 : i32
      %dma_wait3A_207 = arith.constant 0 : i32
      %dma_wait3A_208 = arith.constant 0 : i32
      %dma_wait3A_209 = arith.constant 0 : i32
      %dma_wait3A_210 = tpu.memref_slice %arg9[%dma_wait3A_206, %dma_wait3A_208, %dma_wait3A_209] : memref<2x256x64xbf16, #tpu.memory_space<vmem>> -> memref<1x256x64xbf16, #tpu.memory_space<vmem>>
      %dma_wait3A_211 = tpu.memref_squeeze %dma_wait3A_210 : memref<1x256x64xbf16, #tpu.memory_space<vmem>> -> memref<256x64xbf16, #tpu.memory_space<vmem>>
      %dma_wait3A_212 = arith.constant 0 : i32
      %dma_wait3A_213 = tpu.memref_slice %arg8[%dma_wait3A_207, %dma_wait3A_212] : memref<80x256xi32, #tpu.memory_space<vmem>> -> memref<1x256xi32, #tpu.memory_space<vmem>>
      %dma_wait3A_214 = tpu.memref_squeeze %dma_wait3A_213 : memref<1x256xi32, #tpu.memory_space<vmem>> -> memref<256xi32, #tpu.memory_space<vmem>>
      %dma_wait3A_215 = arith.constant 0 : i32
      %dma_wait3A_216 = arith.constant 0 : i32
      %dma_wait3A_217 = tpu.memref_slice %arg10[%dma_wait3A_215, %dma_wait3A_216] : memref<10240x64xbf16, #tpu.memory_space<vmem_shared>> -> memref<10240x64xbf16, #tpu.memory_space<vmem_shared>>
      tpu.wait_indirect_dma semaphore(%arg15 : memref<!tpu.dma_semaphore, #tpu.memory_space<semaphore_mem>>) src(%dma_wait3A_211 : memref<256x64xbf16, #tpu.memory_space<vmem>>) dst(%dma_wait3A_217 : memref<10240x64xbf16, #tpu.memory_space<vmem_shared>>)
    }
    %scan3A_25 = arith.constant 39 : i32
    %dma_wait3A = arith.constant 0 : i32
    %dma_wait3A_26 = arith.constant 0 : i32
    %dma_wait3A_27 = arith.constant 0 : i32
    %dma_wait3A_28 = arith.constant 0 : i32
    %dma_wait3A_29 = tpu.memref_slice %arg9[%dma_wait3A_26, %dma_wait3A_27, %dma_wait3A_28] : memref<2x256x64xbf16, #tpu.memory_space<vmem>> -> memref<1x256x64xbf16, #tpu.memory_space<vmem>>
    %dma_wait3A_30 = tpu.memref_squeeze %dma_wait3A_29 : memref<1x256x64xbf16, #tpu.memory_space<vmem>> -> memref<256x64xbf16, #tpu.memory_space<vmem>>
    %dma_wait3A_31 = arith.constant 0 : i32
    %dma_wait3A_32 = tpu.memref_slice %arg7[%dma_wait3A, %dma_wait3A_31] : memref<80x256xi32, #tpu.memory_space<vmem>> -> memref<1x256xi32, #tpu.memory_space<vmem>>
    %dma_wait3A_33 = tpu.memref_squeeze %dma_wait3A_32 : memref<1x256xi32, #tpu.memory_space<vmem>> -> memref<256xi32, #tpu.memory_space<vmem>>
    %dma_wait3A_34 = arith.constant 0 : i32
    %dma_wait3A_35 = arith.constant 0 : i32
    %dma_wait3A_36 = tpu.memref_slice %arg11[%dma_wait3A_34, %dma_wait3A_35] : memref<10240x64xbf16, #tpu.memory_space<vmem_shared>> -> memref<10240x64xbf16, #tpu.memory_space<vmem_shared>>
    tpu.wait_indirect_dma semaphore(%arg12 : memref<!tpu.dma_semaphore, #tpu.memory_space<semaphore_mem>>) src(%dma_wait3A_36 : memref<10240x64xbf16, #tpu.memory_space<vmem_shared>>) dst(%dma_wait3A_30 : memref<256x64xbf16, #tpu.memory_space<vmem>>)
    %dma_start3A_37 = arith.constant 79 : i32
    %dma_start3A_38 = arith.constant 1 : i32
    %dma_start3A_39 = arith.constant 0 : i32
    %dma_start3A_40 = arith.constant 0 : i32
    %dma_start3A_41 = tpu.memref_slice %arg9[%dma_start3A_38, %dma_start3A_39, %dma_start3A_40] : memref<2x256x64xbf16, #tpu.memory_space<vmem>> -> memref<1x256x64xbf16, #tpu.memory_space<vmem>>
    %dma_start3A_42 = tpu.memref_squeeze %dma_start3A_41 : memref<1x256x64xbf16, #tpu.memory_space<vmem>> -> memref<256x64xbf16, #tpu.memory_space<vmem>>
    %dma_start3A_43 = arith.constant 0 : i32
    %dma_start3A_44 = tpu.memref_slice %arg7[%dma_start3A_37, %dma_start3A_43] : memref<80x256xi32, #tpu.memory_space<vmem>> -> memref<1x256xi32, #tpu.memory_space<vmem>>
    %dma_start3A_45 = tpu.memref_squeeze %dma_start3A_44 : memref<1x256xi32, #tpu.memory_space<vmem>> -> memref<256xi32, #tpu.memory_space<vmem>>
    %dma_start3A_46 = arith.constant 0 : i32
    %dma_start3A_47 = arith.constant 0 : i32
    %dma_start3A_48 = tpu.memref_slice %arg11[%dma_start3A_46, %dma_start3A_47] : memref<10240x64xbf16, #tpu.memory_space<vmem_shared>> -> memref<10240x64xbf16, #tpu.memory_space<vmem_shared>>
    tpu.enqueue_indirect_dma source(%dma_start3A_48 : memref<10240x64xbf16, #tpu.memory_space<vmem_shared>>) target(%dma_start3A_42 : memref<256x64xbf16, #tpu.memory_space<vmem>>) offsets(%dma_start3A_45 : memref<256xi32, #tpu.memory_space<vmem>>) semaphore(%arg13 : memref<!tpu.dma_semaphore, #tpu.memory_space<semaphore_mem>>)
    %dma_start3A_49 = arith.constant 0 : i32
    %dma_start3A_50 = arith.constant 78 : i32
    %dma_start3A_51 = arith.constant 0 : i32
    %dma_start3A_52 = arith.constant 0 : i32
    %dma_start3A_53 = tpu.memref_slice %arg9[%dma_start3A_49, %dma_start3A_51, %dma_start3A_52] : memref<2x256x64xbf16, #tpu.memory_space<vmem>> -> memref<1x256x64xbf16, #tpu.memory_space<vmem>>
    %dma_start3A_54 = tpu.memref_squeeze %dma_start3A_53 : memref<1x256x64xbf16, #tpu.memory_space<vmem>> -> memref<256x64xbf16, #tpu.memory_space<vmem>>
    %dma_start3A_55 = arith.constant 0 : i32
    %dma_start3A_56 = tpu.memref_slice %arg8[%dma_start3A_50, %dma_start3A_55] : memref<80x256xi32, #tpu.memory_space<vmem>> -> memref<1x256xi32, #tpu.memory_space<vmem>>
    %dma_start3A_57 = tpu.memref_squeeze %dma_start3A_56 : memref<1x256xi32, #tpu.memory_space<vmem>> -> memref<256xi32, #tpu.memory_space<vmem>>
    %dma_start3A_58 = arith.constant 0 : i32
    %dma_start3A_59 = arith.constant 0 : i32
    %dma_start3A_60 = tpu.memref_slice %arg10[%dma_start3A_58, %dma_start3A_59] : memref<10240x64xbf16, #tpu.memory_space<vmem_shared>> -> memref<10240x64xbf16, #tpu.memory_space<vmem_shared>>
    tpu.enqueue_indirect_dma source(%dma_start3A_54 : memref<256x64xbf16, #tpu.memory_space<vmem>>) target(%dma_start3A_60 : memref<10240x64xbf16, #tpu.memory_space<vmem_shared>>) offsets(%dma_start3A_57 : memref<256xi32, #tpu.memory_space<vmem>>) semaphore(%arg14 : memref<!tpu.dma_semaphore, #tpu.memory_space<semaphore_mem>>) {add = true}
    %dma_wait3A_61 = arith.constant 0 : i32
    %dma_wait3A_62 = arith.constant 1 : i32
    %dma_wait3A_63 = arith.constant 0 : i32
    %dma_wait3A_64 = arith.constant 0 : i32
    %dma_wait3A_65 = tpu.memref_slice %arg9[%dma_wait3A_62, %dma_wait3A_63, %dma_wait3A_64] : memref<2x256x64xbf16, #tpu.memory_space<vmem>> -> memref<1x256x64xbf16, #tpu.memory_space<vmem>>
    %dma_wait3A_66 = tpu.memref_squeeze %dma_wait3A_65 : memref<1x256x64xbf16, #tpu.memory_space<vmem>> -> memref<256x64xbf16, #tpu.memory_space<vmem>>
    %dma_wait3A_67 = arith.constant 0 : i32
    %dma_wait3A_68 = tpu.memref_slice %arg7[%dma_wait3A_61, %dma_wait3A_67] : memref<80x256xi32, #tpu.memory_space<vmem>> -> memref<1x256xi32, #tpu.memory_space<vmem>>
    %dma_wait3A_69 = tpu.memref_squeeze %dma_wait3A_68 : memref<1x256xi32, #tpu.memory_space<vmem>> -> memref<256xi32, #tpu.memory_space<vmem>>
    %dma_wait3A_70 = arith.constant 0 : i32
    %dma_wait3A_71 = arith.constant 0 : i32
    %dma_wait3A_72 = tpu.memref_slice %arg11[%dma_wait3A_70, %dma_wait3A_71] : memref<10240x64xbf16, #tpu.memory_space<vmem_shared>> -> memref<10240x64xbf16, #tpu.memory_space<vmem_shared>>
    tpu.wait_indirect_dma semaphore(%arg13 : memref<!tpu.dma_semaphore, #tpu.memory_space<semaphore_mem>>) src(%dma_wait3A_72 : memref<10240x64xbf16, #tpu.memory_space<vmem_shared>>) dst(%dma_wait3A_66 : memref<256x64xbf16, #tpu.memory_space<vmem>>)
    %dma_wait3A_73 = arith.constant 0 : i32
    %dma_wait3A_74 = arith.constant 0 : i32
    %dma_wait3A_75 = arith.constant 0 : i32
    %dma_wait3A_76 = arith.constant 0 : i32
    %dma_wait3A_77 = tpu.memref_slice %arg9[%dma_wait3A_73, %dma_wait3A_75, %dma_wait3A_76] : memref<2x256x64xbf16, #tpu.memory_space<vmem>> -> memref<1x256x64xbf16, #tpu.memory_space<vmem>>
    %dma_wait3A_78 = tpu.memref_squeeze %dma_wait3A_77 : memref<1x256x64xbf16, #tpu.memory_space<vmem>> -> memref<256x64xbf16, #tpu.memory_space<vmem>>
    %dma_wait3A_79 = arith.constant 0 : i32
    %dma_wait3A_80 = tpu.memref_slice %arg8[%dma_wait3A_74, %dma_wait3A_79] : memref<80x256xi32, #tpu.memory_space<vmem>> -> memref<1x256xi32, #tpu.memory_space<vmem>>
    %dma_wait3A_81 = tpu.memref_squeeze %dma_wait3A_80 : memref<1x256xi32, #tpu.memory_space<vmem>> -> memref<256xi32, #tpu.memory_space<vmem>>
    %dma_wait3A_82 = arith.constant 0 : i32
    %dma_wait3A_83 = arith.constant 0 : i32
    %dma_wait3A_84 = tpu.memref_slice %arg10[%dma_wait3A_82, %dma_wait3A_83] : memref<10240x64xbf16, #tpu.memory_space<vmem_shared>> -> memref<10240x64xbf16, #tpu.memory_space<vmem_shared>>
    tpu.wait_indirect_dma semaphore(%arg14 : memref<!tpu.dma_semaphore, #tpu.memory_space<semaphore_mem>>) src(%dma_wait3A_78 : memref<256x64xbf16, #tpu.memory_space<vmem>>) dst(%dma_wait3A_84 : memref<10240x64xbf16, #tpu.memory_space<vmem_shared>>)
    %dma_start3A_85 = arith.constant 1 : i32
    %dma_start3A_86 = arith.constant 79 : i32
    %dma_start3A_87 = arith.constant 0 : i32
    %dma_start3A_88 = arith.constant 0 : i32
    %dma_start3A_89 = tpu.memref_slice %arg9[%dma_start3A_85, %dma_start3A_87, %dma_start3A_88] : memref<2x256x64xbf16, #tpu.memory_space<vmem>> -> memref<1x256x64xbf16, #tpu.memory_space<vmem>>
    %dma_start3A_90 = tpu.memref_squeeze %dma_start3A_89 : memref<1x256x64xbf16, #tpu.memory_space<vmem>> -> memref<256x64xbf16, #tpu.memory_space<vmem>>
    %dma_start3A_91 = arith.constant 0 : i32
    %dma_start3A_92 = tpu.memref_slice %arg8[%dma_start3A_86, %dma_start3A_91] : memref<80x256xi32, #tpu.memory_space<vmem>> -> memref<1x256xi32, #tpu.memory_space<vmem>>
    %dma_start3A_93 = tpu.memref_squeeze %dma_start3A_92 : memref<1x256xi32, #tpu.memory_space<vmem>> -> memref<256xi32, #tpu.memory_space<vmem>>
    %dma_start3A_94 = arith.constant 0 : i32
    %dma_start3A_95 = arith.constant 0 : i32
    %dma_start3A_96 = tpu.memref_slice %arg10[%dma_start3A_94, %dma_start3A_95] : memref<10240x64xbf16, #tpu.memory_space<vmem_shared>> -> memref<10240x64xbf16, #tpu.memory_space<vmem_shared>>
    tpu.enqueue_indirect_dma source(%dma_start3A_90 : memref<256x64xbf16, #tpu.memory_space<vmem>>) target(%dma_start3A_96 : memref<10240x64xbf16, #tpu.memory_space<vmem_shared>>) offsets(%dma_start3A_93 : memref<256xi32, #tpu.memory_space<vmem>>) semaphore(%arg15 : memref<!tpu.dma_semaphore, #tpu.memory_space<semaphore_mem>>) {add = true}
    %dma_wait3A_97 = arith.constant 1 : i32
    %dma_wait3A_98 = arith.constant 0 : i32
    %dma_wait3A_99 = arith.constant 0 : i32
    %dma_wait3A_100 = arith.constant 0 : i32
    %dma_wait3A_101 = tpu.memref_slice %arg9[%dma_wait3A_97, %dma_wait3A_99, %dma_wait3A_100] : memref<2x256x64xbf16, #tpu.memory_space<vmem>> -> memref<1x256x64xbf16, #tpu.memory_space<vmem>>
    %dma_wait3A_102 = tpu.memref_squeeze %dma_wait3A_101 : memref<1x256x64xbf16, #tpu.memory_space<vmem>> -> memref<256x64xbf16, #tpu.memory_space<vmem>>
    %dma_wait3A_103 = arith.constant 0 : i32
    %dma_wait3A_104 = tpu.memref_slice %arg8[%dma_wait3A_98, %dma_wait3A_103] : memref<80x256xi32, #tpu.memory_space<vmem>> -> memref<1x256xi32, #tpu.memory_space<vmem>>
    %dma_wait3A_105 = tpu.memref_squeeze %dma_wait3A_104 : memref<1x256xi32, #tpu.memory_space<vmem>> -> memref<256xi32, #tpu.memory_space<vmem>>
    %dma_wait3A_106 = arith.constant 0 : i32
    %dma_wait3A_107 = arith.constant 0 : i32
    %dma_wait3A_108 = tpu.memref_slice %arg10[%dma_wait3A_106, %dma_wait3A_107] : memref<10240x64xbf16, #tpu.memory_space<vmem_shared>> -> memref<10240x64xbf16, #tpu.memory_space<vmem_shared>>
    tpu.wait_indirect_dma semaphore(%arg15 : memref<!tpu.dma_semaphore, #tpu.memory_space<semaphore_mem>>) src(%dma_wait3A_102 : memref<256x64xbf16, #tpu.memory_space<vmem>>) dst(%dma_wait3A_108 : memref<10240x64xbf16, #tpu.memory_space<vmem_shared>>)
    %barrier3A_109 = arith.constant 0 : index
    tpu.barrier barrier_id(%barrier3A_109)
    %mul3A_110 = arith.constant 640 : i32
    %mul3A_111 = arith.muli %arg1, %mul3A_110 : i32
    %mul3A_112 = arith.constant 10240 : i32
    %mul3A_113 = arith.muli %arg0, %mul3A_112 : i32
    %mul3A_114 = arith.constant 640 : i32
    %mul3A_115 = arith.muli %arg1, %mul3A_114 : i32
    %add3A_116 = arith.addi %mul3A_113, %mul3A_115 : i32
    "tpu.region"() ({
      %run_scoped3A = tpu.sem_alloc : memref<!tpu.dma_semaphore, #tpu.memory_space<semaphore_mem>>
      %dma_start3A_117 = arith.constant 0 : i32
      %dma_start3A_118 = tpu.memref_slice %arg6[%add3A_116, %dma_start3A_117] : memref<20480x64xbf16, #tpu.memory_space<hbm>> -> memref<640x64xbf16, #tpu.memory_space<hbm>>
      %dma_start3A_119 = arith.constant 0 : i32
      %dma_start3A_120 = tpu.memref_slice %arg10[%mul3A_111, %dma_start3A_119] : memref<10240x64xbf16, #tpu.memory_space<vmem_shared>> -> memref<640x64xbf16, #tpu.memory_space<vmem_shared>>
      tpu.enqueue_dma source(%dma_start3A_120 : memref<640x64xbf16, #tpu.memory_space<vmem_shared>>) target(%dma_start3A_118 : memref<640x64xbf16, #tpu.memory_space<hbm>>) target_semaphore(%run_scoped3A : memref<!tpu.dma_semaphore, #tpu.memory_space<semaphore_mem>>)
      %dma_wait3A_121 = arith.constant 0 : i32
      %dma_wait3A_122 = tpu.memref_slice %arg6[%add3A_116, %dma_wait3A_121] : memref<20480x64xbf16, #tpu.memory_space<hbm>> -> memref<640x64xbf16, #tpu.memory_space<hbm>>
      %dma_wait3A_123 = arith.constant 0 : i32
      %dma_wait3A_124 = tpu.memref_slice %arg10[%mul3A_111, %dma_wait3A_123] : memref<10240x64xbf16, #tpu.memory_space<vmem_shared>> -> memref<640x64xbf16, #tpu.memory_space<vmem_shared>>
      tpu.wait_dma2 semaphore(%run_scoped3A : memref<!tpu.dma_semaphore, #tpu.memory_space<semaphore_mem>>) src(%dma_wait3A_124 : memref<640x64xbf16, #tpu.memory_space<vmem_shared>>) dst(%dma_wait3A_122 : memref<640x64xbf16, #tpu.memory_space<hbm>>)
      tpu.yield
    }) : () -> ()
    return
  }
}

#map = affine_map<(d0, d1) -> (0, 0)>
#map1 = affine_map<(d0, d1) -> (0, 0, 0)>
module attributes {stable_mosaic.version = 14 : i64} {
  func.func @body(%arg0: i32, %arg1: i32, %arg2: memref<10240x8xf32, #tpu.memory_space<hbm>>, %arg3: memref<32x20x512xi32, #tpu.memory_space<hbm>>, %arg4: memref<32x20x512xi32, #tpu.memory_space<hbm>>, %arg5: memref<640x8xf32, #tpu.memory_space<hbm>>, %arg6: memref<20480x8xf32, #tpu.memory_space<hbm>>, %arg7: memref<20x512xi32, #tpu.memory_space<vmem>>, %arg8: memref<20x512xi32, #tpu.memory_space<vmem>>, %arg9: memref<2x512x8xf32, #tpu.memory_space<vmem>>, %arg10: memref<10240x8xf32, #tpu.memory_space<vmem_shared>>, %arg11: memref<8x8xf32, #tpu.memory_space<vmem_shared>>, %arg12: memref<!tpu.dma_semaphore, #tpu.memory_space<semaphore_mem>>, %arg13: memref<!tpu.dma_semaphore, #tpu.memory_space<semaphore_mem>>, %arg14: memref<!tpu.dma_semaphore, #tpu.memory_space<semaphore_mem>>, %arg15: memref<!tpu.dma_semaphore, #tpu.memory_space<semaphore_mem>>) attributes {dimension_semantics = [#tpu.dimension_semantics<core_parallel>, #tpu.dimension_semantics<subcore_parallel>], iteration_bounds = array<i64: 2, 16>, scalar_prefetch = 0 : i64, scratch_operands = 9 : i64, tpu.core_type = #tpu.core_type<sc_vector_subcore>, window_params = [{transform_indices = #map}, {transform_indices = #map1}, {transform_indices = #map1}, {transform_indices = #map}, {transform_indices = #map}]} {
    %mul3A = arith.constant 16 : i32
    %mul3A_0 = arith.muli %arg0, %mul3A : i32
    %add3A = arith.addi %mul3A_0, %arg1 : i32
    "tpu.region"() ({
      %run_scoped3A = tpu.sem_alloc : memref<!tpu.dma_semaphore, #tpu.memory_space<semaphore_mem>>
      %dma_start3A_110 = arith.constant 0 : i32
      %dma_start3A_111 = arith.constant 0 : i32
      %dma_start3A_112 = tpu.memref_slice %arg3[%add3A, %dma_start3A_110, %dma_start3A_111] : memref<32x20x512xi32, #tpu.memory_space<hbm>> -> memref<1x20x512xi32, #tpu.memory_space<hbm>>
      %dma_start3A_113 = tpu.memref_squeeze %dma_start3A_112 : memref<1x20x512xi32, #tpu.memory_space<hbm>> -> memref<20x512xi32, #tpu.memory_space<hbm>>
      %dma_start3A_114 = arith.constant 0 : i32
      %dma_start3A_115 = arith.constant 0 : i32
      %dma_start3A_116 = tpu.memref_slice %arg3[%add3A, %dma_start3A_114, %dma_start3A_115] : memref<32x20x512xi32, #tpu.memory_space<hbm>> -> memref<1x20x512xi32, #tpu.memory_space<hbm>>
      %dma_start3A_117 = tpu.memref_squeeze %dma_start3A_116 : memref<1x20x512xi32, #tpu.memory_space<hbm>> -> memref<20x512xi32, #tpu.memory_space<hbm>>
      tpu.enqueue_dma source(%dma_start3A_117 : memref<20x512xi32, #tpu.memory_space<hbm>>) target(%arg7 : memref<20x512xi32, #tpu.memory_space<vmem>>) target_semaphore(%run_scoped3A : memref<!tpu.dma_semaphore, #tpu.memory_space<semaphore_mem>>)
      %dma_wait3A_118 = arith.constant 0 : i32
      %dma_wait3A_119 = arith.constant 0 : i32
      %dma_wait3A_120 = tpu.memref_slice %arg3[%add3A, %dma_wait3A_118, %dma_wait3A_119] : memref<32x20x512xi32, #tpu.memory_space<hbm>> -> memref<1x20x512xi32, #tpu.memory_space<hbm>>
      %dma_wait3A_121 = tpu.memref_squeeze %dma_wait3A_120 : memref<1x20x512xi32, #tpu.memory_space<hbm>> -> memref<20x512xi32, #tpu.memory_space<hbm>>
      %dma_wait3A_122 = arith.constant 0 : i32
      %dma_wait3A_123 = arith.constant 0 : i32
      %dma_wait3A_124 = tpu.memref_slice %arg3[%add3A, %dma_wait3A_122, %dma_wait3A_123] : memref<32x20x512xi32, #tpu.memory_space<hbm>> -> memref<1x20x512xi32, #tpu.memory_space<hbm>>
      %dma_wait3A_125 = tpu.memref_squeeze %dma_wait3A_124 : memref<1x20x512xi32, #tpu.memory_space<hbm>> -> memref<20x512xi32, #tpu.memory_space<hbm>>
      tpu.wait_dma2 semaphore(%run_scoped3A : memref<!tpu.dma_semaphore, #tpu.memory_space<semaphore_mem>>) src(%dma_wait3A_125 : memref<20x512xi32, #tpu.memory_space<hbm>>) dst(%arg7 : memref<20x512xi32, #tpu.memory_space<vmem>>)
      tpu.yield
    }) : () -> ()
    "tpu.region"() ({
      %run_scoped3A = tpu.sem_alloc : memref<!tpu.dma_semaphore, #tpu.memory_space<semaphore_mem>>
      %dma_start3A_110 = arith.constant 0 : i32
      %dma_start3A_111 = arith.constant 0 : i32
      %dma_start3A_112 = tpu.memref_slice %arg4[%add3A, %dma_start3A_110, %dma_start3A_111] : memref<32x20x512xi32, #tpu.memory_space<hbm>> -> memref<1x20x512xi32, #tpu.memory_space<hbm>>
      %dma_start3A_113 = tpu.memref_squeeze %dma_start3A_112 : memref<1x20x512xi32, #tpu.memory_space<hbm>> -> memref<20x512xi32, #tpu.memory_space<hbm>>
      %dma_start3A_114 = arith.constant 0 : i32
      %dma_start3A_115 = arith.constant 0 : i32
      %dma_start3A_116 = tpu.memref_slice %arg4[%add3A, %dma_start3A_114, %dma_start3A_115] : memref<32x20x512xi32, #tpu.memory_space<hbm>> -> memref<1x20x512xi32, #tpu.memory_space<hbm>>
      %dma_start3A_117 = tpu.memref_squeeze %dma_start3A_116 : memref<1x20x512xi32, #tpu.memory_space<hbm>> -> memref<20x512xi32, #tpu.memory_space<hbm>>
      tpu.enqueue_dma source(%dma_start3A_117 : memref<20x512xi32, #tpu.memory_space<hbm>>) target(%arg8 : memref<20x512xi32, #tpu.memory_space<vmem>>) target_semaphore(%run_scoped3A : memref<!tpu.dma_semaphore, #tpu.memory_space<semaphore_mem>>)
      %dma_wait3A_118 = arith.constant 0 : i32
      %dma_wait3A_119 = arith.constant 0 : i32
      %dma_wait3A_120 = tpu.memref_slice %arg4[%add3A, %dma_wait3A_118, %dma_wait3A_119] : memref<32x20x512xi32, #tpu.memory_space<hbm>> -> memref<1x20x512xi32, #tpu.memory_space<hbm>>
      %dma_wait3A_121 = tpu.memref_squeeze %dma_wait3A_120 : memref<1x20x512xi32, #tpu.memory_space<hbm>> -> memref<20x512xi32, #tpu.memory_space<hbm>>
      %dma_wait3A_122 = arith.constant 0 : i32
      %dma_wait3A_123 = arith.constant 0 : i32
      %dma_wait3A_124 = tpu.memref_slice %arg4[%add3A, %dma_wait3A_122, %dma_wait3A_123] : memref<32x20x512xi32, #tpu.memory_space<hbm>> -> memref<1x20x512xi32, #tpu.memory_space<hbm>>
      %dma_wait3A_125 = tpu.memref_squeeze %dma_wait3A_124 : memref<1x20x512xi32, #tpu.memory_space<hbm>> -> memref<20x512xi32, #tpu.memory_space<hbm>>
      tpu.wait_dma2 semaphore(%run_scoped3A : memref<!tpu.dma_semaphore, #tpu.memory_space<semaphore_mem>>) src(%dma_wait3A_125 : memref<20x512xi32, #tpu.memory_space<hbm>>) dst(%arg8 : memref<20x512xi32, #tpu.memory_space<vmem>>)
      tpu.yield
    }) : () -> ()
    %mul3A_1 = arith.constant 640 : i32
    %mul3A_2 = arith.muli %arg1, %mul3A_1 : i32
    "tpu.region"() ({
      %run_scoped3A = tpu.sem_alloc : memref<!tpu.dma_semaphore, #tpu.memory_space<semaphore_mem>>
      %dma_start3A_110 = arith.constant 0 : i32
      %dma_start3A_111 = tpu.memref_slice %arg10[%mul3A_2, %dma_start3A_110] : memref<10240x8xf32, #tpu.memory_space<vmem_shared>> -> memref<640x8xf32, #tpu.memory_space<vmem_shared>>
      tpu.enqueue_dma source(%arg5 : memref<640x8xf32, #tpu.memory_space<hbm>>) target(%dma_start3A_111 : memref<640x8xf32, #tpu.memory_space<vmem_shared>>) target_semaphore(%run_scoped3A : memref<!tpu.dma_semaphore, #tpu.memory_space<semaphore_mem>>)
      %dma_wait3A_112 = arith.constant 0 : i32
      %dma_wait3A_113 = tpu.memref_slice %arg10[%mul3A_2, %dma_wait3A_112] : memref<10240x8xf32, #tpu.memory_space<vmem_shared>> -> memref<640x8xf32, #tpu.memory_space<vmem_shared>>
      tpu.wait_dma2 semaphore(%run_scoped3A : memref<!tpu.dma_semaphore, #tpu.memory_space<semaphore_mem>>) src(%arg5 : memref<640x8xf32, #tpu.memory_space<hbm>>) dst(%dma_wait3A_113 : memref<640x8xf32, #tpu.memory_space<vmem_shared>>)
      tpu.yield
    }) : () -> ()
    %barrier3A = arith.constant 0 : index
    tpu.barrier barrier_id(%barrier3A)
    %dma_start3A = arith.constant 0 : i32
    %dma_start3A_3 = arith.constant 0 : i32
    %dma_start3A_4 = arith.constant 0 : i32
    %dma_start3A_5 = arith.constant 0 : i32
    %dma_start3A_6 = tpu.memref_slice %arg9[%dma_start3A_3, %dma_start3A_4, %dma_start3A_5] : memref<2x512x8xf32, #tpu.memory_space<vmem>> -> memref<1x512x8xf32, #tpu.memory_space<vmem>>
    %dma_start3A_7 = tpu.memref_squeeze %dma_start3A_6 : memref<1x512x8xf32, #tpu.memory_space<vmem>> -> memref<512x8xf32, #tpu.memory_space<vmem>>
    %dma_start3A_8 = arith.constant 0 : i32
    %dma_start3A_9 = tpu.memref_slice %arg7[%dma_start3A, %dma_start3A_8] : memref<20x512xi32, #tpu.memory_space<vmem>> -> memref<1x512xi32, #tpu.memory_space<vmem>>
    %dma_start3A_10 = tpu.memref_squeeze %dma_start3A_9 : memref<1x512xi32, #tpu.memory_space<vmem>> -> memref<512xi32, #tpu.memory_space<vmem>>
    %dma_start3A_11 = arith.constant 0 : i32
    %dma_start3A_12 = arith.constant 0 : i32
    %dma_start3A_13 = tpu.memref_slice %arg2[%dma_start3A_11, %dma_start3A_12] : memref<10240x8xf32, #tpu.memory_space<hbm>> -> memref<10240x8xf32, #tpu.memory_space<hbm>>
    tpu.enqueue_indirect_dma source(%dma_start3A_13 : memref<10240x8xf32, #tpu.memory_space<hbm>>) target(%dma_start3A_7 : memref<512x8xf32, #tpu.memory_space<vmem>>) offsets(%dma_start3A_10 : memref<512xi32, #tpu.memory_space<vmem>>) semaphore(%arg12 : memref<!tpu.dma_semaphore, #tpu.memory_space<semaphore_mem>>)
    %scan3A = arith.constant 0 : i32
    %scan3A_14 = arith.constant 0 : i32
    %scan3A_15 = arith.constant 9 : i32
    %scan3A_16 = arith.addi %scan3A_14, %scan3A_15 : i32
    %scan3A_17 = arith.constant 1 : i32
    scf.for %scan3A_110 = %scan3A_14 to %scan3A_16 step %scan3A_17  : i32 {
      %mul3A_111 = arith.constant 2 : i32
      %mul3A_112 = arith.muli %mul3A_111, %scan3A_110 : i32
      %dma_wait3A_113 = arith.constant 0 : i32
      %dma_wait3A_114 = arith.constant 0 : i32
      %dma_wait3A_115 = arith.constant 0 : i32
      %dma_wait3A_116 = arith.constant 0 : i32
      %dma_wait3A_117 = tpu.memref_slice %arg9[%dma_wait3A_114, %dma_wait3A_115, %dma_wait3A_116] : memref<2x512x8xf32, #tpu.memory_space<vmem>> -> memref<1x512x8xf32, #tpu.memory_space<vmem>>
      %dma_wait3A_118 = tpu.memref_squeeze %dma_wait3A_117 : memref<1x512x8xf32, #tpu.memory_space<vmem>> -> memref<512x8xf32, #tpu.memory_space<vmem>>
      %dma_wait3A_119 = arith.constant 0 : i32
      %dma_wait3A_120 = tpu.memref_slice %arg7[%dma_wait3A_113, %dma_wait3A_119] : memref<20x512xi32, #tpu.memory_space<vmem>> -> memref<1x512xi32, #tpu.memory_space<vmem>>
      %dma_wait3A_121 = tpu.memref_squeeze %dma_wait3A_120 : memref<1x512xi32, #tpu.memory_space<vmem>> -> memref<512xi32, #tpu.memory_space<vmem>>
      %dma_wait3A_122 = arith.constant 0 : i32
      %dma_wait3A_123 = arith.constant 0 : i32
      %dma_wait3A_124 = tpu.memref_slice %arg2[%dma_wait3A_122, %dma_wait3A_123] : memref<10240x8xf32, #tpu.memory_space<hbm>> -> memref<10240x8xf32, #tpu.memory_space<hbm>>
      tpu.wait_indirect_dma semaphore(%arg12 : memref<!tpu.dma_semaphore, #tpu.memory_space<semaphore_mem>>) src(%dma_wait3A_124 : memref<10240x8xf32, #tpu.memory_space<hbm>>) dst(%dma_wait3A_118 : memref<512x8xf32, #tpu.memory_space<vmem>>)
      %add3A_125 = arith.constant 1 : i32
      %add3A_126 = arith.addi %mul3A_112, %add3A_125 : i32
      %dma_start3A_127 = arith.constant 1 : i32
      %dma_start3A_128 = arith.constant 0 : i32
      %dma_start3A_129 = arith.constant 0 : i32
      %dma_start3A_130 = tpu.memref_slice %arg9[%dma_start3A_127, %dma_start3A_128, %dma_start3A_129] : memref<2x512x8xf32, #tpu.memory_space<vmem>> -> memref<1x512x8xf32, #tpu.memory_space<vmem>>
      %dma_start3A_131 = tpu.memref_squeeze %dma_start3A_130 : memref<1x512x8xf32, #tpu.memory_space<vmem>> -> memref<512x8xf32, #tpu.memory_space<vmem>>
      %dma_start3A_132 = arith.constant 0 : i32
      %dma_start3A_133 = tpu.memref_slice %arg7[%add3A_126, %dma_start3A_132] : memref<20x512xi32, #tpu.memory_space<vmem>> -> memref<1x512xi32, #tpu.memory_space<vmem>>
      %dma_start3A_134 = tpu.memref_squeeze %dma_start3A_133 : memref<1x512xi32, #tpu.memory_space<vmem>> -> memref<512xi32, #tpu.memory_space<vmem>>
      %dma_start3A_135 = arith.constant 0 : i32
      %dma_start3A_136 = arith.constant 0 : i32
      %dma_start3A_137 = tpu.memref_slice %arg2[%dma_start3A_135, %dma_start3A_136] : memref<10240x8xf32, #tpu.memory_space<hbm>> -> memref<10240x8xf32, #tpu.memory_space<hbm>>
      tpu.enqueue_indirect_dma source(%dma_start3A_137 : memref<10240x8xf32, #tpu.memory_space<hbm>>) target(%dma_start3A_131 : memref<512x8xf32, #tpu.memory_space<vmem>>) offsets(%dma_start3A_134 : memref<512xi32, #tpu.memory_space<vmem>>) semaphore(%arg13 : memref<!tpu.dma_semaphore, #tpu.memory_space<semaphore_mem>>)
      %dma_start3A_138 = arith.constant 0 : i32
      %dma_start3A_139 = arith.constant 0 : i32
      %dma_start3A_140 = arith.constant 0 : i32
      %dma_start3A_141 = tpu.memref_slice %arg9[%dma_start3A_138, %dma_start3A_139, %dma_start3A_140] : memref<2x512x8xf32, #tpu.memory_space<vmem>> -> memref<1x512x8xf32, #tpu.memory_space<vmem>>
      %dma_start3A_142 = tpu.memref_squeeze %dma_start3A_141 : memref<1x512x8xf32, #tpu.memory_space<vmem>> -> memref<512x8xf32, #tpu.memory_space<vmem>>
      %dma_start3A_143 = arith.constant 0 : i32
      %dma_start3A_144 = tpu.memref_slice %arg8[%mul3A_112, %dma_start3A_143] : memref<20x512xi32, #tpu.memory_space<vmem>> -> memref<1x512xi32, #tpu.memory_space<vmem>>
      %dma_start3A_145 = tpu.memref_squeeze %dma_start3A_144 : memref<1x512xi32, #tpu.memory_space<vmem>> -> memref<512xi32, #tpu.memory_space<vmem>>
      %dma_start3A_146 = arith.constant 0 : i32
      %dma_start3A_147 = arith.constant 0 : i32
      %dma_start3A_148 = tpu.memref_slice %arg10[%dma_start3A_146, %dma_start3A_147] : memref<10240x8xf32, #tpu.memory_space<vmem_shared>> -> memref<10240x8xf32, #tpu.memory_space<vmem_shared>>
      tpu.enqueue_indirect_dma source(%dma_start3A_142 : memref<512x8xf32, #tpu.memory_space<vmem>>) target(%dma_start3A_148 : memref<10240x8xf32, #tpu.memory_space<vmem_shared>>) offsets(%dma_start3A_145 : memref<512xi32, #tpu.memory_space<vmem>>) semaphore(%arg14 : memref<!tpu.dma_semaphore, #tpu.memory_space<semaphore_mem>>) {add = true}
      %dma_wait3A_149 = arith.constant 0 : i32
      %dma_wait3A_150 = arith.constant 1 : i32
      %dma_wait3A_151 = arith.constant 0 : i32
      %dma_wait3A_152 = arith.constant 0 : i32
      %dma_wait3A_153 = tpu.memref_slice %arg9[%dma_wait3A_150, %dma_wait3A_151, %dma_wait3A_152] : memref<2x512x8xf32, #tpu.memory_space<vmem>> -> memref<1x512x8xf32, #tpu.memory_space<vmem>>
      %dma_wait3A_154 = tpu.memref_squeeze %dma_wait3A_153 : memref<1x512x8xf32, #tpu.memory_space<vmem>> -> memref<512x8xf32, #tpu.memory_space<vmem>>
      %dma_wait3A_155 = arith.constant 0 : i32
      %dma_wait3A_156 = tpu.memref_slice %arg7[%dma_wait3A_149, %dma_wait3A_155] : memref<20x512xi32, #tpu.memory_space<vmem>> -> memref<1x512xi32, #tpu.memory_space<vmem>>
      %dma_wait3A_157 = tpu.memref_squeeze %dma_wait3A_156 : memref<1x512xi32, #tpu.memory_space<vmem>> -> memref<512xi32, #tpu.memory_space<vmem>>
      %dma_wait3A_158 = arith.constant 0 : i32
      %dma_wait3A_159 = arith.constant 0 : i32
      %dma_wait3A_160 = tpu.memref_slice %arg2[%dma_wait3A_158, %dma_wait3A_159] : memref<10240x8xf32, #tpu.memory_space<hbm>> -> memref<10240x8xf32, #tpu.memory_space<hbm>>
      tpu.wait_indirect_dma semaphore(%arg13 : memref<!tpu.dma_semaphore, #tpu.memory_space<semaphore_mem>>) src(%dma_wait3A_160 : memref<10240x8xf32, #tpu.memory_space<hbm>>) dst(%dma_wait3A_154 : memref<512x8xf32, #tpu.memory_space<vmem>>)
      %dma_wait3A_161 = arith.constant 0 : i32
      %dma_wait3A_162 = arith.constant 0 : i32
      %dma_wait3A_163 = arith.constant 0 : i32
      %dma_wait3A_164 = arith.constant 0 : i32
      %dma_wait3A_165 = tpu.memref_slice %arg9[%dma_wait3A_161, %dma_wait3A_163, %dma_wait3A_164] : memref<2x512x8xf32, #tpu.memory_space<vmem>> -> memref<1x512x8xf32, #tpu.memory_space<vmem>>
      %dma_wait3A_166 = tpu.memref_squeeze %dma_wait3A_165 : memref<1x512x8xf32, #tpu.memory_space<vmem>> -> memref<512x8xf32, #tpu.memory_space<vmem>>
      %dma_wait3A_167 = arith.constant 0 : i32
      %dma_wait3A_168 = tpu.memref_slice %arg8[%dma_wait3A_162, %dma_wait3A_167] : memref<20x512xi32, #tpu.memory_space<vmem>> -> memref<1x512xi32, #tpu.memory_space<vmem>>
      %dma_wait3A_169 = tpu.memref_squeeze %dma_wait3A_168 : memref<1x512xi32, #tpu.memory_space<vmem>> -> memref<512xi32, #tpu.memory_space<vmem>>
      %dma_wait3A_170 = arith.constant 0 : i32
      %dma_wait3A_171 = arith.constant 0 : i32
      %dma_wait3A_172 = tpu.memref_slice %arg10[%dma_wait3A_170, %dma_wait3A_171] : memref<10240x8xf32, #tpu.memory_space<vmem_shared>> -> memref<10240x8xf32, #tpu.memory_space<vmem_shared>>
      tpu.wait_indirect_dma semaphore(%arg14 : memref<!tpu.dma_semaphore, #tpu.memory_space<semaphore_mem>>) src(%dma_wait3A_166 : memref<512x8xf32, #tpu.memory_space<vmem>>) dst(%dma_wait3A_172 : memref<10240x8xf32, #tpu.memory_space<vmem_shared>>)
      %add3A_173 = arith.constant 2 : i32
      %add3A_174 = arith.addi %mul3A_112, %add3A_173 : i32
      %dma_start3A_175 = arith.constant 0 : i32
      %dma_start3A_176 = arith.constant 0 : i32
      %dma_start3A_177 = arith.constant 0 : i32
      %dma_start3A_178 = tpu.memref_slice %arg9[%dma_start3A_175, %dma_start3A_176, %dma_start3A_177] : memref<2x512x8xf32, #tpu.memory_space<vmem>> -> memref<1x512x8xf32, #tpu.memory_space<vmem>>
      %dma_start3A_179 = tpu.memref_squeeze %dma_start3A_178 : memref<1x512x8xf32, #tpu.memory_space<vmem>> -> memref<512x8xf32, #tpu.memory_space<vmem>>
      %dma_start3A_180 = arith.constant 0 : i32
      %dma_start3A_181 = tpu.memref_slice %arg7[%add3A_174, %dma_start3A_180] : memref<20x512xi32, #tpu.memory_space<vmem>> -> memref<1x512xi32, #tpu.memory_space<vmem>>
      %dma_start3A_182 = tpu.memref_squeeze %dma_start3A_181 : memref<1x512xi32, #tpu.memory_space<vmem>> -> memref<512xi32, #tpu.memory_space<vmem>>
      %dma_start3A_183 = arith.constant 0 : i32
      %dma_start3A_184 = arith.constant 0 : i32
      %dma_start3A_185 = tpu.memref_slice %arg2[%dma_start3A_183, %dma_start3A_184] : memref<10240x8xf32, #tpu.memory_space<hbm>> -> memref<10240x8xf32, #tpu.memory_space<hbm>>
      tpu.enqueue_indirect_dma source(%dma_start3A_185 : memref<10240x8xf32, #tpu.memory_space<hbm>>) target(%dma_start3A_179 : memref<512x8xf32, #tpu.memory_space<vmem>>) offsets(%dma_start3A_182 : memref<512xi32, #tpu.memory_space<vmem>>) semaphore(%arg12 : memref<!tpu.dma_semaphore, #tpu.memory_space<semaphore_mem>>)
      %add3A_186 = arith.constant 1 : i32
      %add3A_187 = arith.addi %mul3A_112, %add3A_186 : i32
      %dma_start3A_188 = arith.constant 1 : i32
      %dma_start3A_189 = arith.constant 0 : i32
      %dma_start3A_190 = arith.constant 0 : i32
      %dma_start3A_191 = tpu.memref_slice %arg9[%dma_start3A_188, %dma_start3A_189, %dma_start3A_190] : memref<2x512x8xf32, #tpu.memory_space<vmem>> -> memref<1x512x8xf32, #tpu.memory_space<vmem>>
      %dma_start3A_192 = tpu.memref_squeeze %dma_start3A_191 : memref<1x512x8xf32, #tpu.memory_space<vmem>> -> memref<512x8xf32, #tpu.memory_space<vmem>>
      %dma_start3A_193 = arith.constant 0 : i32
      %dma_start3A_194 = tpu.memref_slice %arg8[%add3A_187, %dma_start3A_193] : memref<20x512xi32, #tpu.memory_space<vmem>> -> memref<1x512xi32, #tpu.memory_space<vmem>>
      %dma_start3A_195 = tpu.memref_squeeze %dma_start3A_194 : memref<1x512xi32, #tpu.memory_space<vmem>> -> memref<512xi32, #tpu.memory_space<vmem>>
      %dma_start3A_196 = arith.constant 0 : i32
      %dma_start3A_197 = arith.constant 0 : i32
      %dma_start3A_198 = tpu.memref_slice %arg10[%dma_start3A_196, %dma_start3A_197] : memref<10240x8xf32, #tpu.memory_space<vmem_shared>> -> memref<10240x8xf32, #tpu.memory_space<vmem_shared>>
      tpu.enqueue_indirect_dma source(%dma_start3A_192 : memref<512x8xf32, #tpu.memory_space<vmem>>) target(%dma_start3A_198 : memref<10240x8xf32, #tpu.memory_space<vmem_shared>>) offsets(%dma_start3A_195 : memref<512xi32, #tpu.memory_space<vmem>>) semaphore(%arg15 : memref<!tpu.dma_semaphore, #tpu.memory_space<semaphore_mem>>) {add = true}
      %dma_wait3A_199 = arith.constant 1 : i32
      %dma_wait3A_200 = arith.constant 0 : i32
      %dma_wait3A_201 = arith.constant 0 : i32
      %dma_wait3A_202 = arith.constant 0 : i32
      %dma_wait3A_203 = tpu.memref_slice %arg9[%dma_wait3A_199, %dma_wait3A_201, %dma_wait3A_202] : memref<2x512x8xf32, #tpu.memory_space<vmem>> -> memref<1x512x8xf32, #tpu.memory_space<vmem>>
      %dma_wait3A_204 = tpu.memref_squeeze %dma_wait3A_203 : memref<1x512x8xf32, #tpu.memory_space<vmem>> -> memref<512x8xf32, #tpu.memory_space<vmem>>
      %dma_wait3A_205 = arith.constant 0 : i32
      %dma_wait3A_206 = tpu.memref_slice %arg8[%dma_wait3A_200, %dma_wait3A_205] : memref<20x512xi32, #tpu.memory_space<vmem>> -> memref<1x512xi32, #tpu.memory_space<vmem>>
      %dma_wait3A_207 = tpu.memref_squeeze %dma_wait3A_206 : memref<1x512xi32, #tpu.memory_space<vmem>> -> memref<512xi32, #tpu.memory_space<vmem>>
      %dma_wait3A_208 = arith.constant 0 : i32
      %dma_wait3A_209 = arith.constant 0 : i32
      %dma_wait3A_210 = tpu.memref_slice %arg10[%dma_wait3A_208, %dma_wait3A_209] : memref<10240x8xf32, #tpu.memory_space<vmem_shared>> -> memref<10240x8xf32, #tpu.memory_space<vmem_shared>>
      tpu.wait_indirect_dma semaphore(%arg15 : memref<!tpu.dma_semaphore, #tpu.memory_space<semaphore_mem>>) src(%dma_wait3A_204 : memref<512x8xf32, #tpu.memory_space<vmem>>) dst(%dma_wait3A_210 : memref<10240x8xf32, #tpu.memory_space<vmem_shared>>)
    }
    %scan3A_18 = arith.constant 9 : i32
    %dma_wait3A = arith.constant 0 : i32
    %dma_wait3A_19 = arith.constant 0 : i32
    %dma_wait3A_20 = arith.constant 0 : i32
    %dma_wait3A_21 = arith.constant 0 : i32
    %dma_wait3A_22 = tpu.memref_slice %arg9[%dma_wait3A_19, %dma_wait3A_20, %dma_wait3A_21] : memref<2x512x8xf32, #tpu.memory_space<vmem>> -> memref<1x512x8xf32, #tpu.memory_space<vmem>>
    %dma_wait3A_23 = tpu.memref_squeeze %dma_wait3A_22 : memref<1x512x8xf32, #tpu.memory_space<vmem>> -> memref<512x8xf32, #tpu.memory_space<vmem>>
    %dma_wait3A_24 = arith.constant 0 : i32
    %dma_wait3A_25 = tpu.memref_slice %arg7[%dma_wait3A, %dma_wait3A_24] : memref<20x512xi32, #tpu.memory_space<vmem>> -> memref<1x512xi32, #tpu.memory_space<vmem>>
    %dma_wait3A_26 = tpu.memref_squeeze %dma_wait3A_25 : memref<1x512xi32, #tpu.memory_space<vmem>> -> memref<512xi32, #tpu.memory_space<vmem>>
    %dma_wait3A_27 = arith.constant 0 : i32
    %dma_wait3A_28 = arith.constant 0 : i32
    %dma_wait3A_29 = tpu.memref_slice %arg2[%dma_wait3A_27, %dma_wait3A_28] : memref<10240x8xf32, #tpu.memory_space<hbm>> -> memref<10240x8xf32, #tpu.memory_space<hbm>>
    tpu.wait_indirect_dma semaphore(%arg12 : memref<!tpu.dma_semaphore, #tpu.memory_space<semaphore_mem>>) src(%dma_wait3A_29 : memref<10240x8xf32, #tpu.memory_space<hbm>>) dst(%dma_wait3A_23 : memref<512x8xf32, #tpu.memory_space<vmem>>)
    %dma_start3A_30 = arith.constant 19 : i32
    %dma_start3A_31 = arith.constant 1 : i32
    %dma_start3A_32 = arith.constant 0 : i32
    %dma_start3A_33 = arith.constant 0 : i32
    %dma_start3A_34 = tpu.memref_slice %arg9[%dma_start3A_31, %dma_start3A_32, %dma_start3A_33] : memref<2x512x8xf32, #tpu.memory_space<vmem>> -> memref<1x512x8xf32, #tpu.memory_space<vmem>>
    %dma_start3A_35 = tpu.memref_squeeze %dma_start3A_34 : memref<1x512x8xf32, #tpu.memory_space<vmem>> -> memref<512x8xf32, #tpu.memory_space<vmem>>
    %dma_start3A_36 = arith.constant 0 : i32
    %dma_start3A_37 = tpu.memref_slice %arg7[%dma_start3A_30, %dma_start3A_36] : memref<20x512xi32, #tpu.memory_space<vmem>> -> memref<1x512xi32, #tpu.memory_space<vmem>>
    %dma_start3A_38 = tpu.memref_squeeze %dma_start3A_37 : memref<1x512xi32, #tpu.memory_space<vmem>> -> memref<512xi32, #tpu.memory_space<vmem>>
    %dma_start3A_39 = arith.constant 0 : i32
    %dma_start3A_40 = arith.constant 0 : i32
    %dma_start3A_41 = tpu.memref_slice %arg2[%dma_start3A_39, %dma_start3A_40] : memref<10240x8xf32, #tpu.memory_space<hbm>> -> memref<10240x8xf32, #tpu.memory_space<hbm>>
    tpu.enqueue_indirect_dma source(%dma_start3A_41 : memref<10240x8xf32, #tpu.memory_space<hbm>>) target(%dma_start3A_35 : memref<512x8xf32, #tpu.memory_space<vmem>>) offsets(%dma_start3A_38 : memref<512xi32, #tpu.memory_space<vmem>>) semaphore(%arg13 : memref<!tpu.dma_semaphore, #tpu.memory_space<semaphore_mem>>)
    %dma_start3A_42 = arith.constant 0 : i32
    %dma_start3A_43 = arith.constant 18 : i32
    %dma_start3A_44 = arith.constant 0 : i32
    %dma_start3A_45 = arith.constant 0 : i32
    %dma_start3A_46 = tpu.memref_slice %arg9[%dma_start3A_42, %dma_start3A_44, %dma_start3A_45] : memref<2x512x8xf32, #tpu.memory_space<vmem>> -> memref<1x512x8xf32, #tpu.memory_space<vmem>>
    %dma_start3A_47 = tpu.memref_squeeze %dma_start3A_46 : memref<1x512x8xf32, #tpu.memory_space<vmem>> -> memref<512x8xf32, #tpu.memory_space<vmem>>
    %dma_start3A_48 = arith.constant 0 : i32
    %dma_start3A_49 = tpu.memref_slice %arg8[%dma_start3A_43, %dma_start3A_48] : memref<20x512xi32, #tpu.memory_space<vmem>> -> memref<1x512xi32, #tpu.memory_space<vmem>>
    %dma_start3A_50 = tpu.memref_squeeze %dma_start3A_49 : memref<1x512xi32, #tpu.memory_space<vmem>> -> memref<512xi32, #tpu.memory_space<vmem>>
    %dma_start3A_51 = arith.constant 0 : i32
    %dma_start3A_52 = arith.constant 0 : i32
    %dma_start3A_53 = tpu.memref_slice %arg10[%dma_start3A_51, %dma_start3A_52] : memref<10240x8xf32, #tpu.memory_space<vmem_shared>> -> memref<10240x8xf32, #tpu.memory_space<vmem_shared>>
    tpu.enqueue_indirect_dma source(%dma_start3A_47 : memref<512x8xf32, #tpu.memory_space<vmem>>) target(%dma_start3A_53 : memref<10240x8xf32, #tpu.memory_space<vmem_shared>>) offsets(%dma_start3A_50 : memref<512xi32, #tpu.memory_space<vmem>>) semaphore(%arg14 : memref<!tpu.dma_semaphore, #tpu.memory_space<semaphore_mem>>) {add = true}
    %dma_wait3A_54 = arith.constant 0 : i32
    %dma_wait3A_55 = arith.constant 1 : i32
    %dma_wait3A_56 = arith.constant 0 : i32
    %dma_wait3A_57 = arith.constant 0 : i32
    %dma_wait3A_58 = tpu.memref_slice %arg9[%dma_wait3A_55, %dma_wait3A_56, %dma_wait3A_57] : memref<2x512x8xf32, #tpu.memory_space<vmem>> -> memref<1x512x8xf32, #tpu.memory_space<vmem>>
    %dma_wait3A_59 = tpu.memref_squeeze %dma_wait3A_58 : memref<1x512x8xf32, #tpu.memory_space<vmem>> -> memref<512x8xf32, #tpu.memory_space<vmem>>
    %dma_wait3A_60 = arith.constant 0 : i32
    %dma_wait3A_61 = tpu.memref_slice %arg7[%dma_wait3A_54, %dma_wait3A_60] : memref<20x512xi32, #tpu.memory_space<vmem>> -> memref<1x512xi32, #tpu.memory_space<vmem>>
    %dma_wait3A_62 = tpu.memref_squeeze %dma_wait3A_61 : memref<1x512xi32, #tpu.memory_space<vmem>> -> memref<512xi32, #tpu.memory_space<vmem>>
    %dma_wait3A_63 = arith.constant 0 : i32
    %dma_wait3A_64 = arith.constant 0 : i32
    %dma_wait3A_65 = tpu.memref_slice %arg2[%dma_wait3A_63, %dma_wait3A_64] : memref<10240x8xf32, #tpu.memory_space<hbm>> -> memref<10240x8xf32, #tpu.memory_space<hbm>>
    tpu.wait_indirect_dma semaphore(%arg13 : memref<!tpu.dma_semaphore, #tpu.memory_space<semaphore_mem>>) src(%dma_wait3A_65 : memref<10240x8xf32, #tpu.memory_space<hbm>>) dst(%dma_wait3A_59 : memref<512x8xf32, #tpu.memory_space<vmem>>)
    %dma_wait3A_66 = arith.constant 0 : i32
    %dma_wait3A_67 = arith.constant 0 : i32
    %dma_wait3A_68 = arith.constant 0 : i32
    %dma_wait3A_69 = arith.constant 0 : i32
    %dma_wait3A_70 = tpu.memref_slice %arg9[%dma_wait3A_66, %dma_wait3A_68, %dma_wait3A_69] : memref<2x512x8xf32, #tpu.memory_space<vmem>> -> memref<1x512x8xf32, #tpu.memory_space<vmem>>
    %dma_wait3A_71 = tpu.memref_squeeze %dma_wait3A_70 : memref<1x512x8xf32, #tpu.memory_space<vmem>> -> memref<512x8xf32, #tpu.memory_space<vmem>>
    %dma_wait3A_72 = arith.constant 0 : i32
    %dma_wait3A_73 = tpu.memref_slice %arg8[%dma_wait3A_67, %dma_wait3A_72] : memref<20x512xi32, #tpu.memory_space<vmem>> -> memref<1x512xi32, #tpu.memory_space<vmem>>
    %dma_wait3A_74 = tpu.memref_squeeze %dma_wait3A_73 : memref<1x512xi32, #tpu.memory_space<vmem>> -> memref<512xi32, #tpu.memory_space<vmem>>
    %dma_wait3A_75 = arith.constant 0 : i32
    %dma_wait3A_76 = arith.constant 0 : i32
    %dma_wait3A_77 = tpu.memref_slice %arg10[%dma_wait3A_75, %dma_wait3A_76] : memref<10240x8xf32, #tpu.memory_space<vmem_shared>> -> memref<10240x8xf32, #tpu.memory_space<vmem_shared>>
    tpu.wait_indirect_dma semaphore(%arg14 : memref<!tpu.dma_semaphore, #tpu.memory_space<semaphore_mem>>) src(%dma_wait3A_71 : memref<512x8xf32, #tpu.memory_space<vmem>>) dst(%dma_wait3A_77 : memref<10240x8xf32, #tpu.memory_space<vmem_shared>>)
    %dma_start3A_78 = arith.constant 1 : i32
    %dma_start3A_79 = arith.constant 19 : i32
    %dma_start3A_80 = arith.constant 0 : i32
    %dma_start3A_81 = arith.constant 0 : i32
    %dma_start3A_82 = tpu.memref_slice %arg9[%dma_start3A_78, %dma_start3A_80, %dma_start3A_81] : memref<2x512x8xf32, #tpu.memory_space<vmem>> -> memref<1x512x8xf32, #tpu.memory_space<vmem>>
    %dma_start3A_83 = tpu.memref_squeeze %dma_start3A_82 : memref<1x512x8xf32, #tpu.memory_space<vmem>> -> memref<512x8xf32, #tpu.memory_space<vmem>>
    %dma_start3A_84 = arith.constant 0 : i32
    %dma_start3A_85 = tpu.memref_slice %arg8[%dma_start3A_79, %dma_start3A_84] : memref<20x512xi32, #tpu.memory_space<vmem>> -> memref<1x512xi32, #tpu.memory_space<vmem>>
    %dma_start3A_86 = tpu.memref_squeeze %dma_start3A_85 : memref<1x512xi32, #tpu.memory_space<vmem>> -> memref<512xi32, #tpu.memory_space<vmem>>
    %dma_start3A_87 = arith.constant 0 : i32
    %dma_start3A_88 = arith.constant 0 : i32
    %dma_start3A_89 = tpu.memref_slice %arg10[%dma_start3A_87, %dma_start3A_88] : memref<10240x8xf32, #tpu.memory_space<vmem_shared>> -> memref<10240x8xf32, #tpu.memory_space<vmem_shared>>
    tpu.enqueue_indirect_dma source(%dma_start3A_83 : memref<512x8xf32, #tpu.memory_space<vmem>>) target(%dma_start3A_89 : memref<10240x8xf32, #tpu.memory_space<vmem_shared>>) offsets(%dma_start3A_86 : memref<512xi32, #tpu.memory_space<vmem>>) semaphore(%arg15 : memref<!tpu.dma_semaphore, #tpu.memory_space<semaphore_mem>>) {add = true}
    %dma_wait3A_90 = arith.constant 1 : i32
    %dma_wait3A_91 = arith.constant 0 : i32
    %dma_wait3A_92 = arith.constant 0 : i32
    %dma_wait3A_93 = arith.constant 0 : i32
    %dma_wait3A_94 = tpu.memref_slice %arg9[%dma_wait3A_90, %dma_wait3A_92, %dma_wait3A_93] : memref<2x512x8xf32, #tpu.memory_space<vmem>> -> memref<1x512x8xf32, #tpu.memory_space<vmem>>
    %dma_wait3A_95 = tpu.memref_squeeze %dma_wait3A_94 : memref<1x512x8xf32, #tpu.memory_space<vmem>> -> memref<512x8xf32, #tpu.memory_space<vmem>>
    %dma_wait3A_96 = arith.constant 0 : i32
    %dma_wait3A_97 = tpu.memref_slice %arg8[%dma_wait3A_91, %dma_wait3A_96] : memref<20x512xi32, #tpu.memory_space<vmem>> -> memref<1x512xi32, #tpu.memory_space<vmem>>
    %dma_wait3A_98 = tpu.memref_squeeze %dma_wait3A_97 : memref<1x512xi32, #tpu.memory_space<vmem>> -> memref<512xi32, #tpu.memory_space<vmem>>
    %dma_wait3A_99 = arith.constant 0 : i32
    %dma_wait3A_100 = arith.constant 0 : i32
    %dma_wait3A_101 = tpu.memref_slice %arg10[%dma_wait3A_99, %dma_wait3A_100] : memref<10240x8xf32, #tpu.memory_space<vmem_shared>> -> memref<10240x8xf32, #tpu.memory_space<vmem_shared>>
    tpu.wait_indirect_dma semaphore(%arg15 : memref<!tpu.dma_semaphore, #tpu.memory_space<semaphore_mem>>) src(%dma_wait3A_95 : memref<512x8xf32, #tpu.memory_space<vmem>>) dst(%dma_wait3A_101 : memref<10240x8xf32, #tpu.memory_space<vmem_shared>>)
    %barrier3A_102 = arith.constant 0 : index
    tpu.barrier barrier_id(%barrier3A_102)
    %mul3A_103 = arith.constant 640 : i32
    %mul3A_104 = arith.muli %arg1, %mul3A_103 : i32
    %mul3A_105 = arith.constant 10240 : i32
    %mul3A_106 = arith.muli %arg0, %mul3A_105 : i32
    %mul3A_107 = arith.constant 640 : i32
    %mul3A_108 = arith.muli %arg1, %mul3A_107 : i32
    %add3A_109 = arith.addi %mul3A_106, %mul3A_108 : i32
    "tpu.region"() ({
      %run_scoped3A = tpu.sem_alloc : memref<!tpu.dma_semaphore, #tpu.memory_space<semaphore_mem>>
      %dma_start3A_110 = arith.constant 0 : i32
      %dma_start3A_111 = tpu.memref_slice %arg6[%add3A_109, %dma_start3A_110] : memref<20480x8xf32, #tpu.memory_space<hbm>> -> memref<640x8xf32, #tpu.memory_space<hbm>>
      %dma_start3A_112 = arith.constant 0 : i32
      %dma_start3A_113 = tpu.memref_slice %arg10[%mul3A_104, %dma_start3A_112] : memref<10240x8xf32, #tpu.memory_space<vmem_shared>> -> memref<640x8xf32, #tpu.memory_space<vmem_shared>>
      tpu.enqueue_dma source(%dma_start3A_113 : memref<640x8xf32, #tpu.memory_space<vmem_shared>>) target(%dma_start3A_111 : memref<640x8xf32, #tpu.memory_space<hbm>>) target_semaphore(%run_scoped3A : memref<!tpu.dma_semaphore, #tpu.memory_space<semaphore_mem>>)
      %dma_wait3A_114 = arith.constant 0 : i32
      %dma_wait3A_115 = tpu.memref_slice %arg6[%add3A_109, %dma_wait3A_114] : memref<20480x8xf32, #tpu.memory_space<hbm>> -> memref<640x8xf32, #tpu.memory_space<hbm>>
      %dma_wait3A_116 = arith.constant 0 : i32
      %dma_wait3A_117 = tpu.memref_slice %arg10[%mul3A_104, %dma_wait3A_116] : memref<10240x8xf32, #tpu.memory_space<vmem_shared>> -> memref<640x8xf32, #tpu.memory_space<vmem_shared>>
      tpu.wait_dma2 semaphore(%run_scoped3A : memref<!tpu.dma_semaphore, #tpu.memory_space<semaphore_mem>>) src(%dma_wait3A_117 : memref<640x8xf32, #tpu.memory_space<vmem_shared>>) dst(%dma_wait3A_115 : memref<640x8xf32, #tpu.memory_space<hbm>>)
      tpu.yield
    }) : () -> ()
    return
  }
}

#map = affine_map<(d0, d1) -> (0, 0)>
#map1 = affine_map<(d0, d1) -> (0, 0, 0)>
module attributes {stable_mosaic.version = 14 : i64} {
  func.func @body(%arg0: i32, %arg1: i32, %arg2: memref<10240x8xf32, #tpu.memory_space<hbm>>, %arg3: memref<32x20x512xi32, #tpu.memory_space<hbm>>, %arg4: memref<32x20x512xi32, #tpu.memory_space<hbm>>, %arg5: memref<640x8xf32, #tpu.memory_space<hbm>>, %arg6: memref<20480x8xf32, #tpu.memory_space<hbm>>, %arg7: memref<20x512xi32, #tpu.memory_space<vmem>>, %arg8: memref<20x512xi32, #tpu.memory_space<vmem>>, %arg9: memref<2x512x8xf32, #tpu.memory_space<vmem>>, %arg10: memref<10240x8xf32, #tpu.memory_space<vmem_shared>>, %arg11: memref<8x8xf32, #tpu.memory_space<vmem_shared>>, %arg12: memref<!tpu.dma_semaphore, #tpu.memory_space<semaphore_mem>>, %arg13: memref<!tpu.dma_semaphore, #tpu.memory_space<semaphore_mem>>, %arg14: memref<!tpu.dma_semaphore, #tpu.memory_space<semaphore_mem>>, %arg15: memref<!tpu.dma_semaphore, #tpu.memory_space<semaphore_mem>>) attributes {dimension_semantics = [#tpu.dimension_semantics<core_parallel>, #tpu.dimension_semantics<subcore_parallel>], iteration_bounds = array<i64: 2, 16>, scalar_prefetch = 0 : i64, scratch_operands = 9 : i64, tpu.core_type = #tpu.core_type<sc_vector_subcore>, window_params = [{transform_indices = #map}, {transform_indices = #map1}, {transform_indices = #map1}, {transform_indices = #map}, {transform_indices = #map}]} {
    %mul3A = arith.constant 16 : i32
    %mul3A_0 = arith.muli %arg0, %mul3A : i32
    %add3A = arith.addi %mul3A_0, %arg1 : i32
    "tpu.region"() ({
      %run_scoped3A = tpu.sem_alloc : memref<!tpu.dma_semaphore, #tpu.memory_space<semaphore_mem>>
      %dma_start3A_110 = arith.constant 0 : i32
      %dma_start3A_111 = arith.constant 0 : i32
      %dma_start3A_112 = tpu.memref_slice %arg3[%add3A, %dma_start3A_110, %dma_start3A_111] : memref<32x20x512xi32, #tpu.memory_space<hbm>> -> memref<1x20x512xi32, #tpu.memory_space<hbm>>
      %dma_start3A_113 = tpu.memref_squeeze %dma_start3A_112 : memref<1x20x512xi32, #tpu.memory_space<hbm>> -> memref<20x512xi32, #tpu.memory_space<hbm>>
      %dma_start3A_114 = arith.constant 0 : i32
      %dma_start3A_115 = arith.constant 0 : i32
      %dma_start3A_116 = tpu.memref_slice %arg3[%add3A, %dma_start3A_114, %dma_start3A_115] : memref<32x20x512xi32, #tpu.memory_space<hbm>> -> memref<1x20x512xi32, #tpu.memory_space<hbm>>
      %dma_start3A_117 = tpu.memref_squeeze %dma_start3A_116 : memref<1x20x512xi32, #tpu.memory_space<hbm>> -> memref<20x512xi32, #tpu.memory_space<hbm>>
      tpu.enqueue_dma source(%dma_start3A_117 : memref<20x512xi32, #tpu.memory_space<hbm>>) target(%arg7 : memref<20x512xi32, #tpu.memory_space<vmem>>) target_semaphore(%run_scoped3A : memref<!tpu.dma_semaphore, #tpu.memory_space<semaphore_mem>>)
      %dma_wait3A_118 = arith.constant 0 : i32
      %dma_wait3A_119 = arith.constant 0 : i32
      %dma_wait3A_120 = tpu.memref_slice %arg3[%add3A, %dma_wait3A_118, %dma_wait3A_119] : memref<32x20x512xi32, #tpu.memory_space<hbm>> -> memref<1x20x512xi32, #tpu.memory_space<hbm>>
      %dma_wait3A_121 = tpu.memref_squeeze %dma_wait3A_120 : memref<1x20x512xi32, #tpu.memory_space<hbm>> -> memref<20x512xi32, #tpu.memory_space<hbm>>
      %dma_wait3A_122 = arith.constant 0 : i32
      %dma_wait3A_123 = arith.constant 0 : i32
      %dma_wait3A_124 = tpu.memref_slice %arg3[%add3A, %dma_wait3A_122, %dma_wait3A_123] : memref<32x20x512xi32, #tpu.memory_space<hbm>> -> memref<1x20x512xi32, #tpu.memory_space<hbm>>
      %dma_wait3A_125 = tpu.memref_squeeze %dma_wait3A_124 : memref<1x20x512xi32, #tpu.memory_space<hbm>> -> memref<20x512xi32, #tpu.memory_space<hbm>>
      tpu.wait_dma2 semaphore(%run_scoped3A : memref<!tpu.dma_semaphore, #tpu.memory_space<semaphore_mem>>) src(%dma_wait3A_125 : memref<20x512xi32, #tpu.memory_space<hbm>>) dst(%arg7 : memref<20x512xi32, #tpu.memory_space<vmem>>)
      tpu.yield
    }) : () -> ()
    "tpu.region"() ({
      %run_scoped3A = tpu.sem_alloc : memref<!tpu.dma_semaphore, #tpu.memory_space<semaphore_mem>>
      %dma_start3A_110 = arith.constant 0 : i32
      %dma_start3A_111 = arith.constant 0 : i32
      %dma_start3A_112 = tpu.memref_slice %arg4[%add3A, %dma_start3A_110, %dma_start3A_111] : memref<32x20x512xi32, #tpu.memory_space<hbm>> -> memref<1x20x512xi32, #tpu.memory_space<hbm>>
      %dma_start3A_113 = tpu.memref_squeeze %dma_start3A_112 : memref<1x20x512xi32, #tpu.memory_space<hbm>> -> memref<20x512xi32, #tpu.memory_space<hbm>>
      %dma_start3A_114 = arith.constant 0 : i32
      %dma_start3A_115 = arith.constant 0 : i32
      %dma_start3A_116 = tpu.memref_slice %arg4[%add3A, %dma_start3A_114, %dma_start3A_115] : memref<32x20x512xi32, #tpu.memory_space<hbm>> -> memref<1x20x512xi32, #tpu.memory_space<hbm>>
      %dma_start3A_117 = tpu.memref_squeeze %dma_start3A_116 : memref<1x20x512xi32, #tpu.memory_space<hbm>> -> memref<20x512xi32, #tpu.memory_space<hbm>>
      tpu.enqueue_dma source(%dma_start3A_117 : memref<20x512xi32, #tpu.memory_space<hbm>>) target(%arg8 : memref<20x512xi32, #tpu.memory_space<vmem>>) target_semaphore(%run_scoped3A : memref<!tpu.dma_semaphore, #tpu.memory_space<semaphore_mem>>)
      %dma_wait3A_118 = arith.constant 0 : i32
      %dma_wait3A_119 = arith.constant 0 : i32
      %dma_wait3A_120 = tpu.memref_slice %arg4[%add3A, %dma_wait3A_118, %dma_wait3A_119] : memref<32x20x512xi32, #tpu.memory_space<hbm>> -> memref<1x20x512xi32, #tpu.memory_space<hbm>>
      %dma_wait3A_121 = tpu.memref_squeeze %dma_wait3A_120 : memref<1x20x512xi32, #tpu.memory_space<hbm>> -> memref<20x512xi32, #tpu.memory_space<hbm>>
      %dma_wait3A_122 = arith.constant 0 : i32
      %dma_wait3A_123 = arith.constant 0 : i32
      %dma_wait3A_124 = tpu.memref_slice %arg4[%add3A, %dma_wait3A_122, %dma_wait3A_123] : memref<32x20x512xi32, #tpu.memory_space<hbm>> -> memref<1x20x512xi32, #tpu.memory_space<hbm>>
      %dma_wait3A_125 = tpu.memref_squeeze %dma_wait3A_124 : memref<1x20x512xi32, #tpu.memory_space<hbm>> -> memref<20x512xi32, #tpu.memory_space<hbm>>
      tpu.wait_dma2 semaphore(%run_scoped3A : memref<!tpu.dma_semaphore, #tpu.memory_space<semaphore_mem>>) src(%dma_wait3A_125 : memref<20x512xi32, #tpu.memory_space<hbm>>) dst(%arg8 : memref<20x512xi32, #tpu.memory_space<vmem>>)
      tpu.yield
    }) : () -> ()
    %mul3A_1 = arith.constant 640 : i32
    %mul3A_2 = arith.muli %arg1, %mul3A_1 : i32
    "tpu.region"() ({
      %run_scoped3A = tpu.sem_alloc : memref<!tpu.dma_semaphore, #tpu.memory_space<semaphore_mem>>
      %dma_start3A_110 = arith.constant 0 : i32
      %dma_start3A_111 = tpu.memref_slice %arg10[%mul3A_2, %dma_start3A_110] : memref<10240x8xf32, #tpu.memory_space<vmem_shared>> -> memref<640x8xf32, #tpu.memory_space<vmem_shared>>
      tpu.enqueue_dma source(%arg5 : memref<640x8xf32, #tpu.memory_space<hbm>>) target(%dma_start3A_111 : memref<640x8xf32, #tpu.memory_space<vmem_shared>>) target_semaphore(%run_scoped3A : memref<!tpu.dma_semaphore, #tpu.memory_space<semaphore_mem>>)
      %dma_wait3A_112 = arith.constant 0 : i32
      %dma_wait3A_113 = tpu.memref_slice %arg10[%mul3A_2, %dma_wait3A_112] : memref<10240x8xf32, #tpu.memory_space<vmem_shared>> -> memref<640x8xf32, #tpu.memory_space<vmem_shared>>
      tpu.wait_dma2 semaphore(%run_scoped3A : memref<!tpu.dma_semaphore, #tpu.memory_space<semaphore_mem>>) src(%arg5 : memref<640x8xf32, #tpu.memory_space<hbm>>) dst(%dma_wait3A_113 : memref<640x8xf32, #tpu.memory_space<vmem_shared>>)
      tpu.yield
    }) : () -> ()
    %barrier3A = arith.constant 0 : index
    tpu.barrier barrier_id(%barrier3A)
    %dma_start3A = arith.constant 0 : i32
    %dma_start3A_3 = arith.constant 0 : i32
    %dma_start3A_4 = arith.constant 0 : i32
    %dma_start3A_5 = arith.constant 0 : i32
    %dma_start3A_6 = tpu.memref_slice %arg9[%dma_start3A_3, %dma_start3A_4, %dma_start3A_5] : memref<2x512x8xf32, #tpu.memory_space<vmem>> -> memref<1x512x8xf32, #tpu.memory_space<vmem>>
    %dma_start3A_7 = tpu.memref_squeeze %dma_start3A_6 : memref<1x512x8xf32, #tpu.memory_space<vmem>> -> memref<512x8xf32, #tpu.memory_space<vmem>>
    %dma_start3A_8 = arith.constant 0 : i32
    %dma_start3A_9 = tpu.memref_slice %arg7[%dma_start3A, %dma_start3A_8] : memref<20x512xi32, #tpu.memory_space<vmem>> -> memref<1x512xi32, #tpu.memory_space<vmem>>
    %dma_start3A_10 = tpu.memref_squeeze %dma_start3A_9 : memref<1x512xi32, #tpu.memory_space<vmem>> -> memref<512xi32, #tpu.memory_space<vmem>>
    %dma_start3A_11 = arith.constant 0 : i32
    %dma_start3A_12 = arith.constant 0 : i32
    %dma_start3A_13 = tpu.memref_slice %arg2[%dma_start3A_11, %dma_start3A_12] : memref<10240x8xf32, #tpu.memory_space<hbm>> -> memref<10240x8xf32, #tpu.memory_space<hbm>>
    tpu.enqueue_indirect_dma source(%dma_start3A_13 : memref<10240x8xf32, #tpu.memory_space<hbm>>) target(%dma_start3A_7 : memref<512x8xf32, #tpu.memory_space<vmem>>) offsets(%dma_start3A_10 : memref<512xi32, #tpu.memory_space<vmem>>) semaphore(%arg12 : memref<!tpu.dma_semaphore, #tpu.memory_space<semaphore_mem>>)
    %scan3A = arith.constant 0 : i32
    %scan3A_14 = arith.constant 0 : i32
    %scan3A_15 = arith.constant 9 : i32
    %scan3A_16 = arith.addi %scan3A_14, %scan3A_15 : i32
    %scan3A_17 = arith.constant 1 : i32
    scf.for %scan3A_110 = %scan3A_14 to %scan3A_16 step %scan3A_17  : i32 {
      %mul3A_111 = arith.constant 2 : i32
      %mul3A_112 = arith.muli %mul3A_111, %scan3A_110 : i32
      %dma_wait3A_113 = arith.constant 0 : i32
      %dma_wait3A_114 = arith.constant 0 : i32
      %dma_wait3A_115 = arith.constant 0 : i32
      %dma_wait3A_116 = arith.constant 0 : i32
      %dma_wait3A_117 = tpu.memref_slice %arg9[%dma_wait3A_114, %dma_wait3A_115, %dma_wait3A_116] : memref<2x512x8xf32, #tpu.memory_space<vmem>> -> memref<1x512x8xf32, #tpu.memory_space<vmem>>
      %dma_wait3A_118 = tpu.memref_squeeze %dma_wait3A_117 : memref<1x512x8xf32, #tpu.memory_space<vmem>> -> memref<512x8xf32, #tpu.memory_space<vmem>>
      %dma_wait3A_119 = arith.constant 0 : i32
      %dma_wait3A_120 = tpu.memref_slice %arg7[%dma_wait3A_113, %dma_wait3A_119] : memref<20x512xi32, #tpu.memory_space<vmem>> -> memref<1x512xi32, #tpu.memory_space<vmem>>
      %dma_wait3A_121 = tpu.memref_squeeze %dma_wait3A_120 : memref<1x512xi32, #tpu.memory_space<vmem>> -> memref<512xi32, #tpu.memory_space<vmem>>
      %dma_wait3A_122 = arith.constant 0 : i32
      %dma_wait3A_123 = arith.constant 0 : i32
      %dma_wait3A_124 = tpu.memref_slice %arg2[%dma_wait3A_122, %dma_wait3A_123] : memref<10240x8xf32, #tpu.memory_space<hbm>> -> memref<10240x8xf32, #tpu.memory_space<hbm>>
      tpu.wait_indirect_dma semaphore(%arg12 : memref<!tpu.dma_semaphore, #tpu.memory_space<semaphore_mem>>) src(%dma_wait3A_124 : memref<10240x8xf32, #tpu.memory_space<hbm>>) dst(%dma_wait3A_118 : memref<512x8xf32, #tpu.memory_space<vmem>>)
      %add3A_125 = arith.constant 1 : i32
      %add3A_126 = arith.addi %mul3A_112, %add3A_125 : i32
      %dma_start3A_127 = arith.constant 1 : i32
      %dma_start3A_128 = arith.constant 0 : i32
      %dma_start3A_129 = arith.constant 0 : i32
      %dma_start3A_130 = tpu.memref_slice %arg9[%dma_start3A_127, %dma_start3A_128, %dma_start3A_129] : memref<2x512x8xf32, #tpu.memory_space<vmem>> -> memref<1x512x8xf32, #tpu.memory_space<vmem>>
      %dma_start3A_131 = tpu.memref_squeeze %dma_start3A_130 : memref<1x512x8xf32, #tpu.memory_space<vmem>> -> memref<512x8xf32, #tpu.memory_space<vmem>>
      %dma_start3A_132 = arith.constant 0 : i32
      %dma_start3A_133 = tpu.memref_slice %arg7[%add3A_126, %dma_start3A_132] : memref<20x512xi32, #tpu.memory_space<vmem>> -> memref<1x512xi32, #tpu.memory_space<vmem>>
      %dma_start3A_134 = tpu.memref_squeeze %dma_start3A_133 : memref<1x512xi32, #tpu.memory_space<vmem>> -> memref<512xi32, #tpu.memory_space<vmem>>
      %dma_start3A_135 = arith.constant 0 : i32
      %dma_start3A_136 = arith.constant 0 : i32
      %dma_start3A_137 = tpu.memref_slice %arg2[%dma_start3A_135, %dma_start3A_136] : memref<10240x8xf32, #tpu.memory_space<hbm>> -> memref<10240x8xf32, #tpu.memory_space<hbm>>
      tpu.enqueue_indirect_dma source(%dma_start3A_137 : memref<10240x8xf32, #tpu.memory_space<hbm>>) target(%dma_start3A_131 : memref<512x8xf32, #tpu.memory_space<vmem>>) offsets(%dma_start3A_134 : memref<512xi32, #tpu.memory_space<vmem>>) semaphore(%arg13 : memref<!tpu.dma_semaphore, #tpu.memory_space<semaphore_mem>>)
      %dma_start3A_138 = arith.constant 0 : i32
      %dma_start3A_139 = arith.constant 0 : i32
      %dma_start3A_140 = arith.constant 0 : i32
      %dma_start3A_141 = tpu.memref_slice %arg9[%dma_start3A_138, %dma_start3A_139, %dma_start3A_140] : memref<2x512x8xf32, #tpu.memory_space<vmem>> -> memref<1x512x8xf32, #tpu.memory_space<vmem>>
      %dma_start3A_142 = tpu.memref_squeeze %dma_start3A_141 : memref<1x512x8xf32, #tpu.memory_space<vmem>> -> memref<512x8xf32, #tpu.memory_space<vmem>>
      %dma_start3A_143 = arith.constant 0 : i32
      %dma_start3A_144 = tpu.memref_slice %arg8[%mul3A_112, %dma_start3A_143] : memref<20x512xi32, #tpu.memory_space<vmem>> -> memref<1x512xi32, #tpu.memory_space<vmem>>
      %dma_start3A_145 = tpu.memref_squeeze %dma_start3A_144 : memref<1x512xi32, #tpu.memory_space<vmem>> -> memref<512xi32, #tpu.memory_space<vmem>>
      %dma_start3A_146 = arith.constant 0 : i32
      %dma_start3A_147 = arith.constant 0 : i32
      %dma_start3A_148 = tpu.memref_slice %arg10[%dma_start3A_146, %dma_start3A_147] : memref<10240x8xf32, #tpu.memory_space<vmem_shared>> -> memref<10240x8xf32, #tpu.memory_space<vmem_shared>>
      tpu.enqueue_indirect_dma source(%dma_start3A_142 : memref<512x8xf32, #tpu.memory_space<vmem>>) target(%dma_start3A_148 : memref<10240x8xf32, #tpu.memory_space<vmem_shared>>) offsets(%dma_start3A_145 : memref<512xi32, #tpu.memory_space<vmem>>) semaphore(%arg14 : memref<!tpu.dma_semaphore, #tpu.memory_space<semaphore_mem>>) {add = true}
      %dma_wait3A_149 = arith.constant 0 : i32
      %dma_wait3A_150 = arith.constant 1 : i32
      %dma_wait3A_151 = arith.constant 0 : i32
      %dma_wait3A_152 = arith.constant 0 : i32
      %dma_wait3A_153 = tpu.memref_slice %arg9[%dma_wait3A_150, %dma_wait3A_151, %dma_wait3A_152] : memref<2x512x8xf32, #tpu.memory_space<vmem>> -> memref<1x512x8xf32, #tpu.memory_space<vmem>>
      %dma_wait3A_154 = tpu.memref_squeeze %dma_wait3A_153 : memref<1x512x8xf32, #tpu.memory_space<vmem>> -> memref<512x8xf32, #tpu.memory_space<vmem>>
      %dma_wait3A_155 = arith.constant 0 : i32
      %dma_wait3A_156 = tpu.memref_slice %arg7[%dma_wait3A_149, %dma_wait3A_155] : memref<20x512xi32, #tpu.memory_space<vmem>> -> memref<1x512xi32, #tpu.memory_space<vmem>>
      %dma_wait3A_157 = tpu.memref_squeeze %dma_wait3A_156 : memref<1x512xi32, #tpu.memory_space<vmem>> -> memref<512xi32, #tpu.memory_space<vmem>>
      %dma_wait3A_158 = arith.constant 0 : i32
      %dma_wait3A_159 = arith.constant 0 : i32
      %dma_wait3A_160 = tpu.memref_slice %arg2[%dma_wait3A_158, %dma_wait3A_159] : memref<10240x8xf32, #tpu.memory_space<hbm>> -> memref<10240x8xf32, #tpu.memory_space<hbm>>
      tpu.wait_indirect_dma semaphore(%arg13 : memref<!tpu.dma_semaphore, #tpu.memory_space<semaphore_mem>>) src(%dma_wait3A_160 : memref<10240x8xf32, #tpu.memory_space<hbm>>) dst(%dma_wait3A_154 : memref<512x8xf32, #tpu.memory_space<vmem>>)
      %dma_wait3A_161 = arith.constant 0 : i32
      %dma_wait3A_162 = arith.constant 0 : i32
      %dma_wait3A_163 = arith.constant 0 : i32
      %dma_wait3A_164 = arith.constant 0 : i32
      %dma_wait3A_165 = tpu.memref_slice %arg9[%dma_wait3A_161, %dma_wait3A_163, %dma_wait3A_164] : memref<2x512x8xf32, #tpu.memory_space<vmem>> -> memref<1x512x8xf32, #tpu.memory_space<vmem>>
      %dma_wait3A_166 = tpu.memref_squeeze %dma_wait3A_165 : memref<1x512x8xf32, #tpu.memory_space<vmem>> -> memref<512x8xf32, #tpu.memory_space<vmem>>
      %dma_wait3A_167 = arith.constant 0 : i32
      %dma_wait3A_168 = tpu.memref_slice %arg8[%dma_wait3A_162, %dma_wait3A_167] : memref<20x512xi32, #tpu.memory_space<vmem>> -> memref<1x512xi32, #tpu.memory_space<vmem>>
      %dma_wait3A_169 = tpu.memref_squeeze %dma_wait3A_168 : memref<1x512xi32, #tpu.memory_space<vmem>> -> memref<512xi32, #tpu.memory_space<vmem>>
      %dma_wait3A_170 = arith.constant 0 : i32
      %dma_wait3A_171 = arith.constant 0 : i32
      %dma_wait3A_172 = tpu.memref_slice %arg10[%dma_wait3A_170, %dma_wait3A_171] : memref<10240x8xf32, #tpu.memory_space<vmem_shared>> -> memref<10240x8xf32, #tpu.memory_space<vmem_shared>>
      tpu.wait_indirect_dma semaphore(%arg14 : memref<!tpu.dma_semaphore, #tpu.memory_space<semaphore_mem>>) src(%dma_wait3A_166 : memref<512x8xf32, #tpu.memory_space<vmem>>) dst(%dma_wait3A_172 : memref<10240x8xf32, #tpu.memory_space<vmem_shared>>)
      %add3A_173 = arith.constant 2 : i32
      %add3A_174 = arith.addi %mul3A_112, %add3A_173 : i32
      %dma_start3A_175 = arith.constant 0 : i32
      %dma_start3A_176 = arith.constant 0 : i32
      %dma_start3A_177 = arith.constant 0 : i32
      %dma_start3A_178 = tpu.memref_slice %arg9[%dma_start3A_175, %dma_start3A_176, %dma_start3A_177] : memref<2x512x8xf32, #tpu.memory_space<vmem>> -> memref<1x512x8xf32, #tpu.memory_space<vmem>>
      %dma_start3A_179 = tpu.memref_squeeze %dma_start3A_178 : memref<1x512x8xf32, #tpu.memory_space<vmem>> -> memref<512x8xf32, #tpu.memory_space<vmem>>
      %dma_start3A_180 = arith.constant 0 : i32
      %dma_start3A_181 = tpu.memref_slice %arg7[%add3A_174, %dma_start3A_180] : memref<20x512xi32, #tpu.memory_space<vmem>> -> memref<1x512xi32, #tpu.memory_space<vmem>>
      %dma_start3A_182 = tpu.memref_squeeze %dma_start3A_181 : memref<1x512xi32, #tpu.memory_space<vmem>> -> memref<512xi32, #tpu.memory_space<vmem>>
      %dma_start3A_183 = arith.constant 0 : i32
      %dma_start3A_184 = arith.constant 0 : i32
      %dma_start3A_185 = tpu.memref_slice %arg2[%dma_start3A_183, %dma_start3A_184] : memref<10240x8xf32, #tpu.memory_space<hbm>> -> memref<10240x8xf32, #tpu.memory_space<hbm>>
      tpu.enqueue_indirect_dma source(%dma_start3A_185 : memref<10240x8xf32, #tpu.memory_space<hbm>>) target(%dma_start3A_179 : memref<512x8xf32, #tpu.memory_space<vmem>>) offsets(%dma_start3A_182 : memref<512xi32, #tpu.memory_space<vmem>>) semaphore(%arg12 : memref<!tpu.dma_semaphore, #tpu.memory_space<semaphore_mem>>)
      %add3A_186 = arith.constant 1 : i32
      %add3A_187 = arith.addi %mul3A_112, %add3A_186 : i32
      %dma_start3A_188 = arith.constant 1 : i32
      %dma_start3A_189 = arith.constant 0 : i32
      %dma_start3A_190 = arith.constant 0 : i32
      %dma_start3A_191 = tpu.memref_slice %arg9[%dma_start3A_188, %dma_start3A_189, %dma_start3A_190] : memref<2x512x8xf32, #tpu.memory_space<vmem>> -> memref<1x512x8xf32, #tpu.memory_space<vmem>>
      %dma_start3A_192 = tpu.memref_squeeze %dma_start3A_191 : memref<1x512x8xf32, #tpu.memory_space<vmem>> -> memref<512x8xf32, #tpu.memory_space<vmem>>
      %dma_start3A_193 = arith.constant 0 : i32
      %dma_start3A_194 = tpu.memref_slice %arg8[%add3A_187, %dma_start3A_193] : memref<20x512xi32, #tpu.memory_space<vmem>> -> memref<1x512xi32, #tpu.memory_space<vmem>>
      %dma_start3A_195 = tpu.memref_squeeze %dma_start3A_194 : memref<1x512xi32, #tpu.memory_space<vmem>> -> memref<512xi32, #tpu.memory_space<vmem>>
      %dma_start3A_196 = arith.constant 0 : i32
      %dma_start3A_197 = arith.constant 0 : i32
      %dma_start3A_198 = tpu.memref_slice %arg10[%dma_start3A_196, %dma_start3A_197] : memref<10240x8xf32, #tpu.memory_space<vmem_shared>> -> memref<10240x8xf32, #tpu.memory_space<vmem_shared>>
      tpu.enqueue_indirect_dma source(%dma_start3A_192 : memref<512x8xf32, #tpu.memory_space<vmem>>) target(%dma_start3A_198 : memref<10240x8xf32, #tpu.memory_space<vmem_shared>>) offsets(%dma_start3A_195 : memref<512xi32, #tpu.memory_space<vmem>>) semaphore(%arg15 : memref<!tpu.dma_semaphore, #tpu.memory_space<semaphore_mem>>) {add = true}
      %dma_wait3A_199 = arith.constant 1 : i32
      %dma_wait3A_200 = arith.constant 0 : i32
      %dma_wait3A_201 = arith.constant 0 : i32
      %dma_wait3A_202 = arith.constant 0 : i32
      %dma_wait3A_203 = tpu.memref_slice %arg9[%dma_wait3A_199, %dma_wait3A_201, %dma_wait3A_202] : memref<2x512x8xf32, #tpu.memory_space<vmem>> -> memref<1x512x8xf32, #tpu.memory_space<vmem>>
      %dma_wait3A_204 = tpu.memref_squeeze %dma_wait3A_203 : memref<1x512x8xf32, #tpu.memory_space<vmem>> -> memref<512x8xf32, #tpu.memory_space<vmem>>
      %dma_wait3A_205 = arith.constant 0 : i32
      %dma_wait3A_206 = tpu.memref_slice %arg8[%dma_wait3A_200, %dma_wait3A_205] : memref<20x512xi32, #tpu.memory_space<vmem>> -> memref<1x512xi32, #tpu.memory_space<vmem>>
      %dma_wait3A_207 = tpu.memref_squeeze %dma_wait3A_206 : memref<1x512xi32, #tpu.memory_space<vmem>> -> memref<512xi32, #tpu.memory_space<vmem>>
      %dma_wait3A_208 = arith.constant 0 : i32
      %dma_wait3A_209 = arith.constant 0 : i32
      %dma_wait3A_210 = tpu.memref_slice %arg10[%dma_wait3A_208, %dma_wait3A_209] : memref<10240x8xf32, #tpu.memory_space<vmem_shared>> -> memref<10240x8xf32, #tpu.memory_space<vmem_shared>>
      tpu.wait_indirect_dma semaphore(%arg15 : memref<!tpu.dma_semaphore, #tpu.memory_space<semaphore_mem>>) src(%dma_wait3A_204 : memref<512x8xf32, #tpu.memory_space<vmem>>) dst(%dma_wait3A_210 : memref<10240x8xf32, #tpu.memory_space<vmem_shared>>)
    }
    %scan3A_18 = arith.constant 9 : i32
    %dma_wait3A = arith.constant 0 : i32
    %dma_wait3A_19 = arith.constant 0 : i32
    %dma_wait3A_20 = arith.constant 0 : i32
    %dma_wait3A_21 = arith.constant 0 : i32
    %dma_wait3A_22 = tpu.memref_slice %arg9[%dma_wait3A_19, %dma_wait3A_20, %dma_wait3A_21] : memref<2x512x8xf32, #tpu.memory_space<vmem>> -> memref<1x512x8xf32, #tpu.memory_space<vmem>>
    %dma_wait3A_23 = tpu.memref_squeeze %dma_wait3A_22 : memref<1x512x8xf32, #tpu.memory_space<vmem>> -> memref<512x8xf32, #tpu.memory_space<vmem>>
    %dma_wait3A_24 = arith.constant 0 : i32
    %dma_wait3A_25 = tpu.memref_slice %arg7[%dma_wait3A, %dma_wait3A_24] : memref<20x512xi32, #tpu.memory_space<vmem>> -> memref<1x512xi32, #tpu.memory_space<vmem>>
    %dma_wait3A_26 = tpu.memref_squeeze %dma_wait3A_25 : memref<1x512xi32, #tpu.memory_space<vmem>> -> memref<512xi32, #tpu.memory_space<vmem>>
    %dma_wait3A_27 = arith.constant 0 : i32
    %dma_wait3A_28 = arith.constant 0 : i32
    %dma_wait3A_29 = tpu.memref_slice %arg2[%dma_wait3A_27, %dma_wait3A_28] : memref<10240x8xf32, #tpu.memory_space<hbm>> -> memref<10240x8xf32, #tpu.memory_space<hbm>>
    tpu.wait_indirect_dma semaphore(%arg12 : memref<!tpu.dma_semaphore, #tpu.memory_space<semaphore_mem>>) src(%dma_wait3A_29 : memref<10240x8xf32, #tpu.memory_space<hbm>>) dst(%dma_wait3A_23 : memref<512x8xf32, #tpu.memory_space<vmem>>)
    %dma_start3A_30 = arith.constant 19 : i32
    %dma_start3A_31 = arith.constant 1 : i32
    %dma_start3A_32 = arith.constant 0 : i32
    %dma_start3A_33 = arith.constant 0 : i32
    %dma_start3A_34 = tpu.memref_slice %arg9[%dma_start3A_31, %dma_start3A_32, %dma_start3A_33] : memref<2x512x8xf32, #tpu.memory_space<vmem>> -> memref<1x512x8xf32, #tpu.memory_space<vmem>>
    %dma_start3A_35 = tpu.memref_squeeze %dma_start3A_34 : memref<1x512x8xf32, #tpu.memory_space<vmem>> -> memref<512x8xf32, #tpu.memory_space<vmem>>
    %dma_start3A_36 = arith.constant 0 : i32
    %dma_start3A_37 = tpu.memref_slice %arg7[%dma_start3A_30, %dma_start3A_36] : memref<20x512xi32, #tpu.memory_space<vmem>> -> memref<1x512xi32, #tpu.memory_space<vmem>>
    %dma_start3A_38 = tpu.memref_squeeze %dma_start3A_37 : memref<1x512xi32, #tpu.memory_space<vmem>> -> memref<512xi32, #tpu.memory_space<vmem>>
    %dma_start3A_39 = arith.constant 0 : i32
    %dma_start3A_40 = arith.constant 0 : i32
    %dma_start3A_41 = tpu.memref_slice %arg2[%dma_start3A_39, %dma_start3A_40] : memref<10240x8xf32, #tpu.memory_space<hbm>> -> memref<10240x8xf32, #tpu.memory_space<hbm>>
    tpu.enqueue_indirect_dma source(%dma_start3A_41 : memref<10240x8xf32, #tpu.memory_space<hbm>>) target(%dma_start3A_35 : memref<512x8xf32, #tpu.memory_space<vmem>>) offsets(%dma_start3A_38 : memref<512xi32, #tpu.memory_space<vmem>>) semaphore(%arg13 : memref<!tpu.dma_semaphore, #tpu.memory_space<semaphore_mem>>)
    %dma_start3A_42 = arith.constant 0 : i32
    %dma_start3A_43 = arith.constant 18 : i32
    %dma_start3A_44 = arith.constant 0 : i32
    %dma_start3A_45 = arith.constant 0 : i32
    %dma_start3A_46 = tpu.memref_slice %arg9[%dma_start3A_42, %dma_start3A_44, %dma_start3A_45] : memref<2x512x8xf32, #tpu.memory_space<vmem>> -> memref<1x512x8xf32, #tpu.memory_space<vmem>>
    %dma_start3A_47 = tpu.memref_squeeze %dma_start3A_46 : memref<1x512x8xf32, #tpu.memory_space<vmem>> -> memref<512x8xf32, #tpu.memory_space<vmem>>
    %dma_start3A_48 = arith.constant 0 : i32
    %dma_start3A_49 = tpu.memref_slice %arg8[%dma_start3A_43, %dma_start3A_48] : memref<20x512xi32, #tpu.memory_space<vmem>> -> memref<1x512xi32, #tpu.memory_space<vmem>>
    %dma_start3A_50 = tpu.memref_squeeze %dma_start3A_49 : memref<1x512xi32, #tpu.memory_space<vmem>> -> memref<512xi32, #tpu.memory_space<vmem>>
    %dma_start3A_51 = arith.constant 0 : i32
    %dma_start3A_52 = arith.constant 0 : i32
    %dma_start3A_53 = tpu.memref_slice %arg10[%dma_start3A_51, %dma_start3A_52] : memref<10240x8xf32, #tpu.memory_space<vmem_shared>> -> memref<10240x8xf32, #tpu.memory_space<vmem_shared>>
    tpu.enqueue_indirect_dma source(%dma_start3A_47 : memref<512x8xf32, #tpu.memory_space<vmem>>) target(%dma_start3A_53 : memref<10240x8xf32, #tpu.memory_space<vmem_shared>>) offsets(%dma_start3A_50 : memref<512xi32, #tpu.memory_space<vmem>>) semaphore(%arg14 : memref<!tpu.dma_semaphore, #tpu.memory_space<semaphore_mem>>) {add = true}
    %dma_wait3A_54 = arith.constant 0 : i32
    %dma_wait3A_55 = arith.constant 1 : i32
    %dma_wait3A_56 = arith.constant 0 : i32
    %dma_wait3A_57 = arith.constant 0 : i32
    %dma_wait3A_58 = tpu.memref_slice %arg9[%dma_wait3A_55, %dma_wait3A_56, %dma_wait3A_57] : memref<2x512x8xf32, #tpu.memory_space<vmem>> -> memref<1x512x8xf32, #tpu.memory_space<vmem>>
    %dma_wait3A_59 = tpu.memref_squeeze %dma_wait3A_58 : memref<1x512x8xf32, #tpu.memory_space<vmem>> -> memref<512x8xf32, #tpu.memory_space<vmem>>
    %dma_wait3A_60 = arith.constant 0 : i32
    %dma_wait3A_61 = tpu.memref_slice %arg7[%dma_wait3A_54, %dma_wait3A_60] : memref<20x512xi32, #tpu.memory_space<vmem>> -> memref<1x512xi32, #tpu.memory_space<vmem>>
    %dma_wait3A_62 = tpu.memref_squeeze %dma_wait3A_61 : memref<1x512xi32, #tpu.memory_space<vmem>> -> memref<512xi32, #tpu.memory_space<vmem>>
    %dma_wait3A_63 = arith.constant 0 : i32
    %dma_wait3A_64 = arith.constant 0 : i32
    %dma_wait3A_65 = tpu.memref_slice %arg2[%dma_wait3A_63, %dma_wait3A_64] : memref<10240x8xf32, #tpu.memory_space<hbm>> -> memref<10240x8xf32, #tpu.memory_space<hbm>>
    tpu.wait_indirect_dma semaphore(%arg13 : memref<!tpu.dma_semaphore, #tpu.memory_space<semaphore_mem>>) src(%dma_wait3A_65 : memref<10240x8xf32, #tpu.memory_space<hbm>>) dst(%dma_wait3A_59 : memref<512x8xf32, #tpu.memory_space<vmem>>)
    %dma_wait3A_66 = arith.constant 0 : i32
    %dma_wait3A_67 = arith.constant 0 : i32
    %dma_wait3A_68 = arith.constant 0 : i32
    %dma_wait3A_69 = arith.constant 0 : i32
    %dma_wait3A_70 = tpu.memref_slice %arg9[%dma_wait3A_66, %dma_wait3A_68, %dma_wait3A_69] : memref<2x512x8xf32, #tpu.memory_space<vmem>> -> memref<1x512x8xf32, #tpu.memory_space<vmem>>
    %dma_wait3A_71 = tpu.memref_squeeze %dma_wait3A_70 : memref<1x512x8xf32, #tpu.memory_space<vmem>> -> memref<512x8xf32, #tpu.memory_space<vmem>>
    %dma_wait3A_72 = arith.constant 0 : i32
    %dma_wait3A_73 = tpu.memref_slice %arg8[%dma_wait3A_67, %dma_wait3A_72] : memref<20x512xi32, #tpu.memory_space<vmem>> -> memref<1x512xi32, #tpu.memory_space<vmem>>
    %dma_wait3A_74 = tpu.memref_squeeze %dma_wait3A_73 : memref<1x512xi32, #tpu.memory_space<vmem>> -> memref<512xi32, #tpu.memory_space<vmem>>
    %dma_wait3A_75 = arith.constant 0 : i32
    %dma_wait3A_76 = arith.constant 0 : i32
    %dma_wait3A_77 = tpu.memref_slice %arg10[%dma_wait3A_75, %dma_wait3A_76] : memref<10240x8xf32, #tpu.memory_space<vmem_shared>> -> memref<10240x8xf32, #tpu.memory_space<vmem_shared>>
    tpu.wait_indirect_dma semaphore(%arg14 : memref<!tpu.dma_semaphore, #tpu.memory_space<semaphore_mem>>) src(%dma_wait3A_71 : memref<512x8xf32, #tpu.memory_space<vmem>>) dst(%dma_wait3A_77 : memref<10240x8xf32, #tpu.memory_space<vmem_shared>>)
    %dma_start3A_78 = arith.constant 1 : i32
    %dma_start3A_79 = arith.constant 19 : i32
    %dma_start3A_80 = arith.constant 0 : i32
    %dma_start3A_81 = arith.constant 0 : i32
    %dma_start3A_82 = tpu.memref_slice %arg9[%dma_start3A_78, %dma_start3A_80, %dma_start3A_81] : memref<2x512x8xf32, #tpu.memory_space<vmem>> -> memref<1x512x8xf32, #tpu.memory_space<vmem>>
    %dma_start3A_83 = tpu.memref_squeeze %dma_start3A_82 : memref<1x512x8xf32, #tpu.memory_space<vmem>> -> memref<512x8xf32, #tpu.memory_space<vmem>>
    %dma_start3A_84 = arith.constant 0 : i32
    %dma_start3A_85 = tpu.memref_slice %arg8[%dma_start3A_79, %dma_start3A_84] : memref<20x512xi32, #tpu.memory_space<vmem>> -> memref<1x512xi32, #tpu.memory_space<vmem>>
    %dma_start3A_86 = tpu.memref_squeeze %dma_start3A_85 : memref<1x512xi32, #tpu.memory_space<vmem>> -> memref<512xi32, #tpu.memory_space<vmem>>
    %dma_start3A_87 = arith.constant 0 : i32
    %dma_start3A_88 = arith.constant 0 : i32
    %dma_start3A_89 = tpu.memref_slice %arg10[%dma_start3A_87, %dma_start3A_88] : memref<10240x8xf32, #tpu.memory_space<vmem_shared>> -> memref<10240x8xf32, #tpu.memory_space<vmem_shared>>
    tpu.enqueue_indirect_dma source(%dma_start3A_83 : memref<512x8xf32, #tpu.memory_space<vmem>>) target(%dma_start3A_89 : memref<10240x8xf32, #tpu.memory_space<vmem_shared>>) offsets(%dma_start3A_86 : memref<512xi32, #tpu.memory_space<vmem>>) semaphore(%arg15 : memref<!tpu.dma_semaphore, #tpu.memory_space<semaphore_mem>>) {add = true}
    %dma_wait3A_90 = arith.constant 1 : i32
    %dma_wait3A_91 = arith.constant 0 : i32
    %dma_wait3A_92 = arith.constant 0 : i32
    %dma_wait3A_93 = arith.constant 0 : i32
    %dma_wait3A_94 = tpu.memref_slice %arg9[%dma_wait3A_90, %dma_wait3A_92, %dma_wait3A_93] : memref<2x512x8xf32, #tpu.memory_space<vmem>> -> memref<1x512x8xf32, #tpu.memory_space<vmem>>
    %dma_wait3A_95 = tpu.memref_squeeze %dma_wait3A_94 : memref<1x512x8xf32, #tpu.memory_space<vmem>> -> memref<512x8xf32, #tpu.memory_space<vmem>>
    %dma_wait3A_96 = arith.constant 0 : i32
    %dma_wait3A_97 = tpu.memref_slice %arg8[%dma_wait3A_91, %dma_wait3A_96] : memref<20x512xi32, #tpu.memory_space<vmem>> -> memref<1x512xi32, #tpu.memory_space<vmem>>
    %dma_wait3A_98 = tpu.memref_squeeze %dma_wait3A_97 : memref<1x512xi32, #tpu.memory_space<vmem>> -> memref<512xi32, #tpu.memory_space<vmem>>
    %dma_wait3A_99 = arith.constant 0 : i32
    %dma_wait3A_100 = arith.constant 0 : i32
    %dma_wait3A_101 = tpu.memref_slice %arg10[%dma_wait3A_99, %dma_wait3A_100] : memref<10240x8xf32, #tpu.memory_space<vmem_shared>> -> memref<10240x8xf32, #tpu.memory_space<vmem_shared>>
    tpu.wait_indirect_dma semaphore(%arg15 : memref<!tpu.dma_semaphore, #tpu.memory_space<semaphore_mem>>) src(%dma_wait3A_95 : memref<512x8xf32, #tpu.memory_space<vmem>>) dst(%dma_wait3A_101 : memref<10240x8xf32, #tpu.memory_space<vmem_shared>>)
    %barrier3A_102 = arith.constant 0 : index
    tpu.barrier barrier_id(%barrier3A_102)
    %mul3A_103 = arith.constant 640 : i32
    %mul3A_104 = arith.muli %arg1, %mul3A_103 : i32
    %mul3A_105 = arith.constant 10240 : i32
    %mul3A_106 = arith.muli %arg0, %mul3A_105 : i32
    %mul3A_107 = arith.constant 640 : i32
    %mul3A_108 = arith.muli %arg1, %mul3A_107 : i32
    %add3A_109 = arith.addi %mul3A_106, %mul3A_108 : i32
    "tpu.region"() ({
      %run_scoped3A = tpu.sem_alloc : memref<!tpu.dma_semaphore, #tpu.memory_space<semaphore_mem>>
      %dma_start3A_110 = arith.constant 0 : i32
      %dma_start3A_111 = tpu.memref_slice %arg6[%add3A_109, %dma_start3A_110] : memref<20480x8xf32, #tpu.memory_space<hbm>> -> memref<640x8xf32, #tpu.memory_space<hbm>>
      %dma_start3A_112 = arith.constant 0 : i32
      %dma_start3A_113 = tpu.memref_slice %arg10[%mul3A_104, %dma_start3A_112] : memref<10240x8xf32, #tpu.memory_space<vmem_shared>> -> memref<640x8xf32, #tpu.memory_space<vmem_shared>>
      tpu.enqueue_dma source(%dma_start3A_113 : memref<640x8xf32, #tpu.memory_space<vmem_shared>>) target(%dma_start3A_111 : memref<640x8xf32, #tpu.memory_space<hbm>>) target_semaphore(%run_scoped3A : memref<!tpu.dma_semaphore, #tpu.memory_space<semaphore_mem>>)
      %dma_wait3A_114 = arith.constant 0 : i32
      %dma_wait3A_115 = tpu.memref_slice %arg6[%add3A_109, %dma_wait3A_114] : memref<20480x8xf32, #tpu.memory_space<hbm>> -> memref<640x8xf32, #tpu.memory_space<hbm>>
      %dma_wait3A_116 = arith.constant 0 : i32
      %dma_wait3A_117 = tpu.memref_slice %arg10[%mul3A_104, %dma_wait3A_116] : memref<10240x8xf32, #tpu.memory_space<vmem_shared>> -> memref<640x8xf32, #tpu.memory_space<vmem_shared>>
      tpu.wait_dma2 semaphore(%run_scoped3A : memref<!tpu.dma_semaphore, #tpu.memory_space<semaphore_mem>>) src(%dma_wait3A_117 : memref<640x8xf32, #tpu.memory_space<vmem_shared>>) dst(%dma_wait3A_115 : memref<640x8xf32, #tpu.memory_space<hbm>>)
      tpu.yield
    }) : () -> ()
    return
  }
}

module attributes {stable_mosaic.version = 14 : i64} {
  func.func @body(%arg0: i32, %arg1: memref<2048x1xf32, #tpu.memory_space<vmem>>, %arg2: memref<2048x1xf32, #tpu.memory_space<vmem>>, %arg3: memref<2048x1xf32, #tpu.memory_space<vmem>>, %arg4: memref<2048x8xf32, #tpu.memory_space<vmem>>) attributes {dimension_semantics = [#tpu.dimension_semantics<arbitrary>], iteration_bounds = array<i64: 5>, scalar_prefetch = 0 : i64, scratch_operands = 0 : i64, tpu.core_type = #tpu.core_type<tc>, window_params = [{transform_indices = @transform_0, window_bounds = array<i64: 2048, 1>}, {transform_indices = @transform_1, window_bounds = array<i64: 2048, 1>}, {transform_indices = @transform_2, window_bounds = array<i64: 2048, 1>}, {transform_indices = @transform_3, window_bounds = array<i64: 2048, 8>}]} {
    %get3A = arith.constant 0 : index
    %get3A_0 = arith.constant 0 : index
    %get3A_1 = vector.load %arg1[%get3A, %get3A_0] : memref<2048x1xf32, #tpu.memory_space<vmem>>, vector<2048x1xf32>
    %get3A_2 = arith.constant 0 : index
    %get3A_3 = arith.constant 0 : index
    %get3A_4 = vector.load %arg2[%get3A_2, %get3A_3] : memref<2048x1xf32, #tpu.memory_space<vmem>>, vector<2048x1xf32>
    %add3A = arith.addf %get3A_1, %get3A_4 : vector<2048x1xf32>
    %max3A = arith.constant 1.000000e+00 : f32
    %max3A_5 = vector.broadcast %max3A : f32 to vector<2048x1xf32>
    %max3A_6 = arith.maximumf %add3A, %max3A_5 : vector<2048x1xf32>
    %rsqrt3A = math.rsqrt %max3A_6 : vector<2048x1xf32>
    %swap3A = arith.constant 0 : index
    %swap3A_7 = arith.constant 0 : index
    %swap3A_8 = vector.load %arg3[%swap3A, %swap3A_7] : memref<2048x1xf32, #tpu.memory_space<vmem>>, vector<2048x1xf32>
    tpu.vector_store %arg3[%swap3A, %swap3A_7], %rsqrt3A {strides = array<i32>} : memref<2048x1xf32, #tpu.memory_space<vmem>>, vector<2048x1xf32>,
    %iota3A = tpu.iota {dimensions = array<i32: 0>} : vector<2048x1xi32>
    %mul3A = arith.constant 2048 : i32
    %mul3A_9 = arith.muli %arg0, %mul3A : i32
    %add3A_10 = vector.broadcast %mul3A_9 : i32 to vector<2048x1xi32>
    %add3A_11 = arith.addi %iota3A, %add3A_10 : vector<2048x1xi32>
    %lt3A = arith.constant 10000 : i32
    %lt3A_12 = vector.broadcast %lt3A : i32 to vector<2048x1xi32>
    %lt3A_13 = arith.cmpi slt, %add3A_11, %lt3A_12 : vector<2048x1xi32>
    %jit3A = arith.constant 0.000000e+00 : f32
    %broadcast_in_dim3A = vector.broadcast %jit3A : f32 to vector<2048x1xf32>
    %select_n3A = arith.select %lt3A_13, %rsqrt3A, %broadcast_in_dim3A : vector<2048x1xi1>, vector<2048x1xf32>
    %broadcast_in_dim3A_14 = arith.constant 1.000000e+00 : f32
    %broadcast_in_dim3A_15 = vector.broadcast %broadcast_in_dim3A_14 : f32 to vector<1x8xf32>
    %mul3A_16 = vector.broadcast %select_n3A : vector<2048x1xf32> to vector<2048x8xf32>
    %mul3A_17 = vector.broadcast %broadcast_in_dim3A_15 : vector<1x8xf32> to vector<2048x8xf32>
    %mul3A_18 = arith.mulf %mul3A_16, %mul3A_17 : vector<2048x8xf32>
    %swap3A_19 = arith.constant 0 : index
    %swap3A_20 = arith.constant 0 : index
    %swap3A_21 = vector.load %arg4[%swap3A_19, %swap3A_20] : memref<2048x8xf32, #tpu.memory_space<vmem>>, vector<2048x8xf32>
    tpu.vector_store %arg4[%swap3A_19, %swap3A_20], %mul3A_18 {strides = array<i32>} : memref<2048x8xf32, #tpu.memory_space<vmem>>, vector<2048x8xf32>,
    return
  }
  func.func @transform_0(%arg0: i32) -> (i32, i32) {
    %c0_i32 = arith.constant 0 : i32
    %c0_i32_0 = arith.constant 0 : i32
    return %arg0, %c0_i32 : i32, i32
  }
  func.func @transform_1(%arg0: i32) -> (i32, i32) {
    %c0_i32 = arith.constant 0 : i32
    %c0_i32_0 = arith.constant 0 : i32
    return %arg0, %c0_i32 : i32, i32
  }
  func.func @transform_2(%arg0: i32) -> (i32, i32) {
    %c0_i32 = arith.constant 0 : i32
    %c0_i32_0 = arith.constant 0 : i32
    return %arg0, %c0_i32 : i32, i32
  }
  func.func @transform_3(%arg0: i32) -> (i32, i32) {
    %c0_i32 = arith.constant 0 : i32
    %c0_i32_0 = arith.constant 0 : i32
    return %arg0, %c0_i32 : i32, i32
  }
}

module attributes {stable_mosaic.version = 14 : i64} {
  func.func @body(%arg0: i32, %arg1: i32, %arg2: memref<2048x2x64xf32, #tpu.memory_space<vmem>>, %arg3: memref<2048x1xf32, #tpu.memory_space<vmem>>, %arg4: memref<2048x64xbf16, #tpu.memory_space<vmem>>) attributes {dimension_semantics = [#tpu.dimension_semantics<arbitrary>, #tpu.dimension_semantics<arbitrary>], iteration_bounds = array<i64: 2, 5>, scalar_prefetch = 0 : i64, scratch_operands = 0 : i64, tpu.core_type = #tpu.core_type<tc>, window_params = [{transform_indices = @transform_0, window_bounds = array<i64: 2048, 2, 64>}, {transform_indices = @transform_1, window_bounds = array<i64: 2048, 1>}, {transform_indices = @transform_2, window_bounds = array<i64: 2048, 64>}]} {
    %get3A = arith.constant 0 : index
    %get3A_0 = arith.constant 0 : index
    %get3A_1 = arith.constant 0 : index
    %get3A_2 = vector.load %arg2[%get3A, %get3A_0, %get3A_1] : memref<2048x2x64xf32, #tpu.memory_space<vmem>>, vector<2048x2x64xf32>
    %eq3A = arith.constant 0 : i32
    %eq3A_3 = arith.cmpi eq, %arg0, %eq3A : i32
    %slice3A = vector.extract_strided_slice %get3A_2 {offsets = [0, 0, 0], sizes = [2048, 1, 64], strides = [1, 1, 1]} : vector<2048x2x64xf32> to vector<2048x1x64xf32>
    %squeeze3A = vector.shape_cast %slice3A : vector<2048x1x64xf32> to vector<2048x64xf32>
    %slice3A_4 = vector.extract_strided_slice %get3A_2 {offsets = [0, 1, 0], sizes = [2048, 1, 64], strides = [1, 1, 1]} : vector<2048x2x64xf32> to vector<2048x1x64xf32>
    %squeeze3A_5 = vector.shape_cast %slice3A_4 : vector<2048x1x64xf32> to vector<2048x64xf32>
    %select_n3A = arith.select %eq3A_3, %squeeze3A, %squeeze3A_5 : vector<2048x64xf32>
    %get3A_6 = arith.constant 0 : index
    %get3A_7 = arith.constant 0 : index
    %get3A_8 = vector.load %arg3[%get3A_6, %get3A_7] : memref<2048x1xf32, #tpu.memory_space<vmem>>, vector<2048x1xf32>
    %mul3A = vector.broadcast %get3A_8 : vector<2048x1xf32> to vector<2048x64xf32>
    %mul3A_9 = arith.mulf %select_n3A, %mul3A : vector<2048x64xf32>
    %convert_element_type3A = arith.truncf %mul3A_9 : vector<2048x64xf32> to vector<2048x64xbf16>
    %swap3A = arith.constant 0 : index
    %swap3A_10 = arith.constant 0 : index
    %swap3A_11 = vector.load %arg4[%swap3A, %swap3A_10] : memref<2048x64xbf16, #tpu.memory_space<vmem>>, vector<2048x64xbf16>
    tpu.vector_store %arg4[%swap3A, %swap3A_10], %convert_element_type3A {strides = array<i32>} : memref<2048x64xbf16, #tpu.memory_space<vmem>>, vector<2048x64xbf16>,
    return
  }
  func.func @transform_0(%arg0: i32, %arg1: i32) -> (i32, i32, i32) {
    %c0_i32 = arith.constant 0 : i32
    %c0_i32_0 = arith.constant 0 : i32
    %c0_i32_1 = arith.constant 0 : i32
    return %arg1, %c0_i32, %c0_i32_0 : i32, i32, i32
  }
  func.func @transform_1(%arg0: i32, %arg1: i32) -> (i32, i32) {
    %c0_i32 = arith.constant 0 : i32
    %c0_i32_0 = arith.constant 0 : i32
    return %arg1, %c0_i32 : i32, i32
  }
  func.func @transform_2(%arg0: i32, %arg1: i32) -> (i32, i32) {
    %mul3A = arith.constant 5 : i32
    %mul3A_0 = arith.muli %arg0, %mul3A : i32
    %add3A = arith.addi %mul3A_0, %arg1 : i32
    %c0_i32 = arith.constant 0 : i32
    %c0_i32_1 = arith.constant 0 : i32
    return %add3A, %c0_i32 : i32, i32
  }
}

module attributes {stable_mosaic.version = 14 : i64} {
  func.func @body(%arg0: i32, %arg1: i32, %arg2: memref<2048x64xbf16, #tpu.memory_space<vmem>>, %arg3: memref<2048x1xf32, #tpu.memory_space<vmem>>, %arg4: memref<2048x64xbf16, #tpu.memory_space<vmem>>) attributes {dimension_semantics = [#tpu.dimension_semantics<arbitrary>, #tpu.dimension_semantics<arbitrary>], iteration_bounds = array<i64: 2, 5>, scalar_prefetch = 0 : i64, scratch_operands = 0 : i64, tpu.core_type = #tpu.core_type<tc>, window_params = [{transform_indices = @transform_0, window_bounds = array<i64: 2048, 64>}, {transform_indices = @transform_1, window_bounds = array<i64: 2048, 1>}, {transform_indices = @transform_2, window_bounds = array<i64: 2048, 64>}]} {
    %get3A = arith.constant 0 : index
    %get3A_0 = arith.constant 0 : index
    %get3A_1 = vector.load %arg3[%get3A, %get3A_0] : memref<2048x1xf32, #tpu.memory_space<vmem>>, vector<2048x1xf32>
    %get3A_2 = arith.constant 0 : index
    %get3A_3 = arith.constant 0 : index
    %get3A_4 = vector.load %arg2[%get3A_2, %get3A_3] : memref<2048x64xbf16, #tpu.memory_space<vmem>>, vector<2048x64xbf16>
    %convert_element_type3A = arith.extf %get3A_4 : vector<2048x64xbf16> to vector<2048x64xf32>
    %mul3A = vector.broadcast %get3A_1 : vector<2048x1xf32> to vector<2048x64xf32>
    %mul3A_5 = arith.mulf %convert_element_type3A, %mul3A : vector<2048x64xf32>
    %mul3A_6 = vector.broadcast %get3A_1 : vector<2048x1xf32> to vector<2048x64xf32>
    %mul3A_7 = arith.mulf %mul3A_5, %mul3A_6 : vector<2048x64xf32>
    %convert_element_type3A_8 = arith.truncf %mul3A_7 : vector<2048x64xf32> to vector<2048x64xbf16>
    %swap3A = arith.constant 0 : index
    %swap3A_9 = arith.constant 0 : index
    %swap3A_10 = vector.load %arg4[%swap3A, %swap3A_9] : memref<2048x64xbf16, #tpu.memory_space<vmem>>, vector<2048x64xbf16>
    tpu.vector_store %arg4[%swap3A, %swap3A_9], %convert_element_type3A_8 {strides = array<i32>} : memref<2048x64xbf16, #tpu.memory_space<vmem>>, vector<2048x64xbf16>,
    return
  }
  func.func @transform_0(%arg0: i32, %arg1: i32) -> (i32, i32) {
    %mul3A = arith.constant 5 : i32
    %mul3A_0 = arith.muli %arg0, %mul3A : i32
    %add3A = arith.addi %mul3A_0, %arg1 : i32
    %c0_i32 = arith.constant 0 : i32
    %c0_i32_1 = arith.constant 0 : i32
    return %add3A, %c0_i32 : i32, i32
  }
  func.func @transform_1(%arg0: i32, %arg1: i32) -> (i32, i32) {
    %c0_i32 = arith.constant 0 : i32
    %c0_i32_0 = arith.constant 0 : i32
    return %arg1, %c0_i32 : i32, i32
  }
  func.func @transform_2(%arg0: i32, %arg1: i32) -> (i32, i32) {
    %mul3A = arith.constant 5 : i32
    %mul3A_0 = arith.muli %arg0, %mul3A : i32
    %add3A = arith.addi %mul3A_0, %arg1 : i32
    %c0_i32 = arith.constant 0 : i32
    %c0_i32_1 = arith.constant 0 : i32
    return %add3A, %c0_i32 : i32, i32
  }
}

module attributes {stable_mosaic.version = 14 : i64} {
  func.func @body(%arg0: i32, %arg1: memref<2048x1xf32, #tpu.memory_space<vmem>>, %arg2: memref<2048x1xf32, #tpu.memory_space<vmem>>, %arg3: memref<2048x1xf32, #tpu.memory_space<vmem>>, %arg4: memref<2048x1xf32, #tpu.memory_space<vmem>>, %arg5: memref<2048x8xf32, #tpu.memory_space<vmem>>) attributes {dimension_semantics = [#tpu.dimension_semantics<arbitrary>], iteration_bounds = array<i64: 5>, scalar_prefetch = 0 : i64, scratch_operands = 0 : i64, tpu.core_type = #tpu.core_type<tc>, window_params = [{transform_indices = @transform_0, window_bounds = array<i64: 2048, 1>}, {transform_indices = @transform_1, window_bounds = array<i64: 2048, 1>}, {transform_indices = @transform_2, window_bounds = array<i64: 2048, 1>}, {transform_indices = @transform_3, window_bounds = array<i64: 2048, 1>}, {transform_indices = @transform_4, window_bounds = array<i64: 2048, 8>}]} {
    %get3A = arith.constant 0 : index
    %get3A_0 = arith.constant 0 : index
    %get3A_1 = vector.load %arg3[%get3A, %get3A_0] : memref<2048x1xf32, #tpu.memory_space<vmem>>, vector<2048x1xf32>
    %get3A_2 = arith.constant 0 : index
    %get3A_3 = arith.constant 0 : index
    %get3A_4 = vector.load %arg1[%get3A_2, %get3A_3] : memref<2048x1xf32, #tpu.memory_space<vmem>>, vector<2048x1xf32>
    %get3A_5 = arith.constant 0 : index
    %get3A_6 = arith.constant 0 : index
    %get3A_7 = vector.load %arg2[%get3A_5, %get3A_6] : memref<2048x1xf32, #tpu.memory_space<vmem>>, vector<2048x1xf32>
    %add3A = arith.addf %get3A_4, %get3A_7 : vector<2048x1xf32>
    %mul3A = arith.mulf %get3A_1, %add3A : vector<2048x1xf32>
    %swap3A = arith.constant 0 : index
    %swap3A_8 = arith.constant 0 : index
    %swap3A_9 = vector.load %arg4[%swap3A, %swap3A_8] : memref<2048x1xf32, #tpu.memory_space<vmem>>, vector<2048x1xf32>
    tpu.vector_store %arg4[%swap3A, %swap3A_8], %mul3A {strides = array<i32>} : memref<2048x1xf32, #tpu.memory_space<vmem>>, vector<2048x1xf32>,
    %mul3A_10 = arith.mulf %get3A_1, %mul3A : vector<2048x1xf32>
    %broadcast_in_dim3A = arith.constant 1.000000e+00 : f32
    %broadcast_in_dim3A_11 = vector.broadcast %broadcast_in_dim3A : f32 to vector<1x8xf32>
    %mul3A_12 = vector.broadcast %mul3A_10 : vector<2048x1xf32> to vector<2048x8xf32>
    %mul3A_13 = vector.broadcast %broadcast_in_dim3A_11 : vector<1x8xf32> to vector<2048x8xf32>
    %mul3A_14 = arith.mulf %mul3A_12, %mul3A_13 : vector<2048x8xf32>
    %swap3A_15 = arith.constant 0 : index
    %swap3A_16 = arith.constant 0 : index
    %swap3A_17 = vector.load %arg5[%swap3A_15, %swap3A_16] : memref<2048x8xf32, #tpu.memory_space<vmem>>, vector<2048x8xf32>
    tpu.vector_store %arg5[%swap3A_15, %swap3A_16], %mul3A_14 {strides = array<i32>} : memref<2048x8xf32, #tpu.memory_space<vmem>>, vector<2048x8xf32>,
    return
  }
  func.func @transform_0(%arg0: i32) -> (i32, i32) {
    %c0_i32 = arith.constant 0 : i32
    %c0_i32_0 = arith.constant 0 : i32
    return %arg0, %c0_i32 : i32, i32
  }
  func.func @transform_1(%arg0: i32) -> (i32, i32) {
    %c0_i32 = arith.constant 0 : i32
    %c0_i32_0 = arith.constant 0 : i32
    return %arg0, %c0_i32 : i32, i32
  }
  func.func @transform_2(%arg0: i32) -> (i32, i32) {
    %c0_i32 = arith.constant 0 : i32
    %c0_i32_0 = arith.constant 0 : i32
    return %arg0, %c0_i32 : i32, i32
  }
  func.func @transform_3(%arg0: i32) -> (i32, i32) {
    %c0_i32 = arith.constant 0 : i32
    %c0_i32_0 = arith.constant 0 : i32
    return %arg0, %c0_i32 : i32, i32
  }
  func.func @transform_4(%arg0: i32) -> (i32, i32) {
    %c0_i32 = arith.constant 0 : i32
    %c0_i32_0 = arith.constant 0 : i32
    return %arg0, %c0_i32 : i32, i32
  }
}

module attributes {stable_mosaic.version = 14 : i64} {
  func.func @body(%arg0: i32, %arg1: memref<512x128xf32, #tpu.memory_space<vmem>>, %arg2: memref<512x64xbf16, #tpu.memory_space<vmem>>, %arg3: memref<512x64xbf16, #tpu.memory_space<vmem>>, %arg4: memref<512x64xbf16, #tpu.memory_space<vmem>>, %arg5: memref<512x64xbf16, #tpu.memory_space<vmem>>, %arg6: memref<512x1xf32, #tpu.memory_space<vmem>>, %arg7: memref<512x1xf32, #tpu.memory_space<vmem>>, %arg8: memref<512x1xf32, #tpu.memory_space<vmem>>, %arg9: memref<512x1xf32, #tpu.memory_space<vmem>>, %arg10: memref<384x256xf32, #tpu.memory_space<vmem>>, %arg11: memref<1x256xf32, #tpu.memory_space<vmem>>, %arg12: memref<768x256xf32, #tpu.memory_space<vmem>>, %arg13: memref<1x256xf32, #tpu.memory_space<vmem>>, %arg14: memref<256x10xf32, #tpu.memory_space<vmem>>, %arg15: memref<1x10xf32, #tpu.memory_space<vmem>>, %arg16: memref<1x10xf32, #tpu.memory_space<vmem>>, %arg17: memref<8x256xf32, #tpu.memory_space<vmem>>) attributes {dimension_semantics = [#tpu.dimension_semantics<arbitrary>], iteration_bounds = array<i64: 20>, scalar_prefetch = 0 : i64, scratch_operands = 1 : i64, tpu.core_type = #tpu.core_type<tc>, window_params = [{transform_indices = @transform_0, window_bounds = array<i64: 512, 128>}, {transform_indices = @transform_1, window_bounds = array<i64: 512, 64>}, {transform_indices = @transform_2, window_bounds = array<i64: 512, 64>}, {transform_indices = @transform_3, window_bounds = array<i64: 512, 64>}, {transform_indices = @transform_4, window_bounds = array<i64: 512, 64>}, {transform_indices = @transform_5, window_bounds = array<i64: 512, 1>}, {transform_indices = @transform_6, window_bounds = array<i64: 512, 1>}, {transform_indices = @transform_7, window_bounds = array<i64: 512, 1>}, {transform_indices = @transform_8, window_bounds = array<i64: 512, 1>}, {pipeline_mode = #tpu.pipeline_mode<synchronous>, transform_indices = @transform_9, window_bounds = array<i64: 384, 256>}, {pipeline_mode = #tpu.pipeline_mode<synchronous>, transform_indices = @transform_10, window_bounds = array<i64: 1, 256>}, {pipeline_mode = #tpu.pipeline_mode<synchronous>, transform_indices = @transform_11, window_bounds = array<i64: 768, 256>}, {pipeline_mode = #tpu.pipeline_mode<synchronous>, transform_indices = @transform_12, window_bounds = array<i64: 1, 256>}, {pipeline_mode = #tpu.pipeline_mode<synchronous>, transform_indices = @transform_13, window_bounds = array<i64: 256, 10>}, {pipeline_mode = #tpu.pipeline_mode<synchronous>, transform_indices = @transform_14, window_bounds = array<i64: 1, 10>}, {pipeline_mode = #tpu.pipeline_mode<synchronous>, transform_indices = @transform_15, window_bounds = array<i64: 1, 10>}]} {
    %eq3A = arith.constant 0 : i32
    %eq3A_0 = arith.cmpi eq, %arg0, %eq3A : i32
    %convert_element_type3A = arith.extui %eq3A_0 : i1 to i32
    %cond3A = arith.constant 0 : i32
    %cond3A_1 = arith.cmpi ne, %convert_element_type3A, %cond3A : i32
    scf.if %cond3A_1 {
      %broadcast_in_dim3A_122 = arith.constant 0.000000e+00 : f32
      %broadcast_in_dim3A_123 = vector.broadcast %broadcast_in_dim3A_122 : f32 to vector<8x256xf32>
      %swap3A_124 = arith.constant 0 : index
      %swap3A_125 = arith.constant 0 : index
      %swap3A_126 = vector.load %arg17[%swap3A_124, %swap3A_125] : memref<8x256xf32, #tpu.memory_space<vmem>>, vector<8x256xf32>
      tpu.vector_store %arg17[%swap3A_124, %swap3A_125], %broadcast_in_dim3A_123 {strides = array<i32>} : memref<8x256xf32, #tpu.memory_space<vmem>>, vector<8x256xf32>,
    } else {
    }
    %get3A = arith.constant 0 : index
    %get3A_2 = arith.constant 0 : index
    %get3A_3 = vector.load %arg6[%get3A, %get3A_2] : memref<512x1xf32, #tpu.memory_space<vmem>>, vector<512x1xf32>
    %get3A_4 = arith.constant 0 : index
    %get3A_5 = arith.constant 0 : index
    %get3A_6 = vector.load %arg1[%get3A_4, %get3A_5] : memref<512x128xf32, #tpu.memory_space<vmem>>, vector<512x128xf32>
    %get3A_7 = arith.constant 0 : index
    %get3A_8 = arith.constant 0 : index
    %get3A_9 = vector.load %arg10[%get3A_7, %get3A_8] : memref<384x256xf32, #tpu.memory_space<vmem>>, vector<128x256xf32>
    %dot_general3A = arith.constant dense<0.000000e+00> : vector<512x256xf32>
    %dot_general3A_10 = tpu.matmul %get3A_6, %get3A_9, %dot_general3A {dimension_numbers = #tpu.dot_dimension_numbers<[1], [0], [0], [1], [0, 0, 1, 1], [], []>, transpose_lhs_hint = false} : vector<512x128xf32>, vector<128x256xf32>, vector<512x256xf32> -> vector<512x256xf32>
    %get3A_11 = arith.constant 0 : index
    %get3A_12 = arith.constant 0 : index
    %get3A_13 = vector.load %arg2[%get3A_11, %get3A_12] : memref<512x64xbf16, #tpu.memory_space<vmem>>, vector<512x64xbf16>
    %convert_element_type3A_14 = arith.extf %get3A_13 : vector<512x64xbf16> to vector<512x64xf32>
    %mul3A = vector.broadcast %get3A_3 : vector<512x1xf32> to vector<512x64xf32>
    %mul3A_15 = arith.mulf %convert_element_type3A_14, %mul3A : vector<512x64xf32>
    %get3A_16 = arith.constant 128 : index
    %get3A_17 = arith.constant 0 : index
    %get3A_18 = vector.load %arg10[%get3A_16, %get3A_17] : memref<384x256xf32, #tpu.memory_space<vmem>>, vector<64x256xf32>
    %dot_general3A_19 = arith.constant dense<0.000000e+00> : vector<512x256xf32>
    %dot_general3A_20 = tpu.matmul %mul3A_15, %get3A_18, %dot_general3A_19 {dimension_numbers = #tpu.dot_dimension_numbers<[1], [0], [0], [1], [0, 0, 1, 1], [], []>, transpose_lhs_hint = false} : vector<512x64xf32>, vector<64x256xf32>, vector<512x256xf32> -> vector<512x256xf32>
    %add3A = arith.addf %dot_general3A_10, %dot_general3A_20 : vector<512x256xf32>
    %get3A_21 = arith.constant 0 : index
    %get3A_22 = arith.constant 0 : index
    %get3A_23 = vector.load %arg3[%get3A_21, %get3A_22] : memref<512x64xbf16, #tpu.memory_space<vmem>>, vector<512x64xbf16>
    %convert_element_type3A_24 = arith.extf %get3A_23 : vector<512x64xbf16> to vector<512x64xf32>
    %mul3A_25 = vector.broadcast %get3A_3 : vector<512x1xf32> to vector<512x64xf32>
    %mul3A_26 = arith.mulf %convert_element_type3A_24, %mul3A_25 : vector<512x64xf32>
    %get3A_27 = arith.constant 192 : index
    %get3A_28 = arith.constant 0 : index
    %get3A_29 = vector.load %arg10[%get3A_27, %get3A_28] : memref<384x256xf32, #tpu.memory_space<vmem>>, vector<64x256xf32>
    %dot_general3A_30 = arith.constant dense<0.000000e+00> : vector<512x256xf32>
    %dot_general3A_31 = tpu.matmul %mul3A_26, %get3A_29, %dot_general3A_30 {dimension_numbers = #tpu.dot_dimension_numbers<[1], [0], [0], [1], [0, 0, 1, 1], [], []>, transpose_lhs_hint = false} : vector<512x64xf32>, vector<64x256xf32>, vector<512x256xf32> -> vector<512x256xf32>
    %add3A_32 = arith.addf %add3A, %dot_general3A_31 : vector<512x256xf32>
    %get3A_33 = arith.constant 0 : index
    %get3A_34 = arith.constant 0 : index
    %get3A_35 = vector.load %arg4[%get3A_33, %get3A_34] : memref<512x64xbf16, #tpu.memory_space<vmem>>, vector<512x64xbf16>
    %convert_element_type3A_36 = arith.extf %get3A_35 : vector<512x64xbf16> to vector<512x64xf32>
    %mul3A_37 = vector.broadcast %get3A_3 : vector<512x1xf32> to vector<512x64xf32>
    %mul3A_38 = arith.mulf %convert_element_type3A_36, %mul3A_37 : vector<512x64xf32>
    %get3A_39 = arith.constant 256 : index
    %get3A_40 = arith.constant 0 : index
    %get3A_41 = vector.load %arg10[%get3A_39, %get3A_40] : memref<384x256xf32, #tpu.memory_space<vmem>>, vector<64x256xf32>
    %dot_general3A_42 = arith.constant dense<0.000000e+00> : vector<512x256xf32>
    %dot_general3A_43 = tpu.matmul %mul3A_38, %get3A_41, %dot_general3A_42 {dimension_numbers = #tpu.dot_dimension_numbers<[1], [0], [0], [1], [0, 0, 1, 1], [], []>, transpose_lhs_hint = false} : vector<512x64xf32>, vector<64x256xf32>, vector<512x256xf32> -> vector<512x256xf32>
    %add3A_44 = arith.addf %add3A_32, %dot_general3A_43 : vector<512x256xf32>
    %get3A_45 = arith.constant 0 : index
    %get3A_46 = arith.constant 0 : index
    %get3A_47 = vector.load %arg5[%get3A_45, %get3A_46] : memref<512x64xbf16, #tpu.memory_space<vmem>>, vector<512x64xbf16>
    %convert_element_type3A_48 = arith.extf %get3A_47 : vector<512x64xbf16> to vector<512x64xf32>
    %mul3A_49 = vector.broadcast %get3A_3 : vector<512x1xf32> to vector<512x64xf32>
    %mul3A_50 = arith.mulf %convert_element_type3A_48, %mul3A_49 : vector<512x64xf32>
    %get3A_51 = arith.constant 320 : index
    %get3A_52 = arith.constant 0 : index
    %get3A_53 = vector.load %arg10[%get3A_51, %get3A_52] : memref<384x256xf32, #tpu.memory_space<vmem>>, vector<64x256xf32>
    %dot_general3A_54 = arith.constant dense<0.000000e+00> : vector<512x256xf32>
    %dot_general3A_55 = tpu.matmul %mul3A_50, %get3A_53, %dot_general3A_54 {dimension_numbers = #tpu.dot_dimension_numbers<[1], [0], [0], [1], [0, 0, 1, 1], [], []>, transpose_lhs_hint = false} : vector<512x64xf32>, vector<64x256xf32>, vector<512x256xf32> -> vector<512x256xf32>
    %add3A_56 = arith.addf %add3A_44, %dot_general3A_55 : vector<512x256xf32>
    %get3A_57 = arith.constant 0 : index
    %get3A_58 = arith.constant 0 : index
    %get3A_59 = vector.load %arg11[%get3A_57, %get3A_58] : memref<1x256xf32, #tpu.memory_space<vmem>>, vector<1x256xf32>
    %add3A_60 = vector.broadcast %get3A_59 : vector<1x256xf32> to vector<512x256xf32>
    %add3A_61 = arith.addf %add3A_56, %add3A_60 : vector<512x256xf32>
    %max3A = arith.constant 0.000000e+00 : f32
    %max3A_62 = vector.broadcast %max3A : f32 to vector<512x256xf32>
    %max3A_63 = arith.maximumf %add3A_61, %max3A_62 : vector<512x256xf32>
    %iota3A = tpu.iota {dimensions = array<i32: 0>} : vector<512x1xi32>
    %mul3A_64 = arith.constant 512 : i32
    %mul3A_65 = arith.muli %arg0, %mul3A_64 : i32
    %add3A_66 = vector.broadcast %mul3A_65 : i32 to vector<512x1xi32>
    %add3A_67 = arith.addi %iota3A, %add3A_66 : vector<512x1xi32>
    %lt3A = arith.constant 10000 : i32
    %lt3A_68 = vector.broadcast %lt3A : i32 to vector<512x1xi32>
    %lt3A_69 = arith.cmpi slt, %add3A_67, %lt3A_68 : vector<512x1xi32>
    %jit3A = arith.constant 1.000000e+00 : f32
    %jit3A_70 = arith.constant 0.000000e+00 : f32
    %broadcast_in_dim3A = vector.broadcast %jit3A : f32 to vector<512x1xf32>
    %broadcast_in_dim3A_71 = vector.broadcast %jit3A_70 : f32 to vector<512x1xf32>
    %select_n3A = arith.select %lt3A_69, %broadcast_in_dim3A, %broadcast_in_dim3A_71 : vector<512x1xi1>, vector<512x1xf32>
    %get3A_72 = arith.constant 0 : index
    %get3A_73 = arith.constant 0 : index
    %get3A_74 = vector.load %arg8[%get3A_72, %get3A_73] : memref<512x1xf32, #tpu.memory_space<vmem>>, vector<512x1xf32>
    %get3A_75 = arith.constant 0 : index
    %get3A_76 = arith.constant 0 : index
    %get3A_77 = vector.load %arg9[%get3A_75, %get3A_76] : memref<512x1xf32, #tpu.memory_space<vmem>>, vector<512x1xf32>
    %add3A_78 = arith.addf %get3A_74, %get3A_77 : vector<512x1xf32>
    %mul3A_79 = arith.mulf %get3A_3, %add3A_78 : vector<512x1xf32>
    %get3A_80 = arith.constant 0 : index
    %get3A_81 = arith.constant 0 : index
    %get3A_82 = vector.load %arg17[%get3A_80, %get3A_81] : memref<8x256xf32, #tpu.memory_space<vmem>>, vector<1x256xf32>
    %mul3A_83 = vector.broadcast %select_n3A : vector<512x1xf32> to vector<512x256xf32>
    %mul3A_84 = arith.mulf %max3A_63, %mul3A_83 : vector<512x256xf32>
    %reduce_sum3A = arith.constant dense<0.000000e+00> : vector<256xf32>
    %reduce_sum3A_85 = vector.multi_reduction <add>, %mul3A_84, %reduce_sum3A [0] : vector<512x256xf32> to vector<256xf32>
    %broadcast_in_dim3A_86 = vector.shape_cast %reduce_sum3A_85 : vector<256xf32> to vector<1x256xf32>
    %add3A_87 = arith.addf %get3A_82, %broadcast_in_dim3A_86 : vector<1x256xf32>
    %swap3A = arith.constant 0 : index
    %swap3A_88 = arith.constant 0 : index
    %swap3A_89 = vector.load %arg17[%swap3A, %swap3A_88] : memref<8x256xf32, #tpu.memory_space<vmem>>, vector<1x256xf32>
    tpu.vector_store %arg17[%swap3A, %swap3A_88], %add3A_87 {strides = array<i32>} : memref<8x256xf32, #tpu.memory_space<vmem>>, vector<1x256xf32>,
    %get3A_90 = arith.constant 1 : index
    %get3A_91 = arith.constant 0 : index
    %get3A_92 = vector.load %arg17[%get3A_90, %get3A_91] : memref<8x256xf32, #tpu.memory_space<vmem>>, vector<1x256xf32>
    %get3A_93 = arith.constant 0 : index
    %get3A_94 = arith.constant 0 : index
    %get3A_95 = vector.load %arg7[%get3A_93, %get3A_94] : memref<512x1xf32, #tpu.memory_space<vmem>>, vector<512x1xf32>
    %mul3A_96 = vector.broadcast %get3A_95 : vector<512x1xf32> to vector<512x256xf32>
    %mul3A_97 = arith.mulf %max3A_63, %mul3A_96 : vector<512x256xf32>
    %reduce_sum3A_98 = arith.constant dense<0.000000e+00> : vector<256xf32>
    %reduce_sum3A_99 = vector.multi_reduction <add>, %mul3A_97, %reduce_sum3A_98 [0] : vector<512x256xf32> to vector<256xf32>
    %broadcast_in_dim3A_100 = vector.shape_cast %reduce_sum3A_99 : vector<256xf32> to vector<1x256xf32>
    %add3A_101 = arith.addf %get3A_92, %broadcast_in_dim3A_100 : vector<1x256xf32>
    %swap3A_102 = arith.constant 1 : index
    %swap3A_103 = arith.constant 0 : index
    %swap3A_104 = vector.load %arg17[%swap3A_102, %swap3A_103] : memref<8x256xf32, #tpu.memory_space<vmem>>, vector<1x256xf32>
    tpu.vector_store %arg17[%swap3A_102, %swap3A_103], %add3A_101 {strides = array<i32>} : memref<8x256xf32, #tpu.memory_space<vmem>>, vector<1x256xf32>,
    %get3A_105 = arith.constant 2 : index
    %get3A_106 = arith.constant 0 : index
    %get3A_107 = vector.load %arg17[%get3A_105, %get3A_106] : memref<8x256xf32, #tpu.memory_space<vmem>>, vector<1x256xf32>
    %mul3A_108 = vector.broadcast %mul3A_79 : vector<512x1xf32> to vector<512x256xf32>
    %mul3A_109 = arith.mulf %max3A_63, %mul3A_108 : vector<512x256xf32>
    %reduce_sum3A_110 = arith.constant dense<0.000000e+00> : vector<256xf32>
    %reduce_sum3A_111 = vector.multi_reduction <add>, %mul3A_109, %reduce_sum3A_110 [0] : vector<512x256xf32> to vector<256xf32>
    %broadcast_in_dim3A_112 = vector.shape_cast %reduce_sum3A_111 : vector<256xf32> to vector<1x256xf32>
    %add3A_113 = arith.addf %get3A_107, %broadcast_in_dim3A_112 : vector<1x256xf32>
    %swap3A_114 = arith.constant 2 : index
    %swap3A_115 = arith.constant 0 : index
    %swap3A_116 = vector.load %arg17[%swap3A_114, %swap3A_115] : memref<8x256xf32, #tpu.memory_space<vmem>>, vector<1x256xf32>
    tpu.vector_store %arg17[%swap3A_114, %swap3A_115], %add3A_113 {strides = array<i32>} : memref<8x256xf32, #tpu.memory_space<vmem>>, vector<1x256xf32>,
    %eq3A_117 = arith.constant 19 : i32
    %eq3A_118 = arith.cmpi eq, %arg0, %eq3A_117 : i32
    %convert_element_type3A_119 = arith.extui %eq3A_118 : i1 to i32
    %cond3A_120 = arith.constant 0 : i32
    %cond3A_121 = arith.cmpi ne, %convert_element_type3A_119, %cond3A_120 : i32
    scf.if %cond3A_121 {
      %get3A_122 = arith.constant 0 : index
      %get3A_123 = arith.constant 0 : index
      %get3A_124 = vector.load %arg17[%get3A_122, %get3A_123] : memref<8x256xf32, #tpu.memory_space<vmem>>, vector<1x256xf32>
      %mul3A_125 = arith.constant 9.99999974E-5 : f32
      %mul3A_126 = vector.broadcast %mul3A_125 : f32 to vector<1x256xf32>
      %mul3A_127 = arith.mulf %get3A_124, %mul3A_126 : vector<1x256xf32>
      %get3A_128 = arith.constant 0 : index
      %get3A_129 = arith.constant 0 : index
      %get3A_130 = vector.load %arg12[%get3A_128, %get3A_129] : memref<768x256xf32, #tpu.memory_space<vmem>>, vector<256x256xf32>
      %dot_general3A_131 = arith.constant dense<0.000000e+00> : vector<1x256xf32>
      %dot_general3A_132 = tpu.matmul %mul3A_127, %get3A_130, %dot_general3A_131 {dimension_numbers = #tpu.dot_dimension_numbers<[1], [0], [0], [1], [0, 0, 1, 1], [], []>, transpose_lhs_hint = false} : vector<1x256xf32>, vector<256x256xf32>, vector<1x256xf32> -> vector<1x256xf32>
      %get3A_133 = arith.constant 1 : index
      %get3A_134 = arith.constant 0 : index
      %get3A_135 = vector.load %arg17[%get3A_133, %get3A_134] : memref<8x256xf32, #tpu.memory_space<vmem>>, vector<1x256xf32>
      %mul3A_136 = arith.constant 9.99999974E-5 : f32
      %mul3A_137 = vector.broadcast %mul3A_136 : f32 to vector<1x256xf32>
      %mul3A_138 = arith.mulf %get3A_135, %mul3A_137 : vector<1x256xf32>
      %get3A_139 = arith.constant 256 : index
      %get3A_140 = arith.constant 0 : index
      %get3A_141 = vector.load %arg12[%get3A_139, %get3A_140] : memref<768x256xf32, #tpu.memory_space<vmem>>, vector<256x256xf32>
      %dot_general3A_142 = arith.constant dense<0.000000e+00> : vector<1x256xf32>
      %dot_general3A_143 = tpu.matmul %mul3A_138, %get3A_141, %dot_general3A_142 {dimension_numbers = #tpu.dot_dimension_numbers<[1], [0], [0], [1], [0, 0, 1, 1], [], []>, transpose_lhs_hint = false} : vector<1x256xf32>, vector<256x256xf32>, vector<1x256xf32> -> vector<1x256xf32>
      %add3A_144 = arith.addf %dot_general3A_132, %dot_general3A_143 : vector<1x256xf32>
      %get3A_145 = arith.constant 2 : index
      %get3A_146 = arith.constant 0 : index
      %get3A_147 = vector.load %arg17[%get3A_145, %get3A_146] : memref<8x256xf32, #tpu.memory_space<vmem>>, vector<1x256xf32>
      %mul3A_148 = arith.constant 9.99999974E-5 : f32
      %mul3A_149 = vector.broadcast %mul3A_148 : f32 to vector<1x256xf32>
      %mul3A_150 = arith.mulf %get3A_147, %mul3A_149 : vector<1x256xf32>
      %get3A_151 = arith.constant 512 : index
      %get3A_152 = arith.constant 0 : index
      %get3A_153 = vector.load %arg12[%get3A_151, %get3A_152] : memref<768x256xf32, #tpu.memory_space<vmem>>, vector<256x256xf32>
      %dot_general3A_154 = arith.constant dense<0.000000e+00> : vector<1x256xf32>
      %dot_general3A_155 = tpu.matmul %mul3A_150, %get3A_153, %dot_general3A_154 {dimension_numbers = #tpu.dot_dimension_numbers<[1], [0], [0], [1], [0, 0, 1, 1], [], []>, transpose_lhs_hint = false} : vector<1x256xf32>, vector<256x256xf32>, vector<1x256xf32> -> vector<1x256xf32>
      %add3A_156 = arith.addf %add3A_144, %dot_general3A_155 : vector<1x256xf32>
      %get3A_157 = arith.constant 0 : index
      %get3A_158 = arith.constant 0 : index
      %get3A_159 = vector.load %arg13[%get3A_157, %get3A_158] : memref<1x256xf32, #tpu.memory_space<vmem>>, vector<1x256xf32>
      %add3A_160 = arith.addf %add3A_156, %get3A_159 : vector<1x256xf32>
      %get3A_161 = arith.constant 0 : index
      %get3A_162 = arith.constant 0 : index
      %get3A_163 = vector.load %arg14[%get3A_161, %get3A_162] : memref<256x10xf32, #tpu.memory_space<vmem>>, vector<256x10xf32>
      %dot_general3A_164 = arith.constant dense<0.000000e+00> : vector<1x10xf32>
      %dot_general3A_165 = tpu.matmul %add3A_160, %get3A_163, %dot_general3A_164 {dimension_numbers = #tpu.dot_dimension_numbers<[1], [0], [0], [1], [0, 0, 1, 1], [], []>, transpose_lhs_hint = false} : vector<1x256xf32>, vector<256x10xf32>, vector<1x10xf32> -> vector<1x10xf32>
      %get3A_166 = arith.constant 0 : index
      %get3A_167 = arith.constant 0 : index
      %get3A_168 = vector.load %arg15[%get3A_166, %get3A_167] : memref<1x10xf32, #tpu.memory_space<vmem>>, vector<1x10xf32>
      %add3A_169 = arith.addf %dot_general3A_165, %get3A_168 : vector<1x10xf32>
      %swap3A_170 = arith.constant 0 : index
      %swap3A_171 = arith.constant 0 : index
      %swap3A_172 = vector.load %arg16[%swap3A_170, %swap3A_171] : memref<1x10xf32, #tpu.memory_space<vmem>>, vector<1x10xf32>
      tpu.vector_store %arg16[%swap3A_170, %swap3A_171], %add3A_169 {strides = array<i32>} : memref<1x10xf32, #tpu.memory_space<vmem>>, vector<1x10xf32>,
    } else {
    }
    return
  }
  func.func @transform_0(%arg0: i32) -> (i32, i32) {
    %c0_i32 = arith.constant 0 : i32
    %c0_i32_0 = arith.constant 0 : i32
    return %arg0, %c0_i32 : i32, i32
  }
  func.func @transform_1(%arg0: i32) -> (i32, i32) {
    %c0_i32 = arith.constant 0 : i32
    %c0_i32_0 = arith.constant 0 : i32
    return %arg0, %c0_i32 : i32, i32
  }
  func.func @transform_2(%arg0: i32) -> (i32, i32) {
    %c0_i32 = arith.constant 0 : i32
    %c0_i32_0 = arith.constant 0 : i32
    return %arg0, %c0_i32 : i32, i32
  }
  func.func @transform_3(%arg0: i32) -> (i32, i32) {
    %c0_i32 = arith.constant 0 : i32
    %c0_i32_0 = arith.constant 0 : i32
    return %arg0, %c0_i32 : i32, i32
  }
  func.func @transform_4(%arg0: i32) -> (i32, i32) {
    %c0_i32 = arith.constant 0 : i32
    %c0_i32_0 = arith.constant 0 : i32
    return %arg0, %c0_i32 : i32, i32
  }
  func.func @transform_5(%arg0: i32) -> (i32, i32) {
    %c0_i32 = arith.constant 0 : i32
    %c0_i32_0 = arith.constant 0 : i32
    return %arg0, %c0_i32 : i32, i32
  }
  func.func @transform_6(%arg0: i32) -> (i32, i32) {
    %c0_i32 = arith.constant 0 : i32
    %c0_i32_0 = arith.constant 0 : i32
    return %arg0, %c0_i32 : i32, i32
  }
  func.func @transform_7(%arg0: i32) -> (i32, i32) {
    %c0_i32 = arith.constant 0 : i32
    %c0_i32_0 = arith.constant 0 : i32
    return %arg0, %c0_i32 : i32, i32
  }
  func.func @transform_8(%arg0: i32) -> (i32, i32) {
    %c0_i32 = arith.constant 0 : i32
    %c0_i32_0 = arith.constant 0 : i32
    return %arg0, %c0_i32 : i32, i32
  }
  func.func @transform_9(%arg0: i32) -> (i32, i32) {
    %c0_i32 = arith.constant 0 : i32
    %c0_i32_0 = arith.constant 0 : i32
    %c0_i32_1 = arith.constant 0 : i32
    return %c0_i32, %c0_i32_0 : i32, i32
  }
  func.func @transform_10(%arg0: i32) -> (i32, i32) {
    %c0_i32 = arith.constant 0 : i32
    %c0_i32_0 = arith.constant 0 : i32
    %c0_i32_1 = arith.constant 0 : i32
    return %c0_i32, %c0_i32_0 : i32, i32
  }
  func.func @transform_11(%arg0: i32) -> (i32, i32) {
    %c0_i32 = arith.constant 0 : i32
    %c0_i32_0 = arith.constant 0 : i32
    %c0_i32_1 = arith.constant 0 : i32
    return %c0_i32, %c0_i32_0 : i32, i32
  }
  func.func @transform_12(%arg0: i32) -> (i32, i32) {
    %c0_i32 = arith.constant 0 : i32
    %c0_i32_0 = arith.constant 0 : i32
    %c0_i32_1 = arith.constant 0 : i32
    return %c0_i32, %c0_i32_0 : i32, i32
  }
  func.func @transform_13(%arg0: i32) -> (i32, i32) {
    %c0_i32 = arith.constant 0 : i32
    %c0_i32_0 = arith.constant 0 : i32
    %c0_i32_1 = arith.constant 0 : i32
    return %c0_i32, %c0_i32_0 : i32, i32
  }
  func.func @transform_14(%arg0: i32) -> (i32, i32) {
    %c0_i32 = arith.constant 0 : i32
    %c0_i32_0 = arith.constant 0 : i32
    %c0_i32_1 = arith.constant 0 : i32
    return %c0_i32, %c0_i32_0 : i32, i32
  }
  func.func @transform_15(%arg0: i32) -> (i32, i32) {
    %c0_i32 = arith.constant 0 : i32
    %c0_i32_0 = arith.constant 0 : i32
    %c0_i32_1 = arith.constant 0 : i32
    return %c0_i32, %c0_i32_0 : i32, i32
  }
}

</mosaic_0001>

<sc_bundles>
// kernel: kernel.12.cloned.1.call-start
scs
__scs_entry_jumppad:
0x0: {  	(pc) =	sbr.rel $0x88, $3  }
0x1: {  	(tag) =	ssettag $0x0;
	lr =	simm.s32 $0x1  }
0x2: {  	[smem:$0x3F99] =	sst lr;
	_ =	strace $0xD0000000  }
0x3: {  	_ = 	snop  }
0x4: {  	_ = 	snop  }
0x5: {  	_ = 	snop  }
0x6: {  	_ = 	snop  }
0x7: {  	_ = 	snop  }
__scs_overlays_trampoline_lowered:
0x8: {  	[smem:$0x3FA8] =	sst s0  }
0x9: {  	[smem:$0x3FA9] =	sst s1  }
0xa: {  	[smem:$0x3FAA] =	sst s2  }
0xb: {  	[smem:$0x3FAB] =	sst s3  }
0xc: {  	[smem:$0x3FAC] =	sst s4  }
0xd: {  	[smem:$0x3FAD] =	sst s5  }
0xe: {  	[smem:$0x3FAE] =	sst s6  }
0xf: {  	[smem:$0x3FAF] =	sst s7  }
0x10: {  	[smem:$0x3FB0] =	sst s8  }
0x11: {  	[smem:$0x3FB1] =	sst s9;
	s0 =	simm.s32 @!p0 $0x0  }
0x12: {  	s1 =	sld [smem:$0x3F97];
	s0 =	simm.s32 @p0 $0x1  }
0x13: {  	[smem:$0x3FB2] =	sst s0;
	s0 =	simm.s32 @!p1 $0x0  }
0x14: {  	s2 =	sld [smem:$0x3F96];
	s0 =	simm.s32 @p1 $0x1  }
0x15: {  	[smem:$0x3FB3] =	sst s0;
	s0 =	simm.s32 @!p2 $0x0  }
0x16: {  	s3 =	sld [smem:$0x3FDB];
	s0 =	simm.s32 @p2 $0x1  }
0x17: {  	s4 =	simm.s32 $0x1BF5;
	[smem:$0x3FB5] =	sst s0  }
0x18: {  	s0 =	sld [smem:$0x3F98];
	_ =	swait.ge [sflag:s4], $0x0  }
0x19: {  	s7 =	sld [smem:$0x3F99]  }
0x1a: {  	s8 =	sadd.s32 $0xFFFFE003, lr  }
0x1b: {  	s9 =	sadd.s32 $0xFFFFFEF7, lr;
	s5 =	simm.s32 $0xFFFFFFFF;
	p2 =	slt.u32 s8, $0xFFFFF086  }
0x1c: {  	p1 =	slt.u32 s9, $0xF7A;
	s5 =	simm.s32 @!p2 $0x0  }
0x1d: {  	s5 =	simm.s32 @p1 $0x1;
	p0 =	seq.s32 s7, s2  }
0x1e: {  	s7 =	smul.u32 @!p0 $0xF7A, s2;
	p2 =	seq.s32 @!p0 s5, $0x0  }
0x1f: {  	s9 =	smul.u32 $0xF7A, s1;
	s8 =	simm.s32 @!p0 $0x1BF5;
	p2 =	por !p2, p0  }
0x20: {  	[sflag:s8] =	ssyncset.s32 @!p0 $0xFFFFF086;
	s6 =	sadd.s32 @!p0 s3, s7;
	s7 =	simm.s32 @!p0 $0x108  }
0x21: {  	s3 =	sadd.s32 s3, s9;
	s6 =	sadd.s32 @!p0 $0x88, s6;
	s7 =	simm.s32 @p2 $0x1082  }
0x22: {  	[simem:s7], [sflag:s8] =	dma.local @!p0 [hbm:s6], $0xF7A  }
0x23: {  	s9 =	sor.u32 $0xD0000000, s2;
	s6 =	simm.s32 $0x108;
	_ =	swait.ge @!p0 [sflag:s8], $0x0  }
0x24: {  	s3 =	sadd.s32 $0x88, s3;
	s6 =	simm.s32 @!p1 $0x1082;
	[sflag:s4] =	ssyncset.s32 $0xFFFFF086  }
0x25: {  	[simem:s6], [sflag:s4] =	dma.local [hbm:s3], $0xF7A  }
0x26: {  	[smem:$0x3F99] =	sst s1;
	(tag) =	ssettag s2;
	_ =	strace s9  }
0x27: {  	s1 =	sld [smem:$0x3FA9]  }
0x28: {  	s2 =	sld [smem:$0x3FAA]  }
0x29: {  	s4 =	sld [smem:$0x3FAC]  }
0x2a: {  	p0 =	seq.s32 s5, $0x0;
	s5 =	sld [smem:$0x3FAD]  }
0x2b: {  	s6 =	sld [smem:$0x3FAE]  }
0x2c: {  	s7 =	sld [smem:$0x3FAF]  }
0x2d: {  	s3 =	simm.s32 $0x108;
	s8 =	sld [smem:$0x3FB0]  }
0x2e: {  	s3 =	simm.s32 @!p0 $0x1082;
	s9 =	sld [smem:$0x3FB1]  }
0x2f: {  	lr =	sadd.s32 s0, s3;
	s0 =	sld [smem:$0x3FA8]  }
0x30: {  	s3 =	sld [smem:$0x3FAB]  }
0x31: {  	[smem:$0x3FB4] =	sst s10  }
0x32: {  	s10 =	sld [smem:$0x3FB2];
	_ =	sdelay $0x3  }
0x33: {  	p0 =	seq.s32 s10, $0x1;
	s10 =	sld [smem:$0x3FB4];
	_ =	sdelay $0x3  }
0x34: {  	[smem:$0x3FB4] =	sst s10  }
0x35: {  	s10 =	sld [smem:$0x3FB3];
	_ =	sdelay $0x3  }
0x36: {  	p1 =	seq.s32 s10, $0x1;
	s10 =	sld [smem:$0x3FB4];
	_ =	sdelay $0x3  }
0x37: {  	[smem:$0x3FB4] =	sst s10  }
0x38: {  	s10 =	sld [smem:$0x3FB5]  }
0x39: {  	_ = 	snop;
	(pc) =	sbr.ind lr, $3  }
0x3a: {  	_ = 	snop  }
0x3b: {  	_ = 	snop  }
0x3c: {  	p2 =	seq.s32 s10, $0x1;
	s10 =	sld [smem:$0x3FB4]  }
0x3d: {  	_ =	shalt  }
0x3e: {  	_ =	shalt  }
0x3f: {  	_ =	shalt  }
0x40: {  	_ =	shalt  }
0x41: {  	_ =	shalt  }
0x42: {  	_ =	shalt  }
0x43: {  	_ =	shalt  }
0x44: {  	_ =	shalt  }
0x45: {  	_ =	shalt  }
0x46: {  	_ =	shalt  }
0x47: {  	_ =	shalt  }
0x48: {  	_ =	shalt  }
0x49: {  	_ =	shalt  }
0x4a: {  	_ =	shalt  }
0x4b: {  	_ =	shalt  }
0x4c: {  	_ =	shalt  }
0x4d: {  	_ =	shalt  }
0x4e: {  	_ =	shalt  }
0x4f: {  	_ =	shalt  }
0x50: {  	_ =	shalt  }
0x51: {  	_ =	shalt  }
0x52: {  	_ =	shalt  }
0x53: {  	_ =	shalt  }
0x54: {  	_ =	shalt  }
0x55: {  	_ =	shalt  }
0x56: {  	_ =	shalt  }
0x57: {  	_ =	shalt  }
0x58: {  	_ =	shalt  }
0x59: {  	_ =	shalt  }
0x5a: {  	_ =	shalt  }
0x5b: {  	_ =	shalt  }
0x5c: {  	_ =	shalt  }
0x5d: {  	_ =	shalt  }
0x5e: {  	_ =	shalt  }
0x5f: {  	_ =	shalt  }
0x60: {  	_ =	shalt  }
0x61: {  	_ =	shalt  }
0x62: {  	_ =	shalt  }
0x63: {  	_ =	shalt  }
0x64: {  	_ =	shalt  }
0x65: {  	_ =	shalt  }
0x66: {  	_ =	shalt  }
0x67: {  	_ =	shalt  }
0x68: {  	_ =	shalt  }
0x69: {  	_ =	shalt  }
0x6a: {  	_ =	shalt  }
0x6b: {  	_ =	shalt  }
0x6c: {  	_ =	shalt  }
0x6d: {  	_ =	shalt  }
0x6e: {  	_ =	shalt  }
0x6f: {  	_ =	shalt  }
0x70: {  	_ =	shalt  }
0x71: {  	_ =	shalt  }
0x72: {  	_ =	shalt  }
0x73: {  	_ =	shalt  }
0x74: {  	_ =	shalt  }
0x75: {  	_ =	shalt  }
0x76: {  	_ =	shalt  }
0x77: {  	_ =	shalt  }
0x78: {  	_ =	shalt  }
0x79: {  	_ =	shalt  }
0x7a: {  	_ =	shalt  }
0x7b: {  	_ =	shalt  }
0x7c: {  	_ =	shalt  }
0x7d: {  	_ =	shalt  }
0x7e: {  	_ =	shalt  }
0x7f: {  	_ =	shalt  }
0x80: {  	_ =	shalt  }
0x81: {  	_ =	shalt  }
0x82: {  	_ =	shalt  }
0x83: {  	_ =	shalt  }
0x84: {  	_ =	shalt  }
0x85: {  	_ =	shalt  }
0x86: {  	_ =	shalt  }
0x87: {  	_ =	shalt  }
.Lfunc_end0:
.L_simem_size_0:
called_computation_lowered:
.L_overlay_start_0:
0x88: {  	s2 =	sld [smem:$0x3FD9]  }
0x89: {  	s3 =	sld [smem:$0x3FFE];
	_ =	sdelay $0x1  }
0x8a: {  	s1 =	srdreg.scid  }
0x8b: {  	s0 =	sand.u32 $0x1, s1  }
0x8c: {  	s17 =	sshll.u32 s0, $0xA;
	s2 =	sadd.s32 s3, s2  }
0x8d: {  	s2 =	sadd.s32 s2, s17  }
0x8e: {  	[smem:$0x3FC0] =	sst s2  }
0x8f: {  	_ = 	snop  }
0x90: {  	s2 =	sld [smem:$0x3FD0];
	(tm) =	ssettm $0x1  }
0x91: {  	s18 =	sld [smem:$0x3FFB];
	_ =	sdelay $0x3  }
0x92: {  	_ =	strace s18  }
0x93: {  	s3 =	sld [smem:$0x3FFC];
	_ =	sdelay $0x3  }
0x94: {  	_ =	strace s3  }
0x95: {  	s3 =	sld [smem:$0x3FFD];
	_ =	sdelay $0x3  }
0x96: {  	_ =	strace s3  }
0x97: {  	_ =	strace $0x8FFFFFFF  }
0x98: {  	s19 =	sld [smem:$0x3FDB];
	_ =	sdelay $0x1  }
0x99: {  	s4 =	simm.s32 $_scs_section_size  }
0x9a: {  	s5 =	simm.s32 $_size__tile_overlayer_lowered;
	s6 =	simm.s32 $_tile_overlayer_lowered  }
0x9b: {  	s22 =	simm.s32 $0x1BFF;
	s21 =	sshll.u32 s6, $0x1;
	s3 =	sadd.s32 s4, s19  }
0x9c: {  	s7 =	simm.s32 $0x0;
	s20 =	sshll.u32 s5, $0x1;
	s5 =	sadd.s32 s21, s3  }
0x9d: {  	[timem:s7], [sflag:s22] =	dma.local [hbm:s5], s20  }
0x9e: {  	_ =	swait.ge [sflag:s22], s20  }
0x9f: {  	s4 =	ssub.s32 $0x0, s20;
	[sflag:s22] =	ssyncset.done $0x0  }
0xa0: {  	[sflag:s22] =	ssyncadd.s32 s4;
	_ =	sdelay $0x1  }
0xa1: {  	s23 =	simm.s32 $0x1B8B  }
0xa2: {  	_ =	swait.ge [sflag:s23], $0x1  }
0xa3: {  	[sflag:s23] =	ssyncset.done $0x0  }
0xa4: {  	s25 =	simm.s32 $0x1B8E;
	s24 =	sld [smem:$0x3FFE];
	[sflag:s23] =	ssyncadd.s32 $0xFFFFFFFF  }
0xa5: {  	s26 =	simm.s32 $execute0_lowered;
	[smem:$0x3FD2] =	sst s25  }
0xa6: {  	s5 =	sshll.u32 s26, $0x1;
	_ =	strace $0x80000046;
	[dreg:$0x1] =	wrdreg $0xFFFFFFFF  }
0xa7: {  	s28 =	simm.s32 $_size_execute0_lowered;
	s3 =	sadd.s32 s3, s5;
	[dreg:$0x0] =	wrdreg $0x0  }
0xa8: {  	s5 =	sshll.u32 s28, $0x1;
	[dreg:$0x2] =	wrdreg s3  }
0xa9: {  	[dreg:$0x3] =	wrdreg s5  }
0xaa: {  	[dreg:$0x4] =	wrdreg $0xC0  }
0xab: {  	_ =	task [dreg:s7], $0x5FFFF  }
0xac: {  	[dreg:$0x1] =	wrdreg $0xFFFFFFFF  }
0xad: {  	[dreg:$0x0] =	wrdreg $0x60  }
0xae: {  	[dreg:$0x2] =	wrdreg s2  }
0xaf: {  	[dreg:$0x3] =	wrdreg s24  }
0xb0: {  	[dreg:$0x4] =	wrdreg $0x70000  }
0xb1: {  	[dreg:$0x5] =	wrdreg $0x9  }
0xb2: {  	_ =	task.clear_ibuf [dreg:s7], $0x6FFFF;
	_ =	strace $0x90000046  }
0xb3: {  	s29 =	simm.s32 $0x9;
	_ =	strace $0x80000048  }
0xb4: {  	_ =	swait.ge [sflag:s29], $0x1  }
0xb5: {  	[sflag:s29] =	ssyncadd.s32 $0xFFFFFFFF  }
0xb6: {  	_ =	strace $0x90000048  }
0xb7: {  	_ =	sfence  }
0xb8: {  	s30 =	sld [smem:$0x0];
	_ =	sdelay $0x2  }
0xb9: {  	s31 =	sshll.u32 s1, $0xD;
	s1 =	sshrl.u32 s1, $0x2  }
0xba: {  	s3 =	sand.u32 $0x4000, s31;
	s1 =	sadd.s32 s1, s30  }
0xbb: {  	s0 =	sor.u32 s3, s0;
	s1 =	sshll.u32 s1, $0x11  }
0xbc: {  	s0 =	sor.u32 s1, s0  }
0xbd: {  	s0 =	sadd.s32 $0x8F2B, s0  }
0xbe: {  	[sflag:s0] =	ssyncadd.remote.s32 $0x1  }
0xbf: {  	_ =	sfence.sel $0xFFFF  }
0xc0: {  	[dreg:$0x0] =	wrdreg $0xFFFFFFFF;
	(pc) =	sbr.abs _section_cstart, $3  }
0xc1: {  	[dreg:$0x1] =	wrdreg $0xFFFFFFFF  }
0xc2: {  	_ =	task.clear_ibuf [dreg:s7], $0x2FFFF;
	_ =	strace $0x9FFFFFFF  }
0xc3: {  	(tm) =	ssettm $0x7FFFFFFF  }
tec
execute0_lowered:
.L_overlay_start_1:
0x0: {  	(tag) =	ssettag $0x1  }
0x1: {  	s3 =	rddreg [dreg:$0x0]  }
0x2: {  	s1 =	rddreg [dreg:$0x1]  }
0x3: {  	s2 =	rddreg [dreg:$0x2]  }
0x4: {  	s0 =	srdreg.scid;
	s14 =	rddreg [dreg:$0x3];
	s30 =	simm.s32 $0x0  }
0x5: {  	s8 =	stileid.u32;
	[smem:$0x7FF] =	sst s30;
	s6 =	sadd.s32 $0x22600, s1  }
0x6: {  	s19 =	simm.s32 $0x400;
	_ =	strace $0x80000047;
	[dreg:$0x4] =	wrdreg s6  }
0x7: {  	s20 =	simm.s32 $0x2A00;
	s21 =	simm.s32 $0x600;
	[dreg:$0x8] =	wrdreg s19  }
0x8: {  	s22 =	simm.s32 $0x2C00;
	s23 =	simm.s32 $0x800;
	[dreg:$0x9] =	wrdreg s20  }
0x9: {  	s25 =	simm.s32 $0x2E00;
	s10 =	simm.s32 $0xC00;
	[dreg:$0xa] =	wrdreg s21  }
0xa: {  	s12 =	simm.s32 $0x3200;
	s13 =	simm.s32 $0xE00;
	[dreg:$0xb] =	wrdreg s22  }
0xb: {  	s15 =	simm.s32 $0x3400;
	s31 =	simm.s32 $0x2800;
	[dreg:$0xc] =	wrdreg s23  }
0xc: {  	s16 =	simm.s32 $0x1000;
	s29 =	simm.s32 $0x1A00;
	[dreg:$0xd] =	wrdreg s25  }
0xd: {  	s28 =	simm.s32 $0x4200;
	p0 =	por $0x0, $0x0;
	[dreg:$0x10] =	wrdreg s10  }
0xe: {  	s0 =	sand.u32 $0x1, s0;
	s5 =	smul.u32 $0x280, s8;
	[dreg:$0x11] =	wrdreg s12  }
0xf: {  	s26 =	smul.u32 $0x5000, s8;
	s17 =	sshll.u32 s8, $0x6;
	[dreg:$0x12] =	wrdreg s13  }
0x10: {  	s4 =	sshll.u32 s0, $0x4;
	s7 =	smul.u32 $0x2800, s0;
	[dreg:$0x13] =	wrdreg s15  }
0x11: {  	s0 =	ssub.s32 $0x2, s0;
	s6 =	simm.s32 $0xA00;
	[dreg:$0x14] =	wrdreg s16  }
0x12: {  	s19 =	simm.s32 $0x1200;
	s20 =	simm.s32 $0x3800;
	s21 =	simm.s32 $0x1400  }
0x13: {  	s22 =	simm.s32 $0x3A00;
	s10 =	simm.s32 $0x1;
	[dreg:$0xe] =	wrdreg s6  }
0x14: {  	s23 =	simm.s32 $0x1600;
	s12 =	simm.s32 $0x2;
	[dreg:$0x16] =	wrdreg s19  }
0x15: {  	s25 =	simm.s32 $0x1800;
	s13 =	simm.s32 $0x3;
	[dreg:$0x17] =	wrdreg s20  }
0x16: {  	s16 =	simm.s32 $0x2600;
	s15 =	simm.s32 $0x4E00;
	[dreg:$0x18] =	wrdreg s21  }
0x17: {  	s4 =	sor.u32 s8, s4;
	s24 =	sshrl.u32 s0, $0x1;
	[dreg:$0x19] =	wrdreg s22  }
0x18: {  	s9 =	sshrl.u32 s26, $0x2;
	s8 =	simm.s32 $0x6000;
	[dreg:$0x1a] =	wrdreg s23  }
0x19: {  	[dreg:$0x1c] =	wrdreg s25;
	s26 =	simm.s32 $0x3E00;
	s20 =	simm.s32 $0x4000  }
0x1a: {  	s25 =	simm.s32 $0x4400;
	s22 =	simm.s32 $0x2000;
	s23 =	simm.s32 $0x4600  }
0x1b: {  	s21 =	simm.s32 $0x4800;
	s19 =	simm.s32 $0x4A00;
	s4 =	smul.u32 $0x500, s4  }
0x1c: {  	s0 =	ssub.s32 s0, s24;
	s11 =	sadd.s32 s9, s2;
	s9 =	simm.s32 $0x5000  }
0x1d: {  	s24 =	simm.s32 $0x3C00;
	[dreg:$0x1d] =	wrdreg s26;
	s26 =	simm.s32 $0x1C00  }
0x1e: {  	s0 =	smax.u32 s0, $0x1;
	s6 =	sshrl.u32 s11, $0x3;
	[dreg:$0x1b] =	wrdreg s24  }
0x1f: {  	s11 =	simm.s32 $0x4;
	s24 =	simm.s32 $0x1E00;
	s4 =	sadd.s32 s4, s1  }
0x20: {  	s1 =	sadd.s32 s5, s1;
	p1 =	sne.s32 s0, $0x1;
	s18 =	sadd.s32 $0x18600, s4  }
0x21: {  	s4 =	sadd.s32 $0x4600, s4;
	s1 =	sadd.s32 s7, s1;
	[dreg:$0x5] =	wrdreg s18  }
.Ltmp0:
0x22: {  	s7 =	simm.s32 $0x3000;
	[dreg:$0x6] =	wrdreg s4;
	(pc) =	sbr.rel @!p1 .LBB2_1-.Ltmp0, $4  }
0x23: {  	s5 =	sor.u32 $0x1C05, s17;
	s1 =	sadd.s32 $0x22A00, s1;
	[dreg:$0xf] =	wrdreg s7  }
0x24: {  	s0 =	sadd.s32 $0xFFFFFFFF, s0;
	s18 =	simm.s32 $0x3600;
	[dreg:$0x7] =	wrdreg s1  }
0x25: {  	s17 =	simm.s32 $0x4C00;
	s4 =	simm.s32 $0x5;
	[dreg:$0x15] =	wrdreg s18  }
0x26: {  	s7 =	simm.s32 $0x200;
	s18 =	simm.s32 $0x2400;
	s1 =	rddreg [dreg:$0x5]  }
0x27: {  	[tilespmem:s30], [sflag:$0x5] =	stream.linear.gather [hbm4b:s1+s30], $0x2800, $0x38;
	[tilespmem:$0x8400] =	vst v63  }
0x28: {  	_ =	swait.ge [sflag:s4], $0x2800  }
0x29: {  	[sflag:s4] =	ssyncset.done $0x0  }
0x2a: {  	s14 =	rddreg [dreg:$0x6];
	[sflag:s4] =	ssyncadd.s32 $0xFFFFD800  }
0x2b: {  	[tilespmem:s31], [sflag:$0x5] =	stream.linear.gather [hbm4b:s14+s30], $0x2800, $0x38;
	[tilespmem:$0x8400] =	vst v63  }
0x2c: {  	_ =	swait.ge [sflag:s4], $0x2800  }
0x2d: {  	[sflag:s4] =	ssyncset.done $0x0  }
0x2e: {  	s14 =	rddreg [dreg:$0x4];
	[sflag:s4] =	ssyncadd.s32 $0xFFFFD800  }
0x2f: {  	[spmem:s6], [sflag:s5] =	dma.local [hbm:s14], $0x280  }
0x30: {  	_ =	swait.ge [sflag:s4], $0x280  }
0x31: {  	[sflag:s4] =	ssyncset.done $0x0  }
0x32: {  	[sflag:s4] =	ssyncadd.s32 $0xFFFFFD80  }
0x33: {  	[bflag:$0x0] =	sbarrier.arrive $0xFFFF  }
0x34: {  	[tilespmem:s9], [sflag:$0x1] =	stream.indirect.gather [hbm4b:s3+s7], $0x8, s30, s7, $0xb8;
	[tilespmem:$0x8400] =	vst v63  }
0x35: {  	_ =	swait.ge [sflag:s10], $0x1000  }
0x36: {  	[sflag:s10] =	ssyncset.done $0x0  }
0x37: {  	[sflag:s10] =	ssyncadd.s32 $0xFFFFF000  }
0x38: {  	[tilespmem:s8], [sflag:$0x2] =	stream.indirect.gather [hbm4b:s3+s7], $0x8, s7, s7, $0xb8;
	[tilespmem:$0x8400] =	vst v63  }
0x39: {  	_ = 	snop  }
0x3a: {  	[spmem:s2] =	stream.indirect.scatter.add.f32 [tilespmem:s9], [sflag:$0x3], $0x8, s31, s7, $0xb8;
	[tilespmem:$0x8400] =	vst v63  }
0x3b: {  	_ =	swait.ge [sflag:s12], $0x1000  }
0x3c: {  	[sflag:s12] =	ssyncset.done $0x0  }
0x3d: {  	[sflag:s12] =	ssyncadd.s32 $0xFFFFF000  }
0x3e: {  	_ =	swait.ge [sflag:s13], $0x1000  }
0x3f: {  	[sflag:s13] =	ssyncset.done $0x0  }
0x40: {  	s1 =	rddreg [dreg:$0x8];
	[sflag:s13] =	ssyncadd.s32 $0xFFFFF000  }
0x41: {  	[tilespmem:s9], [sflag:$0x1] =	stream.indirect.gather [hbm4b:s3+s7], $0x8, s1, s7, $0xb8;
	[tilespmem:$0x8400] =	vst v63  }
0x42: {  	s14 =	smov.u32 s0;
	s0 =	rddreg [dreg:$0x9]  }
0x43: {  	[spmem:s2] =	stream.indirect.scatter.add.f32 [tilespmem:s8], [sflag:$0x4], $0x8, s0, s7, $0xb8;
	[tilespmem:$0x8400] =	vst v63  }
0x44: {  	_ =	swait.ge [sflag:s11], $0x1000  }
0x45: {  	[sflag:s11] =	ssyncset.done $0x0  }
0x46: {  	[sflag:s11] =	ssyncadd.s32 $0xFFFFF000  }
0x47: {  	_ =	swait.ge [sflag:s10], $0x1000  }
0x48: {  	[sflag:s10] =	ssyncset.done $0x0  }
0x49: {  	s0 =	rddreg [dreg:$0xa];
	[sflag:s10] =	ssyncadd.s32 $0xFFFFF000  }
0x4a: {  	[tilespmem:s8], [sflag:$0x2] =	stream.indirect.gather [hbm4b:s3+s7], $0x8, s0, s7, $0xb8;
	[tilespmem:$0x8400] =	vst v63  }
0x4b: {  	s1 =	rddreg [dreg:$0xb]  }
0x4c: {  	[spmem:s2] =	stream.indirect.scatter.add.f32 [tilespmem:s9], [sflag:$0x3], $0x8, s1, s7, $0xb8;
	[tilespmem:$0x8400] =	vst v63  }
0x4d: {  	_ =	swait.ge [sflag:s12], $0x1000  }
0x4e: {  	[sflag:s12] =	ssyncset.done $0x0  }
0x4f: {  	[sflag:s12] =	ssyncadd.s32 $0xFFFFF000  }
0x50: {  	_ =	swait.ge [sflag:s13], $0x1000  }
0x51: {  	[sflag:s13] =	ssyncset.done $0x0  }
0x52: {  	s0 =	rddreg [dreg:$0xc];
	[sflag:s13] =	ssyncadd.s32 $0xFFFFF000  }
0x53: {  	[tilespmem:s9], [sflag:$0x1] =	stream.indirect.gather [hbm4b:s3+s7], $0x8, s0, s7, $0xb8;
	[tilespmem:$0x8400] =	vst v63  }
0x54: {  	s1 =	rddreg [dreg:$0xd]  }
0x55: {  	[spmem:s2] =	stream.indirect.scatter.add.f32 [tilespmem:s8], [sflag:$0x4], $0x8, s1, s7, $0xb8;
	[tilespmem:$0x8400] =	vst v63  }
0x56: {  	_ =	swait.ge [sflag:s11], $0x1000  }
0x57: {  	[sflag:s11] =	ssyncset.done $0x0  }
0x58: {  	[sflag:s11] =	ssyncadd.s32 $0xFFFFF000  }
0x59: {  	_ =	swait.ge [sflag:s10], $0x1000  }
0x5a: {  	[sflag:s10] =	ssyncset.done $0x0  }
0x5b: {  	s0 =	rddreg [dreg:$0xe];
	[sflag:s10] =	ssyncadd.s32 $0xFFFFF000  }
0x5c: {  	[tilespmem:s8], [sflag:$0x2] =	stream.indirect.gather [hbm4b:s3+s7], $0x8, s0, s7, $0xb8;
	[tilespmem:$0x8400] =	vst v63  }
0x5d: {  	s1 =	rddreg [dreg:$0xf]  }
0x5e: {  	[spmem:s2] =	stream.indirect.scatter.add.f32 [tilespmem:s9], [sflag:$0x3], $0x8, s1, s7, $0xb8;
	[tilespmem:$0x8400] =	vst v63  }
0x5f: {  	_ =	swait.ge [sflag:s12], $0x1000  }
0x60: {  	[sflag:s12] =	ssyncset.done $0x0  }
0x61: {  	[sflag:s12] =	ssyncadd.s32 $0xFFFFF000  }
0x62: {  	_ =	swait.ge [sflag:s13], $0x1000  }
0x63: {  	[sflag:s13] =	ssyncset.done $0x0  }
0x64: {  	s0 =	rddreg [dreg:$0x10];
	[sflag:s13] =	ssyncadd.s32 $0xFFFFF000  }
0x65: {  	[tilespmem:s9], [sflag:$0x1] =	stream.indirect.gather [hbm4b:s3+s7], $0x8, s0, s7, $0xb8;
	[tilespmem:$0x8400] =	vst v63  }
0x66: {  	s1 =	rddreg [dreg:$0x11]  }
0x67: {  	[spmem:s2] =	stream.indirect.scatter.add.f32 [tilespmem:s8], [sflag:$0x4], $0x8, s1, s7, $0xb8;
	[tilespmem:$0x8400] =	vst v63  }
0x68: {  	_ =	swait.ge [sflag:s11], $0x1000  }
0x69: {  	[sflag:s11] =	ssyncset.done $0x0  }
0x6a: {  	[sflag:s11] =	ssyncadd.s32 $0xFFFFF000  }
0x6b: {  	_ =	swait.ge [sflag:s10], $0x1000  }
0x6c: {  	[sflag:s10] =	ssyncset.done $0x0  }
0x6d: {  	s0 =	rddreg [dreg:$0x12];
	[sflag:s10] =	ssyncadd.s32 $0xFFFFF000  }
0x6e: {  	[tilespmem:s8], [sflag:$0x2] =	stream.indirect.gather [hbm4b:s3+s7], $0x8, s0, s7, $0xb8;
	[tilespmem:$0x8400] =	vst v63  }
0x6f: {  	s1 =	rddreg [dreg:$0x13]  }
0x70: {  	[spmem:s2] =	stream.indirect.scatter.add.f32 [tilespmem:s9], [sflag:$0x3], $0x8, s1, s7, $0xb8;
	[tilespmem:$0x8400] =	vst v63  }
0x71: {  	_ =	swait.ge [sflag:s12], $0x1000  }
0x72: {  	[sflag:s12] =	ssyncset.done $0x0  }
0x73: {  	[sflag:s12] =	ssyncadd.s32 $0xFFFFF000  }
0x74: {  	_ =	swait.ge [sflag:s13], $0x1000  }
0x75: {  	[sflag:s13] =	ssyncset.done $0x0  }
0x76: {  	s0 =	rddreg [dreg:$0x14];
	[sflag:s13] =	ssyncadd.s32 $0xFFFFF000  }
0x77: {  	[tilespmem:s9], [sflag:$0x1] =	stream.indirect.gather [hbm4b:s3+s7], $0x8, s0, s7, $0xb8;
	[tilespmem:$0x8400] =	vst v63  }
0x78: {  	s1 =	rddreg [dreg:$0x15]  }
0x79: {  	[spmem:s2] =	stream.indirect.scatter.add.f32 [tilespmem:s8], [sflag:$0x4], $0x8, s1, s7, $0xb8;
	[tilespmem:$0x8400] =	vst v63  }
0x7a: {  	_ =	swait.ge [sflag:s11], $0x1000  }
0x7b: {  	[sflag:s11] =	ssyncset.done $0x0  }
0x7c: {  	[sflag:s11] =	ssyncadd.s32 $0xFFFFF000  }
0x7d: {  	_ =	swait.ge [sflag:s10], $0x1000  }
0x7e: {  	[sflag:s10] =	ssyncset.done $0x0  }
0x7f: {  	s0 =	rddreg [dreg:$0x16];
	[sflag:s10] =	ssyncadd.s32 $0xFFFFF000  }
0x80: {  	[tilespmem:s8], [sflag:$0x2] =	stream.indirect.gather [hbm4b:s3+s7], $0x8, s0, s7, $0xb8;
	[tilespmem:$0x8400] =	vst v63  }
0x81: {  	s1 =	rddreg [dreg:$0x17]  }
0x82: {  	[spmem:s2] =	stream.indirect.scatter.add.f32 [tilespmem:s9], [sflag:$0x3], $0x8, s1, s7, $0xb8;
	[tilespmem:$0x8400] =	vst v63  }
0x83: {  	_ =	swait.ge [sflag:s12], $0x1000  }
0x84: {  	[sflag:s12] =	ssyncset.done $0x0  }
0x85: {  	[sflag:s12] =	ssyncadd.s32 $0xFFFFF000  }
0x86: {  	_ =	swait.ge [sflag:s13], $0x1000  }
0x87: {  	[sflag:s13] =	ssyncset.done $0x0  }
0x88: {  	s0 =	rddreg [dreg:$0x18];
	[sflag:s13] =	ssyncadd.s32 $0xFFFFF000  }
0x89: {  	[tilespmem:s9], [sflag:$0x1] =	stream.indirect.gather [hbm4b:s3+s7], $0x8, s0, s7, $0xb8;
	[tilespmem:$0x8400] =	vst v63  }
0x8a: {  	s1 =	rddreg [dreg:$0x19]  }
0x8b: {  	[spmem:s2] =	stream.indirect.scatter.add.f32 [tilespmem:s8], [sflag:$0x4], $0x8, s1, s7, $0xb8;
	[tilespmem:$0x8400] =	vst v63  }
0x8c: {  	_ =	swait.ge [sflag:s11], $0x1000  }
0x8d: {  	[sflag:s11] =	ssyncset.done $0x0  }
0x8e: {  	[sflag:s11] =	ssyncadd.s32 $0xFFFFF000  }
0x8f: {  	_ =	swait.ge [sflag:s10], $0x1000  }
0x90: {  	[sflag:s10] =	ssyncset.done $0x0  }
0x91: {  	s0 =	rddreg [dreg:$0x1a];
	[sflag:s10] =	ssyncadd.s32 $0xFFFFF000  }
0x92: {  	[tilespmem:s8], [sflag:$0x2] =	stream.indirect.gather [hbm4b:s3+s7], $0x8, s0, s7, $0xb8;
	[tilespmem:$0x8400] =	vst v63  }
0x93: {  	s1 =	rddreg [dreg:$0x1b]  }
0x94: {  	[spmem:s2] =	stream.indirect.scatter.add.f32 [tilespmem:s9], [sflag:$0x3], $0x8, s1, s7, $0xb8;
	[tilespmem:$0x8400] =	vst v63  }
0x95: {  	_ =	swait.ge [sflag:s12], $0x1000  }
0x96: {  	[sflag:s12] =	ssyncset.done $0x0  }
0x97: {  	[sflag:s12] =	ssyncadd.s32 $0xFFFFF000  }
0x98: {  	_ =	swait.ge [sflag:s13], $0x1000  }
0x99: {  	[sflag:s13] =	ssyncset.done $0x0  }
0x9a: {  	s0 =	rddreg [dreg:$0x1c];
	[sflag:s13] =	ssyncadd.s32 $0xFFFFF000  }
0x9b: {  	[tilespmem:s9], [sflag:$0x1] =	stream.indirect.gather [hbm4b:s3+s7], $0x8, s0, s7, $0xb8;
	[tilespmem:$0x8400] =	vst v63  }
0x9c: {  	s1 =	rddreg [dreg:$0x1d]  }
0x9d: {  	[spmem:s2] =	stream.indirect.scatter.add.f32 [tilespmem:s8], [sflag:$0x4], $0x8, s1, s7, $0xb8;
	[tilespmem:$0x8400] =	vst v63  }
0x9e: {  	_ =	swait.ge [sflag:s11], $0x1000  }
0x9f: {  	[sflag:s11] =	ssyncset.done $0x0  }
0xa0: {  	[sflag:s11] =	ssyncadd.s32 $0xFFFFF000  }
0xa1: {  	_ =	swait.ge [sflag:s10], $0x1000  }
0xa2: {  	[sflag:s10] =	ssyncset.done $0x0  }
0xa3: {  	[sflag:s10] =	ssyncadd.s32 $0xFFFFF000  }
0xa4: {  	[tilespmem:s8], [sflag:$0x2] =	stream.indirect.gather [hbm4b:s3+s7], $0x8, s29, s7, $0xb8;
	[tilespmem:$0x8400] =	vst v63  }
0xa5: {  	_ = 	snop  }
0xa6: {  	[spmem:s2] =	stream.indirect.scatter.add.f32 [tilespmem:s9], [sflag:$0x3], $0x8, s20, s7, $0xb8;
	[tilespmem:$0x8400] =	vst v63  }
0xa7: {  	_ =	swait.ge [sflag:s12], $0x1000  }
0xa8: {  	[sflag:s12] =	ssyncset.done $0x0  }
0xa9: {  	[sflag:s12] =	ssyncadd.s32 $0xFFFFF000  }
0xaa: {  	_ =	swait.ge [sflag:s13], $0x1000  }
0xab: {  	[sflag:s13] =	ssyncset.done $0x0  }
0xac: {  	[sflag:s13] =	ssyncadd.s32 $0xFFFFF000  }
0xad: {  	[tilespmem:s9], [sflag:$0x1] =	stream.indirect.gather [hbm4b:s3+s7], $0x8, s26, s7, $0xb8;
	[tilespmem:$0x8400] =	vst v63  }
0xae: {  	_ = 	snop  }
0xaf: {  	[spmem:s2] =	stream.indirect.scatter.add.f32 [tilespmem:s8], [sflag:$0x4], $0x8, s28, s7, $0xb8;
	[tilespmem:$0x8400] =	vst v63  }
0xb0: {  	_ =	swait.ge [sflag:s11], $0x1000  }
0xb1: {  	[sflag:s11] =	ssyncset.done $0x0  }
0xb2: {  	[sflag:s11] =	ssyncadd.s32 $0xFFFFF000  }
0xb3: {  	_ =	swait.ge [sflag:s10], $0x1000  }
0xb4: {  	[sflag:s10] =	ssyncset.done $0x0  }
0xb5: {  	[sflag:s10] =	ssyncadd.s32 $0xFFFFF000  }
0xb6: {  	[tilespmem:s8], [sflag:$0x2] =	stream.indirect.gather [hbm4b:s3+s7], $0x8, s24, s7, $0xb8;
	[tilespmem:$0x8400] =	vst v63  }
0xb7: {  	_ = 	snop  }
0xb8: {  	[spmem:s2] =	stream.indirect.scatter.add.f32 [tilespmem:s9], [sflag:$0x3], $0x8, s25, s7, $0xb8;
	[tilespmem:$0x8400] =	vst v63  }
0xb9: {  	_ =	swait.ge [sflag:s12], $0x1000  }
0xba: {  	[sflag:s12] =	ssyncset.done $0x0  }
0xbb: {  	[sflag:s12] =	ssyncadd.s32 $0xFFFFF000  }
0xbc: {  	_ =	swait.ge [sflag:s13], $0x1000  }
0xbd: {  	[sflag:s13] =	ssyncset.done $0x0  }
0xbe: {  	[sflag:s13] =	ssyncadd.s32 $0xFFFFF000  }
0xbf: {  	[tilespmem:s9], [sflag:$0x1] =	stream.indirect.gather [hbm4b:s3+s7], $0x8, s22, s7, $0xb8;
	[tilespmem:$0x8400] =	vst v63  }
0xc0: {  	_ = 	snop  }
0xc1: {  	[spmem:s2] =	stream.indirect.scatter.add.f32 [tilespmem:s8], [sflag:$0x4], $0x8, s23, s7, $0xb8;
	[tilespmem:$0x8400] =	vst v63  }
0xc2: {  	_ =	swait.ge [sflag:s11], $0x1000  }
0xc3: {  	[sflag:s11] =	ssyncset.done $0x0  }
0xc4: {  	[sflag:s11] =	ssyncadd.s32 $0xFFFFF000  }
0xc5: {  	_ =	swait.ge [sflag:s10], $0x1000  }
0xc6: {  	[sflag:s10] =	ssyncset.done $0x0  }
0xc7: {  	s1 =	simm.s32 $0x2200;
	[sflag:s10] =	ssyncadd.s32 $0xFFFFF000  }
0xc8: {  	[tilespmem:s8], [sflag:$0x2] =	stream.indirect.gather [hbm4b:s3+s7], $0x8, s1, s7, $0xb8;
	[tilespmem:$0x8400] =	vst v63  }
0xc9: {  	_ = 	snop  }
0xca: {  	[spmem:s2] =	stream.indirect.scatter.add.f32 [tilespmem:s9], [sflag:$0x3], $0x8, s21, s7, $0xb8;
	[tilespmem:$0x8400] =	vst v63  }
0xcb: {  	_ =	swait.ge [sflag:s12], $0x1000  }
0xcc: {  	[sflag:s12] =	ssyncset.done $0x0  }
0xcd: {  	[sflag:s12] =	ssyncadd.s32 $0xFFFFF000  }
0xce: {  	_ =	swait.ge [sflag:s13], $0x1000  }
0xcf: {  	[sflag:s13] =	ssyncset.done $0x0  }
0xd0: {  	[sflag:s13] =	ssyncadd.s32 $0xFFFFF000  }
0xd1: {  	[tilespmem:s9], [sflag:$0x1] =	stream.indirect.gather [hbm4b:s3+s7], $0x8, s18, s7, $0xb8;
	[tilespmem:$0x8400] =	vst v63  }
0xd2: {  	_ = 	snop  }
0xd3: {  	[spmem:s2] =	stream.indirect.scatter.add.f32 [tilespmem:s8], [sflag:$0x4], $0x8, s19, s7, $0xb8;
	[tilespmem:$0x8400] =	vst v63  }
0xd4: {  	_ =	swait.ge [sflag:s11], $0x1000  }
0xd5: {  	[sflag:s11] =	ssyncset.done $0x0  }
0xd6: {  	[sflag:s11] =	ssyncadd.s32 $0xFFFFF000  }
0xd7: {  	_ =	swait.ge [sflag:s10], $0x1000  }
0xd8: {  	[sflag:s10] =	ssyncset.done $0x0  }
0xd9: {  	[sflag:s10] =	ssyncadd.s32 $0xFFFFF000  }
0xda: {  	[tilespmem:s8], [sflag:$0x2] =	stream.indirect.gather [hbm4b:s3+s7], $0x8, s16, s7, $0xb8;
	[tilespmem:$0x8400] =	vst v63  }
0xdb: {  	_ = 	snop  }
0xdc: {  	[spmem:s2] =	stream.indirect.scatter.add.f32 [tilespmem:s9], [sflag:$0x3], $0x8, s17, s7, $0xb8;
	[tilespmem:$0x8400] =	vst v63  }
0xdd: {  	_ =	swait.ge [sflag:s12], $0x1000  }
0xde: {  	[sflag:s12] =	ssyncset.done $0x0  }
0xdf: {  	[sflag:s12] =	ssyncadd.s32 $0xFFFFF000  }
0xe0: {  	_ =	swait.ge [sflag:s13], $0x1000  }
0xe1: {  	[sflag:s13] =	ssyncset.done $0x0  }
0xe2: {  	[sflag:s13] =	ssyncadd.s32 $0xFFFFF000  }
0xe3: {  	[spmem:s2] =	stream.indirect.scatter.add.f32 [tilespmem:s8], [sflag:$0x4], $0x8, s15, s7, $0xb8;
	[tilespmem:$0x8400] =	vst v63  }
0xe4: {  	_ =	swait.ge [sflag:s11], $0x1000  }
0xe5: {  	[sflag:s11] =	ssyncset.done $0x0  }
0xe6: {  	p1 =	sne.s32 s14, $0x1;
	[sflag:s11] =	ssyncadd.s32 $0xFFFFF000  }
.Ltmp1:
0xe7: {  	[bflag:$0x0] =	sbarrier.arrive $0xFFFF;
	(pc) =	sbr.rel @!p1 .LBB2_3-.Ltmp1, $4  }
0xe8: {  	s1 =	rddreg [dreg:$0x7]  }
0xe9: {  	[hbm:s1], [sflag:s5] =	dma.local [spmem:s6], $0x280  }
0xea: {  	p0 =	por $0x1, $0x1;
	_ =	swait.ge [sflag:s4], $0x280  }
0xeb: {  	s0 =	sadd.s32 $0xFFFFFFFF, s14;
	s1 =	rddreg [dreg:$0x5];
	[sflag:s4] =	ssyncset.done $0x0  }
.LBB2_4:
0xec: {  	[sflag:s4] =	ssyncadd.s32 $0xFFFFFD80  }
0xed: {  	[tilespmem:s30], [sflag:$0x5] =	stream.linear.gather [hbm4b:s1+s30], $0x2800, $0x38;
	[tilespmem:$0x8400] =	vst v63  }
0xee: {  	_ =	swait.ge [sflag:s4], $0x2800  }
0xef: {  	[sflag:s4] =	ssyncset.done $0x0  }
0xf0: {  	s14 =	rddreg [dreg:$0x6];
	[sflag:s4] =	ssyncadd.s32 $0xFFFFD800  }
0xf1: {  	[tilespmem:s31], [sflag:$0x5] =	stream.linear.gather [hbm4b:s14+s30], $0x2800, $0x38;
	[tilespmem:$0x8400] =	vst v63  }
0xf2: {  	_ =	swait.ge [sflag:s4], $0x2800  }
0xf3: {  	[sflag:s4] =	ssyncset.done $0x0  }
0xf4: {  	s14 =	rddreg [dreg:$0x4];
	[sflag:s4] =	ssyncadd.s32 $0xFFFFD800  }
0xf5: {  	[spmem:s6], [sflag:s5] =	dma.local [hbm:s14], $0x280  }
0xf6: {  	_ =	swait.ge [sflag:s4], $0x280  }
0xf7: {  	[sflag:s4] =	ssyncset.done $0x0  }
0xf8: {  	[sflag:s4] =	ssyncadd.s32 $0xFFFFFD80  }
0xf9: {  	[bflag:$0x0] =	sbarrier.arrive $0xFFFF  }
0xfa: {  	[tilespmem:s9], [sflag:$0x1] =	stream.indirect.gather [hbm4b:s3+s7], $0x8, s30, s7, $0xb8;
	[tilespmem:$0x8400] =	vst v63  }
0xfb: {  	_ =	swait.ge [sflag:s10], $0x1000  }
0xfc: {  	[sflag:s10] =	ssyncset.done $0x0  }
0xfd: {  	[sflag:s10] =	ssyncadd.s32 $0xFFFFF000  }
0xfe: {  	[tilespmem:s8], [sflag:$0x2] =	stream.indirect.gather [hbm4b:s3+s7], $0x8, s7, s7, $0xb8;
	[tilespmem:$0x8400] =	vst v63  }
0xff: {  	_ = 	snop  }
0x100: {  	[spmem:s2] =	stream.indirect.scatter.add.f32 [tilespmem:s9], [sflag:$0x3], $0x8, s31, s7, $0xb8;
	[tilespmem:$0x8400] =	vst v63  }
0x101: {  	_ =	swait.ge [sflag:s12], $0x1000  }
0x102: {  	[sflag:s12] =	ssyncset.done $0x0  }
0x103: {  	[sflag:s12] =	ssyncadd.s32 $0xFFFFF000  }
0x104: {  	_ =	swait.ge [sflag:s13], $0x1000  }
0x105: {  	[sflag:s13] =	ssyncset.done $0x0  }
0x106: {  	s1 =	rddreg [dreg:$0x8];
	[sflag:s13] =	ssyncadd.s32 $0xFFFFF000  }
0x107: {  	[tilespmem:s9], [sflag:$0x1] =	stream.indirect.gather [hbm4b:s3+s7], $0x8, s1, s7, $0xb8;
	[tilespmem:$0x8400] =	vst v63  }
0x108: {  	s14 =	rddreg [dreg:$0x9]  }
0x109: {  	[spmem:s2] =	stream.indirect.scatter.add.f32 [tilespmem:s8], [sflag:$0x4], $0x8, s14, s7, $0xb8;
	[tilespmem:$0x8400] =	vst v63  }
0x10a: {  	_ =	swait.ge [sflag:s11], $0x1000  }
0x10b: {  	[sflag:s11] =	ssyncset.done $0x0  }
0x10c: {  	[sflag:s11] =	ssyncadd.s32 $0xFFFFF000  }
0x10d: {  	_ =	swait.ge [sflag:s10], $0x1000  }
0x10e: {  	[sflag:s10] =	ssyncset.done $0x0  }
0x10f: {  	s1 =	rddreg [dreg:$0xa];
	[sflag:s10] =	ssyncadd.s32 $0xFFFFF000  }
0x110: {  	[tilespmem:s8], [sflag:$0x2] =	stream.indirect.gather [hbm4b:s3+s7], $0x8, s1, s7, $0xb8;
	[tilespmem:$0x8400] =	vst v63  }
0x111: {  	s14 =	rddreg [dreg:$0xb]  }
0x112: {  	[spmem:s2] =	stream.indirect.scatter.add.f32 [tilespmem:s9], [sflag:$0x3], $0x8, s14, s7, $0xb8;
	[tilespmem:$0x8400] =	vst v63  }
0x113: {  	_ =	swait.ge [sflag:s12], $0x1000  }
0x114: {  	[sflag:s12] =	ssyncset.done $0x0  }
0x115: {  	[sflag:s12] =	ssyncadd.s32 $0xFFFFF000  }
0x116: {  	_ =	swait.ge [sflag:s13], $0x1000  }
0x117: {  	[sflag:s13] =	ssyncset.done $0x0  }
0x118: {  	s1 =	rddreg [dreg:$0xc];
	[sflag:s13] =	ssyncadd.s32 $0xFFFFF000  }
0x119: {  	[tilespmem:s9], [sflag:$0x1] =	stream.indirect.gather [hbm4b:s3+s7], $0x8, s1, s7, $0xb8;
	[tilespmem:$0x8400] =	vst v63  }
0x11a: {  	s14 =	rddreg [dreg:$0xd]  }
0x11b: {  	[spmem:s2] =	stream.indirect.scatter.add.f32 [tilespmem:s8], [sflag:$0x4], $0x8, s14, s7, $0xb8;
	[tilespmem:$0x8400] =	vst v63  }
0x11c: {  	_ =	swait.ge [sflag:s11], $0x1000  }
0x11d: {  	[sflag:s11] =	ssyncset.done $0x0  }
0x11e: {  	[sflag:s11] =	ssyncadd.s32 $0xFFFFF000  }
0x11f: {  	_ =	swait.ge [sflag:s10], $0x1000  }
0x120: {  	[sflag:s10] =	ssyncset.done $0x0  }
0x121: {  	s1 =	rddreg [dreg:$0xe];
	[sflag:s10] =	ssyncadd.s32 $0xFFFFF000  }
0x122: {  	[tilespmem:s8], [sflag:$0x2] =	stream.indirect.gather [hbm4b:s3+s7], $0x8, s1, s7, $0xb8;
	[tilespmem:$0x8400] =	vst v63  }
0x123: {  	s14 =	rddreg [dreg:$0xf]  }
0x124: {  	[spmem:s2] =	stream.indirect.scatter.add.f32 [tilespmem:s9], [sflag:$0x3], $0x8, s14, s7, $0xb8;
	[tilespmem:$0x8400] =	vst v63  }
0x125: {  	_ =	swait.ge [sflag:s12], $0x1000  }
0x126: {  	[sflag:s12] =	ssyncset.done $0x0  }
0x127: {  	[sflag:s12] =	ssyncadd.s32 $0xFFFFF000  }
0x128: {  	_ =	swait.ge [sflag:s13], $0x1000  }
0x129: {  	[sflag:s13] =	ssyncset.done $0x0  }
0x12a: {  	s1 =	rddreg [dreg:$0x10];
	[sflag:s13] =	ssyncadd.s32 $0xFFFFF000  }
0x12b: {  	[tilespmem:s9], [sflag:$0x1] =	stream.indirect.gather [hbm4b:s3+s7], $0x8, s1, s7, $0xb8;
	[tilespmem:$0x8400] =	vst v63  }
0x12c: {  	s14 =	rddreg [dreg:$0x11]  }
0x12d: {  	[spmem:s2] =	stream.indirect.scatter.add.f32 [tilespmem:s8], [sflag:$0x4], $0x8, s14, s7, $0xb8;
	[tilespmem:$0x8400] =	vst v63  }
0x12e: {  	_ =	swait.ge [sflag:s11], $0x1000  }
0x12f: {  	[sflag:s11] =	ssyncset.done $0x0  }
0x130: {  	[sflag:s11] =	ssyncadd.s32 $0xFFFFF000  }
0x131: {  	_ =	swait.ge [sflag:s10], $0x1000  }
0x132: {  	[sflag:s10] =	ssyncset.done $0x0  }
0x133: {  	s1 =	rddreg [dreg:$0x12];
	[sflag:s10] =	ssyncadd.s32 $0xFFFFF000  }
0x134: {  	[tilespmem:s8], [sflag:$0x2] =	stream.indirect.gather [hbm4b:s3+s7], $0x8, s1, s7, $0xb8;
	[tilespmem:$0x8400] =	vst v63  }
0x135: {  	s14 =	rddreg [dreg:$0x13]  }
0x136: {  	[spmem:s2] =	stream.indirect.scatter.add.f32 [tilespmem:s9], [sflag:$0x3], $0x8, s14, s7, $0xb8;
	[tilespmem:$0x8400] =	vst v63  }
0x137: {  	_ =	swait.ge [sflag:s12], $0x1000  }
0x138: {  	[sflag:s12] =	ssyncset.done $0x0  }
0x139: {  	[sflag:s12] =	ssyncadd.s32 $0xFFFFF000  }
0x13a: {  	_ =	swait.ge [sflag:s13], $0x1000  }
0x13b: {  	[sflag:s13] =	ssyncset.done $0x0  }
0x13c: {  	s1 =	rddreg [dreg:$0x14];
	[sflag:s13] =	ssyncadd.s32 $0xFFFFF000  }
0x13d: {  	[tilespmem:s9], [sflag:$0x1] =	stream.indirect.gather [hbm4b:s3+s7], $0x8, s1, s7, $0xb8;
	[tilespmem:$0x8400] =	vst v63  }
0x13e: {  	s14 =	rddreg [dreg:$0x15]  }
0x13f: {  	[spmem:s2] =	stream.indirect.scatter.add.f32 [tilespmem:s8], [sflag:$0x4], $0x8, s14, s7, $0xb8;
	[tilespmem:$0x8400] =	vst v63  }
0x140: {  	_ =	swait.ge [sflag:s11], $0x1000  }
0x141: {  	[sflag:s11] =	ssyncset.done $0x0  }
0x142: {  	[sflag:s11] =	ssyncadd.s32 $0xFFFFF000  }
0x143: {  	_ =	swait.ge [sflag:s10], $0x1000  }
0x144: {  	[sflag:s10] =	ssyncset.done $0x0  }
0x145: {  	s1 =	rddreg [dreg:$0x16];
	[sflag:s10] =	ssyncadd.s32 $0xFFFFF000  }
0x146: {  	[tilespmem:s8], [sflag:$0x2] =	stream.indirect.gather [hbm4b:s3+s7], $0x8, s1, s7, $0xb8;
	[tilespmem:$0x8400] =	vst v63  }
0x147: {  	s14 =	rddreg [dreg:$0x17]  }
0x148: {  	[spmem:s2] =	stream.indirect.scatter.add.f32 [tilespmem:s9], [sflag:$0x3], $0x8, s14, s7, $0xb8;
	[tilespmem:$0x8400] =	vst v63  }
0x149: {  	_ =	swait.ge [sflag:s12], $0x1000  }
0x14a: {  	[sflag:s12] =	ssyncset.done $0x0  }
0x14b: {  	[sflag:s12] =	ssyncadd.s32 $0xFFFFF000  }
0x14c: {  	_ =	swait.ge [sflag:s13], $0x1000  }
0x14d: {  	[sflag:s13] =	ssyncset.done $0x0  }
0x14e: {  	s1 =	rddreg [dreg:$0x18];
	[sflag:s13] =	ssyncadd.s32 $0xFFFFF000  }
0x14f: {  	[tilespmem:s9], [sflag:$0x1] =	stream.indirect.gather [hbm4b:s3+s7], $0x8, s1, s7, $0xb8;
	[tilespmem:$0x8400] =	vst v63  }
0x150: {  	s14 =	rddreg [dreg:$0x19]  }
0x151: {  	[spmem:s2] =	stream.indirect.scatter.add.f32 [tilespmem:s8], [sflag:$0x4], $0x8, s14, s7, $0xb8;
	[tilespmem:$0x8400] =	vst v63  }
0x152: {  	_ =	swait.ge [sflag:s11], $0x1000  }
0x153: {  	[sflag:s11] =	ssyncset.done $0x0  }
0x154: {  	[sflag:s11] =	ssyncadd.s32 $0xFFFFF000  }
0x155: {  	_ =	swait.ge [sflag:s10], $0x1000  }
0x156: {  	[sflag:s10] =	ssyncset.done $0x0  }
0x157: {  	s1 =	rddreg [dreg:$0x1a];
	[sflag:s10] =	ssyncadd.s32 $0xFFFFF000  }
0x158: {  	[tilespmem:s8], [sflag:$0x2] =	stream.indirect.gather [hbm4b:s3+s7], $0x8, s1, s7, $0xb8;
	[tilespmem:$0x8400] =	vst v63  }
0x159: {  	s14 =	rddreg [dreg:$0x1b]  }
0x15a: {  	[spmem:s2] =	stream.indirect.scatter.add.f32 [tilespmem:s9], [sflag:$0x3], $0x8, s14, s7, $0xb8;
	[tilespmem:$0x8400] =	vst v63  }
0x15b: {  	_ =	swait.ge [sflag:s12], $0x1000  }
0x15c: {  	[sflag:s12] =	ssyncset.done $0x0  }
0x15d: {  	[sflag:s12] =	ssyncadd.s32 $0xFFFFF000  }
0x15e: {  	_ =	swait.ge [sflag:s13], $0x1000  }
0x15f: {  	[sflag:s13] =	ssyncset.done $0x0  }
0x160: {  	s1 =	rddreg [dreg:$0x1c];
	[sflag:s13] =	ssyncadd.s32 $0xFFFFF000  }
0x161: {  	[tilespmem:s9], [sflag:$0x1] =	stream.indirect.gather [hbm4b:s3+s7], $0x8, s1, s7, $0xb8;
	[tilespmem:$0x8400] =	vst v63  }
0x162: {  	s14 =	rddreg [dreg:$0x1d]  }
0x163: {  	[spmem:s2] =	stream.indirect.scatter.add.f32 [tilespmem:s8], [sflag:$0x4], $0x8, s14, s7, $0xb8;
	[tilespmem:$0x8400] =	vst v63  }
0x164: {  	_ =	swait.ge [sflag:s11], $0x1000  }
0x165: {  	[sflag:s11] =	ssyncset.done $0x0  }
0x166: {  	[sflag:s11] =	ssyncadd.s32 $0xFFFFF000  }
0x167: {  	_ =	swait.ge [sflag:s10], $0x1000  }
0x168: {  	[sflag:s10] =	ssyncset.done $0x0  }
0x169: {  	[sflag:s10] =	ssyncadd.s32 $0xFFFFF000  }
0x16a: {  	[tilespmem:s8], [sflag:$0x2] =	stream.indirect.gather [hbm4b:s3+s7], $0x8, s29, s7, $0xb8;
	[tilespmem:$0x8400] =	vst v63  }
0x16b: {  	_ = 	snop  }
0x16c: {  	[spmem:s2] =	stream.indirect.scatter.add.f32 [tilespmem:s9], [sflag:$0x3], $0x8, s20, s7, $0xb8;
	[tilespmem:$0x8400] =	vst v63  }
0x16d: {  	_ =	swait.ge [sflag:s12], $0x1000  }
0x16e: {  	[sflag:s12] =	ssyncset.done $0x0  }
0x16f: {  	[sflag:s12] =	ssyncadd.s32 $0xFFFFF000  }
0x170: {  	_ =	swait.ge [sflag:s13], $0x1000  }
0x171: {  	[sflag:s13] =	ssyncset.done $0x0  }
0x172: {  	[sflag:s13] =	ssyncadd.s32 $0xFFFFF000  }
0x173: {  	[tilespmem:s9], [sflag:$0x1] =	stream.indirect.gather [hbm4b:s3+s7], $0x8, s26, s7, $0xb8;
	[tilespmem:$0x8400] =	vst v63  }
0x174: {  	_ = 	snop  }
0x175: {  	[spmem:s2] =	stream.indirect.scatter.add.f32 [tilespmem:s8], [sflag:$0x4], $0x8, s28, s7, $0xb8;
	[tilespmem:$0x8400] =	vst v63  }
0x176: {  	_ =	swait.ge [sflag:s11], $0x1000  }
0x177: {  	[sflag:s11] =	ssyncset.done $0x0  }
0x178: {  	[sflag:s11] =	ssyncadd.s32 $0xFFFFF000  }
0x179: {  	_ =	swait.ge [sflag:s10], $0x1000  }
0x17a: {  	[sflag:s10] =	ssyncset.done $0x0  }
0x17b: {  	[sflag:s10] =	ssyncadd.s32 $0xFFFFF000  }
0x17c: {  	[tilespmem:s8], [sflag:$0x2] =	stream.indirect.gather [hbm4b:s3+s7], $0x8, s24, s7, $0xb8;
	[tilespmem:$0x8400] =	vst v63  }
0x17d: {  	_ = 	snop  }
0x17e: {  	[spmem:s2] =	stream.indirect.scatter.add.f32 [tilespmem:s9], [sflag:$0x3], $0x8, s25, s7, $0xb8;
	[tilespmem:$0x8400] =	vst v63  }
0x17f: {  	_ =	swait.ge [sflag:s12], $0x1000  }
0x180: {  	[sflag:s12] =	ssyncset.done $0x0  }
0x181: {  	[sflag:s12] =	ssyncadd.s32 $0xFFFFF000  }
0x182: {  	_ =	swait.ge [sflag:s13], $0x1000  }
0x183: {  	[sflag:s13] =	ssyncset.done $0x0  }
0x184: {  	[sflag:s13] =	ssyncadd.s32 $0xFFFFF000  }
0x185: {  	[tilespmem:s9], [sflag:$0x1] =	stream.indirect.gather [hbm4b:s3+s7], $0x8, s22, s7, $0xb8;
	[tilespmem:$0x8400] =	vst v63  }
0x186: {  	_ = 	snop  }
0x187: {  	[spmem:s2] =	stream.indirect.scatter.add.f32 [tilespmem:s8], [sflag:$0x4], $0x8, s23, s7, $0xb8;
	[tilespmem:$0x8400] =	vst v63  }
0x188: {  	_ =	swait.ge [sflag:s11], $0x1000  }
0x189: {  	[sflag:s11] =	ssyncset.done $0x0  }
0x18a: {  	[sflag:s11] =	ssyncadd.s32 $0xFFFFF000  }
0x18b: {  	_ =	swait.ge [sflag:s10], $0x1000  }
0x18c: {  	[sflag:s10] =	ssyncset.done $0x0  }
0x18d: {  	s14 =	simm.s32 $0x2200;
	[sflag:s10] =	ssyncadd.s32 $0xFFFFF000  }
0x18e: {  	[tilespmem:s8], [sflag:$0x2] =	stream.indirect.gather [hbm4b:s3+s7], $0x8, s14, s7, $0xb8;
	[tilespmem:$0x8400] =	vst v63  }
0x18f: {  	_ = 	snop  }
0x190: {  	[spmem:s2] =	stream.indirect.scatter.add.f32 [tilespmem:s9], [sflag:$0x3], $0x8, s21, s7, $0xb8;
	[tilespmem:$0x8400] =	vst v63  }
0x191: {  	_ =	swait.ge [sflag:s12], $0x1000  }
0x192: {  	[sflag:s12] =	ssyncset.done $0x0  }
0x193: {  	[sflag:s12] =	ssyncadd.s32 $0xFFFFF000  }
0x194: {  	_ =	swait.ge [sflag:s13], $0x1000  }
0x195: {  	[sflag:s13] =	ssyncset.done $0x0  }
0x196: {  	[sflag:s13] =	ssyncadd.s32 $0xFFFFF000  }
0x197: {  	[tilespmem:s9], [sflag:$0x1] =	stream.indirect.gather [hbm4b:s3+s7], $0x8, s18, s7, $0xb8;
	[tilespmem:$0x8400] =	vst v63  }
0x198: {  	_ = 	snop  }
0x199: {  	[spmem:s2] =	stream.indirect.scatter.add.f32 [tilespmem:s8], [sflag:$0x4], $0x8, s19, s7, $0xb8;
	[tilespmem:$0x8400] =	vst v63  }
0x19a: {  	_ =	swait.ge [sflag:s11], $0x1000  }
0x19b: {  	[sflag:s11] =	ssyncset.done $0x0  }
0x19c: {  	[sflag:s11] =	ssyncadd.s32 $0xFFFFF000  }
0x19d: {  	_ =	swait.ge [sflag:s10], $0x1000  }
0x19e: {  	[sflag:s10] =	ssyncset.done $0x0  }
0x19f: {  	[sflag:s10] =	ssyncadd.s32 $0xFFFFF000  }
0x1a0: {  	[tilespmem:s8], [sflag:$0x2] =	stream.indirect.gather [hbm4b:s3+s7], $0x8, s16, s7, $0xb8;
	[tilespmem:$0x8400] =	vst v63  }
0x1a1: {  	_ = 	snop  }
0x1a2: {  	[spmem:s2] =	stream.indirect.scatter.add.f32 [tilespmem:s9], [sflag:$0x3], $0x8, s17, s7, $0xb8;
	[tilespmem:$0x8400] =	vst v63  }
0x1a3: {  	_ =	swait.ge [sflag:s12], $0x1000  }
0x1a4: {  	[sflag:s12] =	ssyncset.done $0x0  }
0x1a5: {  	[sflag:s12] =	ssyncadd.s32 $0xFFFFF000  }
0x1a6: {  	_ =	swait.ge [sflag:s13], $0x1000  }
0x1a7: {  	[sflag:s13] =	ssyncset.done $0x0  }
0x1a8: {  	[sflag:s13] =	ssyncadd.s32 $0xFFFFF000  }
0x1a9: {  	[spmem:s2] =	stream.indirect.scatter.add.f32 [tilespmem:s8], [sflag:$0x4], $0x8, s15, s7, $0xb8;
	[tilespmem:$0x8400] =	vst v63  }
0x1aa: {  	_ =	swait.ge [sflag:s11], $0x1000  }
0x1ab: {  	[sflag:s11] =	ssyncset.done $0x0  }
0x1ac: {  	p1 =	sne.s32 s0, $0x1;
	[sflag:s11] =	ssyncadd.s32 $0xFFFFF000  }
.Ltmp2:
0x1ad: {  	[bflag:$0x0] =	sbarrier.arrive $0xFFFF;
	(pc) =	sbr.rel @p1 .LBB2_4-.Ltmp2, $4  }
0x1ae: {  	s14 =	rddreg [dreg:$0x7]  }
0x1af: {  	[hbm:s14], [sflag:s5] =	dma.local [spmem:s6], $0x280  }
0x1b0: {  	_ =	swait.ge [sflag:s4], $0x280  }
0x1b1: {  	s0 =	sadd.s32 $0xFFFFFFFF, s0;
	s1 =	rddreg [dreg:$0x5];
	[sflag:s4] =	ssyncset.done $0x0  }
0x1b2: {  	s15 =	simm.s32 $0x4000;
	s29 =	simm.s32 $0x1A00;
	s28 =	simm.s32 $0x4200  }
0x1b3: {  	s26 =	simm.s32 $0x1C00;
	s25 =	simm.s32 $0x4400;
	s24 =	simm.s32 $0x1E00  }
0x1b4: {  	s23 =	simm.s32 $0x4600;
	s22 =	simm.s32 $0x2000;
	s21 =	simm.s32 $0x4800  }
0x1b5: {  	s20 =	simm.s32 $0x2200;
	s19 =	simm.s32 $0x4A00;
	s18 =	simm.s32 $0x2400  }
0x1b6: {  	s17 =	simm.s32 $0x4C00;
	s16 =	simm.s32 $0x2600;
	s14 =	rddreg [dreg:$0x3]  }
.LBB2_6:
0x1b7: {  	[sflag:s4] =	ssyncadd.s32 @p0 $0xFFFFFD80  }
0x1b8: {  	[tilespmem:s30], [sflag:$0x5] =	stream.linear.gather [hbm4b:s1+s30], $0x2800, $0x38;
	[tilespmem:$0x8400] =	vst v63  }
0x1b9: {  	_ =	swait.ge [sflag:s4], $0x2800  }
0x1ba: {  	[sflag:s4] =	ssyncset.done $0x0  }
0x1bb: {  	s0 =	rddreg [dreg:$0x6];
	[sflag:s4] =	ssyncadd.s32 $0xFFFFD800  }
0x1bc: {  	[tilespmem:s31], [sflag:$0x5] =	stream.linear.gather [hbm4b:s0+s30], $0x2800, $0x38;
	[tilespmem:$0x8400] =	vst v63  }
0x1bd: {  	_ =	swait.ge [sflag:s4], $0x2800  }
0x1be: {  	[sflag:s4] =	ssyncset.done $0x0  }
0x1bf: {  	s1 =	rddreg [dreg:$0x4];
	[sflag:s4] =	ssyncadd.s32 $0xFFFFD800  }
0x1c0: {  	[spmem:s6], [sflag:s5] =	dma.local [hbm:s1], $0x280  }
0x1c1: {  	_ =	swait.ge [sflag:s4], $0x280  }
0x1c2: {  	[sflag:s4] =	ssyncset.done $0x0  }
0x1c3: {  	[sflag:s4] =	ssyncadd.s32 $0xFFFFFD80  }
0x1c4: {  	[bflag:$0x0] =	sbarrier.arrive $0xFFFF  }
0x1c5: {  	[tilespmem:s9], [sflag:$0x1] =	stream.indirect.gather [hbm4b:s3+s7], $0x8, s30, s7, $0xb8;
	[tilespmem:$0x8400] =	vst v63  }
0x1c6: {  	_ =	swait.ge [sflag:s10], $0x1000  }
0x1c7: {  	[sflag:s10] =	ssyncset.done $0x0  }
0x1c8: {  	[sflag:s10] =	ssyncadd.s32 $0xFFFFF000  }
0x1c9: {  	[tilespmem:s8], [sflag:$0x2] =	stream.indirect.gather [hbm4b:s3+s7], $0x8, s7, s7, $0xb8;
	[tilespmem:$0x8400] =	vst v63  }
0x1ca: {  	_ = 	snop  }
0x1cb: {  	[spmem:s2] =	stream.indirect.scatter.add.f32 [tilespmem:s9], [sflag:$0x3], $0x8, s31, s7, $0xb8;
	[tilespmem:$0x8400] =	vst v63  }
0x1cc: {  	_ =	swait.ge [sflag:s12], $0x1000  }
0x1cd: {  	[sflag:s12] =	ssyncset.done $0x0  }
0x1ce: {  	[sflag:s12] =	ssyncadd.s32 $0xFFFFF000  }
0x1cf: {  	_ =	swait.ge [sflag:s13], $0x1000  }
0x1d0: {  	[sflag:s13] =	ssyncset.done $0x0  }
0x1d1: {  	s30 =	rddreg [dreg:$0x8];
	[sflag:s13] =	ssyncadd.s32 $0xFFFFF000  }
0x1d2: {  	[tilespmem:s9], [sflag:$0x1] =	stream.indirect.gather [hbm4b:s3+s7], $0x8, s30, s7, $0xb8;
	[tilespmem:$0x8400] =	vst v63  }
0x1d3: {  	s31 =	rddreg [dreg:$0x9]  }
0x1d4: {  	[spmem:s2] =	stream.indirect.scatter.add.f32 [tilespmem:s8], [sflag:$0x4], $0x8, s31, s7, $0xb8;
	[tilespmem:$0x8400] =	vst v63  }
0x1d5: {  	_ =	swait.ge [sflag:s11], $0x1000  }
0x1d6: {  	[sflag:s11] =	ssyncset.done $0x0  }
0x1d7: {  	[sflag:s11] =	ssyncadd.s32 $0xFFFFF000  }
0x1d8: {  	_ =	swait.ge [sflag:s10], $0x1000  }
0x1d9: {  	[sflag:s10] =	ssyncset.done $0x0  }
0x1da: {  	s30 =	rddreg [dreg:$0xa];
	[sflag:s10] =	ssyncadd.s32 $0xFFFFF000  }
0x1db: {  	[tilespmem:s8], [sflag:$0x2] =	stream.indirect.gather [hbm4b:s3+s7], $0x8, s30, s7, $0xb8;
	[tilespmem:$0x8400] =	vst v63  }
0x1dc: {  	s31 =	rddreg [dreg:$0xb]  }
0x1dd: {  	[spmem:s2] =	stream.indirect.scatter.add.f32 [tilespmem:s9], [sflag:$0x3], $0x8, s31, s7, $0xb8;
	[tilespmem:$0x8400] =	vst v63  }
0x1de: {  	_ =	swait.ge [sflag:s12], $0x1000  }
0x1df: {  	[sflag:s12] =	ssyncset.done $0x0  }
0x1e0: {  	[sflag:s12] =	ssyncadd.s32 $0xFFFFF000  }
0x1e1: {  	_ =	swait.ge [sflag:s13], $0x1000  }
0x1e2: {  	[sflag:s13] =	ssyncset.done $0x0  }
0x1e3: {  	s30 =	rddreg [dreg:$0xc];
	[sflag:s13] =	ssyncadd.s32 $0xFFFFF000  }
0x1e4: {  	[tilespmem:s9], [sflag:$0x1] =	stream.indirect.gather [hbm4b:s3+s7], $0x8, s30, s7, $0xb8;
	[tilespmem:$0x8400] =	vst v63  }
0x1e5: {  	s31 =	rddreg [dreg:$0xd]  }
0x1e6: {  	[spmem:s2] =	stream.indirect.scatter.add.f32 [tilespmem:s8], [sflag:$0x4], $0x8, s31, s7, $0xb8;
	[tilespmem:$0x8400] =	vst v63  }
0x1e7: {  	_ =	swait.ge [sflag:s11], $0x1000  }
0x1e8: {  	[sflag:s11] =	ssyncset.done $0x0  }
0x1e9: {  	[sflag:s11] =	ssyncadd.s32 $0xFFFFF000  }
0x1ea: {  	_ =	swait.ge [sflag:s10], $0x1000  }
0x1eb: {  	[sflag:s10] =	ssyncset.done $0x0  }
0x1ec: {  	s30 =	rddreg [dreg:$0xe];
	[sflag:s10] =	ssyncadd.s32 $0xFFFFF000  }
0x1ed: {  	[tilespmem:s8], [sflag:$0x2] =	stream.indirect.gather [hbm4b:s3+s7], $0x8, s30, s7, $0xb8;
	[tilespmem:$0x8400] =	vst v63  }
0x1ee: {  	s31 =	rddreg [dreg:$0xf]  }
0x1ef: {  	[spmem:s2] =	stream.indirect.scatter.add.f32 [tilespmem:s9], [sflag:$0x3], $0x8, s31, s7, $0xb8;
	[tilespmem:$0x8400] =	vst v63  }
0x1f0: {  	_ =	swait.ge [sflag:s12], $0x1000  }
0x1f1: {  	[sflag:s12] =	ssyncset.done $0x0  }
0x1f2: {  	[sflag:s12] =	ssyncadd.s32 $0xFFFFF000  }
0x1f3: {  	_ =	swait.ge [sflag:s13], $0x1000  }
0x1f4: {  	[sflag:s13] =	ssyncset.done $0x0  }
0x1f5: {  	s30 =	rddreg [dreg:$0x10];
	[sflag:s13] =	ssyncadd.s32 $0xFFFFF000  }
0x1f6: {  	[tilespmem:s9], [sflag:$0x1] =	stream.indirect.gather [hbm4b:s3+s7], $0x8, s30, s7, $0xb8;
	[tilespmem:$0x8400] =	vst v63  }
0x1f7: {  	s31 =	rddreg [dreg:$0x11]  }
0x1f8: {  	[spmem:s2] =	stream.indirect.scatter.add.f32 [tilespmem:s8], [sflag:$0x4], $0x8, s31, s7, $0xb8;
	[tilespmem:$0x8400] =	vst v63  }
0x1f9: {  	_ =	swait.ge [sflag:s11], $0x1000  }
0x1fa: {  	[sflag:s11] =	ssyncset.done $0x0  }
0x1fb: {  	[sflag:s11] =	ssyncadd.s32 $0xFFFFF000  }
0x1fc: {  	_ =	swait.ge [sflag:s10], $0x1000  }
0x1fd: {  	[sflag:s10] =	ssyncset.done $0x0  }
0x1fe: {  	s30 =	rddreg [dreg:$0x12];
	[sflag:s10] =	ssyncadd.s32 $0xFFFFF000  }
0x1ff: {  	[tilespmem:s8], [sflag:$0x2] =	stream.indirect.gather [hbm4b:s3+s7], $0x8, s30, s7, $0xb8;
	[tilespmem:$0x8400] =	vst v63  }
0x200: {  	s31 =	rddreg [dreg:$0x13]  }
0x201: {  	[spmem:s2] =	stream.indirect.scatter.add.f32 [tilespmem:s9], [sflag:$0x3], $0x8, s31, s7, $0xb8;
	[tilespmem:$0x8400] =	vst v63  }
0x202: {  	_ =	swait.ge [sflag:s12], $0x1000  }
0x203: {  	[sflag:s12] =	ssyncset.done $0x0  }
0x204: {  	[sflag:s12] =	ssyncadd.s32 $0xFFFFF000  }
0x205: {  	_ =	swait.ge [sflag:s13], $0x1000  }
0x206: {  	[sflag:s13] =	ssyncset.done $0x0  }
0x207: {  	s30 =	rddreg [dreg:$0x14];
	[sflag:s13] =	ssyncadd.s32 $0xFFFFF000  }
0x208: {  	[tilespmem:s9], [sflag:$0x1] =	stream.indirect.gather [hbm4b:s3+s7], $0x8, s30, s7, $0xb8;
	[tilespmem:$0x8400] =	vst v63  }
0x209: {  	s31 =	rddreg [dreg:$0x15]  }
0x20a: {  	[spmem:s2] =	stream.indirect.scatter.add.f32 [tilespmem:s8], [sflag:$0x4], $0x8, s31, s7, $0xb8;
	[tilespmem:$0x8400] =	vst v63  }
0x20b: {  	_ =	swait.ge [sflag:s11], $0x1000  }
0x20c: {  	[sflag:s11] =	ssyncset.done $0x0  }
0x20d: {  	[sflag:s11] =	ssyncadd.s32 $0xFFFFF000  }
0x20e: {  	_ =	swait.ge [sflag:s10], $0x1000  }
0x20f: {  	[sflag:s10] =	ssyncset.done $0x0  }
0x210: {  	s30 =	rddreg [dreg:$0x16];
	[sflag:s10] =	ssyncadd.s32 $0xFFFFF000  }
0x211: {  	[tilespmem:s8], [sflag:$0x2] =	stream.indirect.gather [hbm4b:s3+s7], $0x8, s30, s7, $0xb8;
	[tilespmem:$0x8400] =	vst v63  }
0x212: {  	s31 =	rddreg [dreg:$0x17]  }
0x213: {  	[spmem:s2] =	stream.indirect.scatter.add.f32 [tilespmem:s9], [sflag:$0x3], $0x8, s31, s7, $0xb8;
	[tilespmem:$0x8400] =	vst v63  }
0x214: {  	_ =	swait.ge [sflag:s12], $0x1000  }
0x215: {  	[sflag:s12] =	ssyncset.done $0x0  }
0x216: {  	[sflag:s12] =	ssyncadd.s32 $0xFFFFF000  }
0x217: {  	_ =	swait.ge [sflag:s13], $0x1000  }
0x218: {  	[sflag:s13] =	ssyncset.done $0x0  }
0x219: {  	s30 =	rddreg [dreg:$0x18];
	[sflag:s13] =	ssyncadd.s32 $0xFFFFF000  }
0x21a: {  	[tilespmem:s9], [sflag:$0x1] =	stream.indirect.gather [hbm4b:s3+s7], $0x8, s30, s7, $0xb8;
	[tilespmem:$0x8400] =	vst v63  }
0x21b: {  	s31 =	rddreg [dreg:$0x19]  }
0x21c: {  	[spmem:s2] =	stream.indirect.scatter.add.f32 [tilespmem:s8], [sflag:$0x4], $0x8, s31, s7, $0xb8;
	[tilespmem:$0x8400] =	vst v63  }
0x21d: {  	_ =	swait.ge [sflag:s11], $0x1000  }
0x21e: {  	[sflag:s11] =	ssyncset.done $0x0  }
0x21f: {  	[sflag:s11] =	ssyncadd.s32 $0xFFFFF000  }
0x220: {  	_ =	swait.ge [sflag:s10], $0x1000  }
0x221: {  	[sflag:s10] =	ssyncset.done $0x0  }
0x222: {  	s30 =	rddreg [dreg:$0x1a];
	[sflag:s10] =	ssyncadd.s32 $0xFFFFF000  }
0x223: {  	[tilespmem:s8], [sflag:$0x2] =	stream.indirect.gather [hbm4b:s3+s7], $0x8, s30, s7, $0xb8;
	[tilespmem:$0x8400] =	vst v63  }
0x224: {  	s31 =	rddreg [dreg:$0x1b]  }
0x225: {  	[spmem:s2] =	stream.indirect.scatter.add.f32 [tilespmem:s9], [sflag:$0x3], $0x8, s31, s7, $0xb8;
	[tilespmem:$0x8400] =	vst v63  }
0x226: {  	_ =	swait.ge [sflag:s12], $0x1000  }
0x227: {  	[sflag:s12] =	ssyncset.done $0x0  }
0x228: {  	[sflag:s12] =	ssyncadd.s32 $0xFFFFF000  }
0x229: {  	_ =	swait.ge [sflag:s13], $0x1000  }
0x22a: {  	[sflag:s13] =	ssyncset.done $0x0  }
0x22b: {  	s30 =	rddreg [dreg:$0x1c];
	[sflag:s13] =	ssyncadd.s32 $0xFFFFF000  }
0x22c: {  	[tilespmem:s9], [sflag:$0x1] =	stream.indirect.gather [hbm4b:s3+s7], $0x8, s30, s7, $0xb8;
	[tilespmem:$0x8400] =	vst v63  }
0x22d: {  	s31 =	rddreg [dreg:$0x1d]  }
0x22e: {  	[spmem:s2] =	stream.indirect.scatter.add.f32 [tilespmem:s8], [sflag:$0x4], $0x8, s31, s7, $0xb8;
	[tilespmem:$0x8400] =	vst v63  }
0x22f: {  	_ =	swait.ge [sflag:s11], $0x1000  }
0x230: {  	[sflag:s11] =	ssyncset.done $0x0  }
0x231: {  	[sflag:s11] =	ssyncadd.s32 $0xFFFFF000  }
0x232: {  	_ =	swait.ge [sflag:s10], $0x1000  }
0x233: {  	[sflag:s10] =	ssyncset.done $0x0  }
0x234: {  	[sflag:s10] =	ssyncadd.s32 $0xFFFFF000  }
0x235: {  	[tilespmem:s8], [sflag:$0x2] =	stream.indirect.gather [hbm4b:s3+s7], $0x8, s29, s7, $0xb8;
	[tilespmem:$0x8400] =	vst v63  }
0x236: {  	_ = 	snop  }
0x237: {  	[spmem:s2] =	stream.indirect.scatter.add.f32 [tilespmem:s9], [sflag:$0x3], $0x8, s15, s7, $0xb8;
	[tilespmem:$0x8400] =	vst v63  }
0x238: {  	_ =	swait.ge [sflag:s12], $0x1000  }
0x239: {  	[sflag:s12] =	ssyncset.done $0x0  }
0x23a: {  	[sflag:s12] =	ssyncadd.s32 $0xFFFFF000  }
0x23b: {  	_ =	swait.ge [sflag:s13], $0x1000  }
0x23c: {  	[sflag:s13] =	ssyncset.done $0x0  }
0x23d: {  	[sflag:s13] =	ssyncadd.s32 $0xFFFFF000  }
0x23e: {  	[tilespmem:s9], [sflag:$0x1] =	stream.indirect.gather [hbm4b:s3+s7], $0x8, s26, s7, $0xb8;
	[tilespmem:$0x8400] =	vst v63  }
0x23f: {  	_ = 	snop  }
0x240: {  	[spmem:s2] =	stream.indirect.scatter.add.f32 [tilespmem:s8], [sflag:$0x4], $0x8, s28, s7, $0xb8;
	[tilespmem:$0x8400] =	vst v63  }
0x241: {  	_ =	swait.ge [sflag:s11], $0x1000  }
0x242: {  	[sflag:s11] =	ssyncset.done $0x0  }
0x243: {  	[sflag:s11] =	ssyncadd.s32 $0xFFFFF000  }
0x244: {  	_ =	swait.ge [sflag:s10], $0x1000  }
0x245: {  	[sflag:s10] =	ssyncset.done $0x0  }
0x246: {  	[sflag:s10] =	ssyncadd.s32 $0xFFFFF000  }
0x247: {  	[tilespmem:s8], [sflag:$0x2] =	stream.indirect.gather [hbm4b:s3+s7], $0x8, s24, s7, $0xb8;
	[tilespmem:$0x8400] =	vst v63  }
0x248: {  	_ = 	snop  }
0x249: {  	[spmem:s2] =	stream.indirect.scatter.add.f32 [tilespmem:s9], [sflag:$0x3], $0x8, s25, s7, $0xb8;
	[tilespmem:$0x8400] =	vst v63  }
0x24a: {  	_ =	swait.ge [sflag:s12], $0x1000  }
0x24b: {  	[sflag:s12] =	ssyncset.done $0x0  }
0x24c: {  	[sflag:s12] =	ssyncadd.s32 $0xFFFFF000  }
0x24d: {  	_ =	swait.ge [sflag:s13], $0x1000  }
0x24e: {  	[sflag:s13] =	ssyncset.done $0x0  }
0x24f: {  	[sflag:s13] =	ssyncadd.s32 $0xFFFFF000  }
0x250: {  	[tilespmem:s9], [sflag:$0x1] =	stream.indirect.gather [hbm4b:s3+s7], $0x8, s22, s7, $0xb8;
	[tilespmem:$0x8400] =	vst v63  }
0x251: {  	_ = 	snop  }
0x252: {  	[spmem:s2] =	stream.indirect.scatter.add.f32 [tilespmem:s8], [sflag:$0x4], $0x8, s23, s7, $0xb8;
	[tilespmem:$0x8400] =	vst v63  }
0x253: {  	_ =	swait.ge [sflag:s11], $0x1000  }
0x254: {  	[sflag:s11] =	ssyncset.done $0x0  }
0x255: {  	[sflag:s11] =	ssyncadd.s32 $0xFFFFF000  }
0x256: {  	_ =	swait.ge [sflag:s10], $0x1000  }
0x257: {  	[sflag:s10] =	ssyncset.done $0x0  }
0x258: {  	[sflag:s10] =	ssyncadd.s32 $0xFFFFF000  }
0x259: {  	[tilespmem:s8], [sflag:$0x2] =	stream.indirect.gather [hbm4b:s3+s7], $0x8, s20, s7, $0xb8;
	[tilespmem:$0x8400] =	vst v63  }
0x25a: {  	_ = 	snop  }
0x25b: {  	[spmem:s2] =	stream.indirect.scatter.add.f32 [tilespmem:s9], [sflag:$0x3], $0x8, s21, s7, $0xb8;
	[tilespmem:$0x8400] =	vst v63  }
0x25c: {  	_ =	swait.ge [sflag:s12], $0x1000  }
0x25d: {  	[sflag:s12] =	ssyncset.done $0x0  }
0x25e: {  	[sflag:s12] =	ssyncadd.s32 $0xFFFFF000  }
0x25f: {  	_ =	swait.ge [sflag:s13], $0x1000  }
0x260: {  	[sflag:s13] =	ssyncset.done $0x0  }
0x261: {  	[sflag:s13] =	ssyncadd.s32 $0xFFFFF000  }
0x262: {  	[tilespmem:s9], [sflag:$0x1] =	stream.indirect.gather [hbm4b:s3+s7], $0x8, s18, s7, $0xb8;
	[tilespmem:$0x8400] =	vst v63  }
0x263: {  	_ = 	snop  }
0x264: {  	[spmem:s2] =	stream.indirect.scatter.add.f32 [tilespmem:s8], [sflag:$0x4], $0x8, s19, s7, $0xb8;
	[tilespmem:$0x8400] =	vst v63  }
0x265: {  	_ =	swait.ge [sflag:s11], $0x1000  }
0x266: {  	[sflag:s11] =	ssyncset.done $0x0  }
0x267: {  	[sflag:s11] =	ssyncadd.s32 $0xFFFFF000  }
0x268: {  	_ =	swait.ge [sflag:s10], $0x1000  }
0x269: {  	[sflag:s10] =	ssyncset.done $0x0  }
0x26a: {  	[sflag:s10] =	ssyncadd.s32 $0xFFFFF000  }
0x26b: {  	[tilespmem:s8], [sflag:$0x2] =	stream.indirect.gather [hbm4b:s3+s7], $0x8, s16, s7, $0xb8;
	[tilespmem:$0x8400] =	vst v63  }
0x26c: {  	_ = 	snop  }
0x26d: {  	[spmem:s2] =	stream.indirect.scatter.add.f32 [tilespmem:s9], [sflag:$0x3], $0x8, s17, s7, $0xb8;
	[tilespmem:$0x8400] =	vst v63  }
0x26e: {  	_ =	swait.ge [sflag:s12], $0x1000  }
0x26f: {  	[sflag:s12] =	ssyncset.done $0x0  }
0x270: {  	[sflag:s12] =	ssyncadd.s32 $0xFFFFF000  }
0x271: {  	_ =	swait.ge [sflag:s13], $0x1000  }
0x272: {  	[sflag:s13] =	ssyncset.done $0x0  }
0x273: {  	s29 =	simm.s32 $0x4E00;
	[sflag:s13] =	ssyncadd.s32 $0xFFFFF000  }
0x274: {  	[spmem:s2] =	stream.indirect.scatter.add.f32 [tilespmem:s8], [sflag:$0x4], $0x8, s29, s7, $0xb8;
	[tilespmem:$0x8400] =	vst v63  }
0x275: {  	_ =	swait.ge [sflag:s11], $0x1000  }
0x276: {  	[sflag:s11] =	ssyncset.done $0x0  }
0x277: {  	[sflag:s11] =	ssyncadd.s32 $0xFFFFF000  }
0x278: {  	[bflag:$0x0] =	sbarrier.arrive $0xFFFF  }
0x279: {  	s30 =	rddreg [dreg:$0x7]  }
0x27a: {  	[hbm:s30], [sflag:s5] =	dma.local [spmem:s6], $0x280  }
0x27b: {  	_ =	swait.ge [sflag:s4], $0x280  }
0x27c: {  	[sflag:s4] =	ssyncset.done $0x0  }
0x27d: {  	[sflag:s4] =	ssyncadd.s32 $0xFFFFFD80  }
0x27e: {  	_ =	sfence.sel $0x180000  }
0x27f: {  	s31 =	stileid.u32;
	[bflag:$0x0] =	sbarrier.arrive $0xFFFF  }
0x280: {  	p0 =	sne.s32 s31, $0x0;
	_ =	strace $0x90000047  }
0x281: {  	s0 =	sadd.s32 @!p0 $0x100000, s14;
	[bflag:$0x2] =	sbarrier.arrive $0xFFFF  }
0x282: {  	[sflag:s0] =	ssyncadd.tile.s32 @!p0 $0x1;
	_ =	shalt  }
.LBB2_1:
.Ltmp3:
0x283: {  	s15 =	simm.s32 $0x4000;
	s29 =	simm.s32 $0x1A00;
	(pc) =	sbr.rel .LBB2_6-.Ltmp3, $4  }
0x284: {  	s28 =	simm.s32 $0x4200;
	s26 =	simm.s32 $0x1C00;
	s25 =	simm.s32 $0x4400  }
0x285: {  	s24 =	simm.s32 $0x1E00;
	s23 =	simm.s32 $0x4600;
	s22 =	simm.s32 $0x2000  }
0x286: {  	s21 =	simm.s32 $0x4800;
	s20 =	simm.s32 $0x2200;
	s19 =	simm.s32 $0x4A00  }
0x287: {  	s18 =	simm.s32 $0x2400;
	s17 =	simm.s32 $0x4C00;
	s16 =	simm.s32 $0x2600  }
.LBB2_3:
0x288: {  	s15 =	simm.s32 $0x4000  }
.Ltmp4:
0x289: {  	s29 =	simm.s32 $0x1A00;
	s28 =	simm.s32 $0x4200;
	(pc) =	sbr.rel .LBB2_6-.Ltmp4, $4  }
0x28a: {  	s26 =	simm.s32 $0x1C00;
	s25 =	simm.s32 $0x4400;
	s24 =	simm.s32 $0x1E00  }
0x28b: {  	s23 =	simm.s32 $0x4600;
	s22 =	simm.s32 $0x2000;
	s21 =	simm.s32 $0x4800  }
0x28c: {  	s20 =	simm.s32 $0x2200;
	s19 =	simm.s32 $0x4A00;
	s18 =	simm.s32 $0x2400  }
0x28d: {  	s17 =	simm.s32 $0x4C00;
	s16 =	simm.s32 $0x2600;
	s14 =	rddreg [dreg:$0x3]  }
.Lfunc_end2:
_tile_overlayer_lowered:
.L_overlay_start_2:
0x28e: {  	(tag) =	ssettag $0x2  }
0x28f: {  	s0 =	rddreg [dreg:$0x0];
	s2 =	stileid.u32  }
0x290: {  	s1 =	rddreg [dreg:$0x1];
	p0 =	sne.s32 s2, $0x0  }
0x291: {  	s3 =	rddreg [dreg:$0x2];
	[bflag:$0x3] =	sbarrier.arrive $0xFFFF;
	s2 =	simm.s32 @!p0 $0x1C05  }
0x292: {  	[timem:s3], [sflag:s2] =	dma.local @!p0 [hbm:s0], s1  }
0x293: {  	s0 =	simm.s32 @!p0 $0x5  }
0x294: {  	_ =	swait.ge @!p0 [sflag:s0], s1  }
0x295: {  	s1 =	ssub.s32 @!p0 $0x0, s1;
	[sflag:s0] =	ssyncset.done @!p0 $0x0  }
0x296: {  	[sflag:s0] =	ssyncadd.s32 @!p0 s1  }
0x297: {  	[bflag:$0x3] =	sbarrier.arrive $0xFFFF  }
0x298: {  	_ =	shalt  }

// kernel: kernel.15.cloned.1.call-start
scs
__scs_entry_jumppad:
0x0: {  	(pc) =	sbr.rel $0x88, $3  }
0x1: {  	(tag) =	ssettag $0x0;
	lr =	simm.s32 $0x1  }
0x2: {  	[smem:$0x3F99] =	sst lr;
	_ =	strace $0xD0000000  }
0x3: {  	_ = 	snop  }
0x4: {  	_ = 	snop  }
0x5: {  	_ = 	snop  }
0x6: {  	_ = 	snop  }
0x7: {  	_ = 	snop  }
__scs_overlays_trampoline_lowered:
0x8: {  	[smem:$0x3FA8] =	sst s0  }
0x9: {  	[smem:$0x3FA9] =	sst s1  }
0xa: {  	[smem:$0x3FAA] =	sst s2  }
0xb: {  	[smem:$0x3FAB] =	sst s3  }
0xc: {  	[smem:$0x3FAC] =	sst s4  }
0xd: {  	[smem:$0x3FAD] =	sst s5  }
0xe: {  	[smem:$0x3FAE] =	sst s6  }
0xf: {  	[smem:$0x3FAF] =	sst s7  }
0x10: {  	[smem:$0x3FB0] =	sst s8  }
0x11: {  	[smem:$0x3FB1] =	sst s9;
	s0 =	simm.s32 @!p0 $0x0  }
0x12: {  	s1 =	sld [smem:$0x3F97];
	s0 =	simm.s32 @p0 $0x1  }
0x13: {  	[smem:$0x3FB2] =	sst s0;
	s0 =	simm.s32 @!p1 $0x0  }
0x14: {  	s2 =	sld [smem:$0x3F96];
	s0 =	simm.s32 @p1 $0x1  }
0x15: {  	[smem:$0x3FB3] =	sst s0;
	s0 =	simm.s32 @!p2 $0x0  }
0x16: {  	s3 =	sld [smem:$0x3FDB];
	s0 =	simm.s32 @p2 $0x1  }
0x17: {  	s4 =	simm.s32 $0x1BF5;
	[smem:$0x3FB5] =	sst s0  }
0x18: {  	s0 =	sld [smem:$0x3F98];
	_ =	swait.ge [sflag:s4], $0x0  }
0x19: {  	s7 =	sld [smem:$0x3F99]  }
0x1a: {  	s8 =	sadd.s32 $0xFFFFE003, lr  }
0x1b: {  	s9 =	sadd.s32 $0xFFFFFEF7, lr;
	s5 =	simm.s32 $0xFFFFFFFF;
	p2 =	slt.u32 s8, $0xFFFFF086  }
0x1c: {  	p1 =	slt.u32 s9, $0xF7A;
	s5 =	simm.s32 @!p2 $0x0  }
0x1d: {  	s5 =	simm.s32 @p1 $0x1;
	p0 =	seq.s32 s7, s2  }
0x1e: {  	s7 =	smul.u32 @!p0 $0xF7A, s2;
	p2 =	seq.s32 @!p0 s5, $0x0  }
0x1f: {  	s9 =	smul.u32 $0xF7A, s1;
	s8 =	simm.s32 @!p0 $0x1BF5;
	p2 =	por !p2, p0  }
0x20: {  	[sflag:s8] =	ssyncset.s32 @!p0 $0xFFFFF086;
	s6 =	sadd.s32 @!p0 s3, s7;
	s7 =	simm.s32 @!p0 $0x108  }
0x21: {  	s3 =	sadd.s32 s3, s9;
	s6 =	sadd.s32 @!p0 $0x88, s6;
	s7 =	simm.s32 @p2 $0x1082  }
0x22: {  	[simem:s7], [sflag:s8] =	dma.local @!p0 [hbm:s6], $0xF7A  }
0x23: {  	s9 =	sor.u32 $0xD0000000, s2;
	s6 =	simm.s32 $0x108;
	_ =	swait.ge @!p0 [sflag:s8], $0x0  }
0x24: {  	s3 =	sadd.s32 $0x88, s3;
	s6 =	simm.s32 @!p1 $0x1082;
	[sflag:s4] =	ssyncset.s32 $0xFFFFF086  }
0x25: {  	[simem:s6], [sflag:s4] =	dma.local [hbm:s3], $0xF7A  }
0x26: {  	[smem:$0x3F99] =	sst s1;
	(tag) =	ssettag s2;
	_ =	strace s9  }
0x27: {  	s1 =	sld [smem:$0x3FA9]  }
0x28: {  	s2 =	sld [smem:$0x3FAA]  }
0x29: {  	s4 =	sld [smem:$0x3FAC]  }
0x2a: {  	p0 =	seq.s32 s5, $0x0;
	s5 =	sld [smem:$0x3FAD]  }
0x2b: {  	s6 =	sld [smem:$0x3FAE]  }
0x2c: {  	s7 =	sld [smem:$0x3FAF]  }
0x2d: {  	s3 =	simm.s32 $0x108;
	s8 =	sld [smem:$0x3FB0]  }
0x2e: {  	s3 =	simm.s32 @!p0 $0x1082;
	s9 =	sld [smem:$0x3FB1]  }
0x2f: {  	lr =	sadd.s32 s0, s3;
	s0 =	sld [smem:$0x3FA8]  }
0x30: {  	s3 =	sld [smem:$0x3FAB]  }
0x31: {  	[smem:$0x3FB4] =	sst s10  }
0x32: {  	s10 =	sld [smem:$0x3FB2];
	_ =	sdelay $0x3  }
0x33: {  	p0 =	seq.s32 s10, $0x1;
	s10 =	sld [smem:$0x3FB4];
	_ =	sdelay $0x3  }
0x34: {  	[smem:$0x3FB4] =	sst s10  }
0x35: {  	s10 =	sld [smem:$0x3FB3];
	_ =	sdelay $0x3  }
0x36: {  	p1 =	seq.s32 s10, $0x1;
	s10 =	sld [smem:$0x3FB4];
	_ =	sdelay $0x3  }
0x37: {  	[smem:$0x3FB4] =	sst s10  }
0x38: {  	s10 =	sld [smem:$0x3FB5]  }
0x39: {  	_ = 	snop;
	(pc) =	sbr.ind lr, $3  }
0x3a: {  	_ = 	snop  }
0x3b: {  	_ = 	snop  }
0x3c: {  	p2 =	seq.s32 s10, $0x1;
	s10 =	sld [smem:$0x3FB4]  }
0x3d: {  	_ =	shalt  }
0x3e: {  	_ =	shalt  }
0x3f: {  	_ =	shalt  }
0x40: {  	_ =	shalt  }
0x41: {  	_ =	shalt  }
0x42: {  	_ =	shalt  }
0x43: {  	_ =	shalt  }
0x44: {  	_ =	shalt  }
0x45: {  	_ =	shalt  }
0x46: {  	_ =	shalt  }
0x47: {  	_ =	shalt  }
0x48: {  	_ =	shalt  }
0x49: {  	_ =	shalt  }
0x4a: {  	_ =	shalt  }
0x4b: {  	_ =	shalt  }
0x4c: {  	_ =	shalt  }
0x4d: {  	_ =	shalt  }
0x4e: {  	_ =	shalt  }
0x4f: {  	_ =	shalt  }
0x50: {  	_ =	shalt  }
0x51: {  	_ =	shalt  }
0x52: {  	_ =	shalt  }
0x53: {  	_ =	shalt  }
0x54: {  	_ =	shalt  }
0x55: {  	_ =	shalt  }
0x56: {  	_ =	shalt  }
0x57: {  	_ =	shalt  }
0x58: {  	_ =	shalt  }
0x59: {  	_ =	shalt  }
0x5a: {  	_ =	shalt  }
0x5b: {  	_ =	shalt  }
0x5c: {  	_ =	shalt  }
0x5d: {  	_ =	shalt  }
0x5e: {  	_ =	shalt  }
0x5f: {  	_ =	shalt  }
0x60: {  	_ =	shalt  }
0x61: {  	_ =	shalt  }
0x62: {  	_ =	shalt  }
0x63: {  	_ =	shalt  }
0x64: {  	_ =	shalt  }
0x65: {  	_ =	shalt  }
0x66: {  	_ =	shalt  }
0x67: {  	_ =	shalt  }
0x68: {  	_ =	shalt  }
0x69: {  	_ =	shalt  }
0x6a: {  	_ =	shalt  }
0x6b: {  	_ =	shalt  }
0x6c: {  	_ =	shalt  }
0x6d: {  	_ =	shalt  }
0x6e: {  	_ =	shalt  }
0x6f: {  	_ =	shalt  }
0x70: {  	_ =	shalt  }
0x71: {  	_ =	shalt  }
0x72: {  	_ =	shalt  }
0x73: {  	_ =	shalt  }
0x74: {  	_ =	shalt  }
0x75: {  	_ =	shalt  }
0x76: {  	_ =	shalt  }
0x77: {  	_ =	shalt  }
0x78: {  	_ =	shalt  }
0x79: {  	_ =	shalt  }
0x7a: {  	_ =	shalt  }
0x7b: {  	_ =	shalt  }
0x7c: {  	_ =	shalt  }
0x7d: {  	_ =	shalt  }
0x7e: {  	_ =	shalt  }
0x7f: {  	_ =	shalt  }
0x80: {  	_ =	shalt  }
0x81: {  	_ =	shalt  }
0x82: {  	_ =	shalt  }
0x83: {  	_ =	shalt  }
0x84: {  	_ =	shalt  }
0x85: {  	_ =	shalt  }
0x86: {  	_ =	shalt  }
0x87: {  	_ =	shalt  }
.Lfunc_end0:
.L_simem_size_0:
called_computation.1_lowered:
.L_overlay_start_0:
0x88: {  	s2 =	sld [smem:$0x3FD9]  }
0x89: {  	s3 =	sld [smem:$0x3FFE];
	_ =	sdelay $0x1  }
0x8a: {  	s1 =	srdreg.scid  }
0x8b: {  	s0 =	sand.u32 $0x1, s1  }
0x8c: {  	s16 =	sshll.u32 s0, $0xA;
	s2 =	sadd.s32 s3, s2  }
0x8d: {  	s2 =	sadd.s32 s2, s16  }
0x8e: {  	[smem:$0x3FC0] =	sst s2  }
0x8f: {  	_ = 	snop  }
0x90: {  	(tm) =	ssettm $0x1  }
0x91: {  	s17 =	sld [smem:$0x3FFB];
	_ =	sdelay $0x3  }
0x92: {  	_ =	strace s17  }
0x93: {  	s2 =	sld [smem:$0x3FFC];
	_ =	sdelay $0x3  }
0x94: {  	_ =	strace s2  }
0x95: {  	s2 =	sld [smem:$0x3FFD];
	_ =	sdelay $0x3  }
0x96: {  	_ =	strace s2  }
0x97: {  	_ =	strace $0x8FFFFFFF  }
0x98: {  	s18 =	sld [smem:$0x3FDB];
	_ =	sdelay $0x1  }
0x99: {  	s19 =	simm.s32 $_scs_section_size  }
0x9a: {  	s4 =	simm.s32 $_size__tile_overlayer_lowered;
	s5 =	simm.s32 $_tile_overlayer_lowered  }
0x9b: {  	s22 =	simm.s32 $0x1BFF;
	s21 =	sshll.u32 s5, $0x1;
	s2 =	sadd.s32 s19, s18  }
0x9c: {  	s6 =	simm.s32 $0x0;
	s20 =	sshll.u32 s4, $0x1;
	s4 =	sadd.s32 s21, s2  }
0x9d: {  	[timem:s6], [sflag:s22] =	dma.local [hbm:s4], s20  }
0x9e: {  	_ =	swait.ge [sflag:s22], s20  }
0x9f: {  	s3 =	ssub.s32 $0x0, s20;
	[sflag:s22] =	ssyncset.done $0x0  }
0xa0: {  	[sflag:s22] =	ssyncadd.s32 s3;
	_ =	sdelay $0x1  }
0xa1: {  	s23 =	simm.s32 $0x1B8B  }
0xa2: {  	_ =	swait.ge [sflag:s23], $0x1  }
0xa3: {  	[sflag:s23] =	ssyncset.done $0x0  }
0xa4: {  	s25 =	simm.s32 $0x1B8E;
	s24 =	sld [smem:$0x3FFE];
	[sflag:s23] =	ssyncadd.s32 $0xFFFFFFFF  }
0xa5: {  	s26 =	simm.s32 $execute0_lowered;
	[smem:$0x3FD2] =	sst s25  }
0xa6: {  	s4 =	sshll.u32 s26, $0x1;
	_ =	strace $0x80000049;
	[dreg:$0x1] =	wrdreg $0xFFFFFFFF  }
0xa7: {  	s28 =	simm.s32 $_size_execute0_lowered;
	s2 =	sadd.s32 s2, s4;
	[dreg:$0x0] =	wrdreg $0x0  }
0xa8: {  	s4 =	sshll.u32 s28, $0x1;
	[dreg:$0x2] =	wrdreg s2  }
0xa9: {  	[dreg:$0x3] =	wrdreg s4  }
0xaa: {  	[dreg:$0x4] =	wrdreg $0xC0  }
0xab: {  	_ =	task [dreg:s6], $0x5FFFF  }
0xac: {  	[dreg:$0x1] =	wrdreg $0xFFFFFFFF  }
0xad: {  	[dreg:$0x0] =	wrdreg $0x60  }
0xae: {  	[dreg:$0x2] =	wrdreg s24  }
0xaf: {  	[dreg:$0x3] =	wrdreg $0x130000  }
0xb0: {  	[dreg:$0x4] =	wrdreg $0xE0000  }
0xb1: {  	[dreg:$0x5] =	wrdreg $0x9  }
0xb2: {  	_ =	task.clear_ibuf [dreg:s6], $0x6FFFF;
	_ =	strace $0x90000049  }
0xb3: {  	s29 =	simm.s32 $0x9;
	_ =	strace $0x8000004B  }
0xb4: {  	_ =	swait.ge [sflag:s29], $0x1  }
0xb5: {  	[sflag:s29] =	ssyncadd.s32 $0xFFFFFFFF  }
0xb6: {  	_ =	strace $0x9000004B  }
0xb7: {  	_ =	sfence  }
0xb8: {  	s30 =	sld [smem:$0x0];
	_ =	sdelay $0x2  }
0xb9: {  	s31 =	sshll.u32 s1, $0xD;
	s1 =	sshrl.u32 s1, $0x2  }
0xba: {  	s3 =	sand.u32 $0x4000, s31;
	s1 =	sadd.s32 s1, s30  }
0xbb: {  	s0 =	sor.u32 s3, s0;
	s1 =	sshll.u32 s1, $0x11  }
0xbc: {  	s0 =	sor.u32 s1, s0  }
0xbd: {  	s0 =	sadd.s32 $0x8F2B, s0  }
0xbe: {  	[sflag:s0] =	ssyncadd.remote.s32 $0x1  }
0xbf: {  	_ =	sfence.sel $0xFFFF  }
0xc0: {  	[dreg:$0x0] =	wrdreg $0xFFFFFFFF;
	(pc) =	sbr.abs _section_cstart, $3  }
0xc1: {  	[dreg:$0x1] =	wrdreg $0xFFFFFFFF  }
0xc2: {  	_ =	task.clear_ibuf [dreg:s6], $0x2FFFF;
	_ =	strace $0x9FFFFFFF  }
0xc3: {  	(tm) =	ssettm $0x7FFFFFFF  }
tec
execute0_lowered:
.L_overlay_start_1:
0x0: {  	(tag) =	ssettag $0x1  }
0x1: {  	s6 =	rddreg [dreg:$0x0]  }
0x2: {  	s2 =	rddreg [dreg:$0x1]  }
0x3: {  	s0 =	srdreg.scid;
	s3 =	rddreg [dreg:$0x2]  }
0x4: {  	s4 =	simm.s32 $0x0;
	s16 =	simm.s32 $0x100;
	s17 =	simm.s32 $0xA000  }
0x5: {  	s18 =	simm.s32 $0x1;
	s19 =	simm.s32 $0xC000;
	s20 =	simm.s32 $0x2  }
0x6: {  	s21 =	simm.s32 $0x3;
	s22 =	simm.s32 $0x4;
	s23 =	simm.s32 $0x4F00  }
0x7: {  	s24 =	simm.s32 $0x9E00;
	s25 =	simm.s32 $0x9F00;
	s5 =	sand.u32 $0x1, s0  }
0x8: {  	s26 =	simm.s32 $0x0;
	s0 =	stileid.u32;
	s8 =	smul.u32 $0x2800, s5  }
0x9: {  	[smem:$0x7FF] =	sst s4;
	s1 =	sshll.u32 s5, $0x4;
	s9 =	smul.u32 $0x280, s0  }
0xa: {  	s30 =	ssub.s32 $0x2, s5;
	s10 =	smul.u32 $0xA000, s0;
	s5 =	sadd.s32 $0xC7A00, s6  }
0xb: {  	s13 =	sshll.u32 s0, $0x6;
	s1 =	sor.u32 s0, s1;
	s11 =	sshrl.u32 s30, $0x1  }
0xc: {  	s13 =	sor.u32 $0x1C05, s13;
	s7 =	smul.u32 $0xA00, s1;
	s1 =	rddreg [dreg:$0x3]  }
0xd: {  	_ =	strace $0x8000004A;
	s8 =	sadd.s32 s9, s8;
	s31 =	sshrl.u32 s10, $0x1  }
0xe: {  	s11 =	ssub.s32 s30, s11;
	s8 =	sshll.u32 s8, $0x2;
	s14 =	sadd.s32 s31, s2  }
0xf: {  	s15 =	sadd.s32 s31, s3;
	s10 =	smax.u32 s11, $0x1;
	s11 =	simm.s32 $0x5  }
0x10: {  	s7 =	sadd.s32 s7, s6;
	s12 =	sadd.s32 s8, s6;
	s14 =	sshrl.u32 s14, $0x3  }
0x11: {  	s15 =	sshrl.u32 s15, $0x3;
	s6 =	sadd.s32 $0x9FA00, s7;
	s7 =	sadd.s32 $0xB3A00, s7  }
0x12: {  	s8 =	sadd.s32 $0x4FA00, s12;
	s9 =	sadd.s32 $0x63A00, s12;
	s12 =	simm.s32 $0x5000  }
.LBB2_1:
0x13: {  	[tilespmem:s4], [sflag:$0x5] =	stream.linear.gather [hbm4b:s6+s4], $0x5000, $0x38;
	[tilespmem:$0x18000] =	vst v63  }
0x14: {  	_ =	swait.ge [sflag:s11], $0x5000  }
0x15: {  	[sflag:s11] =	ssyncset.done $0x0  }
0x16: {  	[sflag:s11] =	ssyncadd.s32 $0xFFFFB000  }
0x17: {  	[tilespmem:s12], [sflag:$0x5] =	stream.linear.gather [hbm4b:s7+s4], $0x5000, $0x38;
	[tilespmem:$0x18000] =	vst v63  }
0x18: {  	_ =	swait.ge [sflag:s11], $0x5000  }
0x19: {  	[sflag:s11] =	ssyncset.done $0x0  }
0x1a: {  	[sflag:s11] =	ssyncadd.s32 $0xFFFFB000  }
0x1b: {  	[spmem:s14], [sflag:s13] =	dma.local [hbm:s8], $0xA00  }
0x1c: {  	_ =	swait.ge [sflag:s11], $0xA00  }
0x1d: {  	[sflag:s11] =	ssyncset.done $0x0  }
0x1e: {  	[sflag:s11] =	ssyncadd.s32 $0xFFFFF600  }
0x1f: {  	[spmem:s15], [sflag:s13] =	dma.local [hbm:s5], $0xA00  }
0x20: {  	_ =	swait.ge [sflag:s11], $0xA00  }
0x21: {  	[sflag:s11] =	ssyncset.done $0x0  }
0x22: {  	[sflag:s11] =	ssyncadd.s32 $0xFFFFF600  }
0x23: {  	[bflag:$0x0] =	sbarrier.arrive $0xFFFF  }
0x24: {  	[tilespmem:s17], [sflag:$0x1] =	stream.indirect.gather [spmem:s2], $0x20, s4, s16, $0xb8;
	[tilespmem:$0x18000] =	vst v63  }
0x25: {  	_ =	swait.ge [sflag:s18], $0x2000  }
0x26: {  	[sflag:s18] =	ssyncset.done $0x0  }
0x27: {  	s28 =	simm.s32 $0x100;
	[sflag:s18] =	ssyncadd.s32 $0xFFFFE000  }
0x28: {  	[tilespmem:s19], [sflag:$0x2] =	stream.indirect.gather [spmem:s2], $0x20, s28, s16, $0xb8;
	[tilespmem:$0x18000] =	vst v63  }
0x29: {  	s28 =	simm.s32 $0x5000  }
0x2a: {  	[spmem:s3] =	stream.indirect.scatter.add.bf16 [tilespmem:s17], [sflag:$0x3], $0x20, s28, s16, $0xb8;
	[tilespmem:$0x18000] =	vst v63  }
0x2b: {  	_ =	swait.ge [sflag:s20], $0x2000  }
0x2c: {  	[sflag:s20] =	ssyncset.done $0x0  }
0x2d: {  	[sflag:s20] =	ssyncadd.s32 $0xFFFFE000  }
0x2e: {  	_ =	swait.ge [sflag:s21], $0x2000  }
0x2f: {  	[sflag:s21] =	ssyncset.done $0x0  }
0x30: {  	s28 =	simm.s32 $0x200;
	[sflag:s21] =	ssyncadd.s32 $0xFFFFE000  }
0x31: {  	[tilespmem:s17], [sflag:$0x1] =	stream.indirect.gather [spmem:s2], $0x20, s28, s16, $0xb8;
	[tilespmem:$0x18000] =	vst v63  }
0x32: {  	s28 =	simm.s32 $0x5100  }
0x33: {  	[spmem:s3] =	stream.indirect.scatter.add.bf16 [tilespmem:s19], [sflag:$0x4], $0x20, s28, s16, $0xb8;
	[tilespmem:$0x18000] =	vst v63  }
0x34: {  	_ =	swait.ge [sflag:s22], $0x2000  }
0x35: {  	s28 =	simm.s32 $0x800;
	[sflag:s22] =	ssyncset.done $0x0  }
.LBB2_2:
0x36: {  	p0 =	sne.s32 s28, $0x13000  }
0x37: {  	[sflag:s22] =	ssyncadd.s32 $0xFFFFE000;
	s29 =	smov.u32 s28;
	s28 =	sadd.s32 $0x800, s28  }
0x38: {  	_ = 	snop  }
0x39: {  	_ =	swait.ge [sflag:s18], $0x2000  }
0x3a: {  	s29 =	sshra.s32 s29, $0x2;
	[sflag:s18] =	ssyncset.done $0x0  }
0x3b: {  	s30 =	sadd.s32 $0x100, s29;
	[sflag:s18] =	ssyncadd.s32 $0xFFFFE000  }
0x3c: {  	[tilespmem:s19], [sflag:$0x2] =	stream.indirect.gather [spmem:s2], $0x20, s30, s16, $0xb8;
	[tilespmem:$0x18000] =	vst v63  }
0x3d: {  	s30 =	sadd.s32 $0x5000, s29  }
0x3e: {  	[spmem:s3] =	stream.indirect.scatter.add.bf16 [tilespmem:s17], [sflag:$0x3], $0x20, s30, s16, $0xb8;
	[tilespmem:$0x18000] =	vst v63  }
0x3f: {  	_ =	swait.ge [sflag:s20], $0x2000  }
0x40: {  	[sflag:s20] =	ssyncset.done $0x0  }
0x41: {  	[sflag:s20] =	ssyncadd.s32 $0xFFFFE000  }
0x42: {  	_ =	swait.ge [sflag:s21], $0x2000  }
0x43: {  	[sflag:s21] =	ssyncset.done $0x0  }
0x44: {  	s30 =	sadd.s32 $0x200, s29;
	[sflag:s21] =	ssyncadd.s32 $0xFFFFE000  }
0x45: {  	[tilespmem:s17], [sflag:$0x1] =	stream.indirect.gather [spmem:s2], $0x20, s30, s16, $0xb8;
	[tilespmem:$0x18000] =	vst v63  }
.Ltmp0:
0x46: {  	_ = 	snop;
	(pc) =	sbr.rel @p0 .LBB2_2-.Ltmp0, $4  }
0x47: {  	s29 =	sadd.s32 $0x5100, s29  }
0x48: {  	[spmem:s3] =	stream.indirect.scatter.add.bf16 [tilespmem:s19], [sflag:$0x4], $0x20, s29, s16, $0xb8;
	[tilespmem:$0x18000] =	vst v63  }
0x49: {  	_ =	swait.ge [sflag:s22], $0x2000  }
0x4a: {  	[sflag:s22] =	ssyncset.done $0x0  }
0x4b: {  	[sflag:s22] =	ssyncadd.s32 $0xFFFFE000  }
0x4c: {  	_ =	swait.ge [sflag:s18], $0x2000  }
0x4d: {  	[sflag:s18] =	ssyncset.done $0x0  }
0x4e: {  	[sflag:s18] =	ssyncadd.s32 $0xFFFFE000  }
0x4f: {  	[tilespmem:s19], [sflag:$0x2] =	stream.indirect.gather [spmem:s2], $0x20, s23, s16, $0xb8;
	[tilespmem:$0x18000] =	vst v63  }
0x50: {  	_ = 	snop  }
0x51: {  	[spmem:s3] =	stream.indirect.scatter.add.bf16 [tilespmem:s17], [sflag:$0x3], $0x20, s24, s16, $0xb8;
	[tilespmem:$0x18000] =	vst v63  }
0x52: {  	_ =	swait.ge [sflag:s20], $0x2000  }
0x53: {  	[sflag:s20] =	ssyncset.done $0x0  }
0x54: {  	[sflag:s20] =	ssyncadd.s32 $0xFFFFE000  }
0x55: {  	_ =	swait.ge [sflag:s21], $0x2000  }
0x56: {  	[sflag:s21] =	ssyncset.done $0x0  }
0x57: {  	[sflag:s21] =	ssyncadd.s32 $0xFFFFE000  }
0x58: {  	[spmem:s3] =	stream.indirect.scatter.add.bf16 [tilespmem:s19], [sflag:$0x4], $0x20, s25, s16, $0xb8;
	[tilespmem:$0x18000] =	vst v63  }
0x59: {  	_ =	swait.ge [sflag:s22], $0x2000  }
0x5a: {  	s26 =	sadd.s32 $0x1, s26;
	[sflag:s22] =	ssyncset.done $0x0  }
0x5b: {  	p0 =	sne.s32 s26, s10;
	[sflag:s22] =	ssyncadd.s32 $0xFFFFE000  }
.Ltmp1:
0x5c: {  	[bflag:$0x0] =	sbarrier.arrive $0xFFFF;
	(pc) =	sbr.rel @p0 .LBB2_1-.Ltmp1, $4  }
0x5d: {  	[hbm:s9], [sflag:s13] =	dma.local [spmem:s15], $0xA00  }
0x5e: {  	_ =	swait.ge [sflag:s11], $0xA00  }
0x5f: {  	[sflag:s11] =	ssyncset.done $0x0  }
0x60: {  	[sflag:s11] =	ssyncadd.s32 $0xFFFFF600  }
0x61: {  	_ =	sfence.sel $0x180000  }
0x62: {  	[bflag:$0x0] =	sbarrier.arrive $0xFFFF  }
0x63: {  	p0 =	sne.s32 s0, $0x0;
	_ =	strace $0x9000004A  }
0x64: {  	s0 =	sadd.s32 @!p0 $0x100000, s1;
	[bflag:$0x2] =	sbarrier.arrive $0xFFFF  }
0x65: {  	[sflag:s0] =	ssyncadd.tile.s32 @!p0 $0x1;
	_ =	shalt  }
.Lfunc_end2:
_tile_overlayer_lowered:
.L_overlay_start_2:
0x66: {  	(tag) =	ssettag $0x2  }
0x67: {  	s0 =	rddreg [dreg:$0x0];
	s2 =	stileid.u32  }
0x68: {  	s1 =	rddreg [dreg:$0x1];
	p0 =	sne.s32 s2, $0x0  }
0x69: {  	s3 =	rddreg [dreg:$0x2];
	[bflag:$0x3] =	sbarrier.arrive $0xFFFF;
	s2 =	simm.s32 @!p0 $0x1C05  }
0x6a: {  	[timem:s3], [sflag:s2] =	dma.local @!p0 [hbm:s0], s1  }
0x6b: {  	s0 =	simm.s32 @!p0 $0x5  }
0x6c: {  	_ =	swait.ge @!p0 [sflag:s0], s1  }
0x6d: {  	s1 =	ssub.s32 @!p0 $0x0, s1;
	[sflag:s0] =	ssyncset.done @!p0 $0x0  }
0x6e: {  	[sflag:s0] =	ssyncadd.s32 @!p0 s1  }
0x6f: {  	[bflag:$0x3] =	sbarrier.arrive $0xFFFF  }
0x70: {  	_ =	shalt  }

// kernel: kernel.18.cloned.1.call-start
scs
__scs_entry_jumppad:
0x0: {  	(pc) =	sbr.rel $0x88, $3  }
0x1: {  	(tag) =	ssettag $0x0;
	lr =	simm.s32 $0x1  }
0x2: {  	[smem:$0x3F99] =	sst lr;
	_ =	strace $0xD0000000  }
0x3: {  	_ = 	snop  }
0x4: {  	_ = 	snop  }
0x5: {  	_ = 	snop  }
0x6: {  	_ = 	snop  }
0x7: {  	_ = 	snop  }
__scs_overlays_trampoline_lowered:
0x8: {  	[smem:$0x3FA8] =	sst s0  }
0x9: {  	[smem:$0x3FA9] =	sst s1  }
0xa: {  	[smem:$0x3FAA] =	sst s2  }
0xb: {  	[smem:$0x3FAB] =	sst s3  }
0xc: {  	[smem:$0x3FAC] =	sst s4  }
0xd: {  	[smem:$0x3FAD] =	sst s5  }
0xe: {  	[smem:$0x3FAE] =	sst s6  }
0xf: {  	[smem:$0x3FAF] =	sst s7  }
0x10: {  	[smem:$0x3FB0] =	sst s8  }
0x11: {  	[smem:$0x3FB1] =	sst s9;
	s0 =	simm.s32 @!p0 $0x0  }
0x12: {  	s1 =	sld [smem:$0x3F97];
	s0 =	simm.s32 @p0 $0x1  }
0x13: {  	[smem:$0x3FB2] =	sst s0;
	s0 =	simm.s32 @!p1 $0x0  }
0x14: {  	s2 =	sld [smem:$0x3F96];
	s0 =	simm.s32 @p1 $0x1  }
0x15: {  	[smem:$0x3FB3] =	sst s0;
	s0 =	simm.s32 @!p2 $0x0  }
0x16: {  	s3 =	sld [smem:$0x3FDB];
	s0 =	simm.s32 @p2 $0x1  }
0x17: {  	s4 =	simm.s32 $0x1BF5;
	[smem:$0x3FB5] =	sst s0  }
0x18: {  	s0 =	sld [smem:$0x3F98];
	_ =	swait.ge [sflag:s4], $0x0  }
0x19: {  	s7 =	sld [smem:$0x3F99]  }
0x1a: {  	s8 =	sadd.s32 $0xFFFFE003, lr  }
0x1b: {  	s9 =	sadd.s32 $0xFFFFFEF7, lr;
	s5 =	simm.s32 $0xFFFFFFFF;
	p2 =	slt.u32 s8, $0xFFFFF086  }
0x1c: {  	p1 =	slt.u32 s9, $0xF7A;
	s5 =	simm.s32 @!p2 $0x0  }
0x1d: {  	s5 =	simm.s32 @p1 $0x1;
	p0 =	seq.s32 s7, s2  }
0x1e: {  	s7 =	smul.u32 @!p0 $0xF7A, s2;
	p2 =	seq.s32 @!p0 s5, $0x0  }
0x1f: {  	s9 =	smul.u32 $0xF7A, s1;
	s8 =	simm.s32 @!p0 $0x1BF5;
	p2 =	por !p2, p0  }
0x20: {  	[sflag:s8] =	ssyncset.s32 @!p0 $0xFFFFF086;
	s6 =	sadd.s32 @!p0 s3, s7;
	s7 =	simm.s32 @!p0 $0x108  }
0x21: {  	s3 =	sadd.s32 s3, s9;
	s6 =	sadd.s32 @!p0 $0x88, s6;
	s7 =	simm.s32 @p2 $0x1082  }
0x22: {  	[simem:s7], [sflag:s8] =	dma.local @!p0 [hbm:s6], $0xF7A  }
0x23: {  	s9 =	sor.u32 $0xD0000000, s2;
	s6 =	simm.s32 $0x108;
	_ =	swait.ge @!p0 [sflag:s8], $0x0  }
0x24: {  	s3 =	sadd.s32 $0x88, s3;
	s6 =	simm.s32 @!p1 $0x1082;
	[sflag:s4] =	ssyncset.s32 $0xFFFFF086  }
0x25: {  	[simem:s6], [sflag:s4] =	dma.local [hbm:s3], $0xF7A  }
0x26: {  	[smem:$0x3F99] =	sst s1;
	(tag) =	ssettag s2;
	_ =	strace s9  }
0x27: {  	s1 =	sld [smem:$0x3FA9]  }
0x28: {  	s2 =	sld [smem:$0x3FAA]  }
0x29: {  	s4 =	sld [smem:$0x3FAC]  }
0x2a: {  	p0 =	seq.s32 s5, $0x0;
	s5 =	sld [smem:$0x3FAD]  }
0x2b: {  	s6 =	sld [smem:$0x3FAE]  }
0x2c: {  	s7 =	sld [smem:$0x3FAF]  }
0x2d: {  	s3 =	simm.s32 $0x108;
	s8 =	sld [smem:$0x3FB0]  }
0x2e: {  	s3 =	simm.s32 @!p0 $0x1082;
	s9 =	sld [smem:$0x3FB1]  }
0x2f: {  	lr =	sadd.s32 s0, s3;
	s0 =	sld [smem:$0x3FA8]  }
0x30: {  	s3 =	sld [smem:$0x3FAB]  }
0x31: {  	[smem:$0x3FB4] =	sst s10  }
0x32: {  	s10 =	sld [smem:$0x3FB2];
	_ =	sdelay $0x3  }
0x33: {  	p0 =	seq.s32 s10, $0x1;
	s10 =	sld [smem:$0x3FB4];
	_ =	sdelay $0x3  }
0x34: {  	[smem:$0x3FB4] =	sst s10  }
0x35: {  	s10 =	sld [smem:$0x3FB3];
	_ =	sdelay $0x3  }
0x36: {  	p1 =	seq.s32 s10, $0x1;
	s10 =	sld [smem:$0x3FB4];
	_ =	sdelay $0x3  }
0x37: {  	[smem:$0x3FB4] =	sst s10  }
0x38: {  	s10 =	sld [smem:$0x3FB5]  }
0x39: {  	_ = 	snop;
	(pc) =	sbr.ind lr, $3  }
0x3a: {  	_ = 	snop  }
0x3b: {  	_ = 	snop  }
0x3c: {  	p2 =	seq.s32 s10, $0x1;
	s10 =	sld [smem:$0x3FB4]  }
0x3d: {  	_ =	shalt  }
0x3e: {  	_ =	shalt  }
0x3f: {  	_ =	shalt  }
0x40: {  	_ =	shalt  }
0x41: {  	_ =	shalt  }
0x42: {  	_ =	shalt  }
0x43: {  	_ =	shalt  }
0x44: {  	_ =	shalt  }
0x45: {  	_ =	shalt  }
0x46: {  	_ =	shalt  }
0x47: {  	_ =	shalt  }
0x48: {  	_ =	shalt  }
0x49: {  	_ =	shalt  }
0x4a: {  	_ =	shalt  }
0x4b: {  	_ =	shalt  }
0x4c: {  	_ =	shalt  }
0x4d: {  	_ =	shalt  }
0x4e: {  	_ =	shalt  }
0x4f: {  	_ =	shalt  }
0x50: {  	_ =	shalt  }
0x51: {  	_ =	shalt  }
0x52: {  	_ =	shalt  }
0x53: {  	_ =	shalt  }
0x54: {  	_ =	shalt  }
0x55: {  	_ =	shalt  }
0x56: {  	_ =	shalt  }
0x57: {  	_ =	shalt  }
0x58: {  	_ =	shalt  }
0x59: {  	_ =	shalt  }
0x5a: {  	_ =	shalt  }
0x5b: {  	_ =	shalt  }
0x5c: {  	_ =	shalt  }
0x5d: {  	_ =	shalt  }
0x5e: {  	_ =	shalt  }
0x5f: {  	_ =	shalt  }
0x60: {  	_ =	shalt  }
0x61: {  	_ =	shalt  }
0x62: {  	_ =	shalt  }
0x63: {  	_ =	shalt  }
0x64: {  	_ =	shalt  }
0x65: {  	_ =	shalt  }
0x66: {  	_ =	shalt  }
0x67: {  	_ =	shalt  }
0x68: {  	_ =	shalt  }
0x69: {  	_ =	shalt  }
0x6a: {  	_ =	shalt  }
0x6b: {  	_ =	shalt  }
0x6c: {  	_ =	shalt  }
0x6d: {  	_ =	shalt  }
0x6e: {  	_ =	shalt  }
0x6f: {  	_ =	shalt  }
0x70: {  	_ =	shalt  }
0x71: {  	_ =	shalt  }
0x72: {  	_ =	shalt  }
0x73: {  	_ =	shalt  }
0x74: {  	_ =	shalt  }
0x75: {  	_ =	shalt  }
0x76: {  	_ =	shalt  }
0x77: {  	_ =	shalt  }
0x78: {  	_ =	shalt  }
0x79: {  	_ =	shalt  }
0x7a: {  	_ =	shalt  }
0x7b: {  	_ =	shalt  }
0x7c: {  	_ =	shalt  }
0x7d: {  	_ =	shalt  }
0x7e: {  	_ =	shalt  }
0x7f: {  	_ =	shalt  }
0x80: {  	_ =	shalt  }
0x81: {  	_ =	shalt  }
0x82: {  	_ =	shalt  }
0x83: {  	_ =	shalt  }
0x84: {  	_ =	shalt  }
0x85: {  	_ =	shalt  }
0x86: {  	_ =	shalt  }
0x87: {  	_ =	shalt  }
.Lfunc_end0:
.L_simem_size_0:
called_computation.2_lowered:
.L_overlay_start_0:
0x88: {  	s2 =	sld [smem:$0x3FD9]  }
0x89: {  	s3 =	sld [smem:$0x3FFE];
	_ =	sdelay $0x1  }
0x8a: {  	s1 =	srdreg.scid  }
0x8b: {  	s0 =	sand.u32 $0x1, s1  }
0x8c: {  	s17 =	sshll.u32 s0, $0xA;
	s2 =	sadd.s32 s3, s2  }
0x8d: {  	s2 =	sadd.s32 s2, s17  }
0x8e: {  	[smem:$0x3FC0] =	sst s2  }
0x8f: {  	_ = 	snop  }
0x90: {  	(tm) =	ssettm $0x1  }
0x91: {  	s18 =	sld [smem:$0x3FFB];
	_ =	sdelay $0x3  }
0x92: {  	_ =	strace s18  }
0x93: {  	s2 =	sld [smem:$0x3FFC];
	_ =	sdelay $0x3  }
0x94: {  	_ =	strace s2  }
0x95: {  	s2 =	sld [smem:$0x3FFD];
	_ =	sdelay $0x3  }
0x96: {  	_ =	strace s2  }
0x97: {  	_ =	strace $0x8FFFFFFF  }
0x98: {  	s19 =	sld [smem:$0x3FDB];
	_ =	sdelay $0x1  }
0x99: {  	s20 =	simm.s32 $_scs_section_size  }
0x9a: {  	s4 =	simm.s32 $_size__tile_overlayer_lowered;
	s5 =	simm.s32 $_tile_overlayer_lowered  }
0x9b: {  	s6 =	simm.s32 $0x1BFF;
	s21 =	sshll.u32 s5, $0x1;
	s3 =	sadd.s32 s20, s19  }
0x9c: {  	s22 =	simm.s32 $0x0;
	s4 =	sshll.u32 s4, $0x1;
	s5 =	sadd.s32 s21, s3  }
0x9d: {  	[timem:s22], [sflag:s6] =	dma.local [hbm:s5], s4  }
0x9e: {  	_ =	swait.ge [sflag:s6], s4  }
0x9f: {  	s4 =	ssub.s32 $0x0, s4;
	[sflag:s6] =	ssyncset.done $0x0  }
0xa0: {  	[sflag:s6] =	ssyncadd.s32 s4;
	_ =	sdelay $0x1  }
0xa1: {  	s23 =	simm.s32 $0x1B8B  }
0xa2: {  	_ =	swait.ge [sflag:s23], $0x1  }
0xa3: {  	[sflag:s23] =	ssyncset.done $0x0  }
0xa4: {  	[sflag:s23] =	ssyncadd.s32 $0xFFFFFFFF  }
0xa5: {  	s4 =	sld [smem:$0x0]  }
0xa6: {  	s5 =	sand.u32 $0xFFFFFFFE, s1  }
0xa7: {  	p0 =	sne.s32 s1, s5  }
0xa8: {  	s5 =	sshll.u32 @p0 s5, $0xE  }
0xa9: {  	s5 =	sadd.s32 @p0 $0x11B8D, s5;
	s6 =	sshll.u32 @p0 s4, $0x11  }
0xaa: {  	s5 =	sor.u32 @p0 s6, s5  }
0xab: {  	[sflag:s5] =	ssyncadd.remote.s32 @p0 $0x1;
	_ =	sdelay $0x1  }
0xac: {  	s5 =	simm.s32 @p0 $0x1B8D  }
0xad: {  	_ =	swait.eq @p0 [sflag:s5], $0x1  }
0xae: {  	[sflag:s5] =	ssyncadd.s32 @p0 $0xFFFFFFFF  }
0xaf: {  	s6 =	sshll.u32 @!p0 s1, $0xE  }
0xb0: {  	s6 =	sor.u32 @!p0 $0x4000, s6;
	s5 =	simm.s32 @!p0 $0x1B8D  }
0xb1: {  	s4 =	sshll.u32 @!p0 s4, $0x11;
	s6 =	sadd.s32 @!p0 $0x11B8D, s6;
	_ =	swait.eq @!p0 [sflag:s5], $0x1  }
0xb2: {  	s4 =	sor.u32 @!p0 s4, s6;
	[sflag:s5] =	ssyncadd.s32 @!p0 $0xFFFFFFFF  }
0xb3: {  	s25 =	simm.s32 $0x1B8E;
	s24 =	sld [smem:$0x3FFE];
	[sflag:s4] =	ssyncadd.remote.s32 @!p0 $0x1  }
0xb4: {  	s26 =	simm.s32 $execute0_lowered;
	[smem:$0x3FD2] =	sst s25  }
0xb5: {  	s5 =	sshll.u32 s26, $0x1;
	_ =	strace $0x8000004F;
	[dreg:$0x1] =	wrdreg $0xFFFFFFFF  }
0xb6: {  	s28 =	simm.s32 $_size_execute0_lowered;
	s3 =	sadd.s32 s3, s5;
	[dreg:$0x0] =	wrdreg $0x0  }
0xb7: {  	s5 =	sshll.u32 s28, $0x1;
	[dreg:$0x2] =	wrdreg s3  }
0xb8: {  	[dreg:$0x3] =	wrdreg s5  }
0xb9: {  	[dreg:$0x4] =	wrdreg $0xC0  }
0xba: {  	_ =	task [dreg:s22], $0x5FFFF  }
0xbb: {  	[dreg:$0x1] =	wrdreg $0xFFFFFFFF  }
0xbc: {  	[dreg:$0x0] =	wrdreg $0x60  }
0xbd: {  	[dreg:$0x2] =	wrdreg s24  }
0xbe: {  	[dreg:$0x3] =	wrdreg $0x130000  }
0xbf: {  	[dreg:$0x4] =	wrdreg $0xE0000  }
0xc0: {  	[dreg:$0x5] =	wrdreg $0x9  }
0xc1: {  	_ =	task.clear_ibuf [dreg:s22], $0x6FFFF;
	_ =	strace $0x9000004F  }
0xc2: {  	s29 =	simm.s32 $0x9;
	_ =	strace $0x80000051  }
0xc3: {  	_ =	swait.ge [sflag:s29], $0x1  }
0xc4: {  	[sflag:s29] =	ssyncadd.s32 $0xFFFFFFFF  }
0xc5: {  	_ =	strace $0x90000051  }
0xc6: {  	_ =	sfence  }
0xc7: {  	s30 =	sld [smem:$0x0];
	_ =	sdelay $0x2  }
0xc8: {  	s31 =	sshll.u32 s1, $0xD;
	s1 =	sshrl.u32 s1, $0x2  }
0xc9: {  	s4 =	sand.u32 $0x4000, s31;
	s1 =	sadd.s32 s1, s30  }
0xca: {  	s0 =	sor.u32 s4, s0;
	s1 =	sshll.u32 s1, $0x11  }
0xcb: {  	s0 =	sor.u32 s1, s0  }
0xcc: {  	s0 =	sadd.s32 $0x8F2B, s0  }
0xcd: {  	[sflag:s0] =	ssyncadd.remote.s32 $0x1  }
0xce: {  	_ =	sfence.sel $0xFFFF  }
0xcf: {  	[dreg:$0x0] =	wrdreg $0xFFFFFFFF;
	(pc) =	sbr.abs _section_cstart, $3  }
0xd0: {  	[dreg:$0x1] =	wrdreg $0xFFFFFFFF  }
0xd1: {  	_ =	task.clear_ibuf [dreg:s22], $0x2FFFF;
	_ =	strace $0x9FFFFFFF  }
0xd2: {  	(tm) =	ssettm $0x7FFFFFFF  }
0xd3: {  	_ =	shalt  }
tec
execute0_lowered:
.L_overlay_start_1:
0x0: {  	(tag) =	ssettag $0x1  }
0x1: {  	s6 =	rddreg [dreg:$0x0]  }
0x2: {  	s2 =	rddreg [dreg:$0x1]  }
0x3: {  	s0 =	srdreg.scid;
	s3 =	rddreg [dreg:$0x2]  }
0x4: {  	s4 =	simm.s32 $0x0;
	s16 =	simm.s32 $0x100;
	s17 =	simm.s32 $0xA000  }
0x5: {  	s18 =	simm.s32 $0x1;
	s19 =	simm.s32 $0xC000;
	s20 =	simm.s32 $0x2  }
0x6: {  	s21 =	simm.s32 $0x3;
	s22 =	simm.s32 $0x4;
	s23 =	simm.s32 $0x4F00  }
0x7: {  	s24 =	simm.s32 $0x9E00;
	s25 =	simm.s32 $0x9F00;
	s5 =	sand.u32 $0x1, s0  }
0x8: {  	s26 =	simm.s32 $0x0;
	s0 =	stileid.u32;
	s8 =	smul.u32 $0x2800, s5  }
0x9: {  	[smem:$0x7FF] =	sst s4;
	s1 =	sshll.u32 s5, $0x4;
	s9 =	smul.u32 $0x280, s0  }
0xa: {  	s30 =	ssub.s32 $0x2, s5;
	s10 =	smul.u32 $0xA000, s0;
	s5 =	sadd.s32 $0xC7A00, s6  }
0xb: {  	s13 =	sshll.u32 s0, $0x6;
	s1 =	sor.u32 s0, s1;
	s11 =	sshrl.u32 s30, $0x1  }
0xc: {  	s13 =	sor.u32 $0x1C05, s13;
	s7 =	smul.u32 $0xA00, s1;
	s1 =	rddreg [dreg:$0x3]  }
0xd: {  	_ =	strace $0x80000050;
	s8 =	sadd.s32 s9, s8;
	s31 =	sshrl.u32 s10, $0x1  }
0xe: {  	s11 =	ssub.s32 s30, s11;
	s8 =	sshll.u32 s8, $0x2;
	s14 =	sadd.s32 s31, s2  }
0xf: {  	s15 =	sadd.s32 s31, s3;
	s10 =	smax.u32 s11, $0x1;
	s11 =	simm.s32 $0x5  }
0x10: {  	s7 =	sadd.s32 s7, s6;
	s12 =	sadd.s32 s8, s6;
	s14 =	sshrl.u32 s14, $0x3  }
0x11: {  	s15 =	sshrl.u32 s15, $0x3;
	s6 =	sadd.s32 $0x9FA00, s7;
	s7 =	sadd.s32 $0xB3A00, s7  }
0x12: {  	s8 =	sadd.s32 $0x4FA00, s12;
	s9 =	sadd.s32 $0x63A00, s12;
	s12 =	simm.s32 $0x5000  }
.LBB2_1:
0x13: {  	[tilespmem:s4], [sflag:$0x5] =	stream.linear.gather [hbm4b:s6+s4], $0x5000, $0x38;
	[tilespmem:$0x18000] =	vst v63  }
0x14: {  	_ =	swait.ge [sflag:s11], $0x5000  }
0x15: {  	[sflag:s11] =	ssyncset.done $0x0  }
0x16: {  	[sflag:s11] =	ssyncadd.s32 $0xFFFFB000  }
0x17: {  	[tilespmem:s12], [sflag:$0x5] =	stream.linear.gather [hbm4b:s7+s4], $0x5000, $0x38;
	[tilespmem:$0x18000] =	vst v63  }
0x18: {  	_ =	swait.ge [sflag:s11], $0x5000  }
0x19: {  	[sflag:s11] =	ssyncset.done $0x0  }
0x1a: {  	[sflag:s11] =	ssyncadd.s32 $0xFFFFB000  }
0x1b: {  	[spmem:s14], [sflag:s13] =	dma.local [hbm:s8], $0xA00  }
0x1c: {  	_ =	swait.ge [sflag:s11], $0xA00  }
0x1d: {  	[sflag:s11] =	ssyncset.done $0x0  }
0x1e: {  	[sflag:s11] =	ssyncadd.s32 $0xFFFFF600  }
0x1f: {  	[spmem:s15], [sflag:s13] =	dma.local [hbm:s5], $0xA00  }
0x20: {  	_ =	swait.ge [sflag:s11], $0xA00  }
0x21: {  	[sflag:s11] =	ssyncset.done $0x0  }
0x22: {  	[sflag:s11] =	ssyncadd.s32 $0xFFFFF600  }
0x23: {  	[bflag:$0x0] =	sbarrier.arrive $0xFFFF  }
0x24: {  	[tilespmem:s17], [sflag:$0x1] =	stream.indirect.gather [spmem:s2], $0x20, s4, s16, $0xb8;
	[tilespmem:$0x18000] =	vst v63  }
0x25: {  	_ =	swait.ge [sflag:s18], $0x2000  }
0x26: {  	[sflag:s18] =	ssyncset.done $0x0  }
0x27: {  	s28 =	simm.s32 $0x100;
	[sflag:s18] =	ssyncadd.s32 $0xFFFFE000  }
0x28: {  	[tilespmem:s19], [sflag:$0x2] =	stream.indirect.gather [spmem:s2], $0x20, s28, s16, $0xb8;
	[tilespmem:$0x18000] =	vst v63  }
0x29: {  	s28 =	simm.s32 $0x5000  }
0x2a: {  	[spmem:s3] =	stream.indirect.scatter.add.bf16 [tilespmem:s17], [sflag:$0x3], $0x20, s28, s16, $0xb8;
	[tilespmem:$0x18000] =	vst v63  }
0x2b: {  	_ =	swait.ge [sflag:s20], $0x2000  }
0x2c: {  	[sflag:s20] =	ssyncset.done $0x0  }
0x2d: {  	[sflag:s20] =	ssyncadd.s32 $0xFFFFE000  }
0x2e: {  	_ =	swait.ge [sflag:s21], $0x2000  }
0x2f: {  	[sflag:s21] =	ssyncset.done $0x0  }
0x30: {  	s28 =	simm.s32 $0x200;
	[sflag:s21] =	ssyncadd.s32 $0xFFFFE000  }
0x31: {  	[tilespmem:s17], [sflag:$0x1] =	stream.indirect.gather [spmem:s2], $0x20, s28, s16, $0xb8;
	[tilespmem:$0x18000] =	vst v63  }
0x32: {  	s28 =	simm.s32 $0x5100  }
0x33: {  	[spmem:s3] =	stream.indirect.scatter.add.bf16 [tilespmem:s19], [sflag:$0x4], $0x20, s28, s16, $0xb8;
	[tilespmem:$0x18000] =	vst v63  }
0x34: {  	_ =	swait.ge [sflag:s22], $0x2000  }
0x35: {  	s28 =	simm.s32 $0x800;
	[sflag:s22] =	ssyncset.done $0x0  }
.LBB2_2:
0x36: {  	p0 =	sne.s32 s28, $0x13000  }
0x37: {  	[sflag:s22] =	ssyncadd.s32 $0xFFFFE000;
	s29 =	smov.u32 s28;
	s28 =	sadd.s32 $0x800, s28  }
0x38: {  	_ = 	snop  }
0x39: {  	_ =	swait.ge [sflag:s18], $0x2000  }
0x3a: {  	s29 =	sshra.s32 s29, $0x2;
	[sflag:s18] =	ssyncset.done $0x0  }
0x3b: {  	s30 =	sadd.s32 $0x100, s29;
	[sflag:s18] =	ssyncadd.s32 $0xFFFFE000  }
0x3c: {  	[tilespmem:s19], [sflag:$0x2] =	stream.indirect.gather [spmem:s2], $0x20, s30, s16, $0xb8;
	[tilespmem:$0x18000] =	vst v63  }
0x3d: {  	s30 =	sadd.s32 $0x5000, s29  }
0x3e: {  	[spmem:s3] =	stream.indirect.scatter.add.bf16 [tilespmem:s17], [sflag:$0x3], $0x20, s30, s16, $0xb8;
	[tilespmem:$0x18000] =	vst v63  }
0x3f: {  	_ =	swait.ge [sflag:s20], $0x2000  }
0x40: {  	[sflag:s20] =	ssyncset.done $0x0  }
0x41: {  	[sflag:s20] =	ssyncadd.s32 $0xFFFFE000  }
0x42: {  	_ =	swait.ge [sflag:s21], $0x2000  }
0x43: {  	[sflag:s21] =	ssyncset.done $0x0  }
0x44: {  	s30 =	sadd.s32 $0x200, s29;
	[sflag:s21] =	ssyncadd.s32 $0xFFFFE000  }
0x45: {  	[tilespmem:s17], [sflag:$0x1] =	stream.indirect.gather [spmem:s2], $0x20, s30, s16, $0xb8;
	[tilespmem:$0x18000] =	vst v63  }
.Ltmp0:
0x46: {  	_ = 	snop;
	(pc) =	sbr.rel @p0 .LBB2_2-.Ltmp0, $4  }
0x47: {  	s29 =	sadd.s32 $0x5100, s29  }
0x48: {  	[spmem:s3] =	stream.indirect.scatter.add.bf16 [tilespmem:s19], [sflag:$0x4], $0x20, s29, s16, $0xb8;
	[tilespmem:$0x18000] =	vst v63  }
0x49: {  	_ =	swait.ge [sflag:s22], $0x2000  }
0x4a: {  	[sflag:s22] =	ssyncset.done $0x0  }
0x4b: {  	[sflag:s22] =	ssyncadd.s32 $0xFFFFE000  }
0x4c: {  	_ =	swait.ge [sflag:s18], $0x2000  }
0x4d: {  	[sflag:s18] =	ssyncset.done $0x0  }
0x4e: {  	[sflag:s18] =	ssyncadd.s32 $0xFFFFE000  }
0x4f: {  	[tilespmem:s19], [sflag:$0x2] =	stream.indirect.gather [spmem:s2], $0x20, s23, s16, $0xb8;
	[tilespmem:$0x18000] =	vst v63  }
0x50: {  	_ = 	snop  }
0x51: {  	[spmem:s3] =	stream.indirect.scatter.add.bf16 [tilespmem:s17], [sflag:$0x3], $0x20, s24, s16, $0xb8;
	[tilespmem:$0x18000] =	vst v63  }
0x52: {  	_ =	swait.ge [sflag:s20], $0x2000  }
0x53: {  	[sflag:s20] =	ssyncset.done $0x0  }
0x54: {  	[sflag:s20] =	ssyncadd.s32 $0xFFFFE000  }
0x55: {  	_ =	swait.ge [sflag:s21], $0x2000  }
0x56: {  	[sflag:s21] =	ssyncset.done $0x0  }
0x57: {  	[sflag:s21] =	ssyncadd.s32 $0xFFFFE000  }
0x58: {  	[spmem:s3] =	stream.indirect.scatter.add.bf16 [tilespmem:s19], [sflag:$0x4], $0x20, s25, s16, $0xb8;
	[tilespmem:$0x18000] =	vst v63  }
0x59: {  	_ =	swait.ge [sflag:s22], $0x2000  }
0x5a: {  	s26 =	sadd.s32 $0x1, s26;
	[sflag:s22] =	ssyncset.done $0x0  }
0x5b: {  	p0 =	sne.s32 s26, s10;
	[sflag:s22] =	ssyncadd.s32 $0xFFFFE000  }
.Ltmp1:
0x5c: {  	[bflag:$0x0] =	sbarrier.arrive $0xFFFF;
	(pc) =	sbr.rel @p0 .LBB2_1-.Ltmp1, $4  }
0x5d: {  	[hbm:s9], [sflag:s13] =	dma.local [spmem:s15], $0xA00  }
0x5e: {  	_ =	swait.ge [sflag:s11], $0xA00  }
0x5f: {  	[sflag:s11] =	ssyncset.done $0x0  }
0x60: {  	[sflag:s11] =	ssyncadd.s32 $0xFFFFF600  }
0x61: {  	_ =	sfence.sel $0x180000  }
0x62: {  	[bflag:$0x0] =	sbarrier.arrive $0xFFFF  }
0x63: {  	p0 =	sne.s32 s0, $0x0;
	_ =	strace $0x90000050  }
0x64: {  	s0 =	sadd.s32 @!p0 $0x100000, s1;
	[bflag:$0x2] =	sbarrier.arrive $0xFFFF  }
0x65: {  	[sflag:s0] =	ssyncadd.tile.s32 @!p0 $0x1;
	_ =	shalt  }
.Lfunc_end2:
_tile_overlayer_lowered:
.L_overlay_start_2:
0x66: {  	(tag) =	ssettag $0x2  }
0x67: {  	s0 =	rddreg [dreg:$0x0];
	s2 =	stileid.u32  }
0x68: {  	s1 =	rddreg [dreg:$0x1];
	p0 =	sne.s32 s2, $0x0  }
0x69: {  	s3 =	rddreg [dreg:$0x2];
	[bflag:$0x3] =	sbarrier.arrive $0xFFFF;
	s2 =	simm.s32 @!p0 $0x1C05  }
0x6a: {  	[timem:s3], [sflag:s2] =	dma.local @!p0 [hbm:s0], s1  }
0x6b: {  	s0 =	simm.s32 @!p0 $0x5  }
0x6c: {  	_ =	swait.ge @!p0 [sflag:s0], s1  }
0x6d: {  	s1 =	ssub.s32 @!p0 $0x0, s1;
	[sflag:s0] =	ssyncset.done @!p0 $0x0  }
0x6e: {  	[sflag:s0] =	ssyncadd.s32 @!p0 s1  }
0x6f: {  	[bflag:$0x3] =	sbarrier.arrive $0xFFFF  }
0x70: {  	_ =	shalt  }

// kernel: kernel.21.cloned.1.call-start
scs
__scs_entry_jumppad:
0x0: {  	(pc) =	sbr.rel $0x88, $3  }
0x1: {  	(tag) =	ssettag $0x0;
	lr =	simm.s32 $0x1  }
0x2: {  	[smem:$0x3F99] =	sst lr;
	_ =	strace $0xD0000000  }
0x3: {  	_ = 	snop  }
0x4: {  	_ = 	snop  }
0x5: {  	_ = 	snop  }
0x6: {  	_ = 	snop  }
0x7: {  	_ = 	snop  }
__scs_overlays_trampoline_lowered:
0x8: {  	[smem:$0x3FA8] =	sst s0  }
0x9: {  	[smem:$0x3FA9] =	sst s1  }
0xa: {  	[smem:$0x3FAA] =	sst s2  }
0xb: {  	[smem:$0x3FAB] =	sst s3  }
0xc: {  	[smem:$0x3FAC] =	sst s4  }
0xd: {  	[smem:$0x3FAD] =	sst s5  }
0xe: {  	[smem:$0x3FAE] =	sst s6  }
0xf: {  	[smem:$0x3FAF] =	sst s7  }
0x10: {  	[smem:$0x3FB0] =	sst s8  }
0x11: {  	[smem:$0x3FB1] =	sst s9;
	s0 =	simm.s32 @!p0 $0x0  }
0x12: {  	s1 =	sld [smem:$0x3F97];
	s0 =	simm.s32 @p0 $0x1  }
0x13: {  	[smem:$0x3FB2] =	sst s0;
	s0 =	simm.s32 @!p1 $0x0  }
0x14: {  	s2 =	sld [smem:$0x3F96];
	s0 =	simm.s32 @p1 $0x1  }
0x15: {  	[smem:$0x3FB3] =	sst s0;
	s0 =	simm.s32 @!p2 $0x0  }
0x16: {  	s3 =	sld [smem:$0x3FDB];
	s0 =	simm.s32 @p2 $0x1  }
0x17: {  	s4 =	simm.s32 $0x1BF5;
	[smem:$0x3FB5] =	sst s0  }
0x18: {  	s0 =	sld [smem:$0x3F98];
	_ =	swait.ge [sflag:s4], $0x0  }
0x19: {  	s7 =	sld [smem:$0x3F99]  }
0x1a: {  	s8 =	sadd.s32 $0xFFFFE003, lr  }
0x1b: {  	s9 =	sadd.s32 $0xFFFFFEF7, lr;
	s5 =	simm.s32 $0xFFFFFFFF;
	p2 =	slt.u32 s8, $0xFFFFF086  }
0x1c: {  	p1 =	slt.u32 s9, $0xF7A;
	s5 =	simm.s32 @!p2 $0x0  }
0x1d: {  	s5 =	simm.s32 @p1 $0x1;
	p0 =	seq.s32 s7, s2  }
0x1e: {  	s7 =	smul.u32 @!p0 $0xF7A, s2;
	p2 =	seq.s32 @!p0 s5, $0x0  }
0x1f: {  	s9 =	smul.u32 $0xF7A, s1;
	s8 =	simm.s32 @!p0 $0x1BF5;
	p2 =	por !p2, p0  }
0x20: {  	[sflag:s8] =	ssyncset.s32 @!p0 $0xFFFFF086;
	s6 =	sadd.s32 @!p0 s3, s7;
	s7 =	simm.s32 @!p0 $0x108  }
0x21: {  	s3 =	sadd.s32 s3, s9;
	s6 =	sadd.s32 @!p0 $0x88, s6;
	s7 =	simm.s32 @p2 $0x1082  }
0x22: {  	[simem:s7], [sflag:s8] =	dma.local @!p0 [hbm:s6], $0xF7A  }
0x23: {  	s9 =	sor.u32 $0xD0000000, s2;
	s6 =	simm.s32 $0x108;
	_ =	swait.ge @!p0 [sflag:s8], $0x0  }
0x24: {  	s3 =	sadd.s32 $0x88, s3;
	s6 =	simm.s32 @!p1 $0x1082;
	[sflag:s4] =	ssyncset.s32 $0xFFFFF086  }
0x25: {  	[simem:s6], [sflag:s4] =	dma.local [hbm:s3], $0xF7A  }
0x26: {  	[smem:$0x3F99] =	sst s1;
	(tag) =	ssettag s2;
	_ =	strace s9  }
0x27: {  	s1 =	sld [smem:$0x3FA9]  }
0x28: {  	s2 =	sld [smem:$0x3FAA]  }
0x29: {  	s4 =	sld [smem:$0x3FAC]  }
0x2a: {  	p0 =	seq.s32 s5, $0x0;
	s5 =	sld [smem:$0x3FAD]  }
0x2b: {  	s6 =	sld [smem:$0x3FAE]  }
0x2c: {  	s7 =	sld [smem:$0x3FAF]  }
0x2d: {  	s3 =	simm.s32 $0x108;
	s8 =	sld [smem:$0x3FB0]  }
0x2e: {  	s3 =	simm.s32 @!p0 $0x1082;
	s9 =	sld [smem:$0x3FB1]  }
0x2f: {  	lr =	sadd.s32 s0, s3;
	s0 =	sld [smem:$0x3FA8]  }
0x30: {  	s3 =	sld [smem:$0x3FAB]  }
0x31: {  	[smem:$0x3FB4] =	sst s10  }
0x32: {  	s10 =	sld [smem:$0x3FB2];
	_ =	sdelay $0x3  }
0x33: {  	p0 =	seq.s32 s10, $0x1;
	s10 =	sld [smem:$0x3FB4];
	_ =	sdelay $0x3  }
0x34: {  	[smem:$0x3FB4] =	sst s10  }
0x35: {  	s10 =	sld [smem:$0x3FB3];
	_ =	sdelay $0x3  }
0x36: {  	p1 =	seq.s32 s10, $0x1;
	s10 =	sld [smem:$0x3FB4];
	_ =	sdelay $0x3  }
0x37: {  	[smem:$0x3FB4] =	sst s10  }
0x38: {  	s10 =	sld [smem:$0x3FB5]  }
0x39: {  	_ = 	snop;
	(pc) =	sbr.ind lr, $3  }
0x3a: {  	_ = 	snop  }
0x3b: {  	_ = 	snop  }
0x3c: {  	p2 =	seq.s32 s10, $0x1;
	s10 =	sld [smem:$0x3FB4]  }
0x3d: {  	_ =	shalt  }
0x3e: {  	_ =	shalt  }
0x3f: {  	_ =	shalt  }
0x40: {  	_ =	shalt  }
0x41: {  	_ =	shalt  }
0x42: {  	_ =	shalt  }
0x43: {  	_ =	shalt  }
0x44: {  	_ =	shalt  }
0x45: {  	_ =	shalt  }
0x46: {  	_ =	shalt  }
0x47: {  	_ =	shalt  }
0x48: {  	_ =	shalt  }
0x49: {  	_ =	shalt  }
0x4a: {  	_ =	shalt  }
0x4b: {  	_ =	shalt  }
0x4c: {  	_ =	shalt  }
0x4d: {  	_ =	shalt  }
0x4e: {  	_ =	shalt  }
0x4f: {  	_ =	shalt  }
0x50: {  	_ =	shalt  }
0x51: {  	_ =	shalt  }
0x52: {  	_ =	shalt  }
0x53: {  	_ =	shalt  }
0x54: {  	_ =	shalt  }
0x55: {  	_ =	shalt  }
0x56: {  	_ =	shalt  }
0x57: {  	_ =	shalt  }
0x58: {  	_ =	shalt  }
0x59: {  	_ =	shalt  }
0x5a: {  	_ =	shalt  }
0x5b: {  	_ =	shalt  }
0x5c: {  	_ =	shalt  }
0x5d: {  	_ =	shalt  }
0x5e: {  	_ =	shalt  }
0x5f: {  	_ =	shalt  }
0x60: {  	_ =	shalt  }
0x61: {  	_ =	shalt  }
0x62: {  	_ =	shalt  }
0x63: {  	_ =	shalt  }
0x64: {  	_ =	shalt  }
0x65: {  	_ =	shalt  }
0x66: {  	_ =	shalt  }
0x67: {  	_ =	shalt  }
0x68: {  	_ =	shalt  }
0x69: {  	_ =	shalt  }
0x6a: {  	_ =	shalt  }
0x6b: {  	_ =	shalt  }
0x6c: {  	_ =	shalt  }
0x6d: {  	_ =	shalt  }
0x6e: {  	_ =	shalt  }
0x6f: {  	_ =	shalt  }
0x70: {  	_ =	shalt  }
0x71: {  	_ =	shalt  }
0x72: {  	_ =	shalt  }
0x73: {  	_ =	shalt  }
0x74: {  	_ =	shalt  }
0x75: {  	_ =	shalt  }
0x76: {  	_ =	shalt  }
0x77: {  	_ =	shalt  }
0x78: {  	_ =	shalt  }
0x79: {  	_ =	shalt  }
0x7a: {  	_ =	shalt  }
0x7b: {  	_ =	shalt  }
0x7c: {  	_ =	shalt  }
0x7d: {  	_ =	shalt  }
0x7e: {  	_ =	shalt  }
0x7f: {  	_ =	shalt  }
0x80: {  	_ =	shalt  }
0x81: {  	_ =	shalt  }
0x82: {  	_ =	shalt  }
0x83: {  	_ =	shalt  }
0x84: {  	_ =	shalt  }
0x85: {  	_ =	shalt  }
0x86: {  	_ =	shalt  }
0x87: {  	_ =	shalt  }
.Lfunc_end0:
.L_simem_size_0:
called_computation.3_lowered:
.L_overlay_start_0:
0x88: {  	s2 =	sld [smem:$0x3FD9]  }
0x89: {  	s3 =	sld [smem:$0x3FFE];
	_ =	sdelay $0x1  }
0x8a: {  	s1 =	srdreg.scid  }
0x8b: {  	s0 =	sand.u32 $0x1, s1  }
0x8c: {  	s17 =	sshll.u32 s0, $0xA;
	s2 =	sadd.s32 s3, s2  }
0x8d: {  	s2 =	sadd.s32 s2, s17  }
0x8e: {  	[smem:$0x3FC0] =	sst s2  }
0x8f: {  	_ = 	snop  }
0x90: {  	(tm) =	ssettm $0x1  }
0x91: {  	s18 =	sld [smem:$0x3FFB];
	_ =	sdelay $0x3  }
0x92: {  	_ =	strace s18  }
0x93: {  	s2 =	sld [smem:$0x3FFC];
	_ =	sdelay $0x3  }
0x94: {  	_ =	strace s2  }
0x95: {  	s2 =	sld [smem:$0x3FFD];
	_ =	sdelay $0x3  }
0x96: {  	_ =	strace s2  }
0x97: {  	_ =	strace $0x8FFFFFFF  }
0x98: {  	s19 =	sld [smem:$0x3FDB];
	_ =	sdelay $0x1  }
0x99: {  	s20 =	simm.s32 $_scs_section_size  }
0x9a: {  	s4 =	simm.s32 $_size__tile_overlayer_lowered;
	s5 =	simm.s32 $_tile_overlayer_lowered  }
0x9b: {  	s6 =	simm.s32 $0x1BFF;
	s21 =	sshll.u32 s5, $0x1;
	s3 =	sadd.s32 s20, s19  }
0x9c: {  	s22 =	simm.s32 $0x0;
	s4 =	sshll.u32 s4, $0x1;
	s5 =	sadd.s32 s21, s3  }
0x9d: {  	[timem:s22], [sflag:s6] =	dma.local [hbm:s5], s4  }
0x9e: {  	_ =	swait.ge [sflag:s6], s4  }
0x9f: {  	s4 =	ssub.s32 $0x0, s4;
	[sflag:s6] =	ssyncset.done $0x0  }
0xa0: {  	[sflag:s6] =	ssyncadd.s32 s4;
	_ =	sdelay $0x1  }
0xa1: {  	s23 =	simm.s32 $0x1B8B  }
0xa2: {  	_ =	swait.ge [sflag:s23], $0x1  }
0xa3: {  	[sflag:s23] =	ssyncset.done $0x0  }
0xa4: {  	[sflag:s23] =	ssyncadd.s32 $0xFFFFFFFF  }
0xa5: {  	s4 =	sld [smem:$0x0]  }
0xa6: {  	s5 =	sand.u32 $0xFFFFFFFE, s1  }
0xa7: {  	p0 =	sne.s32 s1, s5  }
0xa8: {  	s5 =	sshll.u32 @p0 s5, $0xE  }
0xa9: {  	s5 =	sadd.s32 @p0 $0x11B8D, s5;
	s6 =	sshll.u32 @p0 s4, $0x11  }
0xaa: {  	s5 =	sor.u32 @p0 s6, s5  }
0xab: {  	[sflag:s5] =	ssyncadd.remote.s32 @p0 $0x1;
	_ =	sdelay $0x1  }
0xac: {  	s5 =	simm.s32 @p0 $0x1B8D  }
0xad: {  	_ =	swait.eq @p0 [sflag:s5], $0x1  }
0xae: {  	[sflag:s5] =	ssyncadd.s32 @p0 $0xFFFFFFFF  }
0xaf: {  	s6 =	sshll.u32 @!p0 s1, $0xE  }
0xb0: {  	s6 =	sor.u32 @!p0 $0x4000, s6;
	s5 =	simm.s32 @!p0 $0x1B8D  }
0xb1: {  	s4 =	sshll.u32 @!p0 s4, $0x11;
	s6 =	sadd.s32 @!p0 $0x11B8D, s6;
	_ =	swait.eq @!p0 [sflag:s5], $0x1  }
0xb2: {  	s4 =	sor.u32 @!p0 s4, s6;
	[sflag:s5] =	ssyncadd.s32 @!p0 $0xFFFFFFFF  }
0xb3: {  	s25 =	simm.s32 $0x1B8E;
	s24 =	sld [smem:$0x3FFE];
	[sflag:s4] =	ssyncadd.remote.s32 @!p0 $0x1  }
0xb4: {  	s26 =	simm.s32 $execute0_lowered;
	[smem:$0x3FD2] =	sst s25  }
0xb5: {  	s5 =	sshll.u32 s26, $0x1;
	_ =	strace $0x8000004C;
	[dreg:$0x1] =	wrdreg $0xFFFFFFFF  }
0xb6: {  	s28 =	simm.s32 $_size_execute0_lowered;
	s3 =	sadd.s32 s3, s5;
	[dreg:$0x0] =	wrdreg $0x0  }
0xb7: {  	s5 =	sshll.u32 s28, $0x1;
	[dreg:$0x2] =	wrdreg s3  }
0xb8: {  	[dreg:$0x3] =	wrdreg s5  }
0xb9: {  	[dreg:$0x4] =	wrdreg $0xC0  }
0xba: {  	_ =	task [dreg:s22], $0x5FFFF  }
0xbb: {  	[dreg:$0x1] =	wrdreg $0xFFFFFFFF  }
0xbc: {  	[dreg:$0x0] =	wrdreg $0x60  }
0xbd: {  	[dreg:$0x2] =	wrdreg s24  }
0xbe: {  	[dreg:$0x3] =	wrdreg $0x70000  }
0xbf: {  	[dreg:$0x4] =	wrdreg $0xA  }
0xc0: {  	_ =	task.clear_ibuf [dreg:s22], $0x5FFFF;
	_ =	strace $0x9000004C  }
0xc1: {  	s29 =	simm.s32 $0xA;
	_ =	strace $0x8000004E  }
0xc2: {  	_ =	swait.ge [sflag:s29], $0x1  }
0xc3: {  	[sflag:s29] =	ssyncadd.s32 $0xFFFFFFFF  }
0xc4: {  	_ =	strace $0x9000004E  }
0xc5: {  	_ =	sfence  }
0xc6: {  	s30 =	sld [smem:$0x0];
	_ =	sdelay $0x2  }
0xc7: {  	s31 =	sshll.u32 s1, $0xD;
	s1 =	sshrl.u32 s1, $0x2  }
0xc8: {  	s4 =	sand.u32 $0x4000, s31;
	s1 =	sadd.s32 s1, s30  }
0xc9: {  	s0 =	sor.u32 s4, s0;
	s1 =	sshll.u32 s1, $0x11  }
0xca: {  	s0 =	sor.u32 s1, s0  }
0xcb: {  	s0 =	sadd.s32 $0x8F2B, s0  }
0xcc: {  	[sflag:s0] =	ssyncadd.remote.s32 $0x1  }
0xcd: {  	_ =	sfence.sel $0xFFFF  }
0xce: {  	[dreg:$0x0] =	wrdreg $0xFFFFFFFF;
	(pc) =	sbr.abs _section_cstart, $3  }
0xcf: {  	[dreg:$0x1] =	wrdreg $0xFFFFFFFF  }
0xd0: {  	_ =	task.clear_ibuf [dreg:s22], $0x2FFFF;
	_ =	strace $0x9FFFFFFF  }
0xd1: {  	(tm) =	ssettm $0x7FFFFFFF  }
tec
execute0_lowered:
.L_overlay_start_1:
0x0: {  	(tag) =	ssettag $0x1  }
0x1: {  	s1 =	rddreg [dreg:$0x0]  }
0x2: {  	s2 =	rddreg [dreg:$0x1]  }
0x3: {  	s14 =	rddreg [dreg:$0x2];
	s30 =	simm.s32 $0x0  }
0x4: {  	[smem:$0x7FF] =	sst s30;
	s5 =	sadd.s32 $0x22600, s1  }
0x5: {  	s19 =	simm.s32 $0x400;
	_ =	strace $0x8000004D;
	[dreg:$0x3] =	wrdreg s5  }
0x6: {  	s0 =	srdreg.scid;
	s20 =	simm.s32 $0x2A00;
	[dreg:$0x7] =	wrdreg s19  }
0x7: {  	s7 =	stileid.u32;
	s21 =	simm.s32 $0x600;
	[dreg:$0x8] =	wrdreg s20  }
0x8: {  	s22 =	simm.s32 $0x2C00;
	s23 =	simm.s32 $0x800;
	[dreg:$0x9] =	wrdreg s21  }
0x9: {  	s25 =	simm.s32 $0x2E00;
	s8 =	simm.s32 $0x3000;
	[dreg:$0xa] =	wrdreg s22  }
0xa: {  	s10 =	simm.s32 $0xC00;
	s12 =	simm.s32 $0x3200;
	[dreg:$0xb] =	wrdreg s23  }
0xb: {  	s13 =	simm.s32 $0xE00;
	s15 =	simm.s32 $0x3400;
	[dreg:$0xc] =	wrdreg s25  }
0xc: {  	s31 =	simm.s32 $0x2800;
	s16 =	simm.s32 $0x1000;
	[dreg:$0xe] =	wrdreg s8  }
0xd: {  	s29 =	simm.s32 $0x1A00;
	s28 =	simm.s32 $0x4200;
	[dreg:$0xf] =	wrdreg s10  }
0xe: {  	p0 =	por $0x0, $0x0;
	s4 =	smul.u32 $0x280, s7;
	[dreg:$0x10] =	wrdreg s12  }
0xf: {  	s0 =	sand.u32 $0x1, s0;
	s26 =	smul.u32 $0x5000, s7;
	[dreg:$0x11] =	wrdreg s13  }
0x10: {  	s3 =	sshll.u32 s0, $0x4;
	s6 =	smul.u32 $0x2800, s0;
	[dreg:$0x12] =	wrdreg s15  }
0x11: {  	s0 =	ssub.s32 $0x2, s0;
	[dreg:$0x13] =	wrdreg s16;
	s19 =	simm.s32 $0x1200  }
0x12: {  	s20 =	simm.s32 $0x3800;
	s21 =	simm.s32 $0x1400;
	s22 =	simm.s32 $0x3A00  }
0x13: {  	s10 =	simm.s32 $0x1;
	s23 =	simm.s32 $0x1600;
	[dreg:$0x15] =	wrdreg s19  }
0x14: {  	s8 =	simm.s32 $0x6000;
	s12 =	simm.s32 $0x2;
	[dreg:$0x16] =	wrdreg s20  }
0x15: {  	s25 =	simm.s32 $0x1800;
	s13 =	simm.s32 $0x3;
	[dreg:$0x17] =	wrdreg s21  }
0x16: {  	s16 =	simm.s32 $0x2600;
	s15 =	simm.s32 $0x4E00;
	[dreg:$0x18] =	wrdreg s22  }
0x17: {  	s3 =	sor.u32 s7, s3;
	s4 =	sadd.s32 s4, s1;
	[dreg:$0x19] =	wrdreg s23  }
0x18: {  	s24 =	sshrl.u32 s0, $0x1;
	s9 =	sshrl.u32 s26, $0x2;
	[dreg:$0x1b] =	wrdreg s25  }
0x19: {  	s26 =	simm.s32 $0x3E00;
	s20 =	simm.s32 $0x4000;
	s25 =	simm.s32 $0x4400  }
0x1a: {  	s22 =	simm.s32 $0x2000;
	s23 =	simm.s32 $0x4600;
	s21 =	simm.s32 $0x4800  }
0x1b: {  	s19 =	simm.s32 $0x4A00;
	s3 =	smul.u32 $0x500, s3;
	s4 =	sadd.s32 s6, s4  }
0x1c: {  	s6 =	simm.s32 $0xA00;
	s0 =	ssub.s32 s0, s24;
	s11 =	sadd.s32 s9, s2  }
0x1d: {  	s9 =	simm.s32 $0x5000;
	s24 =	simm.s32 $0x3C00;
	[dreg:$0x1c] =	wrdreg s26  }
0x1e: {  	s26 =	simm.s32 $0x1C00;
	s18 =	sadd.s32 $0x18600, s4;
	[dreg:$0xd] =	wrdreg s6  }
0x1f: {  	s0 =	smax.u32 s0, $0x1;
	s4 =	simm.s32 $0x5;
	s6 =	sshrl.u32 s11, $0x3  }
0x20: {  	[dreg:$0x1a] =	wrdreg s24;
	s11 =	simm.s32 $0x4;
	s3 =	sadd.s32 s3, s1  }
0x21: {  	[dreg:$0x6] =	wrdreg s18;
	s18 =	simm.s32 $0x3600;
	p1 =	sne.s32 s0, $0x1  }
.Ltmp0:
0x22: {  	s17 =	sadd.s32 $0xE600, s3;
	[dreg:$0x14] =	wrdreg s18;
	(pc) =	sbr.rel @!p1 .LBB2_1-.Ltmp0, $4  }
0x23: {  	s24 =	simm.s32 $0x1E00;
	s3 =	sadd.s32 $0x4600, s3;
	[dreg:$0x4] =	wrdreg s17  }
0x24: {  	s0 =	sadd.s32 $0xFFFFFFFF, s0;
	s18 =	simm.s32 $0x2400;
	[dreg:$0x5] =	wrdreg s3  }
0x25: {  	s3 =	sadd.s32 $0x22A00, s1;
	s17 =	sshll.u32 s7, $0x6;
	s7 =	simm.s32 $0x200  }
0x26: {  	s5 =	sor.u32 $0x1C05, s17;
	s17 =	simm.s32 $0x4C00;
	s1 =	rddreg [dreg:$0x4]  }
0x27: {  	[tilespmem:s30], [sflag:$0x5] =	stream.linear.gather [hbm4b:s1+s30], $0x2800, $0x38;
	[tilespmem:$0x8400] =	vst v63  }
0x28: {  	_ =	swait.ge [sflag:s4], $0x2800  }
0x29: {  	[sflag:s4] =	ssyncset.done $0x0  }
0x2a: {  	s14 =	rddreg [dreg:$0x5];
	[sflag:s4] =	ssyncadd.s32 $0xFFFFD800  }
0x2b: {  	[tilespmem:s31], [sflag:$0x5] =	stream.linear.gather [hbm4b:s14+s30], $0x2800, $0x38;
	[tilespmem:$0x8400] =	vst v63  }
0x2c: {  	_ =	swait.ge [sflag:s4], $0x2800  }
0x2d: {  	[sflag:s4] =	ssyncset.done $0x0  }
0x2e: {  	s14 =	rddreg [dreg:$0x3];
	[sflag:s4] =	ssyncadd.s32 $0xFFFFD800  }
0x2f: {  	[spmem:s6], [sflag:s5] =	dma.local [hbm:s14], $0x280  }
0x30: {  	_ =	swait.ge [sflag:s4], $0x280  }
0x31: {  	[sflag:s4] =	ssyncset.done $0x0  }
0x32: {  	[sflag:s4] =	ssyncadd.s32 $0xFFFFFD80  }
0x33: {  	[bflag:$0x0] =	sbarrier.arrive $0xFFFF  }
0x34: {  	[tilespmem:s9], [sflag:$0x1] =	stream.indirect.gather [hbm4b:s3+s7], $0x8, s30, s7, $0xb8;
	[tilespmem:$0x8400] =	vst v63  }
0x35: {  	_ =	swait.ge [sflag:s10], $0x1000  }
0x36: {  	[sflag:s10] =	ssyncset.done $0x0  }
0x37: {  	[sflag:s10] =	ssyncadd.s32 $0xFFFFF000  }
0x38: {  	[tilespmem:s8], [sflag:$0x2] =	stream.indirect.gather [hbm4b:s3+s7], $0x8, s7, s7, $0xb8;
	[tilespmem:$0x8400] =	vst v63  }
0x39: {  	_ = 	snop  }
0x3a: {  	[spmem:s2] =	stream.indirect.scatter.add.f32 [tilespmem:s9], [sflag:$0x3], $0x8, s31, s7, $0xb8;
	[tilespmem:$0x8400] =	vst v63  }
0x3b: {  	_ =	swait.ge [sflag:s12], $0x1000  }
0x3c: {  	[sflag:s12] =	ssyncset.done $0x0  }
0x3d: {  	[sflag:s12] =	ssyncadd.s32 $0xFFFFF000  }
0x3e: {  	_ =	swait.ge [sflag:s13], $0x1000  }
0x3f: {  	[sflag:s13] =	ssyncset.done $0x0  }
0x40: {  	s1 =	rddreg [dreg:$0x7];
	[sflag:s13] =	ssyncadd.s32 $0xFFFFF000  }
0x41: {  	[tilespmem:s9], [sflag:$0x1] =	stream.indirect.gather [hbm4b:s3+s7], $0x8, s1, s7, $0xb8;
	[tilespmem:$0x8400] =	vst v63  }
0x42: {  	s14 =	smov.u32 s0;
	s0 =	rddreg [dreg:$0x8]  }
0x43: {  	[spmem:s2] =	stream.indirect.scatter.add.f32 [tilespmem:s8], [sflag:$0x4], $0x8, s0, s7, $0xb8;
	[tilespmem:$0x8400] =	vst v63  }
0x44: {  	_ =	swait.ge [sflag:s11], $0x1000  }
0x45: {  	[sflag:s11] =	ssyncset.done $0x0  }
0x46: {  	[sflag:s11] =	ssyncadd.s32 $0xFFFFF000  }
0x47: {  	_ =	swait.ge [sflag:s10], $0x1000  }
0x48: {  	[sflag:s10] =	ssyncset.done $0x0  }
0x49: {  	s0 =	rddreg [dreg:$0x9];
	[sflag:s10] =	ssyncadd.s32 $0xFFFFF000  }
0x4a: {  	[tilespmem:s8], [sflag:$0x2] =	stream.indirect.gather [hbm4b:s3+s7], $0x8, s0, s7, $0xb8;
	[tilespmem:$0x8400] =	vst v63  }
0x4b: {  	s1 =	rddreg [dreg:$0xa]  }
0x4c: {  	[spmem:s2] =	stream.indirect.scatter.add.f32 [tilespmem:s9], [sflag:$0x3], $0x8, s1, s7, $0xb8;
	[tilespmem:$0x8400] =	vst v63  }
0x4d: {  	_ =	swait.ge [sflag:s12], $0x1000  }
0x4e: {  	[sflag:s12] =	ssyncset.done $0x0  }
0x4f: {  	[sflag:s12] =	ssyncadd.s32 $0xFFFFF000  }
0x50: {  	_ =	swait.ge [sflag:s13], $0x1000  }
0x51: {  	[sflag:s13] =	ssyncset.done $0x0  }
0x52: {  	s0 =	rddreg [dreg:$0xb];
	[sflag:s13] =	ssyncadd.s32 $0xFFFFF000  }
0x53: {  	[tilespmem:s9], [sflag:$0x1] =	stream.indirect.gather [hbm4b:s3+s7], $0x8, s0, s7, $0xb8;
	[tilespmem:$0x8400] =	vst v63  }
0x54: {  	s1 =	rddreg [dreg:$0xc]  }
0x55: {  	[spmem:s2] =	stream.indirect.scatter.add.f32 [tilespmem:s8], [sflag:$0x4], $0x8, s1, s7, $0xb8;
	[tilespmem:$0x8400] =	vst v63  }
0x56: {  	_ =	swait.ge [sflag:s11], $0x1000  }
0x57: {  	[sflag:s11] =	ssyncset.done $0x0  }
0x58: {  	[sflag:s11] =	ssyncadd.s32 $0xFFFFF000  }
0x59: {  	_ =	swait.ge [sflag:s10], $0x1000  }
0x5a: {  	[sflag:s10] =	ssyncset.done $0x0  }
0x5b: {  	s0 =	rddreg [dreg:$0xd];
	[sflag:s10] =	ssyncadd.s32 $0xFFFFF000  }
0x5c: {  	[tilespmem:s8], [sflag:$0x2] =	stream.indirect.gather [hbm4b:s3+s7], $0x8, s0, s7, $0xb8;
	[tilespmem:$0x8400] =	vst v63  }
0x5d: {  	s1 =	rddreg [dreg:$0xe]  }
0x5e: {  	[spmem:s2] =	stream.indirect.scatter.add.f32 [tilespmem:s9], [sflag:$0x3], $0x8, s1, s7, $0xb8;
	[tilespmem:$0x8400] =	vst v63  }
0x5f: {  	_ =	swait.ge [sflag:s12], $0x1000  }
0x60: {  	[sflag:s12] =	ssyncset.done $0x0  }
0x61: {  	[sflag:s12] =	ssyncadd.s32 $0xFFFFF000  }
0x62: {  	_ =	swait.ge [sflag:s13], $0x1000  }
0x63: {  	[sflag:s13] =	ssyncset.done $0x0  }
0x64: {  	s0 =	rddreg [dreg:$0xf];
	[sflag:s13] =	ssyncadd.s32 $0xFFFFF000  }
0x65: {  	[tilespmem:s9], [sflag:$0x1] =	stream.indirect.gather [hbm4b:s3+s7], $0x8, s0, s7, $0xb8;
	[tilespmem:$0x8400] =	vst v63  }
0x66: {  	s1 =	rddreg [dreg:$0x10]  }
0x67: {  	[spmem:s2] =	stream.indirect.scatter.add.f32 [tilespmem:s8], [sflag:$0x4], $0x8, s1, s7, $0xb8;
	[tilespmem:$0x8400] =	vst v63  }
0x68: {  	_ =	swait.ge [sflag:s11], $0x1000  }
0x69: {  	[sflag:s11] =	ssyncset.done $0x0  }
0x6a: {  	[sflag:s11] =	ssyncadd.s32 $0xFFFFF000  }
0x6b: {  	_ =	swait.ge [sflag:s10], $0x1000  }
0x6c: {  	[sflag:s10] =	ssyncset.done $0x0  }
0x6d: {  	s0 =	rddreg [dreg:$0x11];
	[sflag:s10] =	ssyncadd.s32 $0xFFFFF000  }
0x6e: {  	[tilespmem:s8], [sflag:$0x2] =	stream.indirect.gather [hbm4b:s3+s7], $0x8, s0, s7, $0xb8;
	[tilespmem:$0x8400] =	vst v63  }
0x6f: {  	s1 =	rddreg [dreg:$0x12]  }
0x70: {  	[spmem:s2] =	stream.indirect.scatter.add.f32 [tilespmem:s9], [sflag:$0x3], $0x8, s1, s7, $0xb8;
	[tilespmem:$0x8400] =	vst v63  }
0x71: {  	_ =	swait.ge [sflag:s12], $0x1000  }
0x72: {  	[sflag:s12] =	ssyncset.done $0x0  }
0x73: {  	[sflag:s12] =	ssyncadd.s32 $0xFFFFF000  }
0x74: {  	_ =	swait.ge [sflag:s13], $0x1000  }
0x75: {  	[sflag:s13] =	ssyncset.done $0x0  }
0x76: {  	s0 =	rddreg [dreg:$0x13];
	[sflag:s13] =	ssyncadd.s32 $0xFFFFF000  }
0x77: {  	[tilespmem:s9], [sflag:$0x1] =	stream.indirect.gather [hbm4b:s3+s7], $0x8, s0, s7, $0xb8;
	[tilespmem:$0x8400] =	vst v63  }
0x78: {  	s1 =	rddreg [dreg:$0x14]  }
0x79: {  	[spmem:s2] =	stream.indirect.scatter.add.f32 [tilespmem:s8], [sflag:$0x4], $0x8, s1, s7, $0xb8;
	[tilespmem:$0x8400] =	vst v63  }
0x7a: {  	_ =	swait.ge [sflag:s11], $0x1000  }
0x7b: {  	[sflag:s11] =	ssyncset.done $0x0  }
0x7c: {  	[sflag:s11] =	ssyncadd.s32 $0xFFFFF000  }
0x7d: {  	_ =	swait.ge [sflag:s10], $0x1000  }
0x7e: {  	[sflag:s10] =	ssyncset.done $0x0  }
0x7f: {  	s0 =	rddreg [dreg:$0x15];
	[sflag:s10] =	ssyncadd.s32 $0xFFFFF000  }
0x80: {  	[tilespmem:s8], [sflag:$0x2] =	stream.indirect.gather [hbm4b:s3+s7], $0x8, s0, s7, $0xb8;
	[tilespmem:$0x8400] =	vst v63  }
0x81: {  	s1 =	rddreg [dreg:$0x16]  }
0x82: {  	[spmem:s2] =	stream.indirect.scatter.add.f32 [tilespmem:s9], [sflag:$0x3], $0x8, s1, s7, $0xb8;
	[tilespmem:$0x8400] =	vst v63  }
0x83: {  	_ =	swait.ge [sflag:s12], $0x1000  }
0x84: {  	[sflag:s12] =	ssyncset.done $0x0  }
0x85: {  	[sflag:s12] =	ssyncadd.s32 $0xFFFFF000  }
0x86: {  	_ =	swait.ge [sflag:s13], $0x1000  }
0x87: {  	[sflag:s13] =	ssyncset.done $0x0  }
0x88: {  	s0 =	rddreg [dreg:$0x17];
	[sflag:s13] =	ssyncadd.s32 $0xFFFFF000  }
0x89: {  	[tilespmem:s9], [sflag:$0x1] =	stream.indirect.gather [hbm4b:s3+s7], $0x8, s0, s7, $0xb8;
	[tilespmem:$0x8400] =	vst v63  }
0x8a: {  	s1 =	rddreg [dreg:$0x18]  }
0x8b: {  	[spmem:s2] =	stream.indirect.scatter.add.f32 [tilespmem:s8], [sflag:$0x4], $0x8, s1, s7, $0xb8;
	[tilespmem:$0x8400] =	vst v63  }
0x8c: {  	_ =	swait.ge [sflag:s11], $0x1000  }
0x8d: {  	[sflag:s11] =	ssyncset.done $0x0  }
0x8e: {  	[sflag:s11] =	ssyncadd.s32 $0xFFFFF000  }
0x8f: {  	_ =	swait.ge [sflag:s10], $0x1000  }
0x90: {  	[sflag:s10] =	ssyncset.done $0x0  }
0x91: {  	s0 =	rddreg [dreg:$0x19];
	[sflag:s10] =	ssyncadd.s32 $0xFFFFF000  }
0x92: {  	[tilespmem:s8], [sflag:$0x2] =	stream.indirect.gather [hbm4b:s3+s7], $0x8, s0, s7, $0xb8;
	[tilespmem:$0x8400] =	vst v63  }
0x93: {  	s1 =	rddreg [dreg:$0x1a]  }
0x94: {  	[spmem:s2] =	stream.indirect.scatter.add.f32 [tilespmem:s9], [sflag:$0x3], $0x8, s1, s7, $0xb8;
	[tilespmem:$0x8400] =	vst v63  }
0x95: {  	_ =	swait.ge [sflag:s12], $0x1000  }
0x96: {  	[sflag:s12] =	ssyncset.done $0x0  }
0x97: {  	[sflag:s12] =	ssyncadd.s32 $0xFFFFF000  }
0x98: {  	_ =	swait.ge [sflag:s13], $0x1000  }
0x99: {  	[sflag:s13] =	ssyncset.done $0x0  }
0x9a: {  	s0 =	rddreg [dreg:$0x1b];
	[sflag:s13] =	ssyncadd.s32 $0xFFFFF000  }
0x9b: {  	[tilespmem:s9], [sflag:$0x1] =	stream.indirect.gather [hbm4b:s3+s7], $0x8, s0, s7, $0xb8;
	[tilespmem:$0x8400] =	vst v63  }
0x9c: {  	s1 =	rddreg [dreg:$0x1c]  }
0x9d: {  	[spmem:s2] =	stream.indirect.scatter.add.f32 [tilespmem:s8], [sflag:$0x4], $0x8, s1, s7, $0xb8;
	[tilespmem:$0x8400] =	vst v63  }
0x9e: {  	_ =	swait.ge [sflag:s11], $0x1000  }
0x9f: {  	[sflag:s11] =	ssyncset.done $0x0  }
0xa0: {  	[sflag:s11] =	ssyncadd.s32 $0xFFFFF000  }
0xa1: {  	_ =	swait.ge [sflag:s10], $0x1000  }
0xa2: {  	[sflag:s10] =	ssyncset.done $0x0  }
0xa3: {  	[sflag:s10] =	ssyncadd.s32 $0xFFFFF000  }
0xa4: {  	[tilespmem:s8], [sflag:$0x2] =	stream.indirect.gather [hbm4b:s3+s7], $0x8, s29, s7, $0xb8;
	[tilespmem:$0x8400] =	vst v63  }
0xa5: {  	_ = 	snop  }
0xa6: {  	[spmem:s2] =	stream.indirect.scatter.add.f32 [tilespmem:s9], [sflag:$0x3], $0x8, s20, s7, $0xb8;
	[tilespmem:$0x8400] =	vst v63  }
0xa7: {  	_ =	swait.ge [sflag:s12], $0x1000  }
0xa8: {  	[sflag:s12] =	ssyncset.done $0x0  }
0xa9: {  	[sflag:s12] =	ssyncadd.s32 $0xFFFFF000  }
0xaa: {  	_ =	swait.ge [sflag:s13], $0x1000  }
0xab: {  	[sflag:s13] =	ssyncset.done $0x0  }
0xac: {  	[sflag:s13] =	ssyncadd.s32 $0xFFFFF000  }
0xad: {  	[tilespmem:s9], [sflag:$0x1] =	stream.indirect.gather [hbm4b:s3+s7], $0x8, s26, s7, $0xb8;
	[tilespmem:$0x8400] =	vst v63  }
0xae: {  	_ = 	snop  }
0xaf: {  	[spmem:s2] =	stream.indirect.scatter.add.f32 [tilespmem:s8], [sflag:$0x4], $0x8, s28, s7, $0xb8;
	[tilespmem:$0x8400] =	vst v63  }
0xb0: {  	_ =	swait.ge [sflag:s11], $0x1000  }
0xb1: {  	[sflag:s11] =	ssyncset.done $0x0  }
0xb2: {  	[sflag:s11] =	ssyncadd.s32 $0xFFFFF000  }
0xb3: {  	_ =	swait.ge [sflag:s10], $0x1000  }
0xb4: {  	[sflag:s10] =	ssyncset.done $0x0  }
0xb5: {  	[sflag:s10] =	ssyncadd.s32 $0xFFFFF000  }
0xb6: {  	[tilespmem:s8], [sflag:$0x2] =	stream.indirect.gather [hbm4b:s3+s7], $0x8, s24, s7, $0xb8;
	[tilespmem:$0x8400] =	vst v63  }
0xb7: {  	_ = 	snop  }
0xb8: {  	[spmem:s2] =	stream.indirect.scatter.add.f32 [tilespmem:s9], [sflag:$0x3], $0x8, s25, s7, $0xb8;
	[tilespmem:$0x8400] =	vst v63  }
0xb9: {  	_ =	swait.ge [sflag:s12], $0x1000  }
0xba: {  	[sflag:s12] =	ssyncset.done $0x0  }
0xbb: {  	[sflag:s12] =	ssyncadd.s32 $0xFFFFF000  }
0xbc: {  	_ =	swait.ge [sflag:s13], $0x1000  }
0xbd: {  	[sflag:s13] =	ssyncset.done $0x0  }
0xbe: {  	[sflag:s13] =	ssyncadd.s32 $0xFFFFF000  }
0xbf: {  	[tilespmem:s9], [sflag:$0x1] =	stream.indirect.gather [hbm4b:s3+s7], $0x8, s22, s7, $0xb8;
	[tilespmem:$0x8400] =	vst v63  }
0xc0: {  	_ = 	snop  }
0xc1: {  	[spmem:s2] =	stream.indirect.scatter.add.f32 [tilespmem:s8], [sflag:$0x4], $0x8, s23, s7, $0xb8;
	[tilespmem:$0x8400] =	vst v63  }
0xc2: {  	_ =	swait.ge [sflag:s11], $0x1000  }
0xc3: {  	[sflag:s11] =	ssyncset.done $0x0  }
0xc4: {  	[sflag:s11] =	ssyncadd.s32 $0xFFFFF000  }
0xc5: {  	_ =	swait.ge [sflag:s10], $0x1000  }
0xc6: {  	[sflag:s10] =	ssyncset.done $0x0  }
0xc7: {  	s1 =	simm.s32 $0x2200;
	[sflag:s10] =	ssyncadd.s32 $0xFFFFF000  }
0xc8: {  	[tilespmem:s8], [sflag:$0x2] =	stream.indirect.gather [hbm4b:s3+s7], $0x8, s1, s7, $0xb8;
	[tilespmem:$0x8400] =	vst v63  }
0xc9: {  	_ = 	snop  }
0xca: {  	[spmem:s2] =	stream.indirect.scatter.add.f32 [tilespmem:s9], [sflag:$0x3], $0x8, s21, s7, $0xb8;
	[tilespmem:$0x8400] =	vst v63  }
0xcb: {  	_ =	swait.ge [sflag:s12], $0x1000  }
0xcc: {  	[sflag:s12] =	ssyncset.done $0x0  }
0xcd: {  	[sflag:s12] =	ssyncadd.s32 $0xFFFFF000  }
0xce: {  	_ =	swait.ge [sflag:s13], $0x1000  }
0xcf: {  	[sflag:s13] =	ssyncset.done $0x0  }
0xd0: {  	[sflag:s13] =	ssyncadd.s32 $0xFFFFF000  }
0xd1: {  	[tilespmem:s9], [sflag:$0x1] =	stream.indirect.gather [hbm4b:s3+s7], $0x8, s18, s7, $0xb8;
	[tilespmem:$0x8400] =	vst v63  }
0xd2: {  	_ = 	snop  }
0xd3: {  	[spmem:s2] =	stream.indirect.scatter.add.f32 [tilespmem:s8], [sflag:$0x4], $0x8, s19, s7, $0xb8;
	[tilespmem:$0x8400] =	vst v63  }
0xd4: {  	_ =	swait.ge [sflag:s11], $0x1000  }
0xd5: {  	[sflag:s11] =	ssyncset.done $0x0  }
0xd6: {  	[sflag:s11] =	ssyncadd.s32 $0xFFFFF000  }
0xd7: {  	_ =	swait.ge [sflag:s10], $0x1000  }
0xd8: {  	[sflag:s10] =	ssyncset.done $0x0  }
0xd9: {  	[sflag:s10] =	ssyncadd.s32 $0xFFFFF000  }
0xda: {  	[tilespmem:s8], [sflag:$0x2] =	stream.indirect.gather [hbm4b:s3+s7], $0x8, s16, s7, $0xb8;
	[tilespmem:$0x8400] =	vst v63  }
0xdb: {  	_ = 	snop  }
0xdc: {  	[spmem:s2] =	stream.indirect.scatter.add.f32 [tilespmem:s9], [sflag:$0x3], $0x8, s17, s7, $0xb8;
	[tilespmem:$0x8400] =	vst v63  }
0xdd: {  	_ =	swait.ge [sflag:s12], $0x1000  }
0xde: {  	[sflag:s12] =	ssyncset.done $0x0  }
0xdf: {  	[sflag:s12] =	ssyncadd.s32 $0xFFFFF000  }
0xe0: {  	_ =	swait.ge [sflag:s13], $0x1000  }
0xe1: {  	[sflag:s13] =	ssyncset.done $0x0  }
0xe2: {  	[sflag:s13] =	ssyncadd.s32 $0xFFFFF000  }
0xe3: {  	[spmem:s2] =	stream.indirect.scatter.add.f32 [tilespmem:s8], [sflag:$0x4], $0x8, s15, s7, $0xb8;
	[tilespmem:$0x8400] =	vst v63  }
0xe4: {  	_ =	swait.ge [sflag:s11], $0x1000  }
0xe5: {  	[sflag:s11] =	ssyncset.done $0x0  }
0xe6: {  	p1 =	sne.s32 s14, $0x1;
	[sflag:s11] =	ssyncadd.s32 $0xFFFFF000  }
.Ltmp1:
0xe7: {  	[bflag:$0x0] =	sbarrier.arrive $0xFFFF;
	(pc) =	sbr.rel @!p1 .LBB2_3-.Ltmp1, $4  }
0xe8: {  	s1 =	rddreg [dreg:$0x6]  }
0xe9: {  	[hbm:s1], [sflag:s5] =	dma.local [spmem:s6], $0x280  }
0xea: {  	p0 =	por $0x1, $0x1;
	_ =	swait.ge [sflag:s4], $0x280  }
0xeb: {  	s0 =	sadd.s32 $0xFFFFFFFF, s14;
	s1 =	rddreg [dreg:$0x4];
	[sflag:s4] =	ssyncset.done $0x0  }
.LBB2_4:
0xec: {  	[sflag:s4] =	ssyncadd.s32 $0xFFFFFD80  }
0xed: {  	[tilespmem:s30], [sflag:$0x5] =	stream.linear.gather [hbm4b:s1+s30], $0x2800, $0x38;
	[tilespmem:$0x8400] =	vst v63  }
0xee: {  	_ =	swait.ge [sflag:s4], $0x2800  }
0xef: {  	[sflag:s4] =	ssyncset.done $0x0  }
0xf0: {  	s14 =	rddreg [dreg:$0x5];
	[sflag:s4] =	ssyncadd.s32 $0xFFFFD800  }
0xf1: {  	[tilespmem:s31], [sflag:$0x5] =	stream.linear.gather [hbm4b:s14+s30], $0x2800, $0x38;
	[tilespmem:$0x8400] =	vst v63  }
0xf2: {  	_ =	swait.ge [sflag:s4], $0x2800  }
0xf3: {  	[sflag:s4] =	ssyncset.done $0x0  }
0xf4: {  	s14 =	rddreg [dreg:$0x3];
	[sflag:s4] =	ssyncadd.s32 $0xFFFFD800  }
0xf5: {  	[spmem:s6], [sflag:s5] =	dma.local [hbm:s14], $0x280  }
0xf6: {  	_ =	swait.ge [sflag:s4], $0x280  }
0xf7: {  	[sflag:s4] =	ssyncset.done $0x0  }
0xf8: {  	[sflag:s4] =	ssyncadd.s32 $0xFFFFFD80  }
0xf9: {  	[bflag:$0x0] =	sbarrier.arrive $0xFFFF  }
0xfa: {  	[tilespmem:s9], [sflag:$0x1] =	stream.indirect.gather [hbm4b:s3+s7], $0x8, s30, s7, $0xb8;
	[tilespmem:$0x8400] =	vst v63  }
0xfb: {  	_ =	swait.ge [sflag:s10], $0x1000  }
0xfc: {  	[sflag:s10] =	ssyncset.done $0x0  }
0xfd: {  	[sflag:s10] =	ssyncadd.s32 $0xFFFFF000  }
0xfe: {  	[tilespmem:s8], [sflag:$0x2] =	stream.indirect.gather [hbm4b:s3+s7], $0x8, s7, s7, $0xb8;
	[tilespmem:$0x8400] =	vst v63  }
0xff: {  	_ = 	snop  }
0x100: {  	[spmem:s2] =	stream.indirect.scatter.add.f32 [tilespmem:s9], [sflag:$0x3], $0x8, s31, s7, $0xb8;
	[tilespmem:$0x8400] =	vst v63  }
0x101: {  	_ =	swait.ge [sflag:s12], $0x1000  }
0x102: {  	[sflag:s12] =	ssyncset.done $0x0  }
0x103: {  	[sflag:s12] =	ssyncadd.s32 $0xFFFFF000  }
0x104: {  	_ =	swait.ge [sflag:s13], $0x1000  }
0x105: {  	[sflag:s13] =	ssyncset.done $0x0  }
0x106: {  	s1 =	rddreg [dreg:$0x7];
	[sflag:s13] =	ssyncadd.s32 $0xFFFFF000  }
0x107: {  	[tilespmem:s9], [sflag:$0x1] =	stream.indirect.gather [hbm4b:s3+s7], $0x8, s1, s7, $0xb8;
	[tilespmem:$0x8400] =	vst v63  }
0x108: {  	s14 =	rddreg [dreg:$0x8]  }
0x109: {  	[spmem:s2] =	stream.indirect.scatter.add.f32 [tilespmem:s8], [sflag:$0x4], $0x8, s14, s7, $0xb8;
	[tilespmem:$0x8400] =	vst v63  }
0x10a: {  	_ =	swait.ge [sflag:s11], $0x1000  }
0x10b: {  	[sflag:s11] =	ssyncset.done $0x0  }
0x10c: {  	[sflag:s11] =	ssyncadd.s32 $0xFFFFF000  }
0x10d: {  	_ =	swait.ge [sflag:s10], $0x1000  }
0x10e: {  	[sflag:s10] =	ssyncset.done $0x0  }
0x10f: {  	s1 =	rddreg [dreg:$0x9];
	[sflag:s10] =	ssyncadd.s32 $0xFFFFF000  }
0x110: {  	[tilespmem:s8], [sflag:$0x2] =	stream.indirect.gather [hbm4b:s3+s7], $0x8, s1, s7, $0xb8;
	[tilespmem:$0x8400] =	vst v63  }
0x111: {  	s14 =	rddreg [dreg:$0xa]  }
0x112: {  	[spmem:s2] =	stream.indirect.scatter.add.f32 [tilespmem:s9], [sflag:$0x3], $0x8, s14, s7, $0xb8;
	[tilespmem:$0x8400] =	vst v63  }
0x113: {  	_ =	swait.ge [sflag:s12], $0x1000  }
0x114: {  	[sflag:s12] =	ssyncset.done $0x0  }
0x115: {  	[sflag:s12] =	ssyncadd.s32 $0xFFFFF000  }
0x116: {  	_ =	swait.ge [sflag:s13], $0x1000  }
0x117: {  	[sflag:s13] =	ssyncset.done $0x0  }
0x118: {  	s1 =	rddreg [dreg:$0xb];
	[sflag:s13] =	ssyncadd.s32 $0xFFFFF000  }
0x119: {  	[tilespmem:s9], [sflag:$0x1] =	stream.indirect.gather [hbm4b:s3+s7], $0x8, s1, s7, $0xb8;
	[tilespmem:$0x8400] =	vst v63  }
0x11a: {  	s14 =	rddreg [dreg:$0xc]  }
0x11b: {  	[spmem:s2] =	stream.indirect.scatter.add.f32 [tilespmem:s8], [sflag:$0x4], $0x8, s14, s7, $0xb8;
	[tilespmem:$0x8400] =	vst v63  }
0x11c: {  	_ =	swait.ge [sflag:s11], $0x1000  }
0x11d: {  	[sflag:s11] =	ssyncset.done $0x0  }
0x11e: {  	[sflag:s11] =	ssyncadd.s32 $0xFFFFF000  }
0x11f: {  	_ =	swait.ge [sflag:s10], $0x1000  }
0x120: {  	[sflag:s10] =	ssyncset.done $0x0  }
0x121: {  	s1 =	rddreg [dreg:$0xd];
	[sflag:s10] =	ssyncadd.s32 $0xFFFFF000  }
0x122: {  	[tilespmem:s8], [sflag:$0x2] =	stream.indirect.gather [hbm4b:s3+s7], $0x8, s1, s7, $0xb8;
	[tilespmem:$0x8400] =	vst v63  }
0x123: {  	s14 =	rddreg [dreg:$0xe]  }
0x124: {  	[spmem:s2] =	stream.indirect.scatter.add.f32 [tilespmem:s9], [sflag:$0x3], $0x8, s14, s7, $0xb8;
	[tilespmem:$0x8400] =	vst v63  }
0x125: {  	_ =	swait.ge [sflag:s12], $0x1000  }
0x126: {  	[sflag:s12] =	ssyncset.done $0x0  }
0x127: {  	[sflag:s12] =	ssyncadd.s32 $0xFFFFF000  }
0x128: {  	_ =	swait.ge [sflag:s13], $0x1000  }
0x129: {  	[sflag:s13] =	ssyncset.done $0x0  }
0x12a: {  	s1 =	rddreg [dreg:$0xf];
	[sflag:s13] =	ssyncadd.s32 $0xFFFFF000  }
0x12b: {  	[tilespmem:s9], [sflag:$0x1] =	stream.indirect.gather [hbm4b:s3+s7], $0x8, s1, s7, $0xb8;
	[tilespmem:$0x8400] =	vst v63  }
0x12c: {  	s14 =	rddreg [dreg:$0x10]  }
0x12d: {  	[spmem:s2] =	stream.indirect.scatter.add.f32 [tilespmem:s8], [sflag:$0x4], $0x8, s14, s7, $0xb8;
	[tilespmem:$0x8400] =	vst v63  }
0x12e: {  	_ =	swait.ge [sflag:s11], $0x1000  }
0x12f: {  	[sflag:s11] =	ssyncset.done $0x0  }
0x130: {  	[sflag:s11] =	ssyncadd.s32 $0xFFFFF000  }
0x131: {  	_ =	swait.ge [sflag:s10], $0x1000  }
0x132: {  	[sflag:s10] =	ssyncset.done $0x0  }
0x133: {  	s1 =	rddreg [dreg:$0x11];
	[sflag:s10] =	ssyncadd.s32 $0xFFFFF000  }
0x134: {  	[tilespmem:s8], [sflag:$0x2] =	stream.indirect.gather [hbm4b:s3+s7], $0x8, s1, s7, $0xb8;
	[tilespmem:$0x8400] =	vst v63  }
0x135: {  	s14 =	rddreg [dreg:$0x12]  }
0x136: {  	[spmem:s2] =	stream.indirect.scatter.add.f32 [tilespmem:s9], [sflag:$0x3], $0x8, s14, s7, $0xb8;
	[tilespmem:$0x8400] =	vst v63  }
0x137: {  	_ =	swait.ge [sflag:s12], $0x1000  }
0x138: {  	[sflag:s12] =	ssyncset.done $0x0  }
0x139: {  	[sflag:s12] =	ssyncadd.s32 $0xFFFFF000  }
0x13a: {  	_ =	swait.ge [sflag:s13], $0x1000  }
0x13b: {  	[sflag:s13] =	ssyncset.done $0x0  }
0x13c: {  	s1 =	rddreg [dreg:$0x13];
	[sflag:s13] =	ssyncadd.s32 $0xFFFFF000  }
0x13d: {  	[tilespmem:s9], [sflag:$0x1] =	stream.indirect.gather [hbm4b:s3+s7], $0x8, s1, s7, $0xb8;
	[tilespmem:$0x8400] =	vst v63  }
0x13e: {  	s14 =	rddreg [dreg:$0x14]  }
0x13f: {  	[spmem:s2] =	stream.indirect.scatter.add.f32 [tilespmem:s8], [sflag:$0x4], $0x8, s14, s7, $0xb8;
	[tilespmem:$0x8400] =	vst v63  }
0x140: {  	_ =	swait.ge [sflag:s11], $0x1000  }
0x141: {  	[sflag:s11] =	ssyncset.done $0x0  }
0x142: {  	[sflag:s11] =	ssyncadd.s32 $0xFFFFF000  }
0x143: {  	_ =	swait.ge [sflag:s10], $0x1000  }
0x144: {  	[sflag:s10] =	ssyncset.done $0x0  }
0x145: {  	s1 =	rddreg [dreg:$0x15];
	[sflag:s10] =	ssyncadd.s32 $0xFFFFF000  }
0x146: {  	[tilespmem:s8], [sflag:$0x2] =	stream.indirect.gather [hbm4b:s3+s7], $0x8, s1, s7, $0xb8;
	[tilespmem:$0x8400] =	vst v63  }
0x147: {  	s14 =	rddreg [dreg:$0x16]  }
0x148: {  	[spmem:s2] =	stream.indirect.scatter.add.f32 [tilespmem:s9], [sflag:$0x3], $0x8, s14, s7, $0xb8;
	[tilespmem:$0x8400] =	vst v63  }
0x149: {  	_ =	swait.ge [sflag:s12], $0x1000  }
0x14a: {  	[sflag:s12] =	ssyncset.done $0x0  }
0x14b: {  	[sflag:s12] =	ssyncadd.s32 $0xFFFFF000  }
0x14c: {  	_ =	swait.ge [sflag:s13], $0x1000  }
0x14d: {  	[sflag:s13] =	ssyncset.done $0x0  }
0x14e: {  	s1 =	rddreg [dreg:$0x17];
	[sflag:s13] =	ssyncadd.s32 $0xFFFFF000  }
0x14f: {  	[tilespmem:s9], [sflag:$0x1] =	stream.indirect.gather [hbm4b:s3+s7], $0x8, s1, s7, $0xb8;
	[tilespmem:$0x8400] =	vst v63  }
0x150: {  	s14 =	rddreg [dreg:$0x18]  }
0x151: {  	[spmem:s2] =	stream.indirect.scatter.add.f32 [tilespmem:s8], [sflag:$0x4], $0x8, s14, s7, $0xb8;
	[tilespmem:$0x8400] =	vst v63  }
0x152: {  	_ =	swait.ge [sflag:s11], $0x1000  }
0x153: {  	[sflag:s11] =	ssyncset.done $0x0  }
0x154: {  	[sflag:s11] =	ssyncadd.s32 $0xFFFFF000  }
0x155: {  	_ =	swait.ge [sflag:s10], $0x1000  }
0x156: {  	[sflag:s10] =	ssyncset.done $0x0  }
0x157: {  	s1 =	rddreg [dreg:$0x19];
	[sflag:s10] =	ssyncadd.s32 $0xFFFFF000  }
0x158: {  	[tilespmem:s8], [sflag:$0x2] =	stream.indirect.gather [hbm4b:s3+s7], $0x8, s1, s7, $0xb8;
	[tilespmem:$0x8400] =	vst v63  }
0x159: {  	s14 =	rddreg [dreg:$0x1a]  }
0x15a: {  	[spmem:s2] =	stream.indirect.scatter.add.f32 [tilespmem:s9], [sflag:$0x3], $0x8, s14, s7, $0xb8;
	[tilespmem:$0x8400] =	vst v63  }
0x15b: {  	_ =	swait.ge [sflag:s12], $0x1000  }
0x15c: {  	[sflag:s12] =	ssyncset.done $0x0  }
0x15d: {  	[sflag:s12] =	ssyncadd.s32 $0xFFFFF000  }
0x15e: {  	_ =	swait.ge [sflag:s13], $0x1000  }
0x15f: {  	[sflag:s13] =	ssyncset.done $0x0  }
0x160: {  	s1 =	rddreg [dreg:$0x1b];
	[sflag:s13] =	ssyncadd.s32 $0xFFFFF000  }
0x161: {  	[tilespmem:s9], [sflag:$0x1] =	stream.indirect.gather [hbm4b:s3+s7], $0x8, s1, s7, $0xb8;
	[tilespmem:$0x8400] =	vst v63  }
0x162: {  	s14 =	rddreg [dreg:$0x1c]  }
0x163: {  	[spmem:s2] =	stream.indirect.scatter.add.f32 [tilespmem:s8], [sflag:$0x4], $0x8, s14, s7, $0xb8;
	[tilespmem:$0x8400] =	vst v63  }
0x164: {  	_ =	swait.ge [sflag:s11], $0x1000  }
0x165: {  	[sflag:s11] =	ssyncset.done $0x0  }
0x166: {  	[sflag:s11] =	ssyncadd.s32 $0xFFFFF000  }
0x167: {  	_ =	swait.ge [sflag:s10], $0x1000  }
0x168: {  	[sflag:s10] =	ssyncset.done $0x0  }
0x169: {  	[sflag:s10] =	ssyncadd.s32 $0xFFFFF000  }
0x16a: {  	[tilespmem:s8], [sflag:$0x2] =	stream.indirect.gather [hbm4b:s3+s7], $0x8, s29, s7, $0xb8;
	[tilespmem:$0x8400] =	vst v63  }
0x16b: {  	_ = 	snop  }
0x16c: {  	[spmem:s2] =	stream.indirect.scatter.add.f32 [tilespmem:s9], [sflag:$0x3], $0x8, s20, s7, $0xb8;
	[tilespmem:$0x8400] =	vst v63  }
0x16d: {  	_ =	swait.ge [sflag:s12], $0x1000  }
0x16e: {  	[sflag:s12] =	ssyncset.done $0x0  }
0x16f: {  	[sflag:s12] =	ssyncadd.s32 $0xFFFFF000  }
0x170: {  	_ =	swait.ge [sflag:s13], $0x1000  }
0x171: {  	[sflag:s13] =	ssyncset.done $0x0  }
0x172: {  	[sflag:s13] =	ssyncadd.s32 $0xFFFFF000  }
0x173: {  	[tilespmem:s9], [sflag:$0x1] =	stream.indirect.gather [hbm4b:s3+s7], $0x8, s26, s7, $0xb8;
	[tilespmem:$0x8400] =	vst v63  }
0x174: {  	_ = 	snop  }
0x175: {  	[spmem:s2] =	stream.indirect.scatter.add.f32 [tilespmem:s8], [sflag:$0x4], $0x8, s28, s7, $0xb8;
	[tilespmem:$0x8400] =	vst v63  }
0x176: {  	_ =	swait.ge [sflag:s11], $0x1000  }
0x177: {  	[sflag:s11] =	ssyncset.done $0x0  }
0x178: {  	[sflag:s11] =	ssyncadd.s32 $0xFFFFF000  }
0x179: {  	_ =	swait.ge [sflag:s10], $0x1000  }
0x17a: {  	[sflag:s10] =	ssyncset.done $0x0  }
0x17b: {  	[sflag:s10] =	ssyncadd.s32 $0xFFFFF000  }
0x17c: {  	[tilespmem:s8], [sflag:$0x2] =	stream.indirect.gather [hbm4b:s3+s7], $0x8, s24, s7, $0xb8;
	[tilespmem:$0x8400] =	vst v63  }
0x17d: {  	_ = 	snop  }
0x17e: {  	[spmem:s2] =	stream.indirect.scatter.add.f32 [tilespmem:s9], [sflag:$0x3], $0x8, s25, s7, $0xb8;
	[tilespmem:$0x8400] =	vst v63  }
0x17f: {  	_ =	swait.ge [sflag:s12], $0x1000  }
0x180: {  	[sflag:s12] =	ssyncset.done $0x0  }
0x181: {  	[sflag:s12] =	ssyncadd.s32 $0xFFFFF000  }
0x182: {  	_ =	swait.ge [sflag:s13], $0x1000  }
0x183: {  	[sflag:s13] =	ssyncset.done $0x0  }
0x184: {  	[sflag:s13] =	ssyncadd.s32 $0xFFFFF000  }
0x185: {  	[tilespmem:s9], [sflag:$0x1] =	stream.indirect.gather [hbm4b:s3+s7], $0x8, s22, s7, $0xb8;
	[tilespmem:$0x8400] =	vst v63  }
0x186: {  	_ = 	snop  }
0x187: {  	[spmem:s2] =	stream.indirect.scatter.add.f32 [tilespmem:s8], [sflag:$0x4], $0x8, s23, s7, $0xb8;
	[tilespmem:$0x8400] =	vst v63  }
0x188: {  	_ =	swait.ge [sflag:s11], $0x1000  }
0x189: {  	[sflag:s11] =	ssyncset.done $0x0  }
0x18a: {  	[sflag:s11] =	ssyncadd.s32 $0xFFFFF000  }
0x18b: {  	_ =	swait.ge [sflag:s10], $0x1000  }
0x18c: {  	[sflag:s10] =	ssyncset.done $0x0  }
0x18d: {  	s14 =	simm.s32 $0x2200;
	[sflag:s10] =	ssyncadd.s32 $0xFFFFF000  }
0x18e: {  	[tilespmem:s8], [sflag:$0x2] =	stream.indirect.gather [hbm4b:s3+s7], $0x8, s14, s7, $0xb8;
	[tilespmem:$0x8400] =	vst v63  }
0x18f: {  	_ = 	snop  }
0x190: {  	[spmem:s2] =	stream.indirect.scatter.add.f32 [tilespmem:s9], [sflag:$0x3], $0x8, s21, s7, $0xb8;
	[tilespmem:$0x8400] =	vst v63  }
0x191: {  	_ =	swait.ge [sflag:s12], $0x1000  }
0x192: {  	[sflag:s12] =	ssyncset.done $0x0  }
0x193: {  	[sflag:s12] =	ssyncadd.s32 $0xFFFFF000  }
0x194: {  	_ =	swait.ge [sflag:s13], $0x1000  }
0x195: {  	[sflag:s13] =	ssyncset.done $0x0  }
0x196: {  	[sflag:s13] =	ssyncadd.s32 $0xFFFFF000  }
0x197: {  	[tilespmem:s9], [sflag:$0x1] =	stream.indirect.gather [hbm4b:s3+s7], $0x8, s18, s7, $0xb8;
	[tilespmem:$0x8400] =	vst v63  }
0x198: {  	_ = 	snop  }
0x199: {  	[spmem:s2] =	stream.indirect.scatter.add.f32 [tilespmem:s8], [sflag:$0x4], $0x8, s19, s7, $0xb8;
	[tilespmem:$0x8400] =	vst v63  }
0x19a: {  	_ =	swait.ge [sflag:s11], $0x1000  }
0x19b: {  	[sflag:s11] =	ssyncset.done $0x0  }
0x19c: {  	[sflag:s11] =	ssyncadd.s32 $0xFFFFF000  }
0x19d: {  	_ =	swait.ge [sflag:s10], $0x1000  }
0x19e: {  	[sflag:s10] =	ssyncset.done $0x0  }
0x19f: {  	[sflag:s10] =	ssyncadd.s32 $0xFFFFF000  }
0x1a0: {  	[tilespmem:s8], [sflag:$0x2] =	stream.indirect.gather [hbm4b:s3+s7], $0x8, s16, s7, $0xb8;
	[tilespmem:$0x8400] =	vst v63  }
0x1a1: {  	_ = 	snop  }
0x1a2: {  	[spmem:s2] =	stream.indirect.scatter.add.f32 [tilespmem:s9], [sflag:$0x3], $0x8, s17, s7, $0xb8;
	[tilespmem:$0x8400] =	vst v63  }
0x1a3: {  	_ =	swait.ge [sflag:s12], $0x1000  }
0x1a4: {  	[sflag:s12] =	ssyncset.done $0x0  }
0x1a5: {  	[sflag:s12] =	ssyncadd.s32 $0xFFFFF000  }
0x1a6: {  	_ =	swait.ge [sflag:s13], $0x1000  }
0x1a7: {  	[sflag:s13] =	ssyncset.done $0x0  }
0x1a8: {  	[sflag:s13] =	ssyncadd.s32 $0xFFFFF000  }
0x1a9: {  	[spmem:s2] =	stream.indirect.scatter.add.f32 [tilespmem:s8], [sflag:$0x4], $0x8, s15, s7, $0xb8;
	[tilespmem:$0x8400] =	vst v63  }
0x1aa: {  	_ =	swait.ge [sflag:s11], $0x1000  }
0x1ab: {  	[sflag:s11] =	ssyncset.done $0x0  }
0x1ac: {  	p1 =	sne.s32 s0, $0x1;
	[sflag:s11] =	ssyncadd.s32 $0xFFFFF000  }
.Ltmp2:
0x1ad: {  	[bflag:$0x0] =	sbarrier.arrive $0xFFFF;
	(pc) =	sbr.rel @p1 .LBB2_4-.Ltmp2, $4  }
0x1ae: {  	s14 =	rddreg [dreg:$0x6]  }
0x1af: {  	[hbm:s14], [sflag:s5] =	dma.local [spmem:s6], $0x280  }
0x1b0: {  	_ =	swait.ge [sflag:s4], $0x280  }
0x1b1: {  	s0 =	sadd.s32 $0xFFFFFFFF, s0;
	s1 =	rddreg [dreg:$0x4];
	[sflag:s4] =	ssyncset.done $0x0  }
0x1b2: {  	s15 =	simm.s32 $0x4000;
	s29 =	simm.s32 $0x1A00;
	s28 =	simm.s32 $0x4200  }
0x1b3: {  	s26 =	simm.s32 $0x1C00;
	s25 =	simm.s32 $0x4400;
	s24 =	simm.s32 $0x1E00  }
0x1b4: {  	s23 =	simm.s32 $0x4600;
	s22 =	simm.s32 $0x2000;
	s21 =	simm.s32 $0x4800  }
0x1b5: {  	s20 =	simm.s32 $0x2200;
	s19 =	simm.s32 $0x4A00;
	s18 =	simm.s32 $0x2400  }
0x1b6: {  	s17 =	simm.s32 $0x4C00;
	s16 =	simm.s32 $0x2600;
	s14 =	rddreg [dreg:$0x2]  }
.LBB2_6:
0x1b7: {  	[sflag:s4] =	ssyncadd.s32 @p0 $0xFFFFFD80  }
0x1b8: {  	[tilespmem:s30], [sflag:$0x5] =	stream.linear.gather [hbm4b:s1+s30], $0x2800, $0x38;
	[tilespmem:$0x8400] =	vst v63  }
0x1b9: {  	_ =	swait.ge [sflag:s4], $0x2800  }
0x1ba: {  	[sflag:s4] =	ssyncset.done $0x0  }
0x1bb: {  	s0 =	rddreg [dreg:$0x5];
	[sflag:s4] =	ssyncadd.s32 $0xFFFFD800  }
0x1bc: {  	[tilespmem:s31], [sflag:$0x5] =	stream.linear.gather [hbm4b:s0+s30], $0x2800, $0x38;
	[tilespmem:$0x8400] =	vst v63  }
0x1bd: {  	_ =	swait.ge [sflag:s4], $0x2800  }
0x1be: {  	[sflag:s4] =	ssyncset.done $0x0  }
0x1bf: {  	s1 =	rddreg [dreg:$0x3];
	[sflag:s4] =	ssyncadd.s32 $0xFFFFD800  }
0x1c0: {  	[spmem:s6], [sflag:s5] =	dma.local [hbm:s1], $0x280  }
0x1c1: {  	_ =	swait.ge [sflag:s4], $0x280  }
0x1c2: {  	[sflag:s4] =	ssyncset.done $0x0  }
0x1c3: {  	[sflag:s4] =	ssyncadd.s32 $0xFFFFFD80  }
0x1c4: {  	[bflag:$0x0] =	sbarrier.arrive $0xFFFF  }
0x1c5: {  	[tilespmem:s9], [sflag:$0x1] =	stream.indirect.gather [hbm4b:s3+s7], $0x8, s30, s7, $0xb8;
	[tilespmem:$0x8400] =	vst v63  }
0x1c6: {  	_ =	swait.ge [sflag:s10], $0x1000  }
0x1c7: {  	[sflag:s10] =	ssyncset.done $0x0  }
0x1c8: {  	[sflag:s10] =	ssyncadd.s32 $0xFFFFF000  }
0x1c9: {  	[tilespmem:s8], [sflag:$0x2] =	stream.indirect.gather [hbm4b:s3+s7], $0x8, s7, s7, $0xb8;
	[tilespmem:$0x8400] =	vst v63  }
0x1ca: {  	_ = 	snop  }
0x1cb: {  	[spmem:s2] =	stream.indirect.scatter.add.f32 [tilespmem:s9], [sflag:$0x3], $0x8, s31, s7, $0xb8;
	[tilespmem:$0x8400] =	vst v63  }
0x1cc: {  	_ =	swait.ge [sflag:s12], $0x1000  }
0x1cd: {  	[sflag:s12] =	ssyncset.done $0x0  }
0x1ce: {  	[sflag:s12] =	ssyncadd.s32 $0xFFFFF000  }
0x1cf: {  	_ =	swait.ge [sflag:s13], $0x1000  }
0x1d0: {  	[sflag:s13] =	ssyncset.done $0x0  }
0x1d1: {  	s30 =	rddreg [dreg:$0x7];
	[sflag:s13] =	ssyncadd.s32 $0xFFFFF000  }
0x1d2: {  	[tilespmem:s9], [sflag:$0x1] =	stream.indirect.gather [hbm4b:s3+s7], $0x8, s30, s7, $0xb8;
	[tilespmem:$0x8400] =	vst v63  }
0x1d3: {  	s31 =	rddreg [dreg:$0x8]  }
0x1d4: {  	[spmem:s2] =	stream.indirect.scatter.add.f32 [tilespmem:s8], [sflag:$0x4], $0x8, s31, s7, $0xb8;
	[tilespmem:$0x8400] =	vst v63  }
0x1d5: {  	_ =	swait.ge [sflag:s11], $0x1000  }
0x1d6: {  	[sflag:s11] =	ssyncset.done $0x0  }
0x1d7: {  	[sflag:s11] =	ssyncadd.s32 $0xFFFFF000  }
0x1d8: {  	_ =	swait.ge [sflag:s10], $0x1000  }
0x1d9: {  	[sflag:s10] =	ssyncset.done $0x0  }
0x1da: {  	s30 =	rddreg [dreg:$0x9];
	[sflag:s10] =	ssyncadd.s32 $0xFFFFF000  }
0x1db: {  	[tilespmem:s8], [sflag:$0x2] =	stream.indirect.gather [hbm4b:s3+s7], $0x8, s30, s7, $0xb8;
	[tilespmem:$0x8400] =	vst v63  }
0x1dc: {  	s31 =	rddreg [dreg:$0xa]  }
0x1dd: {  	[spmem:s2] =	stream.indirect.scatter.add.f32 [tilespmem:s9], [sflag:$0x3], $0x8, s31, s7, $0xb8;
	[tilespmem:$0x8400] =	vst v63  }
0x1de: {  	_ =	swait.ge [sflag:s12], $0x1000  }
0x1df: {  	[sflag:s12] =	ssyncset.done $0x0  }
0x1e0: {  	[sflag:s12] =	ssyncadd.s32 $0xFFFFF000  }
0x1e1: {  	_ =	swait.ge [sflag:s13], $0x1000  }
0x1e2: {  	[sflag:s13] =	ssyncset.done $0x0  }
0x1e3: {  	s30 =	rddreg [dreg:$0xb];
	[sflag:s13] =	ssyncadd.s32 $0xFFFFF000  }
0x1e4: {  	[tilespmem:s9], [sflag:$0x1] =	stream.indirect.gather [hbm4b:s3+s7], $0x8, s30, s7, $0xb8;
	[tilespmem:$0x8400] =	vst v63  }
0x1e5: {  	s31 =	rddreg [dreg:$0xc]  }
0x1e6: {  	[spmem:s2] =	stream.indirect.scatter.add.f32 [tilespmem:s8], [sflag:$0x4], $0x8, s31, s7, $0xb8;
	[tilespmem:$0x8400] =	vst v63  }
0x1e7: {  	_ =	swait.ge [sflag:s11], $0x1000  }
0x1e8: {  	[sflag:s11] =	ssyncset.done $0x0  }
0x1e9: {  	[sflag:s11] =	ssyncadd.s32 $0xFFFFF000  }
0x1ea: {  	_ =	swait.ge [sflag:s10], $0x1000  }
0x1eb: {  	[sflag:s10] =	ssyncset.done $0x0  }
0x1ec: {  	s30 =	rddreg [dreg:$0xd];
	[sflag:s10] =	ssyncadd.s32 $0xFFFFF000  }
0x1ed: {  	[tilespmem:s8], [sflag:$0x2] =	stream.indirect.gather [hbm4b:s3+s7], $0x8, s30, s7, $0xb8;
	[tilespmem:$0x8400] =	vst v63  }
0x1ee: {  	s31 =	rddreg [dreg:$0xe]  }
0x1ef: {  	[spmem:s2] =	stream.indirect.scatter.add.f32 [tilespmem:s9], [sflag:$0x3], $0x8, s31, s7, $0xb8;
	[tilespmem:$0x8400] =	vst v63  }
0x1f0: {  	_ =	swait.ge [sflag:s12], $0x1000  }
0x1f1: {  	[sflag:s12] =	ssyncset.done $0x0  }
0x1f2: {  	[sflag:s12] =	ssyncadd.s32 $0xFFFFF000  }
0x1f3: {  	_ =	swait.ge [sflag:s13], $0x1000  }
0x1f4: {  	[sflag:s13] =	ssyncset.done $0x0  }
0x1f5: {  	s30 =	rddreg [dreg:$0xf];
	[sflag:s13] =	ssyncadd.s32 $0xFFFFF000  }
0x1f6: {  	[tilespmem:s9], [sflag:$0x1] =	stream.indirect.gather [hbm4b:s3+s7], $0x8, s30, s7, $0xb8;
	[tilespmem:$0x8400] =	vst v63  }
0x1f7: {  	s31 =	rddreg [dreg:$0x10]  }
0x1f8: {  	[spmem:s2] =	stream.indirect.scatter.add.f32 [tilespmem:s8], [sflag:$0x4], $0x8, s31, s7, $0xb8;
	[tilespmem:$0x8400] =	vst v63  }
0x1f9: {  	_ =	swait.ge [sflag:s11], $0x1000  }
0x1fa: {  	[sflag:s11] =	ssyncset.done $0x0  }
0x1fb: {  	[sflag:s11] =	ssyncadd.s32 $0xFFFFF000  }
0x1fc: {  	_ =	swait.ge [sflag:s10], $0x1000  }
0x1fd: {  	[sflag:s10] =	ssyncset.done $0x0  }
0x1fe: {  	s30 =	rddreg [dreg:$0x11];
	[sflag:s10] =	ssyncadd.s32 $0xFFFFF000  }
0x1ff: {  	[tilespmem:s8], [sflag:$0x2] =	stream.indirect.gather [hbm4b:s3+s7], $0x8, s30, s7, $0xb8;
	[tilespmem:$0x8400] =	vst v63  }
0x200: {  	s31 =	rddreg [dreg:$0x12]  }
0x201: {  	[spmem:s2] =	stream.indirect.scatter.add.f32 [tilespmem:s9], [sflag:$0x3], $0x8, s31, s7, $0xb8;
	[tilespmem:$0x8400] =	vst v63  }
0x202: {  	_ =	swait.ge [sflag:s12], $0x1000  }
0x203: {  	[sflag:s12] =	ssyncset.done $0x0  }
0x204: {  	[sflag:s12] =	ssyncadd.s32 $0xFFFFF000  }
0x205: {  	_ =	swait.ge [sflag:s13], $0x1000  }
0x206: {  	[sflag:s13] =	ssyncset.done $0x0  }
0x207: {  	s30 =	rddreg [dreg:$0x13];
	[sflag:s13] =	ssyncadd.s32 $0xFFFFF000  }
0x208: {  	[tilespmem:s9], [sflag:$0x1] =	stream.indirect.gather [hbm4b:s3+s7], $0x8, s30, s7, $0xb8;
	[tilespmem:$0x8400] =	vst v63  }
0x209: {  	s31 =	rddreg [dreg:$0x14]  }
0x20a: {  	[spmem:s2] =	stream.indirect.scatter.add.f32 [tilespmem:s8], [sflag:$0x4], $0x8, s31, s7, $0xb8;
	[tilespmem:$0x8400] =	vst v63  }
0x20b: {  	_ =	swait.ge [sflag:s11], $0x1000  }
0x20c: {  	[sflag:s11] =	ssyncset.done $0x0  }
0x20d: {  	[sflag:s11] =	ssyncadd.s32 $0xFFFFF000  }
0x20e: {  	_ =	swait.ge [sflag:s10], $0x1000  }
0x20f: {  	[sflag:s10] =	ssyncset.done $0x0  }
0x210: {  	s30 =	rddreg [dreg:$0x15];
	[sflag:s10] =	ssyncadd.s32 $0xFFFFF000  }
0x211: {  	[tilespmem:s8], [sflag:$0x2] =	stream.indirect.gather [hbm4b:s3+s7], $0x8, s30, s7, $0xb8;
	[tilespmem:$0x8400] =	vst v63  }
0x212: {  	s31 =	rddreg [dreg:$0x16]  }
0x213: {  	[spmem:s2] =	stream.indirect.scatter.add.f32 [tilespmem:s9], [sflag:$0x3], $0x8, s31, s7, $0xb8;
	[tilespmem:$0x8400] =	vst v63  }
0x214: {  	_ =	swait.ge [sflag:s12], $0x1000  }
0x215: {  	[sflag:s12] =	ssyncset.done $0x0  }
0x216: {  	[sflag:s12] =	ssyncadd.s32 $0xFFFFF000  }
0x217: {  	_ =	swait.ge [sflag:s13], $0x1000  }
0x218: {  	[sflag:s13] =	ssyncset.done $0x0  }
0x219: {  	s30 =	rddreg [dreg:$0x17];
	[sflag:s13] =	ssyncadd.s32 $0xFFFFF000  }
0x21a: {  	[tilespmem:s9], [sflag:$0x1] =	stream.indirect.gather [hbm4b:s3+s7], $0x8, s30, s7, $0xb8;
	[tilespmem:$0x8400] =	vst v63  }
0x21b: {  	s31 =	rddreg [dreg:$0x18]  }
0x21c: {  	[spmem:s2] =	stream.indirect.scatter.add.f32 [tilespmem:s8], [sflag:$0x4], $0x8, s31, s7, $0xb8;
	[tilespmem:$0x8400] =	vst v63  }
0x21d: {  	_ =	swait.ge [sflag:s11], $0x1000  }
0x21e: {  	[sflag:s11] =	ssyncset.done $0x0  }
0x21f: {  	[sflag:s11] =	ssyncadd.s32 $0xFFFFF000  }
0x220: {  	_ =	swait.ge [sflag:s10], $0x1000  }
0x221: {  	[sflag:s10] =	ssyncset.done $0x0  }
0x222: {  	s30 =	rddreg [dreg:$0x19];
	[sflag:s10] =	ssyncadd.s32 $0xFFFFF000  }
0x223: {  	[tilespmem:s8], [sflag:$0x2] =	stream.indirect.gather [hbm4b:s3+s7], $0x8, s30, s7, $0xb8;
	[tilespmem:$0x8400] =	vst v63  }
0x224: {  	s31 =	rddreg [dreg:$0x1a]  }
0x225: {  	[spmem:s2] =	stream.indirect.scatter.add.f32 [tilespmem:s9], [sflag:$0x3], $0x8, s31, s7, $0xb8;
	[tilespmem:$0x8400] =	vst v63  }
0x226: {  	_ =	swait.ge [sflag:s12], $0x1000  }
0x227: {  	[sflag:s12] =	ssyncset.done $0x0  }
0x228: {  	[sflag:s12] =	ssyncadd.s32 $0xFFFFF000  }
0x229: {  	_ =	swait.ge [sflag:s13], $0x1000  }
0x22a: {  	[sflag:s13] =	ssyncset.done $0x0  }
0x22b: {  	s30 =	rddreg [dreg:$0x1b];
	[sflag:s13] =	ssyncadd.s32 $0xFFFFF000  }
0x22c: {  	[tilespmem:s9], [sflag:$0x1] =	stream.indirect.gather [hbm4b:s3+s7], $0x8, s30, s7, $0xb8;
	[tilespmem:$0x8400] =	vst v63  }
0x22d: {  	s31 =	rddreg [dreg:$0x1c]  }
0x22e: {  	[spmem:s2] =	stream.indirect.scatter.add.f32 [tilespmem:s8], [sflag:$0x4], $0x8, s31, s7, $0xb8;
	[tilespmem:$0x8400] =	vst v63  }
0x22f: {  	_ =	swait.ge [sflag:s11], $0x1000  }
0x230: {  	[sflag:s11] =	ssyncset.done $0x0  }
0x231: {  	[sflag:s11] =	ssyncadd.s32 $0xFFFFF000  }
0x232: {  	_ =	swait.ge [sflag:s10], $0x1000  }
0x233: {  	[sflag:s10] =	ssyncset.done $0x0  }
0x234: {  	[sflag:s10] =	ssyncadd.s32 $0xFFFFF000  }
0x235: {  	[tilespmem:s8], [sflag:$0x2] =	stream.indirect.gather [hbm4b:s3+s7], $0x8, s29, s7, $0xb8;
	[tilespmem:$0x8400] =	vst v63  }
0x236: {  	_ = 	snop  }
0x237: {  	[spmem:s2] =	stream.indirect.scatter.add.f32 [tilespmem:s9], [sflag:$0x3], $0x8, s15, s7, $0xb8;
	[tilespmem:$0x8400] =	vst v63  }
0x238: {  	_ =	swait.ge [sflag:s12], $0x1000  }
0x239: {  	[sflag:s12] =	ssyncset.done $0x0  }
0x23a: {  	[sflag:s12] =	ssyncadd.s32 $0xFFFFF000  }
0x23b: {  	_ =	swait.ge [sflag:s13], $0x1000  }
0x23c: {  	[sflag:s13] =	ssyncset.done $0x0  }
0x23d: {  	[sflag:s13] =	ssyncadd.s32 $0xFFFFF000  }
0x23e: {  	[tilespmem:s9], [sflag:$0x1] =	stream.indirect.gather [hbm4b:s3+s7], $0x8, s26, s7, $0xb8;
	[tilespmem:$0x8400] =	vst v63  }
0x23f: {  	_ = 	snop  }
0x240: {  	[spmem:s2] =	stream.indirect.scatter.add.f32 [tilespmem:s8], [sflag:$0x4], $0x8, s28, s7, $0xb8;
	[tilespmem:$0x8400] =	vst v63  }
0x241: {  	_ =	swait.ge [sflag:s11], $0x1000  }
0x242: {  	[sflag:s11] =	ssyncset.done $0x0  }
0x243: {  	[sflag:s11] =	ssyncadd.s32 $0xFFFFF000  }
0x244: {  	_ =	swait.ge [sflag:s10], $0x1000  }
0x245: {  	[sflag:s10] =	ssyncset.done $0x0  }
0x246: {  	[sflag:s10] =	ssyncadd.s32 $0xFFFFF000  }
0x247: {  	[tilespmem:s8], [sflag:$0x2] =	stream.indirect.gather [hbm4b:s3+s7], $0x8, s24, s7, $0xb8;
	[tilespmem:$0x8400] =	vst v63  }
0x248: {  	_ = 	snop  }
0x249: {  	[spmem:s2] =	stream.indirect.scatter.add.f32 [tilespmem:s9], [sflag:$0x3], $0x8, s25, s7, $0xb8;
	[tilespmem:$0x8400] =	vst v63  }
0x24a: {  	_ =	swait.ge [sflag:s12], $0x1000  }
0x24b: {  	[sflag:s12] =	ssyncset.done $0x0  }
0x24c: {  	[sflag:s12] =	ssyncadd.s32 $0xFFFFF000  }
0x24d: {  	_ =	swait.ge [sflag:s13], $0x1000  }
0x24e: {  	[sflag:s13] =	ssyncset.done $0x0  }
0x24f: {  	[sflag:s13] =	ssyncadd.s32 $0xFFFFF000  }
0x250: {  	[tilespmem:s9], [sflag:$0x1] =	stream.indirect.gather [hbm4b:s3+s7], $0x8, s22, s7, $0xb8;
	[tilespmem:$0x8400] =	vst v63  }
0x251: {  	_ = 	snop  }
0x252: {  	[spmem:s2] =	stream.indirect.scatter.add.f32 [tilespmem:s8], [sflag:$0x4], $0x8, s23, s7, $0xb8;
	[tilespmem:$0x8400] =	vst v63  }
0x253: {  	_ =	swait.ge [sflag:s11], $0x1000  }
0x254: {  	[sflag:s11] =	ssyncset.done $0x0  }
0x255: {  	[sflag:s11] =	ssyncadd.s32 $0xFFFFF000  }
0x256: {  	_ =	swait.ge [sflag:s10], $0x1000  }
0x257: {  	[sflag:s10] =	ssyncset.done $0x0  }
0x258: {  	[sflag:s10] =	ssyncadd.s32 $0xFFFFF000  }
0x259: {  	[tilespmem:s8], [sflag:$0x2] =	stream.indirect.gather [hbm4b:s3+s7], $0x8, s20, s7, $0xb8;
	[tilespmem:$0x8400] =	vst v63  }
0x25a: {  	_ = 	snop  }
0x25b: {  	[spmem:s2] =	stream.indirect.scatter.add.f32 [tilespmem:s9], [sflag:$0x3], $0x8, s21, s7, $0xb8;
	[tilespmem:$0x8400] =	vst v63  }
0x25c: {  	_ =	swait.ge [sflag:s12], $0x1000  }
0x25d: {  	[sflag:s12] =	ssyncset.done $0x0  }
0x25e: {  	[sflag:s12] =	ssyncadd.s32 $0xFFFFF000  }
0x25f: {  	_ =	swait.ge [sflag:s13], $0x1000  }
0x260: {  	[sflag:s13] =	ssyncset.done $0x0  }
0x261: {  	[sflag:s13] =	ssyncadd.s32 $0xFFFFF000  }
0x262: {  	[tilespmem:s9], [sflag:$0x1] =	stream.indirect.gather [hbm4b:s3+s7], $0x8, s18, s7, $0xb8;
	[tilespmem:$0x8400] =	vst v63  }
0x263: {  	_ = 	snop  }
0x264: {  	[spmem:s2] =	stream.indirect.scatter.add.f32 [tilespmem:s8], [sflag:$0x4], $0x8, s19, s7, $0xb8;
	[tilespmem:$0x8400] =	vst v63  }
0x265: {  	_ =	swait.ge [sflag:s11], $0x1000  }
0x266: {  	[sflag:s11] =	ssyncset.done $0x0  }
0x267: {  	[sflag:s11] =	ssyncadd.s32 $0xFFFFF000  }
0x268: {  	_ =	swait.ge [sflag:s10], $0x1000  }
0x269: {  	[sflag:s10] =	ssyncset.done $0x0  }
0x26a: {  	[sflag:s10] =	ssyncadd.s32 $0xFFFFF000  }
0x26b: {  	[tilespmem:s8], [sflag:$0x2] =	stream.indirect.gather [hbm4b:s3+s7], $0x8, s16, s7, $0xb8;
	[tilespmem:$0x8400] =	vst v63  }
0x26c: {  	_ = 	snop  }
0x26d: {  	[spmem:s2] =	stream.indirect.scatter.add.f32 [tilespmem:s9], [sflag:$0x3], $0x8, s17, s7, $0xb8;
	[tilespmem:$0x8400] =	vst v63  }
0x26e: {  	_ =	swait.ge [sflag:s12], $0x1000  }
0x26f: {  	[sflag:s12] =	ssyncset.done $0x0  }
0x270: {  	[sflag:s12] =	ssyncadd.s32 $0xFFFFF000  }
0x271: {  	_ =	swait.ge [sflag:s13], $0x1000  }
0x272: {  	[sflag:s13] =	ssyncset.done $0x0  }
0x273: {  	s29 =	simm.s32 $0x4E00;
	[sflag:s13] =	ssyncadd.s32 $0xFFFFF000  }
0x274: {  	[spmem:s2] =	stream.indirect.scatter.add.f32 [tilespmem:s8], [sflag:$0x4], $0x8, s29, s7, $0xb8;
	[tilespmem:$0x8400] =	vst v63  }
0x275: {  	_ =	swait.ge [sflag:s11], $0x1000  }
0x276: {  	[sflag:s11] =	ssyncset.done $0x0  }
0x277: {  	[sflag:s11] =	ssyncadd.s32 $0xFFFFF000  }
0x278: {  	[bflag:$0x0] =	sbarrier.arrive $0xFFFF  }
0x279: {  	s30 =	rddreg [dreg:$0x6]  }
0x27a: {  	[hbm:s30], [sflag:s5] =	dma.local [spmem:s6], $0x280  }
0x27b: {  	_ =	swait.ge [sflag:s4], $0x280  }
0x27c: {  	[sflag:s4] =	ssyncset.done $0x0  }
0x27d: {  	[sflag:s4] =	ssyncadd.s32 $0xFFFFFD80  }
0x27e: {  	_ =	sfence.sel $0x180000  }
0x27f: {  	s31 =	stileid.u32;
	[bflag:$0x0] =	sbarrier.arrive $0xFFFF  }
0x280: {  	p0 =	sne.s32 s31, $0x0;
	_ =	strace $0x9000004D  }
0x281: {  	s0 =	sadd.s32 @!p0 $0x100000, s14;
	[bflag:$0x2] =	sbarrier.arrive $0xFFFF  }
0x282: {  	[sflag:s0] =	ssyncadd.tile.s32 @!p0 $0x1;
	_ =	shalt  }
.LBB2_1:
.Ltmp3:
0x283: {  	s15 =	simm.s32 $0x4000;
	s29 =	simm.s32 $0x1A00;
	(pc) =	sbr.rel .LBB2_6-.Ltmp3, $4  }
0x284: {  	s28 =	simm.s32 $0x4200;
	s26 =	simm.s32 $0x1C00;
	s25 =	simm.s32 $0x4400  }
0x285: {  	s24 =	simm.s32 $0x1E00;
	s23 =	simm.s32 $0x4600;
	s22 =	simm.s32 $0x2000  }
0x286: {  	s21 =	simm.s32 $0x4800;
	s20 =	simm.s32 $0x2200;
	s19 =	simm.s32 $0x4A00  }
0x287: {  	s18 =	simm.s32 $0x2400;
	s17 =	simm.s32 $0x4C00;
	s16 =	simm.s32 $0x2600  }
.LBB2_3:
0x288: {  	s15 =	simm.s32 $0x4000  }
.Ltmp4:
0x289: {  	s29 =	simm.s32 $0x1A00;
	s28 =	simm.s32 $0x4200;
	(pc) =	sbr.rel .LBB2_6-.Ltmp4, $4  }
0x28a: {  	s26 =	simm.s32 $0x1C00;
	s25 =	simm.s32 $0x4400;
	s24 =	simm.s32 $0x1E00  }
0x28b: {  	s23 =	simm.s32 $0x4600;
	s22 =	simm.s32 $0x2000;
	s21 =	simm.s32 $0x4800  }
0x28c: {  	s20 =	simm.s32 $0x2200;
	s19 =	simm.s32 $0x4A00;
	s18 =	simm.s32 $0x2400  }
0x28d: {  	s17 =	simm.s32 $0x4C00;
	s16 =	simm.s32 $0x2600;
	s14 =	rddreg [dreg:$0x2]  }
.Lfunc_end2:
_tile_overlayer_lowered:
.L_overlay_start_2:
0x28e: {  	(tag) =	ssettag $0x2  }
0x28f: {  	s0 =	rddreg [dreg:$0x0];
	s2 =	stileid.u32  }
0x290: {  	s1 =	rddreg [dreg:$0x1];
	p0 =	sne.s32 s2, $0x0  }
0x291: {  	s3 =	rddreg [dreg:$0x2];
	[bflag:$0x3] =	sbarrier.arrive $0xFFFF;
	s2 =	simm.s32 @!p0 $0x1C05  }
0x292: {  	[timem:s3], [sflag:s2] =	dma.local @!p0 [hbm:s0], s1  }
0x293: {  	s0 =	simm.s32 @!p0 $0x5  }
0x294: {  	_ =	swait.ge @!p0 [sflag:s0], s1  }
0x295: {  	s1 =	ssub.s32 @!p0 $0x0, s1;
	[sflag:s0] =	ssyncset.done @!p0 $0x0  }
0x296: {  	[sflag:s0] =	ssyncadd.s32 @!p0 s1  }
0x297: {  	[bflag:$0x3] =	sbarrier.arrive $0xFFFF  }
0x298: {  	_ =	shalt  }

// kernel: kernel.24.cloned.1.call-start
scs
__scs_entry_jumppad:
0x0: {  	(pc) =	sbr.rel $0x88, $3  }
0x1: {  	(tag) =	ssettag $0x0;
	lr =	simm.s32 $0x1  }
0x2: {  	[smem:$0x3F99] =	sst lr;
	_ =	strace $0xD0000000  }
0x3: {  	_ = 	snop  }
0x4: {  	_ = 	snop  }
0x5: {  	_ = 	snop  }
0x6: {  	_ = 	snop  }
0x7: {  	_ = 	snop  }
__scs_overlays_trampoline_lowered:
0x8: {  	[smem:$0x3FA8] =	sst s0  }
0x9: {  	[smem:$0x3FA9] =	sst s1  }
0xa: {  	[smem:$0x3FAA] =	sst s2  }
0xb: {  	[smem:$0x3FAB] =	sst s3  }
0xc: {  	[smem:$0x3FAC] =	sst s4  }
0xd: {  	[smem:$0x3FAD] =	sst s5  }
0xe: {  	[smem:$0x3FAE] =	sst s6  }
0xf: {  	[smem:$0x3FAF] =	sst s7  }
0x10: {  	[smem:$0x3FB0] =	sst s8  }
0x11: {  	[smem:$0x3FB1] =	sst s9;
	s0 =	simm.s32 @!p0 $0x0  }
0x12: {  	s1 =	sld [smem:$0x3F97];
	s0 =	simm.s32 @p0 $0x1  }
0x13: {  	[smem:$0x3FB2] =	sst s0;
	s0 =	simm.s32 @!p1 $0x0  }
0x14: {  	s2 =	sld [smem:$0x3F96];
	s0 =	simm.s32 @p1 $0x1  }
0x15: {  	[smem:$0x3FB3] =	sst s0;
	s0 =	simm.s32 @!p2 $0x0  }
0x16: {  	s3 =	sld [smem:$0x3FDB];
	s0 =	simm.s32 @p2 $0x1  }
0x17: {  	s4 =	simm.s32 $0x1BF5;
	[smem:$0x3FB5] =	sst s0  }
0x18: {  	s0 =	sld [smem:$0x3F98];
	_ =	swait.ge [sflag:s4], $0x0  }
0x19: {  	s7 =	sld [smem:$0x3F99]  }
0x1a: {  	s8 =	sadd.s32 $0xFFFFE003, lr  }
0x1b: {  	s9 =	sadd.s32 $0xFFFFFEF7, lr;
	s5 =	simm.s32 $0xFFFFFFFF;
	p2 =	slt.u32 s8, $0xFFFFF086  }
0x1c: {  	p1 =	slt.u32 s9, $0xF7A;
	s5 =	simm.s32 @!p2 $0x0  }
0x1d: {  	s5 =	simm.s32 @p1 $0x1;
	p0 =	seq.s32 s7, s2  }
0x1e: {  	s7 =	smul.u32 @!p0 $0xF7A, s2;
	p2 =	seq.s32 @!p0 s5, $0x0  }
0x1f: {  	s9 =	smul.u32 $0xF7A, s1;
	s8 =	simm.s32 @!p0 $0x1BF5;
	p2 =	por !p2, p0  }
0x20: {  	[sflag:s8] =	ssyncset.s32 @!p0 $0xFFFFF086;
	s6 =	sadd.s32 @!p0 s3, s7;
	s7 =	simm.s32 @!p0 $0x108  }
0x21: {  	s3 =	sadd.s32 s3, s9;
	s6 =	sadd.s32 @!p0 $0x88, s6;
	s7 =	simm.s32 @p2 $0x1082  }
0x22: {  	[simem:s7], [sflag:s8] =	dma.local @!p0 [hbm:s6], $0xF7A  }
0x23: {  	s9 =	sor.u32 $0xD0000000, s2;
	s6 =	simm.s32 $0x108;
	_ =	swait.ge @!p0 [sflag:s8], $0x0  }
0x24: {  	s3 =	sadd.s32 $0x88, s3;
	s6 =	simm.s32 @!p1 $0x1082;
	[sflag:s4] =	ssyncset.s32 $0xFFFFF086  }
0x25: {  	[simem:s6], [sflag:s4] =	dma.local [hbm:s3], $0xF7A  }
0x26: {  	[smem:$0x3F99] =	sst s1;
	(tag) =	ssettag s2;
	_ =	strace s9  }
0x27: {  	s1 =	sld [smem:$0x3FA9]  }
0x28: {  	s2 =	sld [smem:$0x3FAA]  }
0x29: {  	s4 =	sld [smem:$0x3FAC]  }
0x2a: {  	p0 =	seq.s32 s5, $0x0;
	s5 =	sld [smem:$0x3FAD]  }
0x2b: {  	s6 =	sld [smem:$0x3FAE]  }
0x2c: {  	s7 =	sld [smem:$0x3FAF]  }
0x2d: {  	s3 =	simm.s32 $0x108;
	s8 =	sld [smem:$0x3FB0]  }
0x2e: {  	s3 =	simm.s32 @!p0 $0x1082;
	s9 =	sld [smem:$0x3FB1]  }
0x2f: {  	lr =	sadd.s32 s0, s3;
	s0 =	sld [smem:$0x3FA8]  }
0x30: {  	s3 =	sld [smem:$0x3FAB]  }
0x31: {  	[smem:$0x3FB4] =	sst s10  }
0x32: {  	s10 =	sld [smem:$0x3FB2];
	_ =	sdelay $0x3  }
0x33: {  	p0 =	seq.s32 s10, $0x1;
	s10 =	sld [smem:$0x3FB4];
	_ =	sdelay $0x3  }
0x34: {  	[smem:$0x3FB4] =	sst s10  }
0x35: {  	s10 =	sld [smem:$0x3FB3];
	_ =	sdelay $0x3  }
0x36: {  	p1 =	seq.s32 s10, $0x1;
	s10 =	sld [smem:$0x3FB4];
	_ =	sdelay $0x3  }
0x37: {  	[smem:$0x3FB4] =	sst s10  }
0x38: {  	s10 =	sld [smem:$0x3FB5]  }
0x39: {  	_ = 	snop;
	(pc) =	sbr.ind lr, $3  }
0x3a: {  	_ = 	snop  }
0x3b: {  	_ = 	snop  }
0x3c: {  	p2 =	seq.s32 s10, $0x1;
	s10 =	sld [smem:$0x3FB4]  }
0x3d: {  	_ =	shalt  }
0x3e: {  	_ =	shalt  }
0x3f: {  	_ =	shalt  }
0x40: {  	_ =	shalt  }
0x41: {  	_ =	shalt  }
0x42: {  	_ =	shalt  }
0x43: {  	_ =	shalt  }
0x44: {  	_ =	shalt  }
0x45: {  	_ =	shalt  }
0x46: {  	_ =	shalt  }
0x47: {  	_ =	shalt  }
0x48: {  	_ =	shalt  }
0x49: {  	_ =	shalt  }
0x4a: {  	_ =	shalt  }
0x4b: {  	_ =	shalt  }
0x4c: {  	_ =	shalt  }
0x4d: {  	_ =	shalt  }
0x4e: {  	_ =	shalt  }
0x4f: {  	_ =	shalt  }
0x50: {  	_ =	shalt  }
0x51: {  	_ =	shalt  }
0x52: {  	_ =	shalt  }
0x53: {  	_ =	shalt  }
0x54: {  	_ =	shalt  }
0x55: {  	_ =	shalt  }
0x56: {  	_ =	shalt  }
0x57: {  	_ =	shalt  }
0x58: {  	_ =	shalt  }
0x59: {  	_ =	shalt  }
0x5a: {  	_ =	shalt  }
0x5b: {  	_ =	shalt  }
0x5c: {  	_ =	shalt  }
0x5d: {  	_ =	shalt  }
0x5e: {  	_ =	shalt  }
0x5f: {  	_ =	shalt  }
0x60: {  	_ =	shalt  }
0x61: {  	_ =	shalt  }
0x62: {  	_ =	shalt  }
0x63: {  	_ =	shalt  }
0x64: {  	_ =	shalt  }
0x65: {  	_ =	shalt  }
0x66: {  	_ =	shalt  }
0x67: {  	_ =	shalt  }
0x68: {  	_ =	shalt  }
0x69: {  	_ =	shalt  }
0x6a: {  	_ =	shalt  }
0x6b: {  	_ =	shalt  }
0x6c: {  	_ =	shalt  }
0x6d: {  	_ =	shalt  }
0x6e: {  	_ =	shalt  }
0x6f: {  	_ =	shalt  }
0x70: {  	_ =	shalt  }
0x71: {  	_ =	shalt  }
0x72: {  	_ =	shalt  }
0x73: {  	_ =	shalt  }
0x74: {  	_ =	shalt  }
0x75: {  	_ =	shalt  }
0x76: {  	_ =	shalt  }
0x77: {  	_ =	shalt  }
0x78: {  	_ =	shalt  }
0x79: {  	_ =	shalt  }
0x7a: {  	_ =	shalt  }
0x7b: {  	_ =	shalt  }
0x7c: {  	_ =	shalt  }
0x7d: {  	_ =	shalt  }
0x7e: {  	_ =	shalt  }
0x7f: {  	_ =	shalt  }
0x80: {  	_ =	shalt  }
0x81: {  	_ =	shalt  }
0x82: {  	_ =	shalt  }
0x83: {  	_ =	shalt  }
0x84: {  	_ =	shalt  }
0x85: {  	_ =	shalt  }
0x86: {  	_ =	shalt  }
0x87: {  	_ =	shalt  }
.Lfunc_end0:
.L_simem_size_0:
called_computation.4_lowered:
.L_overlay_start_0:
0x88: {  	s2 =	sld [smem:$0x3FD9]  }
0x89: {  	s3 =	sld [smem:$0x3FFE];
	_ =	sdelay $0x1  }
0x8a: {  	s1 =	srdreg.scid  }
0x8b: {  	s0 =	sand.u32 $0x1, s1  }
0x8c: {  	s17 =	sshll.u32 s0, $0xA;
	s2 =	sadd.s32 s3, s2  }
0x8d: {  	s2 =	sadd.s32 s2, s17  }
0x8e: {  	[smem:$0x3FC0] =	sst s2  }
0x8f: {  	_ = 	snop  }
0x90: {  	(tm) =	ssettm $0x1  }
0x91: {  	s18 =	sld [smem:$0x3FFB];
	_ =	sdelay $0x3  }
0x92: {  	_ =	strace s18  }
0x93: {  	s2 =	sld [smem:$0x3FFC];
	_ =	sdelay $0x3  }
0x94: {  	_ =	strace s2  }
0x95: {  	s2 =	sld [smem:$0x3FFD];
	_ =	sdelay $0x3  }
0x96: {  	_ =	strace s2  }
0x97: {  	_ =	strace $0x8FFFFFFF  }
0x98: {  	s19 =	sld [smem:$0x3FDB];
	_ =	sdelay $0x1  }
0x99: {  	s20 =	simm.s32 $_scs_section_size  }
0x9a: {  	s4 =	simm.s32 $_size__tile_overlayer_lowered;
	s5 =	simm.s32 $_tile_overlayer_lowered  }
0x9b: {  	s6 =	simm.s32 $0x1BFF;
	s21 =	sshll.u32 s5, $0x1;
	s3 =	sadd.s32 s20, s19  }
0x9c: {  	s22 =	simm.s32 $0x0;
	s4 =	sshll.u32 s4, $0x1;
	s5 =	sadd.s32 s21, s3  }
0x9d: {  	[timem:s22], [sflag:s6] =	dma.local [hbm:s5], s4  }
0x9e: {  	_ =	swait.ge [sflag:s6], s4  }
0x9f: {  	s4 =	ssub.s32 $0x0, s4;
	[sflag:s6] =	ssyncset.done $0x0  }
0xa0: {  	[sflag:s6] =	ssyncadd.s32 s4;
	_ =	sdelay $0x1  }
0xa1: {  	s23 =	simm.s32 $0x1B8B  }
0xa2: {  	_ =	swait.ge [sflag:s23], $0x1  }
0xa3: {  	[sflag:s23] =	ssyncset.done $0x0  }
0xa4: {  	[sflag:s23] =	ssyncadd.s32 $0xFFFFFFFF  }
0xa5: {  	s4 =	sld [smem:$0x0]  }
0xa6: {  	s5 =	sand.u32 $0xFFFFFFFE, s1  }
0xa7: {  	p0 =	sne.s32 s1, s5  }
0xa8: {  	s5 =	sshll.u32 @p0 s5, $0xE  }
0xa9: {  	s5 =	sadd.s32 @p0 $0x11B8D, s5;
	s6 =	sshll.u32 @p0 s4, $0x11  }
0xaa: {  	s5 =	sor.u32 @p0 s6, s5  }
0xab: {  	[sflag:s5] =	ssyncadd.remote.s32 @p0 $0x1;
	_ =	sdelay $0x1  }
0xac: {  	s5 =	simm.s32 @p0 $0x1B8D  }
0xad: {  	_ =	swait.eq @p0 [sflag:s5], $0x1  }
0xae: {  	[sflag:s5] =	ssyncadd.s32 @p0 $0xFFFFFFFF  }
0xaf: {  	s6 =	sshll.u32 @!p0 s1, $0xE  }
0xb0: {  	s6 =	sor.u32 @!p0 $0x4000, s6;
	s5 =	simm.s32 @!p0 $0x1B8D  }
0xb1: {  	s4 =	sshll.u32 @!p0 s4, $0x11;
	s6 =	sadd.s32 @!p0 $0x11B8D, s6;
	_ =	swait.eq @!p0 [sflag:s5], $0x1  }
0xb2: {  	s4 =	sor.u32 @!p0 s4, s6;
	[sflag:s5] =	ssyncadd.s32 @!p0 $0xFFFFFFFF  }
0xb3: {  	s25 =	simm.s32 $0x1B8E;
	s24 =	sld [smem:$0x3FFE];
	[sflag:s4] =	ssyncadd.remote.s32 @!p0 $0x1  }
0xb4: {  	s26 =	simm.s32 $execute0_lowered;
	[smem:$0x3FD2] =	sst s25  }
0xb5: {  	s5 =	sshll.u32 s26, $0x1;
	_ =	strace $0x80000052;
	[dreg:$0x1] =	wrdreg $0xFFFFFFFF  }
0xb6: {  	s28 =	simm.s32 $_size_execute0_lowered;
	s3 =	sadd.s32 s3, s5;
	[dreg:$0x0] =	wrdreg $0x0  }
0xb7: {  	s5 =	sshll.u32 s28, $0x1;
	[dreg:$0x2] =	wrdreg s3  }
0xb8: {  	[dreg:$0x3] =	wrdreg s5  }
0xb9: {  	[dreg:$0x4] =	wrdreg $0xC0  }
0xba: {  	_ =	task [dreg:s22], $0x5FFFF  }
0xbb: {  	[dreg:$0x1] =	wrdreg $0xFFFFFFFF  }
0xbc: {  	[dreg:$0x0] =	wrdreg $0x60  }
0xbd: {  	[dreg:$0x2] =	wrdreg s24  }
0xbe: {  	[dreg:$0x3] =	wrdreg $0x70000  }
0xbf: {  	[dreg:$0x4] =	wrdreg $0xA  }
0xc0: {  	_ =	task.clear_ibuf [dreg:s22], $0x5FFFF;
	_ =	strace $0x90000052  }
0xc1: {  	s29 =	simm.s32 $0xA;
	_ =	strace $0x80000054  }
0xc2: {  	_ =	swait.ge [sflag:s29], $0x1  }
0xc3: {  	[sflag:s29] =	ssyncadd.s32 $0xFFFFFFFF  }
0xc4: {  	_ =	strace $0x90000054  }
0xc5: {  	_ =	sfence  }
0xc6: {  	s30 =	sld [smem:$0x0];
	_ =	sdelay $0x2  }
0xc7: {  	s31 =	sshll.u32 s1, $0xD;
	s1 =	sshrl.u32 s1, $0x2  }
0xc8: {  	s4 =	sand.u32 $0x4000, s31;
	s1 =	sadd.s32 s1, s30  }
0xc9: {  	s0 =	sor.u32 s4, s0;
	s1 =	sshll.u32 s1, $0x11  }
0xca: {  	s0 =	sor.u32 s1, s0  }
0xcb: {  	s0 =	sadd.s32 $0x8F2B, s0  }
0xcc: {  	[sflag:s0] =	ssyncadd.remote.s32 $0x1  }
0xcd: {  	_ =	sfence.sel $0xFFFF  }
0xce: {  	[dreg:$0x0] =	wrdreg $0xFFFFFFFF;
	(pc) =	sbr.abs _section_cstart, $3  }
0xcf: {  	[dreg:$0x1] =	wrdreg $0xFFFFFFFF  }
0xd0: {  	_ =	task.clear_ibuf [dreg:s22], $0x2FFFF;
	_ =	strace $0x9FFFFFFF  }
0xd1: {  	(tm) =	ssettm $0x7FFFFFFF  }
tec
execute0_lowered:
.L_overlay_start_1:
0x0: {  	(tag) =	ssettag $0x1  }
0x1: {  	s1 =	rddreg [dreg:$0x0]  }
0x2: {  	s2 =	rddreg [dreg:$0x1]  }
0x3: {  	s14 =	rddreg [dreg:$0x2];
	s30 =	simm.s32 $0x0  }
0x4: {  	[smem:$0x7FF] =	sst s30;
	s5 =	sadd.s32 $0x22600, s1  }
0x5: {  	s19 =	simm.s32 $0x400;
	_ =	strace $0x80000053;
	[dreg:$0x3] =	wrdreg s5  }
0x6: {  	s0 =	srdreg.scid;
	s20 =	simm.s32 $0x2A00;
	[dreg:$0x7] =	wrdreg s19  }
0x7: {  	s7 =	stileid.u32;
	s21 =	simm.s32 $0x600;
	[dreg:$0x8] =	wrdreg s20  }
0x8: {  	s22 =	simm.s32 $0x2C00;
	s23 =	simm.s32 $0x800;
	[dreg:$0x9] =	wrdreg s21  }
0x9: {  	s25 =	simm.s32 $0x2E00;
	s8 =	simm.s32 $0x3000;
	[dreg:$0xa] =	wrdreg s22  }
0xa: {  	s10 =	simm.s32 $0xC00;
	s12 =	simm.s32 $0x3200;
	[dreg:$0xb] =	wrdreg s23  }
0xb: {  	s13 =	simm.s32 $0xE00;
	s15 =	simm.s32 $0x3400;
	[dreg:$0xc] =	wrdreg s25  }
0xc: {  	s31 =	simm.s32 $0x2800;
	s16 =	simm.s32 $0x1000;
	[dreg:$0xe] =	wrdreg s8  }
0xd: {  	s29 =	simm.s32 $0x1A00;
	s28 =	simm.s32 $0x4200;
	[dreg:$0xf] =	wrdreg s10  }
0xe: {  	p0 =	por $0x0, $0x0;
	s4 =	smul.u32 $0x280, s7;
	[dreg:$0x10] =	wrdreg s12  }
0xf: {  	s0 =	sand.u32 $0x1, s0;
	s26 =	smul.u32 $0x5000, s7;
	[dreg:$0x11] =	wrdreg s13  }
0x10: {  	s3 =	sshll.u32 s0, $0x4;
	s6 =	smul.u32 $0x2800, s0;
	[dreg:$0x12] =	wrdreg s15  }
0x11: {  	s0 =	ssub.s32 $0x2, s0;
	[dreg:$0x13] =	wrdreg s16;
	s19 =	simm.s32 $0x1200  }
0x12: {  	s20 =	simm.s32 $0x3800;
	s21 =	simm.s32 $0x1400;
	s22 =	simm.s32 $0x3A00  }
0x13: {  	s10 =	simm.s32 $0x1;
	s23 =	simm.s32 $0x1600;
	[dreg:$0x15] =	wrdreg s19  }
0x14: {  	s8 =	simm.s32 $0x6000;
	s12 =	simm.s32 $0x2;
	[dreg:$0x16] =	wrdreg s20  }
0x15: {  	s25 =	simm.s32 $0x1800;
	s13 =	simm.s32 $0x3;
	[dreg:$0x17] =	wrdreg s21  }
0x16: {  	s16 =	simm.s32 $0x2600;
	s15 =	simm.s32 $0x4E00;
	[dreg:$0x18] =	wrdreg s22  }
0x17: {  	s3 =	sor.u32 s7, s3;
	s4 =	sadd.s32 s4, s1;
	[dreg:$0x19] =	wrdreg s23  }
0x18: {  	s24 =	sshrl.u32 s0, $0x1;
	s9 =	sshrl.u32 s26, $0x2;
	[dreg:$0x1b] =	wrdreg s25  }
0x19: {  	s26 =	simm.s32 $0x3E00;
	s20 =	simm.s32 $0x4000;
	s25 =	simm.s32 $0x4400  }
0x1a: {  	s22 =	simm.s32 $0x2000;
	s23 =	simm.s32 $0x4600;
	s21 =	simm.s32 $0x4800  }
0x1b: {  	s19 =	simm.s32 $0x4A00;
	s3 =	smul.u32 $0x500, s3;
	s4 =	sadd.s32 s6, s4  }
0x1c: {  	s6 =	simm.s32 $0xA00;
	s0 =	ssub.s32 s0, s24;
	s11 =	sadd.s32 s9, s2  }
0x1d: {  	s9 =	simm.s32 $0x5000;
	s24 =	simm.s32 $0x3C00;
	[dreg:$0x1c] =	wrdreg s26  }
0x1e: {  	s26 =	simm.s32 $0x1C00;
	s18 =	sadd.s32 $0x18600, s4;
	[dreg:$0xd] =	wrdreg s6  }
0x1f: {  	s0 =	smax.u32 s0, $0x1;
	s4 =	simm.s32 $0x5;
	s6 =	sshrl.u32 s11, $0x3  }
0x20: {  	[dreg:$0x1a] =	wrdreg s24;
	s11 =	simm.s32 $0x4;
	s3 =	sadd.s32 s3, s1  }
0x21: {  	[dreg:$0x6] =	wrdreg s18;
	s18 =	simm.s32 $0x3600;
	p1 =	sne.s32 s0, $0x1  }
.Ltmp0:
0x22: {  	s17 =	sadd.s32 $0xE600, s3;
	[dreg:$0x14] =	wrdreg s18;
	(pc) =	sbr.rel @!p1 .LBB2_1-.Ltmp0, $4  }
0x23: {  	s24 =	simm.s32 $0x1E00;
	s3 =	sadd.s32 $0x4600, s3;
	[dreg:$0x4] =	wrdreg s17  }
0x24: {  	s0 =	sadd.s32 $0xFFFFFFFF, s0;
	s18 =	simm.s32 $0x2400;
	[dreg:$0x5] =	wrdreg s3  }
0x25: {  	s3 =	sadd.s32 $0x22A00, s1;
	s17 =	sshll.u32 s7, $0x6;
	s7 =	simm.s32 $0x200  }
0x26: {  	s5 =	sor.u32 $0x1C05, s17;
	s17 =	simm.s32 $0x4C00;
	s1 =	rddreg [dreg:$0x4]  }
0x27: {  	[tilespmem:s30], [sflag:$0x5] =	stream.linear.gather [hbm4b:s1+s30], $0x2800, $0x38;
	[tilespmem:$0x8400] =	vst v63  }
0x28: {  	_ =	swait.ge [sflag:s4], $0x2800  }
0x29: {  	[sflag:s4] =	ssyncset.done $0x0  }
0x2a: {  	s14 =	rddreg [dreg:$0x5];
	[sflag:s4] =	ssyncadd.s32 $0xFFFFD800  }
0x2b: {  	[tilespmem:s31], [sflag:$0x5] =	stream.linear.gather [hbm4b:s14+s30], $0x2800, $0x38;
	[tilespmem:$0x8400] =	vst v63  }
0x2c: {  	_ =	swait.ge [sflag:s4], $0x2800  }
0x2d: {  	[sflag:s4] =	ssyncset.done $0x0  }
0x2e: {  	s14 =	rddreg [dreg:$0x3];
	[sflag:s4] =	ssyncadd.s32 $0xFFFFD800  }
0x2f: {  	[spmem:s6], [sflag:s5] =	dma.local [hbm:s14], $0x280  }
0x30: {  	_ =	swait.ge [sflag:s4], $0x280  }
0x31: {  	[sflag:s4] =	ssyncset.done $0x0  }
0x32: {  	[sflag:s4] =	ssyncadd.s32 $0xFFFFFD80  }
0x33: {  	[bflag:$0x0] =	sbarrier.arrive $0xFFFF  }
0x34: {  	[tilespmem:s9], [sflag:$0x1] =	stream.indirect.gather [hbm4b:s3+s7], $0x8, s30, s7, $0xb8;
	[tilespmem:$0x8400] =	vst v63  }
0x35: {  	_ =	swait.ge [sflag:s10], $0x1000  }
0x36: {  	[sflag:s10] =	ssyncset.done $0x0  }
0x37: {  	[sflag:s10] =	ssyncadd.s32 $0xFFFFF000  }
0x38: {  	[tilespmem:s8], [sflag:$0x2] =	stream.indirect.gather [hbm4b:s3+s7], $0x8, s7, s7, $0xb8;
	[tilespmem:$0x8400] =	vst v63  }
0x39: {  	_ = 	snop  }
0x3a: {  	[spmem:s2] =	stream.indirect.scatter.add.f32 [tilespmem:s9], [sflag:$0x3], $0x8, s31, s7, $0xb8;
	[tilespmem:$0x8400] =	vst v63  }
0x3b: {  	_ =	swait.ge [sflag:s12], $0x1000  }
0x3c: {  	[sflag:s12] =	ssyncset.done $0x0  }
0x3d: {  	[sflag:s12] =	ssyncadd.s32 $0xFFFFF000  }
0x3e: {  	_ =	swait.ge [sflag:s13], $0x1000  }
0x3f: {  	[sflag:s13] =	ssyncset.done $0x0  }
0x40: {  	s1 =	rddreg [dreg:$0x7];
	[sflag:s13] =	ssyncadd.s32 $0xFFFFF000  }
0x41: {  	[tilespmem:s9], [sflag:$0x1] =	stream.indirect.gather [hbm4b:s3+s7], $0x8, s1, s7, $0xb8;
	[tilespmem:$0x8400] =	vst v63  }
0x42: {  	s14 =	smov.u32 s0;
	s0 =	rddreg [dreg:$0x8]  }
0x43: {  	[spmem:s2] =	stream.indirect.scatter.add.f32 [tilespmem:s8], [sflag:$0x4], $0x8, s0, s7, $0xb8;
	[tilespmem:$0x8400] =	vst v63  }
0x44: {  	_ =	swait.ge [sflag:s11], $0x1000  }
0x45: {  	[sflag:s11] =	ssyncset.done $0x0  }
0x46: {  	[sflag:s11] =	ssyncadd.s32 $0xFFFFF000  }
0x47: {  	_ =	swait.ge [sflag:s10], $0x1000  }
0x48: {  	[sflag:s10] =	ssyncset.done $0x0  }
0x49: {  	s0 =	rddreg [dreg:$0x9];
	[sflag:s10] =	ssyncadd.s32 $0xFFFFF000  }
0x4a: {  	[tilespmem:s8], [sflag:$0x2] =	stream.indirect.gather [hbm4b:s3+s7], $0x8, s0, s7, $0xb8;
	[tilespmem:$0x8400] =	vst v63  }
0x4b: {  	s1 =	rddreg [dreg:$0xa]  }
0x4c: {  	[spmem:s2] =	stream.indirect.scatter.add.f32 [tilespmem:s9], [sflag:$0x3], $0x8, s1, s7, $0xb8;
	[tilespmem:$0x8400] =	vst v63  }
0x4d: {  	_ =	swait.ge [sflag:s12], $0x1000  }
0x4e: {  	[sflag:s12] =	ssyncset.done $0x0  }
0x4f: {  	[sflag:s12] =	ssyncadd.s32 $0xFFFFF000  }
0x50: {  	_ =	swait.ge [sflag:s13], $0x1000  }
0x51: {  	[sflag:s13] =	ssyncset.done $0x0  }
0x52: {  	s0 =	rddreg [dreg:$0xb];
	[sflag:s13] =	ssyncadd.s32 $0xFFFFF000  }
0x53: {  	[tilespmem:s9], [sflag:$0x1] =	stream.indirect.gather [hbm4b:s3+s7], $0x8, s0, s7, $0xb8;
	[tilespmem:$0x8400] =	vst v63  }
0x54: {  	s1 =	rddreg [dreg:$0xc]  }
0x55: {  	[spmem:s2] =	stream.indirect.scatter.add.f32 [tilespmem:s8], [sflag:$0x4], $0x8, s1, s7, $0xb8;
	[tilespmem:$0x8400] =	vst v63  }
0x56: {  	_ =	swait.ge [sflag:s11], $0x1000  }
0x57: {  	[sflag:s11] =	ssyncset.done $0x0  }
0x58: {  	[sflag:s11] =	ssyncadd.s32 $0xFFFFF000  }
0x59: {  	_ =	swait.ge [sflag:s10], $0x1000  }
0x5a: {  	[sflag:s10] =	ssyncset.done $0x0  }
0x5b: {  	s0 =	rddreg [dreg:$0xd];
	[sflag:s10] =	ssyncadd.s32 $0xFFFFF000  }
0x5c: {  	[tilespmem:s8], [sflag:$0x2] =	stream.indirect.gather [hbm4b:s3+s7], $0x8, s0, s7, $0xb8;
	[tilespmem:$0x8400] =	vst v63  }
0x5d: {  	s1 =	rddreg [dreg:$0xe]  }
0x5e: {  	[spmem:s2] =	stream.indirect.scatter.add.f32 [tilespmem:s9], [sflag:$0x3], $0x8, s1, s7, $0xb8;
	[tilespmem:$0x8400] =	vst v63  }
0x5f: {  	_ =	swait.ge [sflag:s12], $0x1000  }
0x60: {  	[sflag:s12] =	ssyncset.done $0x0  }
0x61: {  	[sflag:s12] =	ssyncadd.s32 $0xFFFFF000  }
0x62: {  	_ =	swait.ge [sflag:s13], $0x1000  }
0x63: {  	[sflag:s13] =	ssyncset.done $0x0  }
0x64: {  	s0 =	rddreg [dreg:$0xf];
	[sflag:s13] =	ssyncadd.s32 $0xFFFFF000  }
0x65: {  	[tilespmem:s9], [sflag:$0x1] =	stream.indirect.gather [hbm4b:s3+s7], $0x8, s0, s7, $0xb8;
	[tilespmem:$0x8400] =	vst v63  }
0x66: {  	s1 =	rddreg [dreg:$0x10]  }
0x67: {  	[spmem:s2] =	stream.indirect.scatter.add.f32 [tilespmem:s8], [sflag:$0x4], $0x8, s1, s7, $0xb8;
	[tilespmem:$0x8400] =	vst v63  }
0x68: {  	_ =	swait.ge [sflag:s11], $0x1000  }
0x69: {  	[sflag:s11] =	ssyncset.done $0x0  }
0x6a: {  	[sflag:s11] =	ssyncadd.s32 $0xFFFFF000  }
0x6b: {  	_ =	swait.ge [sflag:s10], $0x1000  }
0x6c: {  	[sflag:s10] =	ssyncset.done $0x0  }
0x6d: {  	s0 =	rddreg [dreg:$0x11];
	[sflag:s10] =	ssyncadd.s32 $0xFFFFF000  }
0x6e: {  	[tilespmem:s8], [sflag:$0x2] =	stream.indirect.gather [hbm4b:s3+s7], $0x8, s0, s7, $0xb8;
	[tilespmem:$0x8400] =	vst v63  }
0x6f: {  	s1 =	rddreg [dreg:$0x12]  }
0x70: {  	[spmem:s2] =	stream.indirect.scatter.add.f32 [tilespmem:s9], [sflag:$0x3], $0x8, s1, s7, $0xb8;
	[tilespmem:$0x8400] =	vst v63  }
0x71: {  	_ =	swait.ge [sflag:s12], $0x1000  }
0x72: {  	[sflag:s12] =	ssyncset.done $0x0  }
0x73: {  	[sflag:s12] =	ssyncadd.s32 $0xFFFFF000  }
0x74: {  	_ =	swait.ge [sflag:s13], $0x1000  }
0x75: {  	[sflag:s13] =	ssyncset.done $0x0  }
0x76: {  	s0 =	rddreg [dreg:$0x13];
	[sflag:s13] =	ssyncadd.s32 $0xFFFFF000  }
0x77: {  	[tilespmem:s9], [sflag:$0x1] =	stream.indirect.gather [hbm4b:s3+s7], $0x8, s0, s7, $0xb8;
	[tilespmem:$0x8400] =	vst v63  }
0x78: {  	s1 =	rddreg [dreg:$0x14]  }
0x79: {  	[spmem:s2] =	stream.indirect.scatter.add.f32 [tilespmem:s8], [sflag:$0x4], $0x8, s1, s7, $0xb8;
	[tilespmem:$0x8400] =	vst v63  }
0x7a: {  	_ =	swait.ge [sflag:s11], $0x1000  }
0x7b: {  	[sflag:s11] =	ssyncset.done $0x0  }
0x7c: {  	[sflag:s11] =	ssyncadd.s32 $0xFFFFF000  }
0x7d: {  	_ =	swait.ge [sflag:s10], $0x1000  }
0x7e: {  	[sflag:s10] =	ssyncset.done $0x0  }
0x7f: {  	s0 =	rddreg [dreg:$0x15];
	[sflag:s10] =	ssyncadd.s32 $0xFFFFF000  }
0x80: {  	[tilespmem:s8], [sflag:$0x2] =	stream.indirect.gather [hbm4b:s3+s7], $0x8, s0, s7, $0xb8;
	[tilespmem:$0x8400] =	vst v63  }
0x81: {  	s1 =	rddreg [dreg:$0x16]  }
0x82: {  	[spmem:s2] =	stream.indirect.scatter.add.f32 [tilespmem:s9], [sflag:$0x3], $0x8, s1, s7, $0xb8;
	[tilespmem:$0x8400] =	vst v63  }
0x83: {  	_ =	swait.ge [sflag:s12], $0x1000  }
0x84: {  	[sflag:s12] =	ssyncset.done $0x0  }
0x85: {  	[sflag:s12] =	ssyncadd.s32 $0xFFFFF000  }
0x86: {  	_ =	swait.ge [sflag:s13], $0x1000  }
0x87: {  	[sflag:s13] =	ssyncset.done $0x0  }
0x88: {  	s0 =	rddreg [dreg:$0x17];
	[sflag:s13] =	ssyncadd.s32 $0xFFFFF000  }
0x89: {  	[tilespmem:s9], [sflag:$0x1] =	stream.indirect.gather [hbm4b:s3+s7], $0x8, s0, s7, $0xb8;
	[tilespmem:$0x8400] =	vst v63  }
0x8a: {  	s1 =	rddreg [dreg:$0x18]  }
0x8b: {  	[spmem:s2] =	stream.indirect.scatter.add.f32 [tilespmem:s8], [sflag:$0x4], $0x8, s1, s7, $0xb8;
	[tilespmem:$0x8400] =	vst v63  }
0x8c: {  	_ =	swait.ge [sflag:s11], $0x1000  }
0x8d: {  	[sflag:s11] =	ssyncset.done $0x0  }
0x8e: {  	[sflag:s11] =	ssyncadd.s32 $0xFFFFF000  }
0x8f: {  	_ =	swait.ge [sflag:s10], $0x1000  }
0x90: {  	[sflag:s10] =	ssyncset.done $0x0  }
0x91: {  	s0 =	rddreg [dreg:$0x19];
	[sflag:s10] =	ssyncadd.s32 $0xFFFFF000  }
0x92: {  	[tilespmem:s8], [sflag:$0x2] =	stream.indirect.gather [hbm4b:s3+s7], $0x8, s0, s7, $0xb8;
	[tilespmem:$0x8400] =	vst v63  }
0x93: {  	s1 =	rddreg [dreg:$0x1a]  }
0x94: {  	[spmem:s2] =	stream.indirect.scatter.add.f32 [tilespmem:s9], [sflag:$0x3], $0x8, s1, s7, $0xb8;
	[tilespmem:$0x8400] =	vst v63  }
0x95: {  	_ =	swait.ge [sflag:s12], $0x1000  }
0x96: {  	[sflag:s12] =	ssyncset.done $0x0  }
0x97: {  	[sflag:s12] =	ssyncadd.s32 $0xFFFFF000  }
0x98: {  	_ =	swait.ge [sflag:s13], $0x1000  }
0x99: {  	[sflag:s13] =	ssyncset.done $0x0  }
0x9a: {  	s0 =	rddreg [dreg:$0x1b];
	[sflag:s13] =	ssyncadd.s32 $0xFFFFF000  }
0x9b: {  	[tilespmem:s9], [sflag:$0x1] =	stream.indirect.gather [hbm4b:s3+s7], $0x8, s0, s7, $0xb8;
	[tilespmem:$0x8400] =	vst v63  }
0x9c: {  	s1 =	rddreg [dreg:$0x1c]  }
0x9d: {  	[spmem:s2] =	stream.indirect.scatter.add.f32 [tilespmem:s8], [sflag:$0x4], $0x8, s1, s7, $0xb8;
	[tilespmem:$0x8400] =	vst v63  }
0x9e: {  	_ =	swait.ge [sflag:s11], $0x1000  }
0x9f: {  	[sflag:s11] =	ssyncset.done $0x0  }
0xa0: {  	[sflag:s11] =	ssyncadd.s32 $0xFFFFF000  }
0xa1: {  	_ =	swait.ge [sflag:s10], $0x1000  }
0xa2: {  	[sflag:s10] =	ssyncset.done $0x0  }
0xa3: {  	[sflag:s10] =	ssyncadd.s32 $0xFFFFF000  }
0xa4: {  	[tilespmem:s8], [sflag:$0x2] =	stream.indirect.gather [hbm4b:s3+s7], $0x8, s29, s7, $0xb8;
	[tilespmem:$0x8400] =	vst v63  }
0xa5: {  	_ = 	snop  }
0xa6: {  	[spmem:s2] =	stream.indirect.scatter.add.f32 [tilespmem:s9], [sflag:$0x3], $0x8, s20, s7, $0xb8;
	[tilespmem:$0x8400] =	vst v63  }
0xa7: {  	_ =	swait.ge [sflag:s12], $0x1000  }
0xa8: {  	[sflag:s12] =	ssyncset.done $0x0  }
0xa9: {  	[sflag:s12] =	ssyncadd.s32 $0xFFFFF000  }
0xaa: {  	_ =	swait.ge [sflag:s13], $0x1000  }
0xab: {  	[sflag:s13] =	ssyncset.done $0x0  }
0xac: {  	[sflag:s13] =	ssyncadd.s32 $0xFFFFF000  }
0xad: {  	[tilespmem:s9], [sflag:$0x1] =	stream.indirect.gather [hbm4b:s3+s7], $0x8, s26, s7, $0xb8;
	[tilespmem:$0x8400] =	vst v63  }
0xae: {  	_ = 	snop  }
0xaf: {  	[spmem:s2] =	stream.indirect.scatter.add.f32 [tilespmem:s8], [sflag:$0x4], $0x8, s28, s7, $0xb8;
	[tilespmem:$0x8400] =	vst v63  }
0xb0: {  	_ =	swait.ge [sflag:s11], $0x1000  }
0xb1: {  	[sflag:s11] =	ssyncset.done $0x0  }
0xb2: {  	[sflag:s11] =	ssyncadd.s32 $0xFFFFF000  }
0xb3: {  	_ =	swait.ge [sflag:s10], $0x1000  }
0xb4: {  	[sflag:s10] =	ssyncset.done $0x0  }
0xb5: {  	[sflag:s10] =	ssyncadd.s32 $0xFFFFF000  }
0xb6: {  	[tilespmem:s8], [sflag:$0x2] =	stream.indirect.gather [hbm4b:s3+s7], $0x8, s24, s7, $0xb8;
	[tilespmem:$0x8400] =	vst v63  }
0xb7: {  	_ = 	snop  }
0xb8: {  	[spmem:s2] =	stream.indirect.scatter.add.f32 [tilespmem:s9], [sflag:$0x3], $0x8, s25, s7, $0xb8;
	[tilespmem:$0x8400] =	vst v63  }
0xb9: {  	_ =	swait.ge [sflag:s12], $0x1000  }
0xba: {  	[sflag:s12] =	ssyncset.done $0x0  }
0xbb: {  	[sflag:s12] =	ssyncadd.s32 $0xFFFFF000  }
0xbc: {  	_ =	swait.ge [sflag:s13], $0x1000  }
0xbd: {  	[sflag:s13] =	ssyncset.done $0x0  }
0xbe: {  	[sflag:s13] =	ssyncadd.s32 $0xFFFFF000  }
0xbf: {  	[tilespmem:s9], [sflag:$0x1] =	stream.indirect.gather [hbm4b:s3+s7], $0x8, s22, s7, $0xb8;
	[tilespmem:$0x8400] =	vst v63  }
0xc0: {  	_ = 	snop  }
0xc1: {  	[spmem:s2] =	stream.indirect.scatter.add.f32 [tilespmem:s8], [sflag:$0x4], $0x8, s23, s7, $0xb8;
	[tilespmem:$0x8400] =	vst v63  }
0xc2: {  	_ =	swait.ge [sflag:s11], $0x1000  }
0xc3: {  	[sflag:s11] =	ssyncset.done $0x0  }
0xc4: {  	[sflag:s11] =	ssyncadd.s32 $0xFFFFF000  }
0xc5: {  	_ =	swait.ge [sflag:s10], $0x1000  }
0xc6: {  	[sflag:s10] =	ssyncset.done $0x0  }
0xc7: {  	s1 =	simm.s32 $0x2200;
	[sflag:s10] =	ssyncadd.s32 $0xFFFFF000  }
0xc8: {  	[tilespmem:s8], [sflag:$0x2] =	stream.indirect.gather [hbm4b:s3+s7], $0x8, s1, s7, $0xb8;
	[tilespmem:$0x8400] =	vst v63  }
0xc9: {  	_ = 	snop  }
0xca: {  	[spmem:s2] =	stream.indirect.scatter.add.f32 [tilespmem:s9], [sflag:$0x3], $0x8, s21, s7, $0xb8;
	[tilespmem:$0x8400] =	vst v63  }
0xcb: {  	_ =	swait.ge [sflag:s12], $0x1000  }
0xcc: {  	[sflag:s12] =	ssyncset.done $0x0  }
0xcd: {  	[sflag:s12] =	ssyncadd.s32 $0xFFFFF000  }
0xce: {  	_ =	swait.ge [sflag:s13], $0x1000  }
0xcf: {  	[sflag:s13] =	ssyncset.done $0x0  }
0xd0: {  	[sflag:s13] =	ssyncadd.s32 $0xFFFFF000  }
0xd1: {  	[tilespmem:s9], [sflag:$0x1] =	stream.indirect.gather [hbm4b:s3+s7], $0x8, s18, s7, $0xb8;
	[tilespmem:$0x8400] =	vst v63  }
0xd2: {  	_ = 	snop  }
0xd3: {  	[spmem:s2] =	stream.indirect.scatter.add.f32 [tilespmem:s8], [sflag:$0x4], $0x8, s19, s7, $0xb8;
	[tilespmem:$0x8400] =	vst v63  }
0xd4: {  	_ =	swait.ge [sflag:s11], $0x1000  }
0xd5: {  	[sflag:s11] =	ssyncset.done $0x0  }
0xd6: {  	[sflag:s11] =	ssyncadd.s32 $0xFFFFF000  }
0xd7: {  	_ =	swait.ge [sflag:s10], $0x1000  }
0xd8: {  	[sflag:s10] =	ssyncset.done $0x0  }
0xd9: {  	[sflag:s10] =	ssyncadd.s32 $0xFFFFF000  }
0xda: {  	[tilespmem:s8], [sflag:$0x2] =	stream.indirect.gather [hbm4b:s3+s7], $0x8, s16, s7, $0xb8;
	[tilespmem:$0x8400] =	vst v63  }
0xdb: {  	_ = 	snop  }
0xdc: {  	[spmem:s2] =	stream.indirect.scatter.add.f32 [tilespmem:s9], [sflag:$0x3], $0x8, s17, s7, $0xb8;
	[tilespmem:$0x8400] =	vst v63  }
0xdd: {  	_ =	swait.ge [sflag:s12], $0x1000  }
0xde: {  	[sflag:s12] =	ssyncset.done $0x0  }
0xdf: {  	[sflag:s12] =	ssyncadd.s32 $0xFFFFF000  }
0xe0: {  	_ =	swait.ge [sflag:s13], $0x1000  }
0xe1: {  	[sflag:s13] =	ssyncset.done $0x0  }
0xe2: {  	[sflag:s13] =	ssyncadd.s32 $0xFFFFF000  }
0xe3: {  	[spmem:s2] =	stream.indirect.scatter.add.f32 [tilespmem:s8], [sflag:$0x4], $0x8, s15, s7, $0xb8;
	[tilespmem:$0x8400] =	vst v63  }
0xe4: {  	_ =	swait.ge [sflag:s11], $0x1000  }
0xe5: {  	[sflag:s11] =	ssyncset.done $0x0  }
0xe6: {  	p1 =	sne.s32 s14, $0x1;
	[sflag:s11] =	ssyncadd.s32 $0xFFFFF000  }
.Ltmp1:
0xe7: {  	[bflag:$0x0] =	sbarrier.arrive $0xFFFF;
	(pc) =	sbr.rel @!p1 .LBB2_3-.Ltmp1, $4  }
0xe8: {  	s1 =	rddreg [dreg:$0x6]  }
0xe9: {  	[hbm:s1], [sflag:s5] =	dma.local [spmem:s6], $0x280  }
0xea: {  	p0 =	por $0x1, $0x1;
	_ =	swait.ge [sflag:s4], $0x280  }
0xeb: {  	s0 =	sadd.s32 $0xFFFFFFFF, s14;
	s1 =	rddreg [dreg:$0x4];
	[sflag:s4] =	ssyncset.done $0x0  }
.LBB2_4:
0xec: {  	[sflag:s4] =	ssyncadd.s32 $0xFFFFFD80  }
0xed: {  	[tilespmem:s30], [sflag:$0x5] =	stream.linear.gather [hbm4b:s1+s30], $0x2800, $0x38;
	[tilespmem:$0x8400] =	vst v63  }
0xee: {  	_ =	swait.ge [sflag:s4], $0x2800  }
0xef: {  	[sflag:s4] =	ssyncset.done $0x0  }
0xf0: {  	s14 =	rddreg [dreg:$0x5];
	[sflag:s4] =	ssyncadd.s32 $0xFFFFD800  }
0xf1: {  	[tilespmem:s31], [sflag:$0x5] =	stream.linear.gather [hbm4b:s14+s30], $0x2800, $0x38;
	[tilespmem:$0x8400] =	vst v63  }
0xf2: {  	_ =	swait.ge [sflag:s4], $0x2800  }
0xf3: {  	[sflag:s4] =	ssyncset.done $0x0  }
0xf4: {  	s14 =	rddreg [dreg:$0x3];
	[sflag:s4] =	ssyncadd.s32 $0xFFFFD800  }
0xf5: {  	[spmem:s6], [sflag:s5] =	dma.local [hbm:s14], $0x280  }
0xf6: {  	_ =	swait.ge [sflag:s4], $0x280  }
0xf7: {  	[sflag:s4] =	ssyncset.done $0x0  }
0xf8: {  	[sflag:s4] =	ssyncadd.s32 $0xFFFFFD80  }
0xf9: {  	[bflag:$0x0] =	sbarrier.arrive $0xFFFF  }
0xfa: {  	[tilespmem:s9], [sflag:$0x1] =	stream.indirect.gather [hbm4b:s3+s7], $0x8, s30, s7, $0xb8;
	[tilespmem:$0x8400] =	vst v63  }
0xfb: {  	_ =	swait.ge [sflag:s10], $0x1000  }
0xfc: {  	[sflag:s10] =	ssyncset.done $0x0  }
0xfd: {  	[sflag:s10] =	ssyncadd.s32 $0xFFFFF000  }
0xfe: {  	[tilespmem:s8], [sflag:$0x2] =	stream.indirect.gather [hbm4b:s3+s7], $0x8, s7, s7, $0xb8;
	[tilespmem:$0x8400] =	vst v63  }
0xff: {  	_ = 	snop  }
0x100: {  	[spmem:s2] =	stream.indirect.scatter.add.f32 [tilespmem:s9], [sflag:$0x3], $0x8, s31, s7, $0xb8;
	[tilespmem:$0x8400] =	vst v63  }
0x101: {  	_ =	swait.ge [sflag:s12], $0x1000  }
0x102: {  	[sflag:s12] =	ssyncset.done $0x0  }
0x103: {  	[sflag:s12] =	ssyncadd.s32 $0xFFFFF000  }
0x104: {  	_ =	swait.ge [sflag:s13], $0x1000  }
0x105: {  	[sflag:s13] =	ssyncset.done $0x0  }
0x106: {  	s1 =	rddreg [dreg:$0x7];
	[sflag:s13] =	ssyncadd.s32 $0xFFFFF000  }
0x107: {  	[tilespmem:s9], [sflag:$0x1] =	stream.indirect.gather [hbm4b:s3+s7], $0x8, s1, s7, $0xb8;
	[tilespmem:$0x8400] =	vst v63  }
0x108: {  	s14 =	rddreg [dreg:$0x8]  }
0x109: {  	[spmem:s2] =	stream.indirect.scatter.add.f32 [tilespmem:s8], [sflag:$0x4], $0x8, s14, s7, $0xb8;
	[tilespmem:$0x8400] =	vst v63  }
0x10a: {  	_ =	swait.ge [sflag:s11], $0x1000  }
0x10b: {  	[sflag:s11] =	ssyncset.done $0x0  }
0x10c: {  	[sflag:s11] =	ssyncadd.s32 $0xFFFFF000  }
0x10d: {  	_ =	swait.ge [sflag:s10], $0x1000  }
0x10e: {  	[sflag:s10] =	ssyncset.done $0x0  }
0x10f: {  	s1 =	rddreg [dreg:$0x9];
	[sflag:s10] =	ssyncadd.s32 $0xFFFFF000  }
0x110: {  	[tilespmem:s8], [sflag:$0x2] =	stream.indirect.gather [hbm4b:s3+s7], $0x8, s1, s7, $0xb8;
	[tilespmem:$0x8400] =	vst v63  }
0x111: {  	s14 =	rddreg [dreg:$0xa]  }
0x112: {  	[spmem:s2] =	stream.indirect.scatter.add.f32 [tilespmem:s9], [sflag:$0x3], $0x8, s14, s7, $0xb8;
	[tilespmem:$0x8400] =	vst v63  }
0x113: {  	_ =	swait.ge [sflag:s12], $0x1000  }
0x114: {  	[sflag:s12] =	ssyncset.done $0x0  }
0x115: {  	[sflag:s12] =	ssyncadd.s32 $0xFFFFF000  }
0x116: {  	_ =	swait.ge [sflag:s13], $0x1000  }
0x117: {  	[sflag:s13] =	ssyncset.done $0x0  }
0x118: {  	s1 =	rddreg [dreg:$0xb];
	[sflag:s13] =	ssyncadd.s32 $0xFFFFF000  }
0x119: {  	[tilespmem:s9], [sflag:$0x1] =	stream.indirect.gather [hbm4b:s3+s7], $0x8, s1, s7, $0xb8;
	[tilespmem:$0x8400] =	vst v63  }
0x11a: {  	s14 =	rddreg [dreg:$0xc]  }
0x11b: {  	[spmem:s2] =	stream.indirect.scatter.add.f32 [tilespmem:s8], [sflag:$0x4], $0x8, s14, s7, $0xb8;
	[tilespmem:$0x8400] =	vst v63  }
0x11c: {  	_ =	swait.ge [sflag:s11], $0x1000  }
0x11d: {  	[sflag:s11] =	ssyncset.done $0x0  }
0x11e: {  	[sflag:s11] =	ssyncadd.s32 $0xFFFFF000  }
0x11f: {  	_ =	swait.ge [sflag:s10], $0x1000  }
0x120: {  	[sflag:s10] =	ssyncset.done $0x0  }
0x121: {  	s1 =	rddreg [dreg:$0xd];
	[sflag:s10] =	ssyncadd.s32 $0xFFFFF000  }
0x122: {  	[tilespmem:s8], [sflag:$0x2] =	stream.indirect.gather [hbm4b:s3+s7], $0x8, s1, s7, $0xb8;
	[tilespmem:$0x8400] =	vst v63  }
0x123: {  	s14 =	rddreg [dreg:$0xe]  }
0x124: {  	[spmem:s2] =	stream.indirect.scatter.add.f32 [tilespmem:s9], [sflag:$0x3], $0x8, s14, s7, $0xb8;
	[tilespmem:$0x8400] =	vst v63  }
0x125: {  	_ =	swait.ge [sflag:s12], $0x1000  }
0x126: {  	[sflag:s12] =	ssyncset.done $0x0  }
0x127: {  	[sflag:s12] =	ssyncadd.s32 $0xFFFFF000  }
0x128: {  	_ =	swait.ge [sflag:s13], $0x1000  }
0x129: {  	[sflag:s13] =	ssyncset.done $0x0  }
0x12a: {  	s1 =	rddreg [dreg:$0xf];
	[sflag:s13] =	ssyncadd.s32 $0xFFFFF000  }
0x12b: {  	[tilespmem:s9], [sflag:$0x1] =	stream.indirect.gather [hbm4b:s3+s7], $0x8, s1, s7, $0xb8;
	[tilespmem:$0x8400] =	vst v63  }
0x12c: {  	s14 =	rddreg [dreg:$0x10]  }
0x12d: {  	[spmem:s2] =	stream.indirect.scatter.add.f32 [tilespmem:s8], [sflag:$0x4], $0x8, s14, s7, $0xb8;
	[tilespmem:$0x8400] =	vst v63  }
0x12e: {  	_ =	swait.ge [sflag:s11], $0x1000  }
0x12f: {  	[sflag:s11] =	ssyncset.done $0x0  }
0x130: {  	[sflag:s11] =	ssyncadd.s32 $0xFFFFF000  }
0x131: {  	_ =	swait.ge [sflag:s10], $0x1000  }
0x132: {  	[sflag:s10] =	ssyncset.done $0x0  }
0x133: {  	s1 =	rddreg [dreg:$0x11];
	[sflag:s10] =	ssyncadd.s32 $0xFFFFF000  }
0x134: {  	[tilespmem:s8], [sflag:$0x2] =	stream.indirect.gather [hbm4b:s3+s7], $0x8, s1, s7, $0xb8;
	[tilespmem:$0x8400] =	vst v63  }
0x135: {  	s14 =	rddreg [dreg:$0x12]  }
0x136: {  	[spmem:s2] =	stream.indirect.scatter.add.f32 [tilespmem:s9], [sflag:$0x3], $0x8, s14, s7, $0xb8;
	[tilespmem:$0x8400] =	vst v63  }
0x137: {  	_ =	swait.ge [sflag:s12], $0x1000  }
0x138: {  	[sflag:s12] =	ssyncset.done $0x0  }
0x139: {  	[sflag:s12] =	ssyncadd.s32 $0xFFFFF000  }
0x13a: {  	_ =	swait.ge [sflag:s13], $0x1000  }
0x13b: {  	[sflag:s13] =	ssyncset.done $0x0  }
0x13c: {  	s1 =	rddreg [dreg:$0x13];
	[sflag:s13] =	ssyncadd.s32 $0xFFFFF000  }
0x13d: {  	[tilespmem:s9], [sflag:$0x1] =	stream.indirect.gather [hbm4b:s3+s7], $0x8, s1, s7, $0xb8;
	[tilespmem:$0x8400] =	vst v63  }
0x13e: {  	s14 =	rddreg [dreg:$0x14]  }
0x13f: {  	[spmem:s2] =	stream.indirect.scatter.add.f32 [tilespmem:s8], [sflag:$0x4], $0x8, s14, s7, $0xb8;
	[tilespmem:$0x8400] =	vst v63  }
0x140: {  	_ =	swait.ge [sflag:s11], $0x1000  }
0x141: {  	[sflag:s11] =	ssyncset.done $0x0  }
0x142: {  	[sflag:s11] =	ssyncadd.s32 $0xFFFFF000  }
0x143: {  	_ =	swait.ge [sflag:s10], $0x1000  }
0x144: {  	[sflag:s10] =	ssyncset.done $0x0  }
0x145: {  	s1 =	rddreg [dreg:$0x15];
	[sflag:s10] =	ssyncadd.s32 $0xFFFFF000  }
0x146: {  	[tilespmem:s8], [sflag:$0x2] =	stream.indirect.gather [hbm4b:s3+s7], $0x8, s1, s7, $0xb8;
	[tilespmem:$0x8400] =	vst v63  }
0x147: {  	s14 =	rddreg [dreg:$0x16]  }
0x148: {  	[spmem:s2] =	stream.indirect.scatter.add.f32 [tilespmem:s9], [sflag:$0x3], $0x8, s14, s7, $0xb8;
	[tilespmem:$0x8400] =	vst v63  }
0x149: {  	_ =	swait.ge [sflag:s12], $0x1000  }
0x14a: {  	[sflag:s12] =	ssyncset.done $0x0  }
0x14b: {  	[sflag:s12] =	ssyncadd.s32 $0xFFFFF000  }
0x14c: {  	_ =	swait.ge [sflag:s13], $0x1000  }
0x14d: {  	[sflag:s13] =	ssyncset.done $0x0  }
0x14e: {  	s1 =	rddreg [dreg:$0x17];
	[sflag:s13] =	ssyncadd.s32 $0xFFFFF000  }
0x14f: {  	[tilespmem:s9], [sflag:$0x1] =	stream.indirect.gather [hbm4b:s3+s7], $0x8, s1, s7, $0xb8;
	[tilespmem:$0x8400] =	vst v63  }
0x150: {  	s14 =	rddreg [dreg:$0x18]  }
0x151: {  	[spmem:s2] =	stream.indirect.scatter.add.f32 [tilespmem:s8], [sflag:$0x4], $0x8, s14, s7, $0xb8;
	[tilespmem:$0x8400] =	vst v63  }
0x152: {  	_ =	swait.ge [sflag:s11], $0x1000  }
0x153: {  	[sflag:s11] =	ssyncset.done $0x0  }
0x154: {  	[sflag:s11] =	ssyncadd.s32 $0xFFFFF000  }
0x155: {  	_ =	swait.ge [sflag:s10], $0x1000  }
0x156: {  	[sflag:s10] =	ssyncset.done $0x0  }
0x157: {  	s1 =	rddreg [dreg:$0x19];
	[sflag:s10] =	ssyncadd.s32 $0xFFFFF000  }
0x158: {  	[tilespmem:s8], [sflag:$0x2] =	stream.indirect.gather [hbm4b:s3+s7], $0x8, s1, s7, $0xb8;
	[tilespmem:$0x8400] =	vst v63  }
0x159: {  	s14 =	rddreg [dreg:$0x1a]  }
0x15a: {  	[spmem:s2] =	stream.indirect.scatter.add.f32 [tilespmem:s9], [sflag:$0x3], $0x8, s14, s7, $0xb8;
	[tilespmem:$0x8400] =	vst v63  }
0x15b: {  	_ =	swait.ge [sflag:s12], $0x1000  }
0x15c: {  	[sflag:s12] =	ssyncset.done $0x0  }
0x15d: {  	[sflag:s12] =	ssyncadd.s32 $0xFFFFF000  }
0x15e: {  	_ =	swait.ge [sflag:s13], $0x1000  }
0x15f: {  	[sflag:s13] =	ssyncset.done $0x0  }
0x160: {  	s1 =	rddreg [dreg:$0x1b];
	[sflag:s13] =	ssyncadd.s32 $0xFFFFF000  }
0x161: {  	[tilespmem:s9], [sflag:$0x1] =	stream.indirect.gather [hbm4b:s3+s7], $0x8, s1, s7, $0xb8;
	[tilespmem:$0x8400] =	vst v63  }
0x162: {  	s14 =	rddreg [dreg:$0x1c]  }
0x163: {  	[spmem:s2] =	stream.indirect.scatter.add.f32 [tilespmem:s8], [sflag:$0x4], $0x8, s14, s7, $0xb8;
	[tilespmem:$0x8400] =	vst v63  }
0x164: {  	_ =	swait.ge [sflag:s11], $0x1000  }
0x165: {  	[sflag:s11] =	ssyncset.done $0x0  }
0x166: {  	[sflag:s11] =	ssyncadd.s32 $0xFFFFF000  }
0x167: {  	_ =	swait.ge [sflag:s10], $0x1000  }
0x168: {  	[sflag:s10] =	ssyncset.done $0x0  }
0x169: {  	[sflag:s10] =	ssyncadd.s32 $0xFFFFF000  }
0x16a: {  	[tilespmem:s8], [sflag:$0x2] =	stream.indirect.gather [hbm4b:s3+s7], $0x8, s29, s7, $0xb8;
	[tilespmem:$0x8400] =	vst v63  }
0x16b: {  	_ = 	snop  }
0x16c: {  	[spmem:s2] =	stream.indirect.scatter.add.f32 [tilespmem:s9], [sflag:$0x3], $0x8, s20, s7, $0xb8;
	[tilespmem:$0x8400] =	vst v63  }
0x16d: {  	_ =	swait.ge [sflag:s12], $0x1000  }
0x16e: {  	[sflag:s12] =	ssyncset.done $0x0  }
0x16f: {  	[sflag:s12] =	ssyncadd.s32 $0xFFFFF000  }
0x170: {  	_ =	swait.ge [sflag:s13], $0x1000  }
0x171: {  	[sflag:s13] =	ssyncset.done $0x0  }
0x172: {  	[sflag:s13] =	ssyncadd.s32 $0xFFFFF000  }
0x173: {  	[tilespmem:s9], [sflag:$0x1] =	stream.indirect.gather [hbm4b:s3+s7], $0x8, s26, s7, $0xb8;
	[tilespmem:$0x8400] =	vst v63  }
0x174: {  	_ = 	snop  }
0x175: {  	[spmem:s2] =	stream.indirect.scatter.add.f32 [tilespmem:s8], [sflag:$0x4], $0x8, s28, s7, $0xb8;
	[tilespmem:$0x8400] =	vst v63  }
0x176: {  	_ =	swait.ge [sflag:s11], $0x1000  }
0x177: {  	[sflag:s11] =	ssyncset.done $0x0  }
0x178: {  	[sflag:s11] =	ssyncadd.s32 $0xFFFFF000  }
0x179: {  	_ =	swait.ge [sflag:s10], $0x1000  }
0x17a: {  	[sflag:s10] =	ssyncset.done $0x0  }
0x17b: {  	[sflag:s10] =	ssyncadd.s32 $0xFFFFF000  }
0x17c: {  	[tilespmem:s8], [sflag:$0x2] =	stream.indirect.gather [hbm4b:s3+s7], $0x8, s24, s7, $0xb8;
	[tilespmem:$0x8400] =	vst v63  }
0x17d: {  	_ = 	snop  }
0x17e: {  	[spmem:s2] =	stream.indirect.scatter.add.f32 [tilespmem:s9], [sflag:$0x3], $0x8, s25, s7, $0xb8;
	[tilespmem:$0x8400] =	vst v63  }
0x17f: {  	_ =	swait.ge [sflag:s12], $0x1000  }
0x180: {  	[sflag:s12] =	ssyncset.done $0x0  }
0x181: {  	[sflag:s12] =	ssyncadd.s32 $0xFFFFF000  }
0x182: {  	_ =	swait.ge [sflag:s13], $0x1000  }
0x183: {  	[sflag:s13] =	ssyncset.done $0x0  }
0x184: {  	[sflag:s13] =	ssyncadd.s32 $0xFFFFF000  }
0x185: {  	[tilespmem:s9], [sflag:$0x1] =	stream.indirect.gather [hbm4b:s3+s7], $0x8, s22, s7, $0xb8;
	[tilespmem:$0x8400] =	vst v63  }
0x186: {  	_ = 	snop  }
0x187: {  	[spmem:s2] =	stream.indirect.scatter.add.f32 [tilespmem:s8], [sflag:$0x4], $0x8, s23, s7, $0xb8;
	[tilespmem:$0x8400] =	vst v63  }
0x188: {  	_ =	swait.ge [sflag:s11], $0x1000  }
0x189: {  	[sflag:s11] =	ssyncset.done $0x0  }
0x18a: {  	[sflag:s11] =	ssyncadd.s32 $0xFFFFF000  }
0x18b: {  	_ =	swait.ge [sflag:s10], $0x1000  }
0x18c: {  	[sflag:s10] =	ssyncset.done $0x0  }
0x18d: {  	s14 =	simm.s32 $0x2200;
	[sflag:s10] =	ssyncadd.s32 $0xFFFFF000  }
0x18e: {  	[tilespmem:s8], [sflag:$0x2] =	stream.indirect.gather [hbm4b:s3+s7], $0x8, s14, s7, $0xb8;
	[tilespmem:$0x8400] =	vst v63  }
0x18f: {  	_ = 	snop  }
0x190: {  	[spmem:s2] =	stream.indirect.scatter.add.f32 [tilespmem:s9], [sflag:$0x3], $0x8, s21, s7, $0xb8;
	[tilespmem:$0x8400] =	vst v63  }
0x191: {  	_ =	swait.ge [sflag:s12], $0x1000  }
0x192: {  	[sflag:s12] =	ssyncset.done $0x0  }
0x193: {  	[sflag:s12] =	ssyncadd.s32 $0xFFFFF000  }
0x194: {  	_ =	swait.ge [sflag:s13], $0x1000  }
0x195: {  	[sflag:s13] =	ssyncset.done $0x0  }
0x196: {  	[sflag:s13] =	ssyncadd.s32 $0xFFFFF000  }
0x197: {  	[tilespmem:s9], [sflag:$0x1] =	stream.indirect.gather [hbm4b:s3+s7], $0x8, s18, s7, $0xb8;
	[tilespmem:$0x8400] =	vst v63  }
0x198: {  	_ = 	snop  }
0x199: {  	[spmem:s2] =	stream.indirect.scatter.add.f32 [tilespmem:s8], [sflag:$0x4], $0x8, s19, s7, $0xb8;
	[tilespmem:$0x8400] =	vst v63  }
0x19a: {  	_ =	swait.ge [sflag:s11], $0x1000  }
0x19b: {  	[sflag:s11] =	ssyncset.done $0x0  }
0x19c: {  	[sflag:s11] =	ssyncadd.s32 $0xFFFFF000  }
0x19d: {  	_ =	swait.ge [sflag:s10], $0x1000  }
0x19e: {  	[sflag:s10] =	ssyncset.done $0x0  }
0x19f: {  	[sflag:s10] =	ssyncadd.s32 $0xFFFFF000  }
0x1a0: {  	[tilespmem:s8], [sflag:$0x2] =	stream.indirect.gather [hbm4b:s3+s7], $0x8, s16, s7, $0xb8;
	[tilespmem:$0x8400] =	vst v63  }
0x1a1: {  	_ = 	snop  }
0x1a2: {  	[spmem:s2] =	stream.indirect.scatter.add.f32 [tilespmem:s9], [sflag:$0x3], $0x8, s17, s7, $0xb8;
	[tilespmem:$0x8400] =	vst v63  }
0x1a3: {  	_ =	swait.ge [sflag:s12], $0x1000  }
0x1a4: {  	[sflag:s12] =	ssyncset.done $0x0  }
0x1a5: {  	[sflag:s12] =	ssyncadd.s32 $0xFFFFF000  }
0x1a6: {  	_ =	swait.ge [sflag:s13], $0x1000  }
0x1a7: {  	[sflag:s13] =	ssyncset.done $0x0  }
0x1a8: {  	[sflag:s13] =	ssyncadd.s32 $0xFFFFF000  }
0x1a9: {  	[spmem:s2] =	stream.indirect.scatter.add.f32 [tilespmem:s8], [sflag:$0x4], $0x8, s15, s7, $0xb8;
	[tilespmem:$0x8400] =	vst v63  }
0x1aa: {  	_ =	swait.ge [sflag:s11], $0x1000  }
0x1ab: {  	[sflag:s11] =	ssyncset.done $0x0  }
0x1ac: {  	p1 =	sne.s32 s0, $0x1;
	[sflag:s11] =	ssyncadd.s32 $0xFFFFF000  }
.Ltmp2:
0x1ad: {  	[bflag:$0x0] =	sbarrier.arrive $0xFFFF;
	(pc) =	sbr.rel @p1 .LBB2_4-.Ltmp2, $4  }
0x1ae: {  	s14 =	rddreg [dreg:$0x6]  }
0x1af: {  	[hbm:s14], [sflag:s5] =	dma.local [spmem:s6], $0x280  }
0x1b0: {  	_ =	swait.ge [sflag:s4], $0x280  }
0x1b1: {  	s0 =	sadd.s32 $0xFFFFFFFF, s0;
	s1 =	rddreg [dreg:$0x4];
	[sflag:s4] =	ssyncset.done $0x0  }
0x1b2: {  	s15 =	simm.s32 $0x4000;
	s29 =	simm.s32 $0x1A00;
	s28 =	simm.s32 $0x4200  }
0x1b3: {  	s26 =	simm.s32 $0x1C00;
	s25 =	simm.s32 $0x4400;
	s24 =	simm.s32 $0x1E00  }
0x1b4: {  	s23 =	simm.s32 $0x4600;
	s22 =	simm.s32 $0x2000;
	s21 =	simm.s32 $0x4800  }
0x1b5: {  	s20 =	simm.s32 $0x2200;
	s19 =	simm.s32 $0x4A00;
	s18 =	simm.s32 $0x2400  }
0x1b6: {  	s17 =	simm.s32 $0x4C00;
	s16 =	simm.s32 $0x2600;
	s14 =	rddreg [dreg:$0x2]  }
.LBB2_6:
0x1b7: {  	[sflag:s4] =	ssyncadd.s32 @p0 $0xFFFFFD80  }
0x1b8: {  	[tilespmem:s30], [sflag:$0x5] =	stream.linear.gather [hbm4b:s1+s30], $0x2800, $0x38;
	[tilespmem:$0x8400] =	vst v63  }
0x1b9: {  	_ =	swait.ge [sflag:s4], $0x2800  }
0x1ba: {  	[sflag:s4] =	ssyncset.done $0x0  }
0x1bb: {  	s0 =	rddreg [dreg:$0x5];
	[sflag:s4] =	ssyncadd.s32 $0xFFFFD800  }
0x1bc: {  	[tilespmem:s31], [sflag:$0x5] =	stream.linear.gather [hbm4b:s0+s30], $0x2800, $0x38;
	[tilespmem:$0x8400] =	vst v63  }
0x1bd: {  	_ =	swait.ge [sflag:s4], $0x2800  }
0x1be: {  	[sflag:s4] =	ssyncset.done $0x0  }
0x1bf: {  	s1 =	rddreg [dreg:$0x3];
	[sflag:s4] =	ssyncadd.s32 $0xFFFFD800  }
0x1c0: {  	[spmem:s6], [sflag:s5] =	dma.local [hbm:s1], $0x280  }
0x1c1: {  	_ =	swait.ge [sflag:s4], $0x280  }
0x1c2: {  	[sflag:s4] =	ssyncset.done $0x0  }
0x1c3: {  	[sflag:s4] =	ssyncadd.s32 $0xFFFFFD80  }
0x1c4: {  	[bflag:$0x0] =	sbarrier.arrive $0xFFFF  }
0x1c5: {  	[tilespmem:s9], [sflag:$0x1] =	stream.indirect.gather [hbm4b:s3+s7], $0x8, s30, s7, $0xb8;
	[tilespmem:$0x8400] =	vst v63  }
0x1c6: {  	_ =	swait.ge [sflag:s10], $0x1000  }
0x1c7: {  	[sflag:s10] =	ssyncset.done $0x0  }
0x1c8: {  	[sflag:s10] =	ssyncadd.s32 $0xFFFFF000  }
0x1c9: {  	[tilespmem:s8], [sflag:$0x2] =	stream.indirect.gather [hbm4b:s3+s7], $0x8, s7, s7, $0xb8;
	[tilespmem:$0x8400] =	vst v63  }
0x1ca: {  	_ = 	snop  }
0x1cb: {  	[spmem:s2] =	stream.indirect.scatter.add.f32 [tilespmem:s9], [sflag:$0x3], $0x8, s31, s7, $0xb8;
	[tilespmem:$0x8400] =	vst v63  }
0x1cc: {  	_ =	swait.ge [sflag:s12], $0x1000  }
0x1cd: {  	[sflag:s12] =	ssyncset.done $0x0  }
0x1ce: {  	[sflag:s12] =	ssyncadd.s32 $0xFFFFF000  }
0x1cf: {  	_ =	swait.ge [sflag:s13], $0x1000  }
0x1d0: {  	[sflag:s13] =	ssyncset.done $0x0  }
0x1d1: {  	s30 =	rddreg [dreg:$0x7];
	[sflag:s13] =	ssyncadd.s32 $0xFFFFF000  }
0x1d2: {  	[tilespmem:s9], [sflag:$0x1] =	stream.indirect.gather [hbm4b:s3+s7], $0x8, s30, s7, $0xb8;
	[tilespmem:$0x8400] =	vst v63  }
0x1d3: {  	s31 =	rddreg [dreg:$0x8]  }
0x1d4: {  	[spmem:s2] =	stream.indirect.scatter.add.f32 [tilespmem:s8], [sflag:$0x4], $0x8, s31, s7, $0xb8;
	[tilespmem:$0x8400] =	vst v63  }
0x1d5: {  	_ =	swait.ge [sflag:s11], $0x1000  }
0x1d6: {  	[sflag:s11] =	ssyncset.done $0x0  }
0x1d7: {  	[sflag:s11] =	ssyncadd.s32 $0xFFFFF000  }
0x1d8: {  	_ =	swait.ge [sflag:s10], $0x1000  }
0x1d9: {  	[sflag:s10] =	ssyncset.done $0x0  }
0x1da: {  	s30 =	rddreg [dreg:$0x9];
	[sflag:s10] =	ssyncadd.s32 $0xFFFFF000  }
0x1db: {  	[tilespmem:s8], [sflag:$0x2] =	stream.indirect.gather [hbm4b:s3+s7], $0x8, s30, s7, $0xb8;
	[tilespmem:$0x8400] =	vst v63  }
0x1dc: {  	s31 =	rddreg [dreg:$0xa]  }
0x1dd: {  	[spmem:s2] =	stream.indirect.scatter.add.f32 [tilespmem:s9], [sflag:$0x3], $0x8, s31, s7, $0xb8;
	[tilespmem:$0x8400] =	vst v63  }
0x1de: {  	_ =	swait.ge [sflag:s12], $0x1000  }
0x1df: {  	[sflag:s12] =	ssyncset.done $0x0  }
0x1e0: {  	[sflag:s12] =	ssyncadd.s32 $0xFFFFF000  }
0x1e1: {  	_ =	swait.ge [sflag:s13], $0x1000  }
0x1e2: {  	[sflag:s13] =	ssyncset.done $0x0  }
0x1e3: {  	s30 =	rddreg [dreg:$0xb];
	[sflag:s13] =	ssyncadd.s32 $0xFFFFF000  }
0x1e4: {  	[tilespmem:s9], [sflag:$0x1] =	stream.indirect.gather [hbm4b:s3+s7], $0x8, s30, s7, $0xb8;
	[tilespmem:$0x8400] =	vst v63  }
0x1e5: {  	s31 =	rddreg [dreg:$0xc]  }
0x1e6: {  	[spmem:s2] =	stream.indirect.scatter.add.f32 [tilespmem:s8], [sflag:$0x4], $0x8, s31, s7, $0xb8;
	[tilespmem:$0x8400] =	vst v63  }
0x1e7: {  	_ =	swait.ge [sflag:s11], $0x1000  }
0x1e8: {  	[sflag:s11] =	ssyncset.done $0x0  }
0x1e9: {  	[sflag:s11] =	ssyncadd.s32 $0xFFFFF000  }
0x1ea: {  	_ =	swait.ge [sflag:s10], $0x1000  }
0x1eb: {  	[sflag:s10] =	ssyncset.done $0x0  }
0x1ec: {  	s30 =	rddreg [dreg:$0xd];
	[sflag:s10] =	ssyncadd.s32 $0xFFFFF000  }
0x1ed: {  	[tilespmem:s8], [sflag:$0x2] =	stream.indirect.gather [hbm4b:s3+s7], $0x8, s30, s7, $0xb8;
	[tilespmem:$0x8400] =	vst v63  }
0x1ee: {  	s31 =	rddreg [dreg:$0xe]  }
0x1ef: {  	[spmem:s2] =	stream.indirect.scatter.add.f32 [tilespmem:s9], [sflag:$0x3], $0x8, s31, s7, $0xb8;
	[tilespmem:$0x8400] =	vst v63  }
0x1f0: {  	_ =	swait.ge [sflag:s12], $0x1000  }
0x1f1: {  	[sflag:s12] =	ssyncset.done $0x0  }
0x1f2: {  	[sflag:s12] =	ssyncadd.s32 $0xFFFFF000  }
0x1f3: {  	_ =	swait.ge [sflag:s13], $0x1000  }
0x1f4: {  	[sflag:s13] =	ssyncset.done $0x0  }
0x1f5: {  	s30 =	rddreg [dreg:$0xf];
	[sflag:s13] =	ssyncadd.s32 $0xFFFFF000  }
0x1f6: {  	[tilespmem:s9], [sflag:$0x1] =	stream.indirect.gather [hbm4b:s3+s7], $0x8, s30, s7, $0xb8;
	[tilespmem:$0x8400] =	vst v63  }
0x1f7: {  	s31 =	rddreg [dreg:$0x10]  }
0x1f8: {  	[spmem:s2] =	stream.indirect.scatter.add.f32 [tilespmem:s8], [sflag:$0x4], $0x8, s31, s7, $0xb8;
	[tilespmem:$0x8400] =	vst v63  }
0x1f9: {  	_ =	swait.ge [sflag:s11], $0x1000  }
0x1fa: {  	[sflag:s11] =	ssyncset.done $0x0  }
0x1fb: {  	[sflag:s11] =	ssyncadd.s32 $0xFFFFF000  }
0x1fc: {  	_ =	swait.ge [sflag:s10], $0x1000  }
0x1fd: {  	[sflag:s10] =	ssyncset.done $0x0  }
0x1fe: {  	s30 =	rddreg [dreg:$0x11];
	[sflag:s10] =	ssyncadd.s32 $0xFFFFF000  }
0x1ff: {  	[tilespmem:s8], [sflag:$0x2] =	stream.indirect.gather [hbm4b:s3+s7], $0x8, s30, s7, $0xb8;
	[tilespmem:$0x8400] =	vst v63  }
0x200: {  	s31 =	rddreg [dreg:$0x12]  }
0x201: {  	[spmem:s2] =	stream.indirect.scatter.add.f32 [tilespmem:s9], [sflag:$0x3], $0x8, s31, s7, $0xb8;
	[tilespmem:$0x8400] =	vst v63  }
0x202: {  	_ =	swait.ge [sflag:s12], $0x1000  }
0x203: {  	[sflag:s12] =	ssyncset.done $0x0  }
0x204: {  	[sflag:s12] =	ssyncadd.s32 $0xFFFFF000  }
0x205: {  	_ =	swait.ge [sflag:s13], $0x1000  }
0x206: {  	[sflag:s13] =	ssyncset.done $0x0  }
0x207: {  	s30 =	rddreg [dreg:$0x13];
	[sflag:s13] =	ssyncadd.s32 $0xFFFFF000  }
0x208: {  	[tilespmem:s9], [sflag:$0x1] =	stream.indirect.gather [hbm4b:s3+s7], $0x8, s30, s7, $0xb8;
	[tilespmem:$0x8400] =	vst v63  }
0x209: {  	s31 =	rddreg [dreg:$0x14]  }
0x20a: {  	[spmem:s2] =	stream.indirect.scatter.add.f32 [tilespmem:s8], [sflag:$0x4], $0x8, s31, s7, $0xb8;
	[tilespmem:$0x8400] =	vst v63  }
0x20b: {  	_ =	swait.ge [sflag:s11], $0x1000  }
0x20c: {  	[sflag:s11] =	ssyncset.done $0x0  }
0x20d: {  	[sflag:s11] =	ssyncadd.s32 $0xFFFFF000  }
0x20e: {  	_ =	swait.ge [sflag:s10], $0x1000  }
0x20f: {  	[sflag:s10] =	ssyncset.done $0x0  }
0x210: {  	s30 =	rddreg [dreg:$0x15];
	[sflag:s10] =	ssyncadd.s32 $0xFFFFF000  }
0x211: {  	[tilespmem:s8], [sflag:$0x2] =	stream.indirect.gather [hbm4b:s3+s7], $0x8, s30, s7, $0xb8;
	[tilespmem:$0x8400] =	vst v63  }
0x212: {  	s31 =	rddreg [dreg:$0x16]  }
0x213: {  	[spmem:s2] =	stream.indirect.scatter.add.f32 [tilespmem:s9], [sflag:$0x3], $0x8, s31, s7, $0xb8;
	[tilespmem:$0x8400] =	vst v63  }
0x214: {  	_ =	swait.ge [sflag:s12], $0x1000  }
0x215: {  	[sflag:s12] =	ssyncset.done $0x0  }
0x216: {  	[sflag:s12] =	ssyncadd.s32 $0xFFFFF000  }
0x217: {  	_ =	swait.ge [sflag:s13], $0x1000  }
0x218: {  	[sflag:s13] =	ssyncset.done $0x0  }
0x219: {  	s30 =	rddreg [dreg:$0x17];
	[sflag:s13] =	ssyncadd.s32 $0xFFFFF000  }
0x21a: {  	[tilespmem:s9], [sflag:$0x1] =	stream.indirect.gather [hbm4b:s3+s7], $0x8, s30, s7, $0xb8;
	[tilespmem:$0x8400] =	vst v63  }
0x21b: {  	s31 =	rddreg [dreg:$0x18]  }
0x21c: {  	[spmem:s2] =	stream.indirect.scatter.add.f32 [tilespmem:s8], [sflag:$0x4], $0x8, s31, s7, $0xb8;
	[tilespmem:$0x8400] =	vst v63  }
0x21d: {  	_ =	swait.ge [sflag:s11], $0x1000  }
0x21e: {  	[sflag:s11] =	ssyncset.done $0x0  }
0x21f: {  	[sflag:s11] =	ssyncadd.s32 $0xFFFFF000  }
0x220: {  	_ =	swait.ge [sflag:s10], $0x1000  }
0x221: {  	[sflag:s10] =	ssyncset.done $0x0  }
0x222: {  	s30 =	rddreg [dreg:$0x19];
	[sflag:s10] =	ssyncadd.s32 $0xFFFFF000  }
0x223: {  	[tilespmem:s8], [sflag:$0x2] =	stream.indirect.gather [hbm4b:s3+s7], $0x8, s30, s7, $0xb8;
	[tilespmem:$0x8400] =	vst v63  }
0x224: {  	s31 =	rddreg [dreg:$0x1a]  }
0x225: {  	[spmem:s2] =	stream.indirect.scatter.add.f32 [tilespmem:s9], [sflag:$0x3], $0x8, s31, s7, $0xb8;
	[tilespmem:$0x8400] =	vst v63  }
0x226: {  	_ =	swait.ge [sflag:s12], $0x1000  }
0x227: {  	[sflag:s12] =	ssyncset.done $0x0  }
0x228: {  	[sflag:s12] =	ssyncadd.s32 $0xFFFFF000  }
0x229: {  	_ =	swait.ge [sflag:s13], $0x1000  }
0x22a: {  	[sflag:s13] =	ssyncset.done $0x0  }
0x22b: {  	s30 =	rddreg [dreg:$0x1b];
	[sflag:s13] =	ssyncadd.s32 $0xFFFFF000  }
0x22c: {  	[tilespmem:s9], [sflag:$0x1] =	stream.indirect.gather [hbm4b:s3+s7], $0x8, s30, s7, $0xb8;
	[tilespmem:$0x8400] =	vst v63  }
0x22d: {  	s31 =	rddreg [dreg:$0x1c]  }
0x22e: {  	[spmem:s2] =	stream.indirect.scatter.add.f32 [tilespmem:s8], [sflag:$0x4], $0x8, s31, s7, $0xb8;
	[tilespmem:$0x8400] =	vst v63  }
0x22f: {  	_ =	swait.ge [sflag:s11], $0x1000  }
0x230: {  	[sflag:s11] =	ssyncset.done $0x0  }
0x231: {  	[sflag:s11] =	ssyncadd.s32 $0xFFFFF000  }
0x232: {  	_ =	swait.ge [sflag:s10], $0x1000  }
0x233: {  	[sflag:s10] =	ssyncset.done $0x0  }
0x234: {  	[sflag:s10] =	ssyncadd.s32 $0xFFFFF000  }
0x235: {  	[tilespmem:s8], [sflag:$0x2] =	stream.indirect.gather [hbm4b:s3+s7], $0x8, s29, s7, $0xb8;
	[tilespmem:$0x8400] =	vst v63  }
0x236: {  	_ = 	snop  }
0x237: {  	[spmem:s2] =	stream.indirect.scatter.add.f32 [tilespmem:s9], [sflag:$0x3], $0x8, s15, s7, $0xb8;
	[tilespmem:$0x8400] =	vst v63  }
0x238: {  	_ =	swait.ge [sflag:s12], $0x1000  }
0x239: {  	[sflag:s12] =	ssyncset.done $0x0  }
0x23a: {  	[sflag:s12] =	ssyncadd.s32 $0xFFFFF000  }
0x23b: {  	_ =	swait.ge [sflag:s13], $0x1000  }
0x23c: {  	[sflag:s13] =	ssyncset.done $0x0  }
0x23d: {  	[sflag:s13] =	ssyncadd.s32 $0xFFFFF000  }
0x23e: {  	[tilespmem:s9], [sflag:$0x1] =	stream.indirect.gather [hbm4b:s3+s7], $0x8, s26, s7, $0xb8;
	[tilespmem:$0x8400] =	vst v63  }
0x23f: {  	_ = 	snop  }
0x240: {  	[spmem:s2] =	stream.indirect.scatter.add.f32 [tilespmem:s8], [sflag:$0x4], $0x8, s28, s7, $0xb8;
	[tilespmem:$0x8400] =	vst v63  }
0x241: {  	_ =	swait.ge [sflag:s11], $0x1000  }
0x242: {  	[sflag:s11] =	ssyncset.done $0x0  }
0x243: {  	[sflag:s11] =	ssyncadd.s32 $0xFFFFF000  }
0x244: {  	_ =	swait.ge [sflag:s10], $0x1000  }
0x245: {  	[sflag:s10] =	ssyncset.done $0x0  }
0x246: {  	[sflag:s10] =	ssyncadd.s32 $0xFFFFF000  }
0x247: {  	[tilespmem:s8], [sflag:$0x2] =	stream.indirect.gather [hbm4b:s3+s7], $0x8, s24, s7, $0xb8;
	[tilespmem:$0x8400] =	vst v63  }
0x248: {  	_ = 	snop  }
0x249: {  	[spmem:s2] =	stream.indirect.scatter.add.f32 [tilespmem:s9], [sflag:$0x3], $0x8, s25, s7, $0xb8;
	[tilespmem:$0x8400] =	vst v63  }
0x24a: {  	_ =	swait.ge [sflag:s12], $0x1000  }
0x24b: {  	[sflag:s12] =	ssyncset.done $0x0  }
0x24c: {  	[sflag:s12] =	ssyncadd.s32 $0xFFFFF000  }
0x24d: {  	_ =	swait.ge [sflag:s13], $0x1000  }
0x24e: {  	[sflag:s13] =	ssyncset.done $0x0  }
0x24f: {  	[sflag:s13] =	ssyncadd.s32 $0xFFFFF000  }
0x250: {  	[tilespmem:s9], [sflag:$0x1] =	stream.indirect.gather [hbm4b:s3+s7], $0x8, s22, s7, $0xb8;
	[tilespmem:$0x8400] =	vst v63  }
0x251: {  	_ = 	snop  }
0x252: {  	[spmem:s2] =	stream.indirect.scatter.add.f32 [tilespmem:s8], [sflag:$0x4], $0x8, s23, s7, $0xb8;
	[tilespmem:$0x8400] =	vst v63  }
0x253: {  	_ =	swait.ge [sflag:s11], $0x1000  }
0x254: {  	[sflag:s11] =	ssyncset.done $0x0  }
0x255: {  	[sflag:s11] =	ssyncadd.s32 $0xFFFFF000  }
0x256: {  	_ =	swait.ge [sflag:s10], $0x1000  }
0x257: {  	[sflag:s10] =	ssyncset.done $0x0  }
0x258: {  	[sflag:s10] =	ssyncadd.s32 $0xFFFFF000  }
0x259: {  	[tilespmem:s8], [sflag:$0x2] =	stream.indirect.gather [hbm4b:s3+s7], $0x8, s20, s7, $0xb8;
	[tilespmem:$0x8400] =	vst v63  }
0x25a: {  	_ = 	snop  }
0x25b: {  	[spmem:s2] =	stream.indirect.scatter.add.f32 [tilespmem:s9], [sflag:$0x3], $0x8, s21, s7, $0xb8;
	[tilespmem:$0x8400] =	vst v63  }
0x25c: {  	_ =	swait.ge [sflag:s12], $0x1000  }
0x25d: {  	[sflag:s12] =	ssyncset.done $0x0  }
0x25e: {  	[sflag:s12] =	ssyncadd.s32 $0xFFFFF000  }
0x25f: {  	_ =	swait.ge [sflag:s13], $0x1000  }
0x260: {  	[sflag:s13] =	ssyncset.done $0x0  }
0x261: {  	[sflag:s13] =	ssyncadd.s32 $0xFFFFF000  }
0x262: {  	[tilespmem:s9], [sflag:$0x1] =	stream.indirect.gather [hbm4b:s3+s7], $0x8, s18, s7, $0xb8;
	[tilespmem:$0x8400] =	vst v63  }
0x263: {  	_ = 	snop  }
0x264: {  	[spmem:s2] =	stream.indirect.scatter.add.f32 [tilespmem:s8], [sflag:$0x4], $0x8, s19, s7, $0xb8;
	[tilespmem:$0x8400] =	vst v63  }
0x265: {  	_ =	swait.ge [sflag:s11], $0x1000  }
0x266: {  	[sflag:s11] =	ssyncset.done $0x0  }
0x267: {  	[sflag:s11] =	ssyncadd.s32 $0xFFFFF000  }
0x268: {  	_ =	swait.ge [sflag:s10], $0x1000  }
0x269: {  	[sflag:s10] =	ssyncset.done $0x0  }
0x26a: {  	[sflag:s10] =	ssyncadd.s32 $0xFFFFF000  }
0x26b: {  	[tilespmem:s8], [sflag:$0x2] =	stream.indirect.gather [hbm4b:s3+s7], $0x8, s16, s7, $0xb8;
	[tilespmem:$0x8400] =	vst v63  }
0x26c: {  	_ = 	snop  }
0x26d: {  	[spmem:s2] =	stream.indirect.scatter.add.f32 [tilespmem:s9], [sflag:$0x3], $0x8, s17, s7, $0xb8;
	[tilespmem:$0x8400] =	vst v63  }
0x26e: {  	_ =	swait.ge [sflag:s12], $0x1000  }
0x26f: {  	[sflag:s12] =	ssyncset.done $0x0  }
0x270: {  	[sflag:s12] =	ssyncadd.s32 $0xFFFFF000  }
0x271: {  	_ =	swait.ge [sflag:s13], $0x1000  }
0x272: {  	[sflag:s13] =	ssyncset.done $0x0  }
0x273: {  	s29 =	simm.s32 $0x4E00;
	[sflag:s13] =	ssyncadd.s32 $0xFFFFF000  }
0x274: {  	[spmem:s2] =	stream.indirect.scatter.add.f32 [tilespmem:s8], [sflag:$0x4], $0x8, s29, s7, $0xb8;
	[tilespmem:$0x8400] =	vst v63  }
0x275: {  	_ =	swait.ge [sflag:s11], $0x1000  }
0x276: {  	[sflag:s11] =	ssyncset.done $0x0  }
0x277: {  	[sflag:s11] =	ssyncadd.s32 $0xFFFFF000  }
0x278: {  	[bflag:$0x0] =	sbarrier.arrive $0xFFFF  }
0x279: {  	s30 =	rddreg [dreg:$0x6]  }
0x27a: {  	[hbm:s30], [sflag:s5] =	dma.local [spmem:s6], $0x280  }
0x27b: {  	_ =	swait.ge [sflag:s4], $0x280  }
0x27c: {  	[sflag:s4] =	ssyncset.done $0x0  }
0x27d: {  	[sflag:s4] =	ssyncadd.s32 $0xFFFFFD80  }
0x27e: {  	_ =	sfence.sel $0x180000  }
0x27f: {  	s31 =	stileid.u32;
	[bflag:$0x0] =	sbarrier.arrive $0xFFFF  }
0x280: {  	p0 =	sne.s32 s31, $0x0;
	_ =	strace $0x90000053  }
0x281: {  	s0 =	sadd.s32 @!p0 $0x100000, s14;
	[bflag:$0x2] =	sbarrier.arrive $0xFFFF  }
0x282: {  	[sflag:s0] =	ssyncadd.tile.s32 @!p0 $0x1;
	_ =	shalt  }
.LBB2_1:
.Ltmp3:
0x283: {  	s15 =	simm.s32 $0x4000;
	s29 =	simm.s32 $0x1A00;
	(pc) =	sbr.rel .LBB2_6-.Ltmp3, $4  }
0x284: {  	s28 =	simm.s32 $0x4200;
	s26 =	simm.s32 $0x1C00;
	s25 =	simm.s32 $0x4400  }
0x285: {  	s24 =	simm.s32 $0x1E00;
	s23 =	simm.s32 $0x4600;
	s22 =	simm.s32 $0x2000  }
0x286: {  	s21 =	simm.s32 $0x4800;
	s20 =	simm.s32 $0x2200;
	s19 =	simm.s32 $0x4A00  }
0x287: {  	s18 =	simm.s32 $0x2400;
	s17 =	simm.s32 $0x4C00;
	s16 =	simm.s32 $0x2600  }
.LBB2_3:
0x288: {  	s15 =	simm.s32 $0x4000  }
.Ltmp4:
0x289: {  	s29 =	simm.s32 $0x1A00;
	s28 =	simm.s32 $0x4200;
	(pc) =	sbr.rel .LBB2_6-.Ltmp4, $4  }
0x28a: {  	s26 =	simm.s32 $0x1C00;
	s25 =	simm.s32 $0x4400;
	s24 =	simm.s32 $0x1E00  }
0x28b: {  	s23 =	simm.s32 $0x4600;
	s22 =	simm.s32 $0x2000;
	s21 =	simm.s32 $0x4800  }
0x28c: {  	s20 =	simm.s32 $0x2200;
	s19 =	simm.s32 $0x4A00;
	s18 =	simm.s32 $0x2400  }
0x28d: {  	s17 =	simm.s32 $0x4C00;
	s16 =	simm.s32 $0x2600;
	s14 =	rddreg [dreg:$0x2]  }
.Lfunc_end2:
_tile_overlayer_lowered:
.L_overlay_start_2:
0x28e: {  	(tag) =	ssettag $0x2  }
0x28f: {  	s0 =	rddreg [dreg:$0x0];
	s2 =	stileid.u32  }
0x290: {  	s1 =	rddreg [dreg:$0x1];
	p0 =	sne.s32 s2, $0x0  }
0x291: {  	s3 =	rddreg [dreg:$0x2];
	[bflag:$0x3] =	sbarrier.arrive $0xFFFF;
	s2 =	simm.s32 @!p0 $0x1C05  }
0x292: {  	[timem:s3], [sflag:s2] =	dma.local @!p0 [hbm:s0], s1  }
0x293: {  	s0 =	simm.s32 @!p0 $0x5  }
0x294: {  	_ =	swait.ge @!p0 [sflag:s0], s1  }
0x295: {  	s1 =	ssub.s32 @!p0 $0x0, s1;
	[sflag:s0] =	ssyncset.done @!p0 $0x0  }
0x296: {  	[sflag:s0] =	ssyncadd.s32 @!p0 s1  }
0x297: {  	[bflag:$0x3] =	sbarrier.arrive $0xFFFF  }
0x298: {  	_ =	shalt  }

</sc_bundles>
